<compile_context>
chip_gen: v7x
topology: tpu7x:2x2x1
jax: 0.10.2.dev20260603
libtpu: 0.0.44.dev20260713+nightly
codegen_flags: <defaults>
</compile_context>

<pallas_src>
import functools

import jax
import jax.numpy as jnp
from jax import lax
from jax.experimental import pallas as pl
from jax.experimental.pallas import tpu as pltpu
from jax.experimental.pallas import tpu_sc as plsc

N = 100000
E = 3200000
D = 16

NC = 2
NS = 16
NW = NC * NS

EPT = 102400
ROWS_PER_TILE = EPT // 128
E_PAD = EPT * NW
REAL_ROWS = E // 128
PAD_ROWS = E_PAD // 128 - REAL_ROWS

NPAD = 100352
RPT = NPAD // NS
PAD_SINK_ROWS = 352


def _sc_aggregate(with_cnt: bool, CH: int):
    NITER = ROWS_PER_TILE // CH
    NQ = NITER // 4
    mesh = plsc.VectorSubcoreMesh(core_axis_name="c", subcore_axis_name="s")
    out_type = [jax.ShapeDtypeStruct((NC, NPAD, D), jnp.float32)]
    if with_cnt:
        out_type.append(jax.ShapeDtypeStruct((NC, NPAD), jnp.float32))
    scratch = [
        pltpu.VMEM_SHARED((NPAD, D), jnp.float32),
    ]
    scratch += [pltpu.VMEM((CH, 128), jnp.int32) for _ in range(8)]
    scratch += [pltpu.VMEM((CH * 128, D), jnp.float32) for _ in range(2)]
    scratch += [pltpu.SemaphoreType.DMA for _ in range(4)]
    scratch += [pltpu.SemaphoreType.DMA for _ in range(2)]
    scratch += [pltpu.SemaphoreType.DMA for _ in range(2)]
    if with_cnt:
        scratch += [
            pltpu.VMEM_SHARED((NPAD,), jnp.float32),
            pltpu.VMEM((CH * 128,), jnp.float32),
            pltpu.SemaphoreType.DMA,
            pltpu.SemaphoreType.DMA,
        ]

    def body(x_hbm, srcR, dstR, srcP, dstP, z16_hbm, z1_hbm, *rest):
        if with_cnt:
            (agg_out, cnt_out, agg_sp,
             sv0, sv1, sv2, sv3, dv0, dv1, dv2, dv3, rv0, rv1,
             is0, is1, is2, is3, gs0, gs1, ss0, ss1,
             cnt_sp, ones_v, cs0, cs1) = rest
        else:
            (agg_out, agg_sp,
             sv0, sv1, sv2, sv3, dv0, dv1, dv2, dv3, rv0, rv1,
             is0, is1, is2, is3, gs0, gs1, ss0, ss1) = rest
        sv = [sv0, sv1, sv2, sv3]
        dv = [dv0, dv1, dv2, dv3]
        rv = [rv0, rv1]
        isem = [is0, is1, is2, is3]
        gsem = [gs0, gs1]
        ssem = [ss0, ss1]
        if with_cnt:
            csem = [cs0, cs1]
        c = lax.axis_index("c")
        s = lax.axis_index("s")
        wid = s * NC + c

        pltpu.sync_copy(z16_hbm.at[pl.ds(s * RPT, RPT)],
                        agg_sp.at[pl.ds(s * RPT, RPT)])
        if with_cnt:
            pltpu.sync_copy(z1_hbm.at[pl.ds(s * RPT, RPT)],
                            cnt_sp.at[pl.ds(s * RPT, RPT)])
            for i in range(CH * 8):
                ones_v[pl.ds(i * 16, 16)] = jnp.full((16,), 1.0, jnp.float32)
        plsc.subcore_barrier()

        row0 = wid * ROWS_PER_TILE

        def fire_idx(r, k):
            @pl.when(r < REAL_ROWS)
            def _():
                pltpu.async_copy(srcR.at[pl.ds(r, CH)], sv[k], isem[k])
                pltpu.async_copy(dstR.at[pl.ds(r, CH)], dv[k], isem[k])

            @pl.when(r >= REAL_ROWS)
            def _():
                rp = r - REAL_ROWS
                pltpu.async_copy(srcP.at[pl.ds(rp, CH)], sv[k], isem[k])
                pltpu.async_copy(dstP.at[pl.ds(rp, CH)], dv[k], isem[k])

        def wait_idx(k):
            pltpu.make_async_copy(srcR.at[pl.ds(0, CH)], sv[k],
                                  isem[k]).wait()
            pltpu.make_async_copy(dstR.at[pl.ds(0, CH)], dv[k],
                                  isem[k]).wait()

        def fire_gathers(k, m):
            for j in range(CH):
                pltpu.async_copy(x_hbm.at[sv[k].at[j]],
                                 rv[m].at[pl.ds(j * 128, 128)], gsem[m])

        def wait_gathers(m):
            pltpu.make_async_copy(x_hbm.at[pl.ds(0, CH * 128)], rv[m],
                                  gsem[m]).wait()

        def fire_scatters(k, m):
            for j in range(CH):
                pltpu.async_copy(rv[m].at[pl.ds(j * 128, 128)],
                                 agg_sp.at[dv[k].at[j]], ssem[m], add=True)
            if with_cnt:
                for j in range(CH):
                    pltpu.async_copy(ones_v.at[pl.ds(j * 128, 128)],
                                     cnt_sp.at[dv[k].at[j]], csem[m],
                                     add=True)

        def wait_scatters(m):
            pltpu.make_async_copy(rv[m], agg_sp.at[pl.ds(0, CH * 128)],
                                  ssem[m]).wait()
            if with_cnt:
                pltpu.make_async_copy(ones_v, cnt_sp.at[pl.ds(0, CH * 128)],
                                      csem[m]).wait()

        pltpu.sync_copy(srcR.at[pl.ds(row0, CH)], sv[0])
        pltpu.sync_copy(dstR.at[pl.ds(row0, CH)], dv[0])
        fire_gathers(0, 0)
        pltpu.async_copy(srcR.at[pl.ds(row0 + CH, CH)], sv[1], isem[1])
        pltpu.async_copy(dstR.at[pl.ds(row0 + CH, CH)], dv[1], isem[1])

        def quad(q, carry):
            r0 = row0 + 4 * q * CH
            for k in range(4):
                m = k % 2
                wait_gathers(m)

                if k < 2:
                    fire_idx(r0 + (k + 2) * CH, (k + 2) % 4)
                else:
                    @pl.when(q < NQ - 1)
                    def _(k=k, r0=r0):
                        fire_idx(r0 + (k + 2) * CH, (k + 2) % 4)

                if k == 0:
                    @pl.when(q > 0)
                    def _():
                        wait_scatters(1)
                else:
                    wait_scatters((k - 1) % 2)

                fire_scatters(k, m)

                if k < 3:
                    wait_idx(k + 1)
                    fire_gathers(k + 1, (k + 1) % 2)
                else:
                    @pl.when(q < NQ - 1)
                    def _():
                        wait_idx(0)
                        fire_gathers(0, 0)
            return carry

        lax.fori_loop(0, NQ, quad, 0)
        wait_scatters(1)
        plsc.subcore_barrier()

        pltpu.sync_copy(agg_sp.at[pl.ds(s * RPT, RPT)],
                        agg_out.at[c, pl.ds(s * RPT, RPT)])
        if with_cnt:
            pltpu.sync_copy(cnt_sp.at[pl.ds(s * RPT, RPT)],
                            cnt_out.at[c, pl.ds(s * RPT, RPT)])

    return pl.kernel(body, out_type=tuple(out_type), mesh=mesh,
                     scratch_types=scratch,
                     compiler_params=pltpu.CompilerParams(
                         use_tc_tiling_on_sc=False))


_sc_pass1 = _sc_aggregate(with_cnt=True, CH=4)
_sc_pass2 = _sc_aggregate(with_cnt=False, CH=5)



NP8 = NPAD // 8
NR = N // 8
BLKC = 1792
BLKR = 1792


def _sage_body(agg_a, agg_b, cnt_a, cnt_b, rep, x, wl, bl, wr, o):
    inv = 1.0 / jnp.maximum(cnt_a[0] + cnt_b[0], 1.0)
    inv16 = jnp.dot(inv, rep[...], preferred_element_type=jnp.float32)
    mean = (agg_a[0] + agg_b[0]) * inv16
    y = (jnp.dot(mean, wl[...], preferred_element_type=jnp.float32)
         + jnp.dot(x[...], wr[...], preferred_element_type=jnp.float32)
         + bl[...])
    o[...] = jnp.maximum(y, 0.0)


_sage_tc = pl.pallas_call(
    _sage_body,
    grid=(NP8 // BLKR,),
    in_specs=[pl.BlockSpec((1, BLKR, 128), lambda i: (0, i, 0)),
              pl.BlockSpec((1, BLKR, 128), lambda i: (1, i, 0)),
              pl.BlockSpec((1, BLKR, 8), lambda i: (0, i, 0)),
              pl.BlockSpec((1, BLKR, 8), lambda i: (1, i, 0)),
              pl.BlockSpec((8, 128), lambda i: (0, 0)),
              pl.BlockSpec((BLKR, 128), lambda i: (i, 0)),
              pl.BlockSpec((128, 128), lambda i: (0, 0)),
              pl.BlockSpec((1, 128), lambda i: (0, 0)),
              pl.BlockSpec((128, 128), lambda i: (0, 0))],
    out_specs=pl.BlockSpec((BLKR, 128), lambda i: (i, 0)),
    out_shape=jax.ShapeDtypeStruct((NR, 128), jnp.float32),
)


def _final_body(agg_a, agg_b, cnt_a, cnt_b, rep, x1, x0,
                wl, bl, wr, w3a, w3b, w3c, b3, o):
    inv = 1.0 / jnp.maximum(cnt_a[0] + cnt_b[0], 1.0)
    inv16 = jnp.dot(inv, rep[...], preferred_element_type=jnp.float32)
    mean = (agg_a[0] + agg_b[0]) * inv16
    y = (jnp.dot(mean, wl[...], preferred_element_type=jnp.float32)
         + jnp.dot(x1[...], wr[...], preferred_element_type=jnp.float32)
         + bl[...])
    x2 = jnp.maximum(y, 0.0)
    o[...] = (jnp.dot(x0[...], w3a[...], preferred_element_type=jnp.float32)
              + jnp.dot(x1[...], w3b[...], preferred_element_type=jnp.float32)
              + jnp.dot(x2, w3c[...], preferred_element_type=jnp.float32)
              + b3[...])


_final_tc = pl.pallas_call(
    _final_body,
    grid=(NP8 // BLKR,),
    in_specs=[pl.BlockSpec((1, BLKR, 128), lambda i: (0, i, 0)),
              pl.BlockSpec((1, BLKR, 128), lambda i: (1, i, 0)),
              pl.BlockSpec((1, BLKR, 8), lambda i: (0, i, 0)),
              pl.BlockSpec((1, BLKR, 8), lambda i: (1, i, 0)),
              pl.BlockSpec((8, 128), lambda i: (0, 0)),
              pl.BlockSpec((BLKR, 128), lambda i: (i, 0)),
              pl.BlockSpec((BLKR, 128), lambda i: (i, 0)),
              pl.BlockSpec((128, 128), lambda i: (0, 0)),
              pl.BlockSpec((1, 128), lambda i: (0, 0)),
              pl.BlockSpec((128, 128), lambda i: (0, 0)),
              pl.BlockSpec((128, 256), lambda i: (0, 0)),
              pl.BlockSpec((128, 256), lambda i: (0, 0)),
              pl.BlockSpec((128, 256), lambda i: (0, 0)),
              pl.BlockSpec((1, 256), lambda i: (0, 0))],
    out_specs=pl.BlockSpec((BLKR, 256), lambda i: (i, 0)),
    out_shape=jax.ShapeDtypeStruct((NR, 256), jnp.float32),
)


def kernel(x0, edge_index, Wl1, bl1, Wr1, Wl2, bl2, Wr2, W3, b3):
    src = edge_index[0].astype(jnp.int32)
    dst = edge_index[1].astype(jnp.int32)

    npad_e = E_PAD - E
    pad_idx = jnp.arange(npad_e, dtype=jnp.int32)
    pad_src = ((pad_idx * 7919) % N).reshape(PAD_ROWS, 128)
    pad_dst = (N + (pad_idx % PAD_SINK_ROWS)).reshape(PAD_ROWS, 128)
    src2d = src.reshape(REAL_ROWS, 128)
    dst2d = dst.reshape(REAL_ROWS, 128)

    z16 = jnp.zeros((NPAD, D), jnp.float32)
    z1 = jnp.zeros((NPAD,), jnp.float32)

    eye8 = jnp.eye(8, dtype=jnp.float32)
    rep = jnp.kron(eye8, jnp.ones((1, 16), jnp.float32))
    wl1bd = jnp.kron(eye8, Wl1)
    wr1bd = jnp.kron(eye8, Wr1)
    wl2bd = jnp.kron(eye8, Wl2)
    wr2bd = jnp.kron(eye8, Wr2)
    w3abd = jnp.kron(eye8, W3[0:16])
    w3bbd = jnp.kron(eye8, W3[16:32])
    w3cbd = jnp.kron(eye8, W3[32:48])
    bl1t = jnp.tile(bl1, 8).reshape(1, 128)
    bl2t = jnp.tile(bl2, 8).reshape(1, 128)
    b3t = jnp.tile(b3, 8).reshape(1, 256)

    agg1, cnt = _sc_pass1(x0, src2d, dst2d, pad_src, pad_dst, z16, z1)
    cntp = cnt.reshape(NC, NP8, 8)

    x0p = x0.reshape(NR, 128)
    x1p = _sage_tc(agg1.reshape(NC, NP8, 128), agg1.reshape(NC, NP8, 128),
                   cntp, cntp, rep, x0p, wl1bd, bl1t, wr1bd)

    (agg2,) = _sc_pass2(x1p.reshape(N, D), src2d, dst2d, pad_src, pad_dst, z16, z1)

    outp = _final_tc(agg2.reshape(NC, NP8, 128), agg2.reshape(NC, NP8, 128),
                     cntp, cntp, rep, x1p, x0p, wl2bd, bl2t, wr2bd,
                     w3abd, w3bbd, w3cbd, b3t)
    return outp.reshape(N, 32)

# --- scband reference (transcript-rebuilt; emitter-appended) ---
"""Pipeline reference for scband-net4-29755533427162 (READ-ONLY COPY).

The authoritative reference and input builder live on the scoring server;
editing this copy changes nothing except your own understanding.
"""

import jax, jax.numpy as jnp
import numpy as np

N_NODES = 100000
N_EDGES = 3200000
D = 16

def setup_inputs(seed: int = 0) -> dict:
    key = jax.random.key(seed)
    ks = jax.random.split(key, 12)
    x0 = jax.random.normal(ks[0], (N_NODES, D), dtype=jnp.float32)
    edge_index = jax.random.randint(ks[1], (2, N_EDGES), 0, N_NODES, dtype=jnp.int64 if jax.config.read('jax_enable_x64') else jnp.int32)
    s = 1.0 / np.sqrt(D)
    Wl1 = jax.random.uniform(ks[2], (D, D), jnp.float32, -s, s)
    bl1 = jax.random.uniform(ks[3], (D,), jnp.float32, -s, s)
    Wr1 = jax.random.uniform(ks[4], (D, D), jnp.float32, -s, s)
    Wl2 = jax.random.uniform(ks[5], (D, D), jnp.float32, -s, s)
    bl2 = jax.random.uniform(ks[6], (D,), jnp.float32, -s, s)
    Wr2 = jax.random.uniform(ks[7], (D, D), jnp.float32, -s, s)
    s3 = 1.0 / np.sqrt(3 * D)
    W3 = jax.random.uniform(ks[8], (3 * D, 32), jnp.float32, -s3, s3)
    b3 = jax.random.uniform(ks[9], (32,), jnp.float32, -s3, s3)
    return {"x0": x0, "edge_index": edge_index, "Wl1": Wl1, "bl1": bl1, "Wr1": Wr1,
            "Wl2": Wl2, "bl2": bl2, "Wr2": Wr2, "W3": W3, "b3": b3}

def _sage_conv(x, src, dst, Wl, bl, Wr, n_nodes):
    # PyG SAGEConv with mean aggregation:
    # out = lin_l(mean_{j in N(i)} x_j) + lin_r(x_i)
    msg = jnp.take(x, src, axis=0)
    agg = jax.ops.segment_sum(msg, dst, num_segments=n_nodes)
    cnt = jax.ops.segment_sum(jnp.ones((src.shape[0],), dtype=x.dtype), dst, num_segments=n_nodes)
    mean = agg / jnp.maximum(cnt, 1.0)[:, None]
    return mean @ Wl + bl + x @ Wr

def reference(x0, edge_index, Wl1, bl1, Wr1, Wl2, bl2, Wr2, W3, b3):
    src = edge_index[0]
    dst = edge_index[1]
    n_nodes = x0.shape[0]
    x1 = jax.nn.relu(_sage_conv(x0, src, dst, Wl1, bl1, Wr1, n_nodes))
    x2 = jax.nn.relu(_sage_conv(x1, src, dst, Wl2, bl2, Wr2, n_nodes))
    h = jnp.concatenate([x0, x1, x2], axis=-1)
    return h @ W3 + b3

if __name__ == "__main__":
    import jax
    _d = setup_inputs()
    print(jax.jit(kernel)(*tuple(_d.values())))

</pallas_src>

<mosaic_0001>
#map = affine_map<(d0, d1) -> (0, 0)>
#map1 = affine_map<(d0, d1) -> (0)>
#map2 = affine_map<(d0, d1) -> (0, 0, 0)>
module attributes {stable_mosaic.version = 14 : i64} {
  func.func @body(%arg0: i32, %arg1: i32, %arg2: memref<100000x16xf32, #tpu.memory_space<hbm>>, %arg3: memref<25000x128xi32, #tpu.memory_space<hbm>>, %arg4: memref<25000x128xi32, #tpu.memory_space<hbm>>, %arg5: memref<600x128xi32, #tpu.memory_space<hbm>>, %arg6: memref<600x128xi32, #tpu.memory_space<hbm>>, %arg7: memref<100352x16xf32, #tpu.memory_space<hbm>>, %arg8: memref<100352xf32, #tpu.memory_space<hbm>>, %arg9: memref<2x100352x16xf32, #tpu.memory_space<hbm>>, %arg10: memref<100352x16xf32, #tpu.memory_space<vmem_shared>>, %arg11: memref<5x128xi32, #tpu.memory_space<vmem>>, %arg12: memref<5x128xi32, #tpu.memory_space<vmem>>, %arg13: memref<5x128xi32, #tpu.memory_space<vmem>>, %arg14: memref<5x128xi32, #tpu.memory_space<vmem>>, %arg15: memref<5x128xi32, #tpu.memory_space<vmem>>, %arg16: memref<5x128xi32, #tpu.memory_space<vmem>>, %arg17: memref<5x128xi32, #tpu.memory_space<vmem>>, %arg18: memref<5x128xi32, #tpu.memory_space<vmem>>, %arg19: memref<640x16xf32, #tpu.memory_space<vmem>>, %arg20: memref<640x16xf32, #tpu.memory_space<vmem>>, %arg21: memref<!tpu.dma_semaphore, #tpu.memory_space<semaphore_mem>>, %arg22: memref<!tpu.dma_semaphore, #tpu.memory_space<semaphore_mem>>, %arg23: memref<!tpu.dma_semaphore, #tpu.memory_space<semaphore_mem>>, %arg24: memref<!tpu.dma_semaphore, #tpu.memory_space<semaphore_mem>>, %arg25: memref<!tpu.dma_semaphore, #tpu.memory_space<semaphore_mem>>, %arg26: memref<!tpu.dma_semaphore, #tpu.memory_space<semaphore_mem>>, %arg27: memref<!tpu.dma_semaphore, #tpu.memory_space<semaphore_mem>>, %arg28: memref<!tpu.dma_semaphore, #tpu.memory_space<semaphore_mem>>) attributes {dimension_semantics = [#tpu.dimension_semantics<core_parallel>, #tpu.dimension_semantics<subcore_parallel>], iteration_bounds = array<i64: 2, 16>, scalar_prefetch = 0 : i64, scratch_operands = 19 : i64, tpu.core_type = #tpu.core_type<sc_vector_subcore>, window_params = [{transform_indices = #map}, {transform_indices = #map}, {transform_indices = #map}, {transform_indices = #map}, {transform_indices = #map}, {transform_indices = #map}, {transform_indices = #map1}, {transform_indices = #map2}]} {
    %mul3A = arith.constant 2 : i32
    %mul3A_0 = arith.muli %arg1, %mul3A : i32
    %add3A = arith.addi %mul3A_0, %arg0 : i32
    %mul3A_1 = arith.constant 6272 : i32
    %mul3A_2 = arith.muli %arg1, %mul3A_1 : i32
    %mul3A_3 = arith.constant 6272 : i32
    %mul3A_4 = arith.muli %arg1, %mul3A_3 : i32
    "tpu.region"() ({
      %run_scoped3A = tpu.sem_alloc : memref<!tpu.dma_semaphore, #tpu.memory_space<semaphore_mem>>
      %dma_start3A_83 = arith.constant 0 : i32
      %dma_start3A_84 = tpu.memref_slice %arg10[%mul3A_4, %dma_start3A_83] : memref<100352x16xf32, #tpu.memory_space<vmem_shared>> -> memref<6272x16xf32, #tpu.memory_space<vmem_shared>>
      %dma_start3A_85 = arith.constant 0 : i32
      %dma_start3A_86 = tpu.memref_slice %arg7[%mul3A_2, %dma_start3A_85] : memref<100352x16xf32, #tpu.memory_space<hbm>> -> memref<6272x16xf32, #tpu.memory_space<hbm>>
      tpu.enqueue_dma source(%dma_start3A_86 : memref<6272x16xf32, #tpu.memory_space<hbm>>) target(%dma_start3A_84 : memref<6272x16xf32, #tpu.memory_space<vmem_shared>>) target_semaphore(%run_scoped3A : memref<!tpu.dma_semaphore, #tpu.memory_space<semaphore_mem>>)
      %dma_wait3A_87 = arith.constant 0 : i32
      %dma_wait3A_88 = tpu.memref_slice %arg10[%mul3A_4, %dma_wait3A_87] : memref<100352x16xf32, #tpu.memory_space<vmem_shared>> -> memref<6272x16xf32, #tpu.memory_space<vmem_shared>>
      %dma_wait3A_89 = arith.constant 0 : i32
      %dma_wait3A_90 = tpu.memref_slice %arg7[%mul3A_2, %dma_wait3A_89] : memref<100352x16xf32, #tpu.memory_space<hbm>> -> memref<6272x16xf32, #tpu.memory_space<hbm>>
      tpu.wait_dma2 semaphore(%run_scoped3A : memref<!tpu.dma_semaphore, #tpu.memory_space<semaphore_mem>>) src(%dma_wait3A_90 : memref<6272x16xf32, #tpu.memory_space<hbm>>) dst(%dma_wait3A_88 : memref<6272x16xf32, #tpu.memory_space<vmem_shared>>)
      tpu.yield
    }) : () -> ()
    %barrier3A = arith.constant 0 : index
    tpu.barrier barrier_id(%barrier3A)
    %mul3A_5 = arith.constant 800 : i32
    %mul3A_6 = arith.muli %add3A, %mul3A_5 : i32
    "tpu.region"() ({
      %run_scoped3A = tpu.sem_alloc : memref<!tpu.dma_semaphore, #tpu.memory_space<semaphore_mem>>
      %dma_start3A_83 = arith.constant 0 : i32
      %dma_start3A_84 = tpu.memref_slice %arg3[%mul3A_6, %dma_start3A_83] : memref<25000x128xi32, #tpu.memory_space<hbm>> -> memref<5x128xi32, #tpu.memory_space<hbm>>
      %dma_start3A_85 = arith.constant 0 : i32
      %dma_start3A_86 = tpu.memref_slice %arg3[%mul3A_6, %dma_start3A_85] : memref<25000x128xi32, #tpu.memory_space<hbm>> -> memref<5x128xi32, #tpu.memory_space<hbm>>
      tpu.enqueue_dma source(%dma_start3A_86 : memref<5x128xi32, #tpu.memory_space<hbm>>) target(%arg11 : memref<5x128xi32, #tpu.memory_space<vmem>>) target_semaphore(%run_scoped3A : memref<!tpu.dma_semaphore, #tpu.memory_space<semaphore_mem>>)
      %dma_wait3A_87 = arith.constant 0 : i32
      %dma_wait3A_88 = tpu.memref_slice %arg3[%mul3A_6, %dma_wait3A_87] : memref<25000x128xi32, #tpu.memory_space<hbm>> -> memref<5x128xi32, #tpu.memory_space<hbm>>
      %dma_wait3A_89 = arith.constant 0 : i32
      %dma_wait3A_90 = tpu.memref_slice %arg3[%mul3A_6, %dma_wait3A_89] : memref<25000x128xi32, #tpu.memory_space<hbm>> -> memref<5x128xi32, #tpu.memory_space<hbm>>
      tpu.wait_dma2 semaphore(%run_scoped3A : memref<!tpu.dma_semaphore, #tpu.memory_space<semaphore_mem>>) src(%dma_wait3A_90 : memref<5x128xi32, #tpu.memory_space<hbm>>) dst(%arg11 : memref<5x128xi32, #tpu.memory_space<vmem>>)
      tpu.yield
    }) : () -> ()
    "tpu.region"() ({
      %run_scoped3A = tpu.sem_alloc : memref<!tpu.dma_semaphore, #tpu.memory_space<semaphore_mem>>
      %dma_start3A_83 = arith.constant 0 : i32
      %dma_start3A_84 = tpu.memref_slice %arg4[%mul3A_6, %dma_start3A_83] : memref<25000x128xi32, #tpu.memory_space<hbm>> -> memref<5x128xi32, #tpu.memory_space<hbm>>
      %dma_start3A_85 = arith.constant 0 : i32
      %dma_start3A_86 = tpu.memref_slice %arg4[%mul3A_6, %dma_start3A_85] : memref<25000x128xi32, #tpu.memory_space<hbm>> -> memref<5x128xi32, #tpu.memory_space<hbm>>
      tpu.enqueue_dma source(%dma_start3A_86 : memref<5x128xi32, #tpu.memory_space<hbm>>) target(%arg15 : memref<5x128xi32, #tpu.memory_space<vmem>>) target_semaphore(%run_scoped3A : memref<!tpu.dma_semaphore, #tpu.memory_space<semaphore_mem>>)
      %dma_wait3A_87 = arith.constant 0 : i32
      %dma_wait3A_88 = tpu.memref_slice %arg4[%mul3A_6, %dma_wait3A_87] : memref<25000x128xi32, #tpu.memory_space<hbm>> -> memref<5x128xi32, #tpu.memory_space<hbm>>
      %dma_wait3A_89 = arith.constant 0 : i32
      %dma_wait3A_90 = tpu.memref_slice %arg4[%mul3A_6, %dma_wait3A_89] : memref<25000x128xi32, #tpu.memory_space<hbm>> -> memref<5x128xi32, #tpu.memory_space<hbm>>
      tpu.wait_dma2 semaphore(%run_scoped3A : memref<!tpu.dma_semaphore, #tpu.memory_space<semaphore_mem>>) src(%dma_wait3A_90 : memref<5x128xi32, #tpu.memory_space<hbm>>) dst(%arg15 : memref<5x128xi32, #tpu.memory_space<vmem>>)
      tpu.yield
    }) : () -> ()
    %dma_start3A = arith.constant 0 : i32
    %dma_start3A_7 = arith.constant 0 : i32
    %dma_start3A_8 = arith.constant 0 : i32
    %dma_start3A_9 = tpu.memref_slice %arg19[%dma_start3A_7, %dma_start3A_8] : memref<640x16xf32, #tpu.memory_space<vmem>> -> memref<128x16xf32, #tpu.memory_space<vmem>>
    %dma_start3A_10 = arith.constant 0 : i32
    %dma_start3A_11 = tpu.memref_slice %arg11[%dma_start3A, %dma_start3A_10] : memref<5x128xi32, #tpu.memory_space<vmem>> -> memref<1x128xi32, #tpu.memory_space<vmem>>
    %dma_start3A_12 = tpu.memref_squeeze %dma_start3A_11 : memref<1x128xi32, #tpu.memory_space<vmem>> -> memref<128xi32, #tpu.memory_space<vmem>>
    %dma_start3A_13 = arith.constant 0 : i32
    %dma_start3A_14 = arith.constant 0 : i32
    %dma_start3A_15 = tpu.memref_slice %arg2[%dma_start3A_13, %dma_start3A_14] : memref<100000x16xf32, #tpu.memory_space<hbm>> -> memref<100000x16xf32, #tpu.memory_space<hbm>>
    tpu.enqueue_indirect_dma source(%dma_start3A_15 : memref<100000x16xf32, #tpu.memory_space<hbm>>) target(%dma_start3A_9 : memref<128x16xf32, #tpu.memory_space<vmem>>) offsets(%dma_start3A_12 : memref<128xi32, #tpu.memory_space<vmem>>) semaphore(%arg25 : memref<!tpu.dma_semaphore, #tpu.memory_space<semaphore_mem>>)
    %dma_start3A_16 = arith.constant 1 : i32
    %dma_start3A_17 = arith.constant 128 : i32
    %dma_start3A_18 = arith.constant 0 : i32
    %dma_start3A_19 = tpu.memref_slice %arg19[%dma_start3A_17, %dma_start3A_18] : memref<640x16xf32, #tpu.memory_space<vmem>> -> memref<128x16xf32, #tpu.memory_space<vmem>>
    %dma_start3A_20 = arith.constant 0 : i32
    %dma_start3A_21 = tpu.memref_slice %arg11[%dma_start3A_16, %dma_start3A_20] : memref<5x128xi32, #tpu.memory_space<vmem>> -> memref<1x128xi32, #tpu.memory_space<vmem>>
    %dma_start3A_22 = tpu.memref_squeeze %dma_start3A_21 : memref<1x128xi32, #tpu.memory_space<vmem>> -> memref<128xi32, #tpu.memory_space<vmem>>
    %dma_start3A_23 = arith.constant 0 : i32
    %dma_start3A_24 = arith.constant 0 : i32
    %dma_start3A_25 = tpu.memref_slice %arg2[%dma_start3A_23, %dma_start3A_24] : memref<100000x16xf32, #tpu.memory_space<hbm>> -> memref<100000x16xf32, #tpu.memory_space<hbm>>
    tpu.enqueue_indirect_dma source(%dma_start3A_25 : memref<100000x16xf32, #tpu.memory_space<hbm>>) target(%dma_start3A_19 : memref<128x16xf32, #tpu.memory_space<vmem>>) offsets(%dma_start3A_22 : memref<128xi32, #tpu.memory_space<vmem>>) semaphore(%arg25 : memref<!tpu.dma_semaphore, #tpu.memory_space<semaphore_mem>>)
    %dma_start3A_26 = arith.constant 2 : i32
    %dma_start3A_27 = arith.constant 256 : i32
    %dma_start3A_28 = arith.constant 0 : i32
    %dma_start3A_29 = tpu.memref_slice %arg19[%dma_start3A_27, %dma_start3A_28] : memref<640x16xf32, #tpu.memory_space<vmem>> -> memref<128x16xf32, #tpu.memory_space<vmem>>
    %dma_start3A_30 = arith.constant 0 : i32
    %dma_start3A_31 = tpu.memref_slice %arg11[%dma_start3A_26, %dma_start3A_30] : memref<5x128xi32, #tpu.memory_space<vmem>> -> memref<1x128xi32, #tpu.memory_space<vmem>>
    %dma_start3A_32 = tpu.memref_squeeze %dma_start3A_31 : memref<1x128xi32, #tpu.memory_space<vmem>> -> memref<128xi32, #tpu.memory_space<vmem>>
    %dma_start3A_33 = arith.constant 0 : i32
    %dma_start3A_34 = arith.constant 0 : i32
    %dma_start3A_35 = tpu.memref_slice %arg2[%dma_start3A_33, %dma_start3A_34] : memref<100000x16xf32, #tpu.memory_space<hbm>> -> memref<100000x16xf32, #tpu.memory_space<hbm>>
    tpu.enqueue_indirect_dma source(%dma_start3A_35 : memref<100000x16xf32, #tpu.memory_space<hbm>>) target(%dma_start3A_29 : memref<128x16xf32, #tpu.memory_space<vmem>>) offsets(%dma_start3A_32 : memref<128xi32, #tpu.memory_space<vmem>>) semaphore(%arg25 : memref<!tpu.dma_semaphore, #tpu.memory_space<semaphore_mem>>)
    %dma_start3A_36 = arith.constant 3 : i32
    %dma_start3A_37 = arith.constant 384 : i32
    %dma_start3A_38 = arith.constant 0 : i32
    %dma_start3A_39 = tpu.memref_slice %arg19[%dma_start3A_37, %dma_start3A_38] : memref<640x16xf32, #tpu.memory_space<vmem>> -> memref<128x16xf32, #tpu.memory_space<vmem>>
    %dma_start3A_40 = arith.constant 0 : i32
    %dma_start3A_41 = tpu.memref_slice %arg11[%dma_start3A_36, %dma_start3A_40] : memref<5x128xi32, #tpu.memory_space<vmem>> -> memref<1x128xi32, #tpu.memory_space<vmem>>
    %dma_start3A_42 = tpu.memref_squeeze %dma_start3A_41 : memref<1x128xi32, #tpu.memory_space<vmem>> -> memref<128xi32, #tpu.memory_space<vmem>>
    %dma_start3A_43 = arith.constant 0 : i32
    %dma_start3A_44 = arith.constant 0 : i32
    %dma_start3A_45 = tpu.memref_slice %arg2[%dma_start3A_43, %dma_start3A_44] : memref<100000x16xf32, #tpu.memory_space<hbm>> -> memref<100000x16xf32, #tpu.memory_space<hbm>>
    tpu.enqueue_indirect_dma source(%dma_start3A_45 : memref<100000x16xf32, #tpu.memory_space<hbm>>) target(%dma_start3A_39 : memref<128x16xf32, #tpu.memory_space<vmem>>) offsets(%dma_start3A_42 : memref<128xi32, #tpu.memory_space<vmem>>) semaphore(%arg25 : memref<!tpu.dma_semaphore, #tpu.memory_space<semaphore_mem>>)
    %dma_start3A_46 = arith.constant 4 : i32
    %dma_start3A_47 = arith.constant 512 : i32
    %dma_start3A_48 = arith.constant 0 : i32
    %dma_start3A_49 = tpu.memref_slice %arg19[%dma_start3A_47, %dma_start3A_48] : memref<640x16xf32, #tpu.memory_space<vmem>> -> memref<128x16xf32, #tpu.memory_space<vmem>>
    %dma_start3A_50 = arith.constant 0 : i32
    %dma_start3A_51 = tpu.memref_slice %arg11[%dma_start3A_46, %dma_start3A_50] : memref<5x128xi32, #tpu.memory_space<vmem>> -> memref<1x128xi32, #tpu.memory_space<vmem>>
    %dma_start3A_52 = tpu.memref_squeeze %dma_start3A_51 : memref<1x128xi32, #tpu.memory_space<vmem>> -> memref<128xi32, #tpu.memory_space<vmem>>
    %dma_start3A_53 = arith.constant 0 : i32
    %dma_start3A_54 = arith.constant 0 : i32
    %dma_start3A_55 = tpu.memref_slice %arg2[%dma_start3A_53, %dma_start3A_54] : memref<100000x16xf32, #tpu.memory_space<hbm>> -> memref<100000x16xf32, #tpu.memory_space<hbm>>
    tpu.enqueue_indirect_dma source(%dma_start3A_55 : memref<100000x16xf32, #tpu.memory_space<hbm>>) target(%dma_start3A_49 : memref<128x16xf32, #tpu.memory_space<vmem>>) offsets(%dma_start3A_52 : memref<128xi32, #tpu.memory_space<vmem>>) semaphore(%arg25 : memref<!tpu.dma_semaphore, #tpu.memory_space<semaphore_mem>>)
    %add3A_56 = arith.constant 5 : i32
    %add3A_57 = arith.addi %mul3A_6, %add3A_56 : i32
    %dma_start3A_58 = arith.constant 0 : i32
    %dma_start3A_59 = tpu.memref_slice %arg3[%add3A_57, %dma_start3A_58] : memref<25000x128xi32, #tpu.memory_space<hbm>> -> memref<5x128xi32, #tpu.memory_space<hbm>>
    %dma_start3A_60 = arith.constant 0 : i32
    %dma_start3A_61 = tpu.memref_slice %arg3[%add3A_57, %dma_start3A_60] : memref<25000x128xi32, #tpu.memory_space<hbm>> -> memref<5x128xi32, #tpu.memory_space<hbm>>
    tpu.enqueue_dma source(%dma_start3A_61 : memref<5x128xi32, #tpu.memory_space<hbm>>) target(%arg12 : memref<5x128xi32, #tpu.memory_space<vmem>>) target_semaphore(%arg22 : memref<!tpu.dma_semaphore, #tpu.memory_space<semaphore_mem>>)
    %add3A_62 = arith.constant 5 : i32
    %add3A_63 = arith.addi %mul3A_6, %add3A_62 : i32
    %dma_start3A_64 = arith.constant 0 : i32
    %dma_start3A_65 = tpu.memref_slice %arg4[%add3A_63, %dma_start3A_64] : memref<25000x128xi32, #tpu.memory_space<hbm>> -> memref<5x128xi32, #tpu.memory_space<hbm>>
    %dma_start3A_66 = arith.constant 0 : i32
    %dma_start3A_67 = tpu.memref_slice %arg4[%add3A_63, %dma_start3A_66] : memref<25000x128xi32, #tpu.memory_space<hbm>> -> memref<5x128xi32, #tpu.memory_space<hbm>>
    tpu.enqueue_dma source(%dma_start3A_67 : memref<5x128xi32, #tpu.memory_space<hbm>>) target(%arg16 : memref<5x128xi32, #tpu.memory_space<vmem>>) target_semaphore(%arg22 : memref<!tpu.dma_semaphore, #tpu.memory_space<semaphore_mem>>)
    %scan3A = arith.constant 0 : i32
    %scan3A_68 = arith.constant 0 : i32
    %scan3A_69 = arith.constant 40 : i32
    %scan3A_70 = arith.addi %scan3A_68, %scan3A_69 : i32
    %scan3A_71 = arith.constant 1 : i32
    scf.for %scan3A_83 = %scan3A_68 to %scan3A_70 step %scan3A_71  : i32 {
      %mul3A_84 = arith.constant 4 : i32
      %mul3A_85 = arith.muli %mul3A_84, %scan3A_83 : i32
      %mul3A_86 = arith.constant 5 : i32
      %mul3A_87 = arith.muli %mul3A_85, %mul3A_86 : i32
      %add3A_88 = arith.addi %mul3A_6, %mul3A_87 : i32
      %dma_wait3A_89 = arith.constant 0 : i32
      %dma_wait3A_90 = arith.constant 0 : i32
      %dma_wait3A_91 = tpu.memref_slice %arg2[%dma_wait3A_89, %dma_wait3A_90] : memref<100000x16xf32, #tpu.memory_space<hbm>> -> memref<640x16xf32, #tpu.memory_space<hbm>>
      %dma_wait3A_92 = arith.constant 0 : i32
      %dma_wait3A_93 = arith.constant 0 : i32
      %dma_wait3A_94 = tpu.memref_slice %arg2[%dma_wait3A_92, %dma_wait3A_93] : memref<100000x16xf32, #tpu.memory_space<hbm>> -> memref<640x16xf32, #tpu.memory_space<hbm>>
      tpu.wait_dma2 semaphore(%arg25 : memref<!tpu.dma_semaphore, #tpu.memory_space<semaphore_mem>>) src(%dma_wait3A_94 : memref<640x16xf32, #tpu.memory_space<hbm>>) dst(%arg19 : memref<640x16xf32, #tpu.memory_space<vmem>>)
      %add3A_95 = arith.constant 10 : i32
      %add3A_96 = arith.addi %add3A_88, %add3A_95 : i32
      %lt3A = arith.constant 25000 : i32
      %lt3A_97 = arith.cmpi slt, %add3A_96, %lt3A : i32
      %convert_element_type3A = arith.extui %lt3A_97 : i1 to i32
      %cond3A = arith.constant 0 : i32
      %cond3A_98 = arith.cmpi ne, %convert_element_type3A, %cond3A : i32
      scf.if %cond3A_98 {
        %dma_start3A_556 = arith.constant 0 : i32
        %dma_start3A_557 = tpu.memref_slice %arg3[%add3A_96, %dma_start3A_556] : memref<25000x128xi32, #tpu.memory_space<hbm>> -> memref<5x128xi32, #tpu.memory_space<hbm>>
        %dma_start3A_558 = arith.constant 0 : i32
        %dma_start3A_559 = tpu.memref_slice %arg3[%add3A_96, %dma_start3A_558] : memref<25000x128xi32, #tpu.memory_space<hbm>> -> memref<5x128xi32, #tpu.memory_space<hbm>>
        tpu.enqueue_dma source(%dma_start3A_559 : memref<5x128xi32, #tpu.memory_space<hbm>>) target(%arg13 : memref<5x128xi32, #tpu.memory_space<vmem>>) target_semaphore(%arg23 : memref<!tpu.dma_semaphore, #tpu.memory_space<semaphore_mem>>)
        %dma_start3A_560 = arith.constant 0 : i32
        %dma_start3A_561 = tpu.memref_slice %arg4[%add3A_96, %dma_start3A_560] : memref<25000x128xi32, #tpu.memory_space<hbm>> -> memref<5x128xi32, #tpu.memory_space<hbm>>
        %dma_start3A_562 = arith.constant 0 : i32
        %dma_start3A_563 = tpu.memref_slice %arg4[%add3A_96, %dma_start3A_562] : memref<25000x128xi32, #tpu.memory_space<hbm>> -> memref<5x128xi32, #tpu.memory_space<hbm>>
        tpu.enqueue_dma source(%dma_start3A_563 : memref<5x128xi32, #tpu.memory_space<hbm>>) target(%arg17 : memref<5x128xi32, #tpu.memory_space<vmem>>) target_semaphore(%arg23 : memref<!tpu.dma_semaphore, #tpu.memory_space<semaphore_mem>>)
      } else {
      }
      %ge3A = arith.constant 25000 : i32
      %ge3A_99 = arith.cmpi sge, %add3A_96, %ge3A : i32
      %convert_element_type3A_100 = arith.extui %ge3A_99 : i1 to i32
      %cond3A_101 = arith.constant 0 : i32
      %cond3A_102 = arith.cmpi ne, %convert_element_type3A_100, %cond3A_101 : i32
      scf.if %cond3A_102 {
        %sub3A = arith.constant 25000 : i32
        %sub3A_556 = arith.subi %add3A_96, %sub3A : i32
        %dma_start3A_557 = arith.constant 0 : i32
        %dma_start3A_558 = tpu.memref_slice %arg5[%sub3A_556, %dma_start3A_557] : memref<600x128xi32, #tpu.memory_space<hbm>> -> memref<5x128xi32, #tpu.memory_space<hbm>>
        %dma_start3A_559 = arith.constant 0 : i32
        %dma_start3A_560 = tpu.memref_slice %arg5[%sub3A_556, %dma_start3A_559] : memref<600x128xi32, #tpu.memory_space<hbm>> -> memref<5x128xi32, #tpu.memory_space<hbm>>
        tpu.enqueue_dma source(%dma_start3A_560 : memref<5x128xi32, #tpu.memory_space<hbm>>) target(%arg13 : memref<5x128xi32, #tpu.memory_space<vmem>>) target_semaphore(%arg23 : memref<!tpu.dma_semaphore, #tpu.memory_space<semaphore_mem>>)
        %dma_start3A_561 = arith.constant 0 : i32
        %dma_start3A_562 = tpu.memref_slice %arg6[%sub3A_556, %dma_start3A_561] : memref<600x128xi32, #tpu.memory_space<hbm>> -> memref<5x128xi32, #tpu.memory_space<hbm>>
        %dma_start3A_563 = arith.constant 0 : i32
        %dma_start3A_564 = tpu.memref_slice %arg6[%sub3A_556, %dma_start3A_563] : memref<600x128xi32, #tpu.memory_space<hbm>> -> memref<5x128xi32, #tpu.memory_space<hbm>>
        tpu.enqueue_dma source(%dma_start3A_564 : memref<5x128xi32, #tpu.memory_space<hbm>>) target(%arg17 : memref<5x128xi32, #tpu.memory_space<vmem>>) target_semaphore(%arg23 : memref<!tpu.dma_semaphore, #tpu.memory_space<semaphore_mem>>)
      } else {
      }
      %gt3A = arith.constant 0 : i32
      %gt3A_103 = arith.cmpi sgt, %scan3A_83, %gt3A : i32
      %convert_element_type3A_104 = arith.extui %gt3A_103 : i1 to i32
      %cond3A_105 = arith.constant 0 : i32
      %cond3A_106 = arith.cmpi ne, %convert_element_type3A_104, %cond3A_105 : i32
      scf.if %cond3A_106 {
        %dma_wait3A_556 = arith.constant 0 : i32
        %dma_wait3A_557 = arith.constant 0 : i32
        %dma_wait3A_558 = tpu.memref_slice %arg10[%dma_wait3A_556, %dma_wait3A_557] : memref<100352x16xf32, #tpu.memory_space<vmem_shared>> -> memref<640x16xf32, #tpu.memory_space<vmem_shared>>
        %dma_wait3A_559 = arith.constant 0 : i32
        %dma_wait3A_560 = arith.constant 0 : i32
        %dma_wait3A_561 = tpu.memref_slice %arg10[%dma_wait3A_559, %dma_wait3A_560] : memref<100352x16xf32, #tpu.memory_space<vmem_shared>> -> memref<640x16xf32, #tpu.memory_space<vmem_shared>>
        tpu.wait_dma2 semaphore(%arg28 : memref<!tpu.dma_semaphore, #tpu.memory_space<semaphore_mem>>) src(%arg20 : memref<640x16xf32, #tpu.memory_space<vmem>>) dst(%dma_wait3A_561 : memref<640x16xf32, #tpu.memory_space<vmem_shared>>)
      } else {
      }
      %dma_start3A_107 = arith.constant 0 : i32
      %dma_start3A_108 = arith.constant 0 : i32
      %dma_start3A_109 = arith.constant 0 : i32
      %dma_start3A_110 = tpu.memref_slice %arg19[%dma_start3A_108, %dma_start3A_109] : memref<640x16xf32, #tpu.memory_space<vmem>> -> memref<128x16xf32, #tpu.memory_space<vmem>>
      %dma_start3A_111 = arith.constant 0 : i32
      %dma_start3A_112 = tpu.memref_slice %arg15[%dma_start3A_107, %dma_start3A_111] : memref<5x128xi32, #tpu.memory_space<vmem>> -> memref<1x128xi32, #tpu.memory_space<vmem>>
      %dma_start3A_113 = tpu.memref_squeeze %dma_start3A_112 : memref<1x128xi32, #tpu.memory_space<vmem>> -> memref<128xi32, #tpu.memory_space<vmem>>
      %dma_start3A_114 = arith.constant 0 : i32
      %dma_start3A_115 = arith.constant 0 : i32
      %dma_start3A_116 = tpu.memref_slice %arg10[%dma_start3A_114, %dma_start3A_115] : memref<100352x16xf32, #tpu.memory_space<vmem_shared>> -> memref<100352x16xf32, #tpu.memory_space<vmem_shared>>
      tpu.enqueue_indirect_dma source(%dma_start3A_110 : memref<128x16xf32, #tpu.memory_space<vmem>>) target(%dma_start3A_116 : memref<100352x16xf32, #tpu.memory_space<vmem_shared>>) offsets(%dma_start3A_113 : memref<128xi32, #tpu.memory_space<vmem>>) semaphore(%arg27 : memref<!tpu.dma_semaphore, #tpu.memory_space<semaphore_mem>>) {add = true}
      %dma_start3A_117 = arith.constant 1 : i32
      %dma_start3A_118 = arith.constant 128 : i32
      %dma_start3A_119 = arith.constant 0 : i32
      %dma_start3A_120 = tpu.memref_slice %arg19[%dma_start3A_118, %dma_start3A_119] : memref<640x16xf32, #tpu.memory_space<vmem>> -> memref<128x16xf32, #tpu.memory_space<vmem>>
      %dma_start3A_121 = arith.constant 0 : i32
      %dma_start3A_122 = tpu.memref_slice %arg15[%dma_start3A_117, %dma_start3A_121] : memref<5x128xi32, #tpu.memory_space<vmem>> -> memref<1x128xi32, #tpu.memory_space<vmem>>
      %dma_start3A_123 = tpu.memref_squeeze %dma_start3A_122 : memref<1x128xi32, #tpu.memory_space<vmem>> -> memref<128xi32, #tpu.memory_space<vmem>>
      %dma_start3A_124 = arith.constant 0 : i32
      %dma_start3A_125 = arith.constant 0 : i32
      %dma_start3A_126 = tpu.memref_slice %arg10[%dma_start3A_124, %dma_start3A_125] : memref<100352x16xf32, #tpu.memory_space<vmem_shared>> -> memref<100352x16xf32, #tpu.memory_space<vmem_shared>>
      tpu.enqueue_indirect_dma source(%dma_start3A_120 : memref<128x16xf32, #tpu.memory_space<vmem>>) target(%dma_start3A_126 : memref<100352x16xf32, #tpu.memory_space<vmem_shared>>) offsets(%dma_start3A_123 : memref<128xi32, #tpu.memory_space<vmem>>) semaphore(%arg27 : memref<!tpu.dma_semaphore, #tpu.memory_space<semaphore_mem>>) {add = true}
      %dma_start3A_127 = arith.constant 2 : i32
      %dma_start3A_128 = arith.constant 256 : i32
      %dma_start3A_129 = arith.constant 0 : i32
      %dma_start3A_130 = tpu.memref_slice %arg19[%dma_start3A_128, %dma_start3A_129] : memref<640x16xf32, #tpu.memory_space<vmem>> -> memref<128x16xf32, #tpu.memory_space<vmem>>
      %dma_start3A_131 = arith.constant 0 : i32
      %dma_start3A_132 = tpu.memref_slice %arg15[%dma_start3A_127, %dma_start3A_131] : memref<5x128xi32, #tpu.memory_space<vmem>> -> memref<1x128xi32, #tpu.memory_space<vmem>>
      %dma_start3A_133 = tpu.memref_squeeze %dma_start3A_132 : memref<1x128xi32, #tpu.memory_space<vmem>> -> memref<128xi32, #tpu.memory_space<vmem>>
      %dma_start3A_134 = arith.constant 0 : i32
      %dma_start3A_135 = arith.constant 0 : i32
      %dma_start3A_136 = tpu.memref_slice %arg10[%dma_start3A_134, %dma_start3A_135] : memref<100352x16xf32, #tpu.memory_space<vmem_shared>> -> memref<100352x16xf32, #tpu.memory_space<vmem_shared>>
      tpu.enqueue_indirect_dma source(%dma_start3A_130 : memref<128x16xf32, #tpu.memory_space<vmem>>) target(%dma_start3A_136 : memref<100352x16xf32, #tpu.memory_space<vmem_shared>>) offsets(%dma_start3A_133 : memref<128xi32, #tpu.memory_space<vmem>>) semaphore(%arg27 : memref<!tpu.dma_semaphore, #tpu.memory_space<semaphore_mem>>) {add = true}
      %dma_start3A_137 = arith.constant 3 : i32
      %dma_start3A_138 = arith.constant 384 : i32
      %dma_start3A_139 = arith.constant 0 : i32
      %dma_start3A_140 = tpu.memref_slice %arg19[%dma_start3A_138, %dma_start3A_139] : memref<640x16xf32, #tpu.memory_space<vmem>> -> memref<128x16xf32, #tpu.memory_space<vmem>>
      %dma_start3A_141 = arith.constant 0 : i32
      %dma_start3A_142 = tpu.memref_slice %arg15[%dma_start3A_137, %dma_start3A_141] : memref<5x128xi32, #tpu.memory_space<vmem>> -> memref<1x128xi32, #tpu.memory_space<vmem>>
      %dma_start3A_143 = tpu.memref_squeeze %dma_start3A_142 : memref<1x128xi32, #tpu.memory_space<vmem>> -> memref<128xi32, #tpu.memory_space<vmem>>
      %dma_start3A_144 = arith.constant 0 : i32
      %dma_start3A_145 = arith.constant 0 : i32
      %dma_start3A_146 = tpu.memref_slice %arg10[%dma_start3A_144, %dma_start3A_145] : memref<100352x16xf32, #tpu.memory_space<vmem_shared>> -> memref<100352x16xf32, #tpu.memory_space<vmem_shared>>
      tpu.enqueue_indirect_dma source(%dma_start3A_140 : memref<128x16xf32, #tpu.memory_space<vmem>>) target(%dma_start3A_146 : memref<100352x16xf32, #tpu.memory_space<vmem_shared>>) offsets(%dma_start3A_143 : memref<128xi32, #tpu.memory_space<vmem>>) semaphore(%arg27 : memref<!tpu.dma_semaphore, #tpu.memory_space<semaphore_mem>>) {add = true}
      %dma_start3A_147 = arith.constant 4 : i32
      %dma_start3A_148 = arith.constant 512 : i32
      %dma_start3A_149 = arith.constant 0 : i32
      %dma_start3A_150 = tpu.memref_slice %arg19[%dma_start3A_148, %dma_start3A_149] : memref<640x16xf32, #tpu.memory_space<vmem>> -> memref<128x16xf32, #tpu.memory_space<vmem>>
      %dma_start3A_151 = arith.constant 0 : i32
      %dma_start3A_152 = tpu.memref_slice %arg15[%dma_start3A_147, %dma_start3A_151] : memref<5x128xi32, #tpu.memory_space<vmem>> -> memref<1x128xi32, #tpu.memory_space<vmem>>
      %dma_start3A_153 = tpu.memref_squeeze %dma_start3A_152 : memref<1x128xi32, #tpu.memory_space<vmem>> -> memref<128xi32, #tpu.memory_space<vmem>>
      %dma_start3A_154 = arith.constant 0 : i32
      %dma_start3A_155 = arith.constant 0 : i32
      %dma_start3A_156 = tpu.memref_slice %arg10[%dma_start3A_154, %dma_start3A_155] : memref<100352x16xf32, #tpu.memory_space<vmem_shared>> -> memref<100352x16xf32, #tpu.memory_space<vmem_shared>>
      tpu.enqueue_indirect_dma source(%dma_start3A_150 : memref<128x16xf32, #tpu.memory_space<vmem>>) target(%dma_start3A_156 : memref<100352x16xf32, #tpu.memory_space<vmem_shared>>) offsets(%dma_start3A_153 : memref<128xi32, #tpu.memory_space<vmem>>) semaphore(%arg27 : memref<!tpu.dma_semaphore, #tpu.memory_space<semaphore_mem>>) {add = true}
      %dma_wait3A_157 = arith.constant 0 : i32
      %dma_wait3A_158 = arith.constant 0 : i32
      %dma_wait3A_159 = tpu.memref_slice %arg3[%dma_wait3A_157, %dma_wait3A_158] : memref<25000x128xi32, #tpu.memory_space<hbm>> -> memref<5x128xi32, #tpu.memory_space<hbm>>
      %dma_wait3A_160 = arith.constant 0 : i32
      %dma_wait3A_161 = arith.constant 0 : i32
      %dma_wait3A_162 = tpu.memref_slice %arg3[%dma_wait3A_160, %dma_wait3A_161] : memref<25000x128xi32, #tpu.memory_space<hbm>> -> memref<5x128xi32, #tpu.memory_space<hbm>>
      tpu.wait_dma2 semaphore(%arg22 : memref<!tpu.dma_semaphore, #tpu.memory_space<semaphore_mem>>) src(%dma_wait3A_162 : memref<5x128xi32, #tpu.memory_space<hbm>>) dst(%arg12 : memref<5x128xi32, #tpu.memory_space<vmem>>)
      %dma_wait3A_163 = arith.constant 0 : i32
      %dma_wait3A_164 = arith.constant 0 : i32
      %dma_wait3A_165 = tpu.memref_slice %arg4[%dma_wait3A_163, %dma_wait3A_164] : memref<25000x128xi32, #tpu.memory_space<hbm>> -> memref<5x128xi32, #tpu.memory_space<hbm>>
      %dma_wait3A_166 = arith.constant 0 : i32
      %dma_wait3A_167 = arith.constant 0 : i32
      %dma_wait3A_168 = tpu.memref_slice %arg4[%dma_wait3A_166, %dma_wait3A_167] : memref<25000x128xi32, #tpu.memory_space<hbm>> -> memref<5x128xi32, #tpu.memory_space<hbm>>
      tpu.wait_dma2 semaphore(%arg22 : memref<!tpu.dma_semaphore, #tpu.memory_space<semaphore_mem>>) src(%dma_wait3A_168 : memref<5x128xi32, #tpu.memory_space<hbm>>) dst(%arg16 : memref<5x128xi32, #tpu.memory_space<vmem>>)
      %dma_start3A_169 = arith.constant 0 : i32
      %dma_start3A_170 = arith.constant 0 : i32
      %dma_start3A_171 = arith.constant 0 : i32
      %dma_start3A_172 = tpu.memref_slice %arg20[%dma_start3A_170, %dma_start3A_171] : memref<640x16xf32, #tpu.memory_space<vmem>> -> memref<128x16xf32, #tpu.memory_space<vmem>>
      %dma_start3A_173 = arith.constant 0 : i32
      %dma_start3A_174 = tpu.memref_slice %arg12[%dma_start3A_169, %dma_start3A_173] : memref<5x128xi32, #tpu.memory_space<vmem>> -> memref<1x128xi32, #tpu.memory_space<vmem>>
      %dma_start3A_175 = tpu.memref_squeeze %dma_start3A_174 : memref<1x128xi32, #tpu.memory_space<vmem>> -> memref<128xi32, #tpu.memory_space<vmem>>
      %dma_start3A_176 = arith.constant 0 : i32
      %dma_start3A_177 = arith.constant 0 : i32
      %dma_start3A_178 = tpu.memref_slice %arg2[%dma_start3A_176, %dma_start3A_177] : memref<100000x16xf32, #tpu.memory_space<hbm>> -> memref<100000x16xf32, #tpu.memory_space<hbm>>
      tpu.enqueue_indirect_dma source(%dma_start3A_178 : memref<100000x16xf32, #tpu.memory_space<hbm>>) target(%dma_start3A_172 : memref<128x16xf32, #tpu.memory_space<vmem>>) offsets(%dma_start3A_175 : memref<128xi32, #tpu.memory_space<vmem>>) semaphore(%arg26 : memref<!tpu.dma_semaphore, #tpu.memory_space<semaphore_mem>>)
      %dma_start3A_179 = arith.constant 1 : i32
      %dma_start3A_180 = arith.constant 128 : i32
      %dma_start3A_181 = arith.constant 0 : i32
      %dma_start3A_182 = tpu.memref_slice %arg20[%dma_start3A_180, %dma_start3A_181] : memref<640x16xf32, #tpu.memory_space<vmem>> -> memref<128x16xf32, #tpu.memory_space<vmem>>
      %dma_start3A_183 = arith.constant 0 : i32
      %dma_start3A_184 = tpu.memref_slice %arg12[%dma_start3A_179, %dma_start3A_183] : memref<5x128xi32, #tpu.memory_space<vmem>> -> memref<1x128xi32, #tpu.memory_space<vmem>>
      %dma_start3A_185 = tpu.memref_squeeze %dma_start3A_184 : memref<1x128xi32, #tpu.memory_space<vmem>> -> memref<128xi32, #tpu.memory_space<vmem>>
      %dma_start3A_186 = arith.constant 0 : i32
      %dma_start3A_187 = arith.constant 0 : i32
      %dma_start3A_188 = tpu.memref_slice %arg2[%dma_start3A_186, %dma_start3A_187] : memref<100000x16xf32, #tpu.memory_space<hbm>> -> memref<100000x16xf32, #tpu.memory_space<hbm>>
      tpu.enqueue_indirect_dma source(%dma_start3A_188 : memref<100000x16xf32, #tpu.memory_space<hbm>>) target(%dma_start3A_182 : memref<128x16xf32, #tpu.memory_space<vmem>>) offsets(%dma_start3A_185 : memref<128xi32, #tpu.memory_space<vmem>>) semaphore(%arg26 : memref<!tpu.dma_semaphore, #tpu.memory_space<semaphore_mem>>)
      %dma_start3A_189 = arith.constant 2 : i32
      %dma_start3A_190 = arith.constant 256 : i32
      %dma_start3A_191 = arith.constant 0 : i32
      %dma_start3A_192 = tpu.memref_slice %arg20[%dma_start3A_190, %dma_start3A_191] : memref<640x16xf32, #tpu.memory_space<vmem>> -> memref<128x16xf32, #tpu.memory_space<vmem>>
      %dma_start3A_193 = arith.constant 0 : i32
      %dma_start3A_194 = tpu.memref_slice %arg12[%dma_start3A_189, %dma_start3A_193] : memref<5x128xi32, #tpu.memory_space<vmem>> -> memref<1x128xi32, #tpu.memory_space<vmem>>
      %dma_start3A_195 = tpu.memref_squeeze %dma_start3A_194 : memref<1x128xi32, #tpu.memory_space<vmem>> -> memref<128xi32, #tpu.memory_space<vmem>>
      %dma_start3A_196 = arith.constant 0 : i32
      %dma_start3A_197 = arith.constant 0 : i32
      %dma_start3A_198 = tpu.memref_slice %arg2[%dma_start3A_196, %dma_start3A_197] : memref<100000x16xf32, #tpu.memory_space<hbm>> -> memref<100000x16xf32, #tpu.memory_space<hbm>>
      tpu.enqueue_indirect_dma source(%dma_start3A_198 : memref<100000x16xf32, #tpu.memory_space<hbm>>) target(%dma_start3A_192 : memref<128x16xf32, #tpu.memory_space<vmem>>) offsets(%dma_start3A_195 : memref<128xi32, #tpu.memory_space<vmem>>) semaphore(%arg26 : memref<!tpu.dma_semaphore, #tpu.memory_space<semaphore_mem>>)
      %dma_start3A_199 = arith.constant 3 : i32
      %dma_start3A_200 = arith.constant 384 : i32
      %dma_start3A_201 = arith.constant 0 : i32
      %dma_start3A_202 = tpu.memref_slice %arg20[%dma_start3A_200, %dma_start3A_201] : memref<640x16xf32, #tpu.memory_space<vmem>> -> memref<128x16xf32, #tpu.memory_space<vmem>>
      %dma_start3A_203 = arith.constant 0 : i32
      %dma_start3A_204 = tpu.memref_slice %arg12[%dma_start3A_199, %dma_start3A_203] : memref<5x128xi32, #tpu.memory_space<vmem>> -> memref<1x128xi32, #tpu.memory_space<vmem>>
      %dma_start3A_205 = tpu.memref_squeeze %dma_start3A_204 : memref<1x128xi32, #tpu.memory_space<vmem>> -> memref<128xi32, #tpu.memory_space<vmem>>
      %dma_start3A_206 = arith.constant 0 : i32
      %dma_start3A_207 = arith.constant 0 : i32
      %dma_start3A_208 = tpu.memref_slice %arg2[%dma_start3A_206, %dma_start3A_207] : memref<100000x16xf32, #tpu.memory_space<hbm>> -> memref<100000x16xf32, #tpu.memory_space<hbm>>
      tpu.enqueue_indirect_dma source(%dma_start3A_208 : memref<100000x16xf32, #tpu.memory_space<hbm>>) target(%dma_start3A_202 : memref<128x16xf32, #tpu.memory_space<vmem>>) offsets(%dma_start3A_205 : memref<128xi32, #tpu.memory_space<vmem>>) semaphore(%arg26 : memref<!tpu.dma_semaphore, #tpu.memory_space<semaphore_mem>>)
      %dma_start3A_209 = arith.constant 4 : i32
      %dma_start3A_210 = arith.constant 512 : i32
      %dma_start3A_211 = arith.constant 0 : i32
      %dma_start3A_212 = tpu.memref_slice %arg20[%dma_start3A_210, %dma_start3A_211] : memref<640x16xf32, #tpu.memory_space<vmem>> -> memref<128x16xf32, #tpu.memory_space<vmem>>
      %dma_start3A_213 = arith.constant 0 : i32
      %dma_start3A_214 = tpu.memref_slice %arg12[%dma_start3A_209, %dma_start3A_213] : memref<5x128xi32, #tpu.memory_space<vmem>> -> memref<1x128xi32, #tpu.memory_space<vmem>>
      %dma_start3A_215 = tpu.memref_squeeze %dma_start3A_214 : memref<1x128xi32, #tpu.memory_space<vmem>> -> memref<128xi32, #tpu.memory_space<vmem>>
      %dma_start3A_216 = arith.constant 0 : i32
      %dma_start3A_217 = arith.constant 0 : i32
      %dma_start3A_218 = tpu.memref_slice %arg2[%dma_start3A_216, %dma_start3A_217] : memref<100000x16xf32, #tpu.memory_space<hbm>> -> memref<100000x16xf32, #tpu.memory_space<hbm>>
      tpu.enqueue_indirect_dma source(%dma_start3A_218 : memref<100000x16xf32, #tpu.memory_space<hbm>>) target(%dma_start3A_212 : memref<128x16xf32, #tpu.memory_space<vmem>>) offsets(%dma_start3A_215 : memref<128xi32, #tpu.memory_space<vmem>>) semaphore(%arg26 : memref<!tpu.dma_semaphore, #tpu.memory_space<semaphore_mem>>)
      %dma_wait3A_219 = arith.constant 0 : i32
      %dma_wait3A_220 = arith.constant 0 : i32
      %dma_wait3A_221 = tpu.memref_slice %arg2[%dma_wait3A_219, %dma_wait3A_220] : memref<100000x16xf32, #tpu.memory_space<hbm>> -> memref<640x16xf32, #tpu.memory_space<hbm>>
      %dma_wait3A_222 = arith.constant 0 : i32
      %dma_wait3A_223 = arith.constant 0 : i32
      %dma_wait3A_224 = tpu.memref_slice %arg2[%dma_wait3A_222, %dma_wait3A_223] : memref<100000x16xf32, #tpu.memory_space<hbm>> -> memref<640x16xf32, #tpu.memory_space<hbm>>
      tpu.wait_dma2 semaphore(%arg26 : memref<!tpu.dma_semaphore, #tpu.memory_space<semaphore_mem>>) src(%dma_wait3A_224 : memref<640x16xf32, #tpu.memory_space<hbm>>) dst(%arg20 : memref<640x16xf32, #tpu.memory_space<vmem>>)
      %add3A_225 = arith.constant 15 : i32
      %add3A_226 = arith.addi %add3A_88, %add3A_225 : i32
      %lt3A_227 = arith.constant 25000 : i32
      %lt3A_228 = arith.cmpi slt, %add3A_226, %lt3A_227 : i32
      %convert_element_type3A_229 = arith.extui %lt3A_228 : i1 to i32
      %cond3A_230 = arith.constant 0 : i32
      %cond3A_231 = arith.cmpi ne, %convert_element_type3A_229, %cond3A_230 : i32
      scf.if %cond3A_231 {
        %dma_start3A_556 = arith.constant 0 : i32
        %dma_start3A_557 = tpu.memref_slice %arg3[%add3A_226, %dma_start3A_556] : memref<25000x128xi32, #tpu.memory_space<hbm>> -> memref<5x128xi32, #tpu.memory_space<hbm>>
        %dma_start3A_558 = arith.constant 0 : i32
        %dma_start3A_559 = tpu.memref_slice %arg3[%add3A_226, %dma_start3A_558] : memref<25000x128xi32, #tpu.memory_space<hbm>> -> memref<5x128xi32, #tpu.memory_space<hbm>>
        tpu.enqueue_dma source(%dma_start3A_559 : memref<5x128xi32, #tpu.memory_space<hbm>>) target(%arg14 : memref<5x128xi32, #tpu.memory_space<vmem>>) target_semaphore(%arg24 : memref<!tpu.dma_semaphore, #tpu.memory_space<semaphore_mem>>)
        %dma_start3A_560 = arith.constant 0 : i32
        %dma_start3A_561 = tpu.memref_slice %arg4[%add3A_226, %dma_start3A_560] : memref<25000x128xi32, #tpu.memory_space<hbm>> -> memref<5x128xi32, #tpu.memory_space<hbm>>
        %dma_start3A_562 = arith.constant 0 : i32
        %dma_start3A_563 = tpu.memref_slice %arg4[%add3A_226, %dma_start3A_562] : memref<25000x128xi32, #tpu.memory_space<hbm>> -> memref<5x128xi32, #tpu.memory_space<hbm>>
        tpu.enqueue_dma source(%dma_start3A_563 : memref<5x128xi32, #tpu.memory_space<hbm>>) target(%arg18 : memref<5x128xi32, #tpu.memory_space<vmem>>) target_semaphore(%arg24 : memref<!tpu.dma_semaphore, #tpu.memory_space<semaphore_mem>>)
      } else {
      }
      %ge3A_232 = arith.constant 25000 : i32
      %ge3A_233 = arith.cmpi sge, %add3A_226, %ge3A_232 : i32
      %convert_element_type3A_234 = arith.extui %ge3A_233 : i1 to i32
      %cond3A_235 = arith.constant 0 : i32
      %cond3A_236 = arith.cmpi ne, %convert_element_type3A_234, %cond3A_235 : i32
      scf.if %cond3A_236 {
        %sub3A = arith.constant 25000 : i32
        %sub3A_556 = arith.subi %add3A_226, %sub3A : i32
        %dma_start3A_557 = arith.constant 0 : i32
        %dma_start3A_558 = tpu.memref_slice %arg5[%sub3A_556, %dma_start3A_557] : memref<600x128xi32, #tpu.memory_space<hbm>> -> memref<5x128xi32, #tpu.memory_space<hbm>>
        %dma_start3A_559 = arith.constant 0 : i32
        %dma_start3A_560 = tpu.memref_slice %arg5[%sub3A_556, %dma_start3A_559] : memref<600x128xi32, #tpu.memory_space<hbm>> -> memref<5x128xi32, #tpu.memory_space<hbm>>
        tpu.enqueue_dma source(%dma_start3A_560 : memref<5x128xi32, #tpu.memory_space<hbm>>) target(%arg14 : memref<5x128xi32, #tpu.memory_space<vmem>>) target_semaphore(%arg24 : memref<!tpu.dma_semaphore, #tpu.memory_space<semaphore_mem>>)
        %dma_start3A_561 = arith.constant 0 : i32
        %dma_start3A_562 = tpu.memref_slice %arg6[%sub3A_556, %dma_start3A_561] : memref<600x128xi32, #tpu.memory_space<hbm>> -> memref<5x128xi32, #tpu.memory_space<hbm>>
        %dma_start3A_563 = arith.constant 0 : i32
        %dma_start3A_564 = tpu.memref_slice %arg6[%sub3A_556, %dma_start3A_563] : memref<600x128xi32, #tpu.memory_space<hbm>> -> memref<5x128xi32, #tpu.memory_space<hbm>>
        tpu.enqueue_dma source(%dma_start3A_564 : memref<5x128xi32, #tpu.memory_space<hbm>>) target(%arg18 : memref<5x128xi32, #tpu.memory_space<vmem>>) target_semaphore(%arg24 : memref<!tpu.dma_semaphore, #tpu.memory_space<semaphore_mem>>)
      } else {
      }
      %dma_wait3A_237 = arith.constant 0 : i32
      %dma_wait3A_238 = arith.constant 0 : i32
      %dma_wait3A_239 = tpu.memref_slice %arg10[%dma_wait3A_237, %dma_wait3A_238] : memref<100352x16xf32, #tpu.memory_space<vmem_shared>> -> memref<640x16xf32, #tpu.memory_space<vmem_shared>>
      %dma_wait3A_240 = arith.constant 0 : i32
      %dma_wait3A_241 = arith.constant 0 : i32
      %dma_wait3A_242 = tpu.memref_slice %arg10[%dma_wait3A_240, %dma_wait3A_241] : memref<100352x16xf32, #tpu.memory_space<vmem_shared>> -> memref<640x16xf32, #tpu.memory_space<vmem_shared>>
      tpu.wait_dma2 semaphore(%arg27 : memref<!tpu.dma_semaphore, #tpu.memory_space<semaphore_mem>>) src(%arg19 : memref<640x16xf32, #tpu.memory_space<vmem>>) dst(%dma_wait3A_242 : memref<640x16xf32, #tpu.memory_space<vmem_shared>>)
      %dma_start3A_243 = arith.constant 0 : i32
      %dma_start3A_244 = arith.constant 0 : i32
      %dma_start3A_245 = arith.constant 0 : i32
      %dma_start3A_246 = tpu.memref_slice %arg20[%dma_start3A_244, %dma_start3A_245] : memref<640x16xf32, #tpu.memory_space<vmem>> -> memref<128x16xf32, #tpu.memory_space<vmem>>
      %dma_start3A_247 = arith.constant 0 : i32
      %dma_start3A_248 = tpu.memref_slice %arg16[%dma_start3A_243, %dma_start3A_247] : memref<5x128xi32, #tpu.memory_space<vmem>> -> memref<1x128xi32, #tpu.memory_space<vmem>>
      %dma_start3A_249 = tpu.memref_squeeze %dma_start3A_248 : memref<1x128xi32, #tpu.memory_space<vmem>> -> memref<128xi32, #tpu.memory_space<vmem>>
      %dma_start3A_250 = arith.constant 0 : i32
      %dma_start3A_251 = arith.constant 0 : i32
      %dma_start3A_252 = tpu.memref_slice %arg10[%dma_start3A_250, %dma_start3A_251] : memref<100352x16xf32, #tpu.memory_space<vmem_shared>> -> memref<100352x16xf32, #tpu.memory_space<vmem_shared>>
      tpu.enqueue_indirect_dma source(%dma_start3A_246 : memref<128x16xf32, #tpu.memory_space<vmem>>) target(%dma_start3A_252 : memref<100352x16xf32, #tpu.memory_space<vmem_shared>>) offsets(%dma_start3A_249 : memref<128xi32, #tpu.memory_space<vmem>>) semaphore(%arg28 : memref<!tpu.dma_semaphore, #tpu.memory_space<semaphore_mem>>) {add = true}
      %dma_start3A_253 = arith.constant 1 : i32
      %dma_start3A_254 = arith.constant 128 : i32
      %dma_start3A_255 = arith.constant 0 : i32
      %dma_start3A_256 = tpu.memref_slice %arg20[%dma_start3A_254, %dma_start3A_255] : memref<640x16xf32, #tpu.memory_space<vmem>> -> memref<128x16xf32, #tpu.memory_space<vmem>>
      %dma_start3A_257 = arith.constant 0 : i32
      %dma_start3A_258 = tpu.memref_slice %arg16[%dma_start3A_253, %dma_start3A_257] : memref<5x128xi32, #tpu.memory_space<vmem>> -> memref<1x128xi32, #tpu.memory_space<vmem>>
      %dma_start3A_259 = tpu.memref_squeeze %dma_start3A_258 : memref<1x128xi32, #tpu.memory_space<vmem>> -> memref<128xi32, #tpu.memory_space<vmem>>
      %dma_start3A_260 = arith.constant 0 : i32
      %dma_start3A_261 = arith.constant 0 : i32
      %dma_start3A_262 = tpu.memref_slice %arg10[%dma_start3A_260, %dma_start3A_261] : memref<100352x16xf32, #tpu.memory_space<vmem_shared>> -> memref<100352x16xf32, #tpu.memory_space<vmem_shared>>
      tpu.enqueue_indirect_dma source(%dma_start3A_256 : memref<128x16xf32, #tpu.memory_space<vmem>>) target(%dma_start3A_262 : memref<100352x16xf32, #tpu.memory_space<vmem_shared>>) offsets(%dma_start3A_259 : memref<128xi32, #tpu.memory_space<vmem>>) semaphore(%arg28 : memref<!tpu.dma_semaphore, #tpu.memory_space<semaphore_mem>>) {add = true}
      %dma_start3A_263 = arith.constant 2 : i32
      %dma_start3A_264 = arith.constant 256 : i32
      %dma_start3A_265 = arith.constant 0 : i32
      %dma_start3A_266 = tpu.memref_slice %arg20[%dma_start3A_264, %dma_start3A_265] : memref<640x16xf32, #tpu.memory_space<vmem>> -> memref<128x16xf32, #tpu.memory_space<vmem>>
      %dma_start3A_267 = arith.constant 0 : i32
      %dma_start3A_268 = tpu.memref_slice %arg16[%dma_start3A_263, %dma_start3A_267] : memref<5x128xi32, #tpu.memory_space<vmem>> -> memref<1x128xi32, #tpu.memory_space<vmem>>
      %dma_start3A_269 = tpu.memref_squeeze %dma_start3A_268 : memref<1x128xi32, #tpu.memory_space<vmem>> -> memref<128xi32, #tpu.memory_space<vmem>>
      %dma_start3A_270 = arith.constant 0 : i32
      %dma_start3A_271 = arith.constant 0 : i32
      %dma_start3A_272 = tpu.memref_slice %arg10[%dma_start3A_270, %dma_start3A_271] : memref<100352x16xf32, #tpu.memory_space<vmem_shared>> -> memref<100352x16xf32, #tpu.memory_space<vmem_shared>>
      tpu.enqueue_indirect_dma source(%dma_start3A_266 : memref<128x16xf32, #tpu.memory_space<vmem>>) target(%dma_start3A_272 : memref<100352x16xf32, #tpu.memory_space<vmem_shared>>) offsets(%dma_start3A_269 : memref<128xi32, #tpu.memory_space<vmem>>) semaphore(%arg28 : memref<!tpu.dma_semaphore, #tpu.memory_space<semaphore_mem>>) {add = true}
      %dma_start3A_273 = arith.constant 3 : i32
      %dma_start3A_274 = arith.constant 384 : i32
      %dma_start3A_275 = arith.constant 0 : i32
      %dma_start3A_276 = tpu.memref_slice %arg20[%dma_start3A_274, %dma_start3A_275] : memref<640x16xf32, #tpu.memory_space<vmem>> -> memref<128x16xf32, #tpu.memory_space<vmem>>
      %dma_start3A_277 = arith.constant 0 : i32
      %dma_start3A_278 = tpu.memref_slice %arg16[%dma_start3A_273, %dma_start3A_277] : memref<5x128xi32, #tpu.memory_space<vmem>> -> memref<1x128xi32, #tpu.memory_space<vmem>>
      %dma_start3A_279 = tpu.memref_squeeze %dma_start3A_278 : memref<1x128xi32, #tpu.memory_space<vmem>> -> memref<128xi32, #tpu.memory_space<vmem>>
      %dma_start3A_280 = arith.constant 0 : i32
      %dma_start3A_281 = arith.constant 0 : i32
      %dma_start3A_282 = tpu.memref_slice %arg10[%dma_start3A_280, %dma_start3A_281] : memref<100352x16xf32, #tpu.memory_space<vmem_shared>> -> memref<100352x16xf32, #tpu.memory_space<vmem_shared>>
      tpu.enqueue_indirect_dma source(%dma_start3A_276 : memref<128x16xf32, #tpu.memory_space<vmem>>) target(%dma_start3A_282 : memref<100352x16xf32, #tpu.memory_space<vmem_shared>>) offsets(%dma_start3A_279 : memref<128xi32, #tpu.memory_space<vmem>>) semaphore(%arg28 : memref<!tpu.dma_semaphore, #tpu.memory_space<semaphore_mem>>) {add = true}
      %dma_start3A_283 = arith.constant 4 : i32
      %dma_start3A_284 = arith.constant 512 : i32
      %dma_start3A_285 = arith.constant 0 : i32
      %dma_start3A_286 = tpu.memref_slice %arg20[%dma_start3A_284, %dma_start3A_285] : memref<640x16xf32, #tpu.memory_space<vmem>> -> memref<128x16xf32, #tpu.memory_space<vmem>>
      %dma_start3A_287 = arith.constant 0 : i32
      %dma_start3A_288 = tpu.memref_slice %arg16[%dma_start3A_283, %dma_start3A_287] : memref<5x128xi32, #tpu.memory_space<vmem>> -> memref<1x128xi32, #tpu.memory_space<vmem>>
      %dma_start3A_289 = tpu.memref_squeeze %dma_start3A_288 : memref<1x128xi32, #tpu.memory_space<vmem>> -> memref<128xi32, #tpu.memory_space<vmem>>
      %dma_start3A_290 = arith.constant 0 : i32
      %dma_start3A_291 = arith.constant 0 : i32
      %dma_start3A_292 = tpu.memref_slice %arg10[%dma_start3A_290, %dma_start3A_291] : memref<100352x16xf32, #tpu.memory_space<vmem_shared>> -> memref<100352x16xf32, #tpu.memory_space<vmem_shared>>
      tpu.enqueue_indirect_dma source(%dma_start3A_286 : memref<128x16xf32, #tpu.memory_space<vmem>>) target(%dma_start3A_292 : memref<100352x16xf32, #tpu.memory_space<vmem_shared>>) offsets(%dma_start3A_289 : memref<128xi32, #tpu.memory_space<vmem>>) semaphore(%arg28 : memref<!tpu.dma_semaphore, #tpu.memory_space<semaphore_mem>>) {add = true}
      %dma_wait3A_293 = arith.constant 0 : i32
      %dma_wait3A_294 = arith.constant 0 : i32
      %dma_wait3A_295 = tpu.memref_slice %arg3[%dma_wait3A_293, %dma_wait3A_294] : memref<25000x128xi32, #tpu.memory_space<hbm>> -> memref<5x128xi32, #tpu.memory_space<hbm>>
      %dma_wait3A_296 = arith.constant 0 : i32
      %dma_wait3A_297 = arith.constant 0 : i32
      %dma_wait3A_298 = tpu.memref_slice %arg3[%dma_wait3A_296, %dma_wait3A_297] : memref<25000x128xi32, #tpu.memory_space<hbm>> -> memref<5x128xi32, #tpu.memory_space<hbm>>
      tpu.wait_dma2 semaphore(%arg23 : memref<!tpu.dma_semaphore, #tpu.memory_space<semaphore_mem>>) src(%dma_wait3A_298 : memref<5x128xi32, #tpu.memory_space<hbm>>) dst(%arg13 : memref<5x128xi32, #tpu.memory_space<vmem>>)
      %dma_wait3A_299 = arith.constant 0 : i32
      %dma_wait3A_300 = arith.constant 0 : i32
      %dma_wait3A_301 = tpu.memref_slice %arg4[%dma_wait3A_299, %dma_wait3A_300] : memref<25000x128xi32, #tpu.memory_space<hbm>> -> memref<5x128xi32, #tpu.memory_space<hbm>>
      %dma_wait3A_302 = arith.constant 0 : i32
      %dma_wait3A_303 = arith.constant 0 : i32
      %dma_wait3A_304 = tpu.memref_slice %arg4[%dma_wait3A_302, %dma_wait3A_303] : memref<25000x128xi32, #tpu.memory_space<hbm>> -> memref<5x128xi32, #tpu.memory_space<hbm>>
      tpu.wait_dma2 semaphore(%arg23 : memref<!tpu.dma_semaphore, #tpu.memory_space<semaphore_mem>>) src(%dma_wait3A_304 : memref<5x128xi32, #tpu.memory_space<hbm>>) dst(%arg17 : memref<5x128xi32, #tpu.memory_space<vmem>>)
      %dma_start3A_305 = arith.constant 0 : i32
      %dma_start3A_306 = arith.constant 0 : i32
      %dma_start3A_307 = arith.constant 0 : i32
      %dma_start3A_308 = tpu.memref_slice %arg19[%dma_start3A_306, %dma_start3A_307] : memref<640x16xf32, #tpu.memory_space<vmem>> -> memref<128x16xf32, #tpu.memory_space<vmem>>
      %dma_start3A_309 = arith.constant 0 : i32
      %dma_start3A_310 = tpu.memref_slice %arg13[%dma_start3A_305, %dma_start3A_309] : memref<5x128xi32, #tpu.memory_space<vmem>> -> memref<1x128xi32, #tpu.memory_space<vmem>>
      %dma_start3A_311 = tpu.memref_squeeze %dma_start3A_310 : memref<1x128xi32, #tpu.memory_space<vmem>> -> memref<128xi32, #tpu.memory_space<vmem>>
      %dma_start3A_312 = arith.constant 0 : i32
      %dma_start3A_313 = arith.constant 0 : i32
      %dma_start3A_314 = tpu.memref_slice %arg2[%dma_start3A_312, %dma_start3A_313] : memref<100000x16xf32, #tpu.memory_space<hbm>> -> memref<100000x16xf32, #tpu.memory_space<hbm>>
      tpu.enqueue_indirect_dma source(%dma_start3A_314 : memref<100000x16xf32, #tpu.memory_space<hbm>>) target(%dma_start3A_308 : memref<128x16xf32, #tpu.memory_space<vmem>>) offsets(%dma_start3A_311 : memref<128xi32, #tpu.memory_space<vmem>>) semaphore(%arg25 : memref<!tpu.dma_semaphore, #tpu.memory_space<semaphore_mem>>)
      %dma_start3A_315 = arith.constant 1 : i32
      %dma_start3A_316 = arith.constant 128 : i32
      %dma_start3A_317 = arith.constant 0 : i32
      %dma_start3A_318 = tpu.memref_slice %arg19[%dma_start3A_316, %dma_start3A_317] : memref<640x16xf32, #tpu.memory_space<vmem>> -> memref<128x16xf32, #tpu.memory_space<vmem>>
      %dma_start3A_319 = arith.constant 0 : i32
      %dma_start3A_320 = tpu.memref_slice %arg13[%dma_start3A_315, %dma_start3A_319] : memref<5x128xi32, #tpu.memory_space<vmem>> -> memref<1x128xi32, #tpu.memory_space<vmem>>
      %dma_start3A_321 = tpu.memref_squeeze %dma_start3A_320 : memref<1x128xi32, #tpu.memory_space<vmem>> -> memref<128xi32, #tpu.memory_space<vmem>>
      %dma_start3A_322 = arith.constant 0 : i32
      %dma_start3A_323 = arith.constant 0 : i32
      %dma_start3A_324 = tpu.memref_slice %arg2[%dma_start3A_322, %dma_start3A_323] : memref<100000x16xf32, #tpu.memory_space<hbm>> -> memref<100000x16xf32, #tpu.memory_space<hbm>>
      tpu.enqueue_indirect_dma source(%dma_start3A_324 : memref<100000x16xf32, #tpu.memory_space<hbm>>) target(%dma_start3A_318 : memref<128x16xf32, #tpu.memory_space<vmem>>) offsets(%dma_start3A_321 : memref<128xi32, #tpu.memory_space<vmem>>) semaphore(%arg25 : memref<!tpu.dma_semaphore, #tpu.memory_space<semaphore_mem>>)
      %dma_start3A_325 = arith.constant 2 : i32
      %dma_start3A_326 = arith.constant 256 : i32
      %dma_start3A_327 = arith.constant 0 : i32
      %dma_start3A_328 = tpu.memref_slice %arg19[%dma_start3A_326, %dma_start3A_327] : memref<640x16xf32, #tpu.memory_space<vmem>> -> memref<128x16xf32, #tpu.memory_space<vmem>>
      %dma_start3A_329 = arith.constant 0 : i32
      %dma_start3A_330 = tpu.memref_slice %arg13[%dma_start3A_325, %dma_start3A_329] : memref<5x128xi32, #tpu.memory_space<vmem>> -> memref<1x128xi32, #tpu.memory_space<vmem>>
      %dma_start3A_331 = tpu.memref_squeeze %dma_start3A_330 : memref<1x128xi32, #tpu.memory_space<vmem>> -> memref<128xi32, #tpu.memory_space<vmem>>
      %dma_start3A_332 = arith.constant 0 : i32
      %dma_start3A_333 = arith.constant 0 : i32
      %dma_start3A_334 = tpu.memref_slice %arg2[%dma_start3A_332, %dma_start3A_333] : memref<100000x16xf32, #tpu.memory_space<hbm>> -> memref<100000x16xf32, #tpu.memory_space<hbm>>
      tpu.enqueue_indirect_dma source(%dma_start3A_334 : memref<100000x16xf32, #tpu.memory_space<hbm>>) target(%dma_start3A_328 : memref<128x16xf32, #tpu.memory_space<vmem>>) offsets(%dma_start3A_331 : memref<128xi32, #tpu.memory_space<vmem>>) semaphore(%arg25 : memref<!tpu.dma_semaphore, #tpu.memory_space<semaphore_mem>>)
      %dma_start3A_335 = arith.constant 3 : i32
      %dma_start3A_336 = arith.constant 384 : i32
      %dma_start3A_337 = arith.constant 0 : i32
      %dma_start3A_338 = tpu.memref_slice %arg19[%dma_start3A_336, %dma_start3A_337] : memref<640x16xf32, #tpu.memory_space<vmem>> -> memref<128x16xf32, #tpu.memory_space<vmem>>
      %dma_start3A_339 = arith.constant 0 : i32
      %dma_start3A_340 = tpu.memref_slice %arg13[%dma_start3A_335, %dma_start3A_339] : memref<5x128xi32, #tpu.memory_space<vmem>> -> memref<1x128xi32, #tpu.memory_space<vmem>>
      %dma_start3A_341 = tpu.memref_squeeze %dma_start3A_340 : memref<1x128xi32, #tpu.memory_space<vmem>> -> memref<128xi32, #tpu.memory_space<vmem>>
      %dma_start3A_342 = arith.constant 0 : i32
      %dma_start3A_343 = arith.constant 0 : i32
      %dma_start3A_344 = tpu.memref_slice %arg2[%dma_start3A_342, %dma_start3A_343] : memref<100000x16xf32, #tpu.memory_space<hbm>> -> memref<100000x16xf32, #tpu.memory_space<hbm>>
      tpu.enqueue_indirect_dma source(%dma_start3A_344 : memref<100000x16xf32, #tpu.memory_space<hbm>>) target(%dma_start3A_338 : memref<128x16xf32, #tpu.memory_space<vmem>>) offsets(%dma_start3A_341 : memref<128xi32, #tpu.memory_space<vmem>>) semaphore(%arg25 : memref<!tpu.dma_semaphore, #tpu.memory_space<semaphore_mem>>)
      %dma_start3A_345 = arith.constant 4 : i32
      %dma_start3A_346 = arith.constant 512 : i32
      %dma_start3A_347 = arith.constant 0 : i32
      %dma_start3A_348 = tpu.memref_slice %arg19[%dma_start3A_346, %dma_start3A_347] : memref<640x16xf32, #tpu.memory_space<vmem>> -> memref<128x16xf32, #tpu.memory_space<vmem>>
      %dma_start3A_349 = arith.constant 0 : i32
      %dma_start3A_350 = tpu.memref_slice %arg13[%dma_start3A_345, %dma_start3A_349] : memref<5x128xi32, #tpu.memory_space<vmem>> -> memref<1x128xi32, #tpu.memory_space<vmem>>
      %dma_start3A_351 = tpu.memref_squeeze %dma_start3A_350 : memref<1x128xi32, #tpu.memory_space<vmem>> -> memref<128xi32, #tpu.memory_space<vmem>>
      %dma_start3A_352 = arith.constant 0 : i32
      %dma_start3A_353 = arith.constant 0 : i32
      %dma_start3A_354 = tpu.memref_slice %arg2[%dma_start3A_352, %dma_start3A_353] : memref<100000x16xf32, #tpu.memory_space<hbm>> -> memref<100000x16xf32, #tpu.memory_space<hbm>>
      tpu.enqueue_indirect_dma source(%dma_start3A_354 : memref<100000x16xf32, #tpu.memory_space<hbm>>) target(%dma_start3A_348 : memref<128x16xf32, #tpu.memory_space<vmem>>) offsets(%dma_start3A_351 : memref<128xi32, #tpu.memory_space<vmem>>) semaphore(%arg25 : memref<!tpu.dma_semaphore, #tpu.memory_space<semaphore_mem>>)
      %dma_wait3A_355 = arith.constant 0 : i32
      %dma_wait3A_356 = arith.constant 0 : i32
      %dma_wait3A_357 = tpu.memref_slice %arg2[%dma_wait3A_355, %dma_wait3A_356] : memref<100000x16xf32, #tpu.memory_space<hbm>> -> memref<640x16xf32, #tpu.memory_space<hbm>>
      %dma_wait3A_358 = arith.constant 0 : i32
      %dma_wait3A_359 = arith.constant 0 : i32
      %dma_wait3A_360 = tpu.memref_slice %arg2[%dma_wait3A_358, %dma_wait3A_359] : memref<100000x16xf32, #tpu.memory_space<hbm>> -> memref<640x16xf32, #tpu.memory_space<hbm>>
      tpu.wait_dma2 semaphore(%arg25 : memref<!tpu.dma_semaphore, #tpu.memory_space<semaphore_mem>>) src(%dma_wait3A_360 : memref<640x16xf32, #tpu.memory_space<hbm>>) dst(%arg19 : memref<640x16xf32, #tpu.memory_space<vmem>>)
      %lt3A_361 = arith.constant 39 : i32
      %lt3A_362 = arith.cmpi slt, %scan3A_83, %lt3A_361 : i32
      %convert_element_type3A_363 = arith.extui %lt3A_362 : i1 to i32
      %cond3A_364 = arith.constant 0 : i32
      %cond3A_365 = arith.cmpi ne, %convert_element_type3A_363, %cond3A_364 : i32
      scf.if %cond3A_365 {
        %add3A_556 = arith.constant 20 : i32
        %add3A_557 = arith.addi %add3A_88, %add3A_556 : i32
        %lt3A_558 = arith.constant 25000 : i32
        %lt3A_559 = arith.cmpi slt, %add3A_557, %lt3A_558 : i32
        %convert_element_type3A_560 = arith.extui %lt3A_559 : i1 to i32
        %cond3A_561 = arith.constant 0 : i32
        %cond3A_562 = arith.cmpi ne, %convert_element_type3A_560, %cond3A_561 : i32
        scf.if %cond3A_562 {
          %dma_start3A_568 = arith.constant 0 : i32
          %dma_start3A_569 = tpu.memref_slice %arg3[%add3A_557, %dma_start3A_568] : memref<25000x128xi32, #tpu.memory_space<hbm>> -> memref<5x128xi32, #tpu.memory_space<hbm>>
          %dma_start3A_570 = arith.constant 0 : i32
          %dma_start3A_571 = tpu.memref_slice %arg3[%add3A_557, %dma_start3A_570] : memref<25000x128xi32, #tpu.memory_space<hbm>> -> memref<5x128xi32, #tpu.memory_space<hbm>>
          tpu.enqueue_dma source(%dma_start3A_571 : memref<5x128xi32, #tpu.memory_space<hbm>>) target(%arg11 : memref<5x128xi32, #tpu.memory_space<vmem>>) target_semaphore(%arg21 : memref<!tpu.dma_semaphore, #tpu.memory_space<semaphore_mem>>)
          %dma_start3A_572 = arith.constant 0 : i32
          %dma_start3A_573 = tpu.memref_slice %arg4[%add3A_557, %dma_start3A_572] : memref<25000x128xi32, #tpu.memory_space<hbm>> -> memref<5x128xi32, #tpu.memory_space<hbm>>
          %dma_start3A_574 = arith.constant 0 : i32
          %dma_start3A_575 = tpu.memref_slice %arg4[%add3A_557, %dma_start3A_574] : memref<25000x128xi32, #tpu.memory_space<hbm>> -> memref<5x128xi32, #tpu.memory_space<hbm>>
          tpu.enqueue_dma source(%dma_start3A_575 : memref<5x128xi32, #tpu.memory_space<hbm>>) target(%arg15 : memref<5x128xi32, #tpu.memory_space<vmem>>) target_semaphore(%arg21 : memref<!tpu.dma_semaphore, #tpu.memory_space<semaphore_mem>>)
        } else {
        }
        %ge3A_563 = arith.constant 25000 : i32
        %ge3A_564 = arith.cmpi sge, %add3A_557, %ge3A_563 : i32
        %convert_element_type3A_565 = arith.extui %ge3A_564 : i1 to i32
        %cond3A_566 = arith.constant 0 : i32
        %cond3A_567 = arith.cmpi ne, %convert_element_type3A_565, %cond3A_566 : i32
        scf.if %cond3A_567 {
          %sub3A = arith.constant 25000 : i32
          %sub3A_568 = arith.subi %add3A_557, %sub3A : i32
          %dma_start3A_569 = arith.constant 0 : i32
          %dma_start3A_570 = tpu.memref_slice %arg5[%sub3A_568, %dma_start3A_569] : memref<600x128xi32, #tpu.memory_space<hbm>> -> memref<5x128xi32, #tpu.memory_space<hbm>>
          %dma_start3A_571 = arith.constant 0 : i32
          %dma_start3A_572 = tpu.memref_slice %arg5[%sub3A_568, %dma_start3A_571] : memref<600x128xi32, #tpu.memory_space<hbm>> -> memref<5x128xi32, #tpu.memory_space<hbm>>
          tpu.enqueue_dma source(%dma_start3A_572 : memref<5x128xi32, #tpu.memory_space<hbm>>) target(%arg11 : memref<5x128xi32, #tpu.memory_space<vmem>>) target_semaphore(%arg21 : memref<!tpu.dma_semaphore, #tpu.memory_space<semaphore_mem>>)
          %dma_start3A_573 = arith.constant 0 : i32
          %dma_start3A_574 = tpu.memref_slice %arg6[%sub3A_568, %dma_start3A_573] : memref<600x128xi32, #tpu.memory_space<hbm>> -> memref<5x128xi32, #tpu.memory_space<hbm>>
          %dma_start3A_575 = arith.constant 0 : i32
          %dma_start3A_576 = tpu.memref_slice %arg6[%sub3A_568, %dma_start3A_575] : memref<600x128xi32, #tpu.memory_space<hbm>> -> memref<5x128xi32, #tpu.memory_space<hbm>>
          tpu.enqueue_dma source(%dma_start3A_576 : memref<5x128xi32, #tpu.memory_space<hbm>>) target(%arg15 : memref<5x128xi32, #tpu.memory_space<vmem>>) target_semaphore(%arg21 : memref<!tpu.dma_semaphore, #tpu.memory_space<semaphore_mem>>)
        } else {
        }
      } else {
      }
      %dma_wait3A_366 = arith.constant 0 : i32
      %dma_wait3A_367 = arith.constant 0 : i32
      %dma_wait3A_368 = tpu.memref_slice %arg10[%dma_wait3A_366, %dma_wait3A_367] : memref<100352x16xf32, #tpu.memory_space<vmem_shared>> -> memref<640x16xf32, #tpu.memory_space<vmem_shared>>
      %dma_wait3A_369 = arith.constant 0 : i32
      %dma_wait3A_370 = arith.constant 0 : i32
      %dma_wait3A_371 = tpu.memref_slice %arg10[%dma_wait3A_369, %dma_wait3A_370] : memref<100352x16xf32, #tpu.memory_space<vmem_shared>> -> memref<640x16xf32, #tpu.memory_space<vmem_shared>>
      tpu.wait_dma2 semaphore(%arg28 : memref<!tpu.dma_semaphore, #tpu.memory_space<semaphore_mem>>) src(%arg20 : memref<640x16xf32, #tpu.memory_space<vmem>>) dst(%dma_wait3A_371 : memref<640x16xf32, #tpu.memory_space<vmem_shared>>)
      %dma_start3A_372 = arith.constant 0 : i32
      %dma_start3A_373 = arith.constant 0 : i32
      %dma_start3A_374 = arith.constant 0 : i32
      %dma_start3A_375 = tpu.memref_slice %arg19[%dma_start3A_373, %dma_start3A_374] : memref<640x16xf32, #tpu.memory_space<vmem>> -> memref<128x16xf32, #tpu.memory_space<vmem>>
      %dma_start3A_376 = arith.constant 0 : i32
      %dma_start3A_377 = tpu.memref_slice %arg17[%dma_start3A_372, %dma_start3A_376] : memref<5x128xi32, #tpu.memory_space<vmem>> -> memref<1x128xi32, #tpu.memory_space<vmem>>
      %dma_start3A_378 = tpu.memref_squeeze %dma_start3A_377 : memref<1x128xi32, #tpu.memory_space<vmem>> -> memref<128xi32, #tpu.memory_space<vmem>>
      %dma_start3A_379 = arith.constant 0 : i32
      %dma_start3A_380 = arith.constant 0 : i32
      %dma_start3A_381 = tpu.memref_slice %arg10[%dma_start3A_379, %dma_start3A_380] : memref<100352x16xf32, #tpu.memory_space<vmem_shared>> -> memref<100352x16xf32, #tpu.memory_space<vmem_shared>>
      tpu.enqueue_indirect_dma source(%dma_start3A_375 : memref<128x16xf32, #tpu.memory_space<vmem>>) target(%dma_start3A_381 : memref<100352x16xf32, #tpu.memory_space<vmem_shared>>) offsets(%dma_start3A_378 : memref<128xi32, #tpu.memory_space<vmem>>) semaphore(%arg27 : memref<!tpu.dma_semaphore, #tpu.memory_space<semaphore_mem>>) {add = true}
      %dma_start3A_382 = arith.constant 1 : i32
      %dma_start3A_383 = arith.constant 128 : i32
      %dma_start3A_384 = arith.constant 0 : i32
      %dma_start3A_385 = tpu.memref_slice %arg19[%dma_start3A_383, %dma_start3A_384] : memref<640x16xf32, #tpu.memory_space<vmem>> -> memref<128x16xf32, #tpu.memory_space<vmem>>
      %dma_start3A_386 = arith.constant 0 : i32
      %dma_start3A_387 = tpu.memref_slice %arg17[%dma_start3A_382, %dma_start3A_386] : memref<5x128xi32, #tpu.memory_space<vmem>> -> memref<1x128xi32, #tpu.memory_space<vmem>>
      %dma_start3A_388 = tpu.memref_squeeze %dma_start3A_387 : memref<1x128xi32, #tpu.memory_space<vmem>> -> memref<128xi32, #tpu.memory_space<vmem>>
      %dma_start3A_389 = arith.constant 0 : i32
      %dma_start3A_390 = arith.constant 0 : i32
      %dma_start3A_391 = tpu.memref_slice %arg10[%dma_start3A_389, %dma_start3A_390] : memref<100352x16xf32, #tpu.memory_space<vmem_shared>> -> memref<100352x16xf32, #tpu.memory_space<vmem_shared>>
      tpu.enqueue_indirect_dma source(%dma_start3A_385 : memref<128x16xf32, #tpu.memory_space<vmem>>) target(%dma_start3A_391 : memref<100352x16xf32, #tpu.memory_space<vmem_shared>>) offsets(%dma_start3A_388 : memref<128xi32, #tpu.memory_space<vmem>>) semaphore(%arg27 : memref<!tpu.dma_semaphore, #tpu.memory_space<semaphore_mem>>) {add = true}
      %dma_start3A_392 = arith.constant 2 : i32
      %dma_start3A_393 = arith.constant 256 : i32
      %dma_start3A_394 = arith.constant 0 : i32
      %dma_start3A_395 = tpu.memref_slice %arg19[%dma_start3A_393, %dma_start3A_394] : memref<640x16xf32, #tpu.memory_space<vmem>> -> memref<128x16xf32, #tpu.memory_space<vmem>>
      %dma_start3A_396 = arith.constant 0 : i32
      %dma_start3A_397 = tpu.memref_slice %arg17[%dma_start3A_392, %dma_start3A_396] : memref<5x128xi32, #tpu.memory_space<vmem>> -> memref<1x128xi32, #tpu.memory_space<vmem>>
      %dma_start3A_398 = tpu.memref_squeeze %dma_start3A_397 : memref<1x128xi32, #tpu.memory_space<vmem>> -> memref<128xi32, #tpu.memory_space<vmem>>
      %dma_start3A_399 = arith.constant 0 : i32
      %dma_start3A_400 = arith.constant 0 : i32
      %dma_start3A_401 = tpu.memref_slice %arg10[%dma_start3A_399, %dma_start3A_400] : memref<100352x16xf32, #tpu.memory_space<vmem_shared>> -> memref<100352x16xf32, #tpu.memory_space<vmem_shared>>
      tpu.enqueue_indirect_dma source(%dma_start3A_395 : memref<128x16xf32, #tpu.memory_space<vmem>>) target(%dma_start3A_401 : memref<100352x16xf32, #tpu.memory_space<vmem_shared>>) offsets(%dma_start3A_398 : memref<128xi32, #tpu.memory_space<vmem>>) semaphore(%arg27 : memref<!tpu.dma_semaphore, #tpu.memory_space<semaphore_mem>>) {add = true}
      %dma_start3A_402 = arith.constant 3 : i32
      %dma_start3A_403 = arith.constant 384 : i32
      %dma_start3A_404 = arith.constant 0 : i32
      %dma_start3A_405 = tpu.memref_slice %arg19[%dma_start3A_403, %dma_start3A_404] : memref<640x16xf32, #tpu.memory_space<vmem>> -> memref<128x16xf32, #tpu.memory_space<vmem>>
      %dma_start3A_406 = arith.constant 0 : i32
      %dma_start3A_407 = tpu.memref_slice %arg17[%dma_start3A_402, %dma_start3A_406] : memref<5x128xi32, #tpu.memory_space<vmem>> -> memref<1x128xi32, #tpu.memory_space<vmem>>
      %dma_start3A_408 = tpu.memref_squeeze %dma_start3A_407 : memref<1x128xi32, #tpu.memory_space<vmem>> -> memref<128xi32, #tpu.memory_space<vmem>>
      %dma_start3A_409 = arith.constant 0 : i32
      %dma_start3A_410 = arith.constant 0 : i32
      %dma_start3A_411 = tpu.memref_slice %arg10[%dma_start3A_409, %dma_start3A_410] : memref<100352x16xf32, #tpu.memory_space<vmem_shared>> -> memref<100352x16xf32, #tpu.memory_space<vmem_shared>>
      tpu.enqueue_indirect_dma source(%dma_start3A_405 : memref<128x16xf32, #tpu.memory_space<vmem>>) target(%dma_start3A_411 : memref<100352x16xf32, #tpu.memory_space<vmem_shared>>) offsets(%dma_start3A_408 : memref<128xi32, #tpu.memory_space<vmem>>) semaphore(%arg27 : memref<!tpu.dma_semaphore, #tpu.memory_space<semaphore_mem>>) {add = true}
      %dma_start3A_412 = arith.constant 4 : i32
      %dma_start3A_413 = arith.constant 512 : i32
      %dma_start3A_414 = arith.constant 0 : i32
      %dma_start3A_415 = tpu.memref_slice %arg19[%dma_start3A_413, %dma_start3A_414] : memref<640x16xf32, #tpu.memory_space<vmem>> -> memref<128x16xf32, #tpu.memory_space<vmem>>
      %dma_start3A_416 = arith.constant 0 : i32
      %dma_start3A_417 = tpu.memref_slice %arg17[%dma_start3A_412, %dma_start3A_416] : memref<5x128xi32, #tpu.memory_space<vmem>> -> memref<1x128xi32, #tpu.memory_space<vmem>>
      %dma_start3A_418 = tpu.memref_squeeze %dma_start3A_417 : memref<1x128xi32, #tpu.memory_space<vmem>> -> memref<128xi32, #tpu.memory_space<vmem>>
      %dma_start3A_419 = arith.constant 0 : i32
      %dma_start3A_420 = arith.constant 0 : i32
      %dma_start3A_421 = tpu.memref_slice %arg10[%dma_start3A_419, %dma_start3A_420] : memref<100352x16xf32, #tpu.memory_space<vmem_shared>> -> memref<100352x16xf32, #tpu.memory_space<vmem_shared>>
      tpu.enqueue_indirect_dma source(%dma_start3A_415 : memref<128x16xf32, #tpu.memory_space<vmem>>) target(%dma_start3A_421 : memref<100352x16xf32, #tpu.memory_space<vmem_shared>>) offsets(%dma_start3A_418 : memref<128xi32, #tpu.memory_space<vmem>>) semaphore(%arg27 : memref<!tpu.dma_semaphore, #tpu.memory_space<semaphore_mem>>) {add = true}
      %dma_wait3A_422 = arith.constant 0 : i32
      %dma_wait3A_423 = arith.constant 0 : i32
      %dma_wait3A_424 = tpu.memref_slice %arg3[%dma_wait3A_422, %dma_wait3A_423] : memref<25000x128xi32, #tpu.memory_space<hbm>> -> memref<5x128xi32, #tpu.memory_space<hbm>>
      %dma_wait3A_425 = arith.constant 0 : i32
      %dma_wait3A_426 = arith.constant 0 : i32
      %dma_wait3A_427 = tpu.memref_slice %arg3[%dma_wait3A_425, %dma_wait3A_426] : memref<25000x128xi32, #tpu.memory_space<hbm>> -> memref<5x128xi32, #tpu.memory_space<hbm>>
      tpu.wait_dma2 semaphore(%arg24 : memref<!tpu.dma_semaphore, #tpu.memory_space<semaphore_mem>>) src(%dma_wait3A_427 : memref<5x128xi32, #tpu.memory_space<hbm>>) dst(%arg14 : memref<5x128xi32, #tpu.memory_space<vmem>>)
      %dma_wait3A_428 = arith.constant 0 : i32
      %dma_wait3A_429 = arith.constant 0 : i32
      %dma_wait3A_430 = tpu.memref_slice %arg4[%dma_wait3A_428, %dma_wait3A_429] : memref<25000x128xi32, #tpu.memory_space<hbm>> -> memref<5x128xi32, #tpu.memory_space<hbm>>
      %dma_wait3A_431 = arith.constant 0 : i32
      %dma_wait3A_432 = arith.constant 0 : i32
      %dma_wait3A_433 = tpu.memref_slice %arg4[%dma_wait3A_431, %dma_wait3A_432] : memref<25000x128xi32, #tpu.memory_space<hbm>> -> memref<5x128xi32, #tpu.memory_space<hbm>>
      tpu.wait_dma2 semaphore(%arg24 : memref<!tpu.dma_semaphore, #tpu.memory_space<semaphore_mem>>) src(%dma_wait3A_433 : memref<5x128xi32, #tpu.memory_space<hbm>>) dst(%arg18 : memref<5x128xi32, #tpu.memory_space<vmem>>)
      %dma_start3A_434 = arith.constant 0 : i32
      %dma_start3A_435 = arith.constant 0 : i32
      %dma_start3A_436 = arith.constant 0 : i32
      %dma_start3A_437 = tpu.memref_slice %arg20[%dma_start3A_435, %dma_start3A_436] : memref<640x16xf32, #tpu.memory_space<vmem>> -> memref<128x16xf32, #tpu.memory_space<vmem>>
      %dma_start3A_438 = arith.constant 0 : i32
      %dma_start3A_439 = tpu.memref_slice %arg14[%dma_start3A_434, %dma_start3A_438] : memref<5x128xi32, #tpu.memory_space<vmem>> -> memref<1x128xi32, #tpu.memory_space<vmem>>
      %dma_start3A_440 = tpu.memref_squeeze %dma_start3A_439 : memref<1x128xi32, #tpu.memory_space<vmem>> -> memref<128xi32, #tpu.memory_space<vmem>>
      %dma_start3A_441 = arith.constant 0 : i32
      %dma_start3A_442 = arith.constant 0 : i32
      %dma_start3A_443 = tpu.memref_slice %arg2[%dma_start3A_441, %dma_start3A_442] : memref<100000x16xf32, #tpu.memory_space<hbm>> -> memref<100000x16xf32, #tpu.memory_space<hbm>>
      tpu.enqueue_indirect_dma source(%dma_start3A_443 : memref<100000x16xf32, #tpu.memory_space<hbm>>) target(%dma_start3A_437 : memref<128x16xf32, #tpu.memory_space<vmem>>) offsets(%dma_start3A_440 : memref<128xi32, #tpu.memory_space<vmem>>) semaphore(%arg26 : memref<!tpu.dma_semaphore, #tpu.memory_space<semaphore_mem>>)
      %dma_start3A_444 = arith.constant 1 : i32
      %dma_start3A_445 = arith.constant 128 : i32
      %dma_start3A_446 = arith.constant 0 : i32
      %dma_start3A_447 = tpu.memref_slice %arg20[%dma_start3A_445, %dma_start3A_446] : memref<640x16xf32, #tpu.memory_space<vmem>> -> memref<128x16xf32, #tpu.memory_space<vmem>>
      %dma_start3A_448 = arith.constant 0 : i32
      %dma_start3A_449 = tpu.memref_slice %arg14[%dma_start3A_444, %dma_start3A_448] : memref<5x128xi32, #tpu.memory_space<vmem>> -> memref<1x128xi32, #tpu.memory_space<vmem>>
      %dma_start3A_450 = tpu.memref_squeeze %dma_start3A_449 : memref<1x128xi32, #tpu.memory_space<vmem>> -> memref<128xi32, #tpu.memory_space<vmem>>
      %dma_start3A_451 = arith.constant 0 : i32
      %dma_start3A_452 = arith.constant 0 : i32
      %dma_start3A_453 = tpu.memref_slice %arg2[%dma_start3A_451, %dma_start3A_452] : memref<100000x16xf32, #tpu.memory_space<hbm>> -> memref<100000x16xf32, #tpu.memory_space<hbm>>
      tpu.enqueue_indirect_dma source(%dma_start3A_453 : memref<100000x16xf32, #tpu.memory_space<hbm>>) target(%dma_start3A_447 : memref<128x16xf32, #tpu.memory_space<vmem>>) offsets(%dma_start3A_450 : memref<128xi32, #tpu.memory_space<vmem>>) semaphore(%arg26 : memref<!tpu.dma_semaphore, #tpu.memory_space<semaphore_mem>>)
      %dma_start3A_454 = arith.constant 2 : i32
      %dma_start3A_455 = arith.constant 256 : i32
      %dma_start3A_456 = arith.constant 0 : i32
      %dma_start3A_457 = tpu.memref_slice %arg20[%dma_start3A_455, %dma_start3A_456] : memref<640x16xf32, #tpu.memory_space<vmem>> -> memref<128x16xf32, #tpu.memory_space<vmem>>
      %dma_start3A_458 = arith.constant 0 : i32
      %dma_start3A_459 = tpu.memref_slice %arg14[%dma_start3A_454, %dma_start3A_458] : memref<5x128xi32, #tpu.memory_space<vmem>> -> memref<1x128xi32, #tpu.memory_space<vmem>>
      %dma_start3A_460 = tpu.memref_squeeze %dma_start3A_459 : memref<1x128xi32, #tpu.memory_space<vmem>> -> memref<128xi32, #tpu.memory_space<vmem>>
      %dma_start3A_461 = arith.constant 0 : i32
      %dma_start3A_462 = arith.constant 0 : i32
      %dma_start3A_463 = tpu.memref_slice %arg2[%dma_start3A_461, %dma_start3A_462] : memref<100000x16xf32, #tpu.memory_space<hbm>> -> memref<100000x16xf32, #tpu.memory_space<hbm>>
      tpu.enqueue_indirect_dma source(%dma_start3A_463 : memref<100000x16xf32, #tpu.memory_space<hbm>>) target(%dma_start3A_457 : memref<128x16xf32, #tpu.memory_space<vmem>>) offsets(%dma_start3A_460 : memref<128xi32, #tpu.memory_space<vmem>>) semaphore(%arg26 : memref<!tpu.dma_semaphore, #tpu.memory_space<semaphore_mem>>)
      %dma_start3A_464 = arith.constant 3 : i32
      %dma_start3A_465 = arith.constant 384 : i32
      %dma_start3A_466 = arith.constant 0 : i32
      %dma_start3A_467 = tpu.memref_slice %arg20[%dma_start3A_465, %dma_start3A_466] : memref<640x16xf32, #tpu.memory_space<vmem>> -> memref<128x16xf32, #tpu.memory_space<vmem>>
      %dma_start3A_468 = arith.constant 0 : i32
      %dma_start3A_469 = tpu.memref_slice %arg14[%dma_start3A_464, %dma_start3A_468] : memref<5x128xi32, #tpu.memory_space<vmem>> -> memref<1x128xi32, #tpu.memory_space<vmem>>
      %dma_start3A_470 = tpu.memref_squeeze %dma_start3A_469 : memref<1x128xi32, #tpu.memory_space<vmem>> -> memref<128xi32, #tpu.memory_space<vmem>>
      %dma_start3A_471 = arith.constant 0 : i32
      %dma_start3A_472 = arith.constant 0 : i32
      %dma_start3A_473 = tpu.memref_slice %arg2[%dma_start3A_471, %dma_start3A_472] : memref<100000x16xf32, #tpu.memory_space<hbm>> -> memref<100000x16xf32, #tpu.memory_space<hbm>>
      tpu.enqueue_indirect_dma source(%dma_start3A_473 : memref<100000x16xf32, #tpu.memory_space<hbm>>) target(%dma_start3A_467 : memref<128x16xf32, #tpu.memory_space<vmem>>) offsets(%dma_start3A_470 : memref<128xi32, #tpu.memory_space<vmem>>) semaphore(%arg26 : memref<!tpu.dma_semaphore, #tpu.memory_space<semaphore_mem>>)
      %dma_start3A_474 = arith.constant 4 : i32
      %dma_start3A_475 = arith.constant 512 : i32
      %dma_start3A_476 = arith.constant 0 : i32
      %dma_start3A_477 = tpu.memref_slice %arg20[%dma_start3A_475, %dma_start3A_476] : memref<640x16xf32, #tpu.memory_space<vmem>> -> memref<128x16xf32, #tpu.memory_space<vmem>>
      %dma_start3A_478 = arith.constant 0 : i32
      %dma_start3A_479 = tpu.memref_slice %arg14[%dma_start3A_474, %dma_start3A_478] : memref<5x128xi32, #tpu.memory_space<vmem>> -> memref<1x128xi32, #tpu.memory_space<vmem>>
      %dma_start3A_480 = tpu.memref_squeeze %dma_start3A_479 : memref<1x128xi32, #tpu.memory_space<vmem>> -> memref<128xi32, #tpu.memory_space<vmem>>
      %dma_start3A_481 = arith.constant 0 : i32
      %dma_start3A_482 = arith.constant 0 : i32
      %dma_start3A_483 = tpu.memref_slice %arg2[%dma_start3A_481, %dma_start3A_482] : memref<100000x16xf32, #tpu.memory_space<hbm>> -> memref<100000x16xf32, #tpu.memory_space<hbm>>
      tpu.enqueue_indirect_dma source(%dma_start3A_483 : memref<100000x16xf32, #tpu.memory_space<hbm>>) target(%dma_start3A_477 : memref<128x16xf32, #tpu.memory_space<vmem>>) offsets(%dma_start3A_480 : memref<128xi32, #tpu.memory_space<vmem>>) semaphore(%arg26 : memref<!tpu.dma_semaphore, #tpu.memory_space<semaphore_mem>>)
      %dma_wait3A_484 = arith.constant 0 : i32
      %dma_wait3A_485 = arith.constant 0 : i32
      %dma_wait3A_486 = tpu.memref_slice %arg2[%dma_wait3A_484, %dma_wait3A_485] : memref<100000x16xf32, #tpu.memory_space<hbm>> -> memref<640x16xf32, #tpu.memory_space<hbm>>
      %dma_wait3A_487 = arith.constant 0 : i32
      %dma_wait3A_488 = arith.constant 0 : i32
      %dma_wait3A_489 = tpu.memref_slice %arg2[%dma_wait3A_487, %dma_wait3A_488] : memref<100000x16xf32, #tpu.memory_space<hbm>> -> memref<640x16xf32, #tpu.memory_space<hbm>>
      tpu.wait_dma2 semaphore(%arg26 : memref<!tpu.dma_semaphore, #tpu.memory_space<semaphore_mem>>) src(%dma_wait3A_489 : memref<640x16xf32, #tpu.memory_space<hbm>>) dst(%arg20 : memref<640x16xf32, #tpu.memory_space<vmem>>)
      %lt3A_490 = arith.constant 39 : i32
      %lt3A_491 = arith.cmpi slt, %scan3A_83, %lt3A_490 : i32
      %convert_element_type3A_492 = arith.extui %lt3A_491 : i1 to i32
      %cond3A_493 = arith.constant 0 : i32
      %cond3A_494 = arith.cmpi ne, %convert_element_type3A_492, %cond3A_493 : i32
      scf.if %cond3A_494 {
        %add3A_556 = arith.constant 25 : i32
        %add3A_557 = arith.addi %add3A_88, %add3A_556 : i32
        %lt3A_558 = arith.constant 25000 : i32
        %lt3A_559 = arith.cmpi slt, %add3A_557, %lt3A_558 : i32
        %convert_element_type3A_560 = arith.extui %lt3A_559 : i1 to i32
        %cond3A_561 = arith.constant 0 : i32
        %cond3A_562 = arith.cmpi ne, %convert_element_type3A_560, %cond3A_561 : i32
        scf.if %cond3A_562 {
          %dma_start3A_568 = arith.constant 0 : i32
          %dma_start3A_569 = tpu.memref_slice %arg3[%add3A_557, %dma_start3A_568] : memref<25000x128xi32, #tpu.memory_space<hbm>> -> memref<5x128xi32, #tpu.memory_space<hbm>>
          %dma_start3A_570 = arith.constant 0 : i32
          %dma_start3A_571 = tpu.memref_slice %arg3[%add3A_557, %dma_start3A_570] : memref<25000x128xi32, #tpu.memory_space<hbm>> -> memref<5x128xi32, #tpu.memory_space<hbm>>
          tpu.enqueue_dma source(%dma_start3A_571 : memref<5x128xi32, #tpu.memory_space<hbm>>) target(%arg12 : memref<5x128xi32, #tpu.memory_space<vmem>>) target_semaphore(%arg22 : memref<!tpu.dma_semaphore, #tpu.memory_space<semaphore_mem>>)
          %dma_start3A_572 = arith.constant 0 : i32
          %dma_start3A_573 = tpu.memref_slice %arg4[%add3A_557, %dma_start3A_572] : memref<25000x128xi32, #tpu.memory_space<hbm>> -> memref<5x128xi32, #tpu.memory_space<hbm>>
          %dma_start3A_574 = arith.constant 0 : i32
          %dma_start3A_575 = tpu.memref_slice %arg4[%add3A_557, %dma_start3A_574] : memref<25000x128xi32, #tpu.memory_space<hbm>> -> memref<5x128xi32, #tpu.memory_space<hbm>>
          tpu.enqueue_dma source(%dma_start3A_575 : memref<5x128xi32, #tpu.memory_space<hbm>>) target(%arg16 : memref<5x128xi32, #tpu.memory_space<vmem>>) target_semaphore(%arg22 : memref<!tpu.dma_semaphore, #tpu.memory_space<semaphore_mem>>)
        } else {
        }
        %ge3A_563 = arith.constant 25000 : i32
        %ge3A_564 = arith.cmpi sge, %add3A_557, %ge3A_563 : i32
        %convert_element_type3A_565 = arith.extui %ge3A_564 : i1 to i32
        %cond3A_566 = arith.constant 0 : i32
        %cond3A_567 = arith.cmpi ne, %convert_element_type3A_565, %cond3A_566 : i32
        scf.if %cond3A_567 {
          %sub3A = arith.constant 25000 : i32
          %sub3A_568 = arith.subi %add3A_557, %sub3A : i32
          %dma_start3A_569 = arith.constant 0 : i32
          %dma_start3A_570 = tpu.memref_slice %arg5[%sub3A_568, %dma_start3A_569] : memref<600x128xi32, #tpu.memory_space<hbm>> -> memref<5x128xi32, #tpu.memory_space<hbm>>
          %dma_start3A_571 = arith.constant 0 : i32
          %dma_start3A_572 = tpu.memref_slice %arg5[%sub3A_568, %dma_start3A_571] : memref<600x128xi32, #tpu.memory_space<hbm>> -> memref<5x128xi32, #tpu.memory_space<hbm>>
          tpu.enqueue_dma source(%dma_start3A_572 : memref<5x128xi32, #tpu.memory_space<hbm>>) target(%arg12 : memref<5x128xi32, #tpu.memory_space<vmem>>) target_semaphore(%arg22 : memref<!tpu.dma_semaphore, #tpu.memory_space<semaphore_mem>>)
          %dma_start3A_573 = arith.constant 0 : i32
          %dma_start3A_574 = tpu.memref_slice %arg6[%sub3A_568, %dma_start3A_573] : memref<600x128xi32, #tpu.memory_space<hbm>> -> memref<5x128xi32, #tpu.memory_space<hbm>>
          %dma_start3A_575 = arith.constant 0 : i32
          %dma_start3A_576 = tpu.memref_slice %arg6[%sub3A_568, %dma_start3A_575] : memref<600x128xi32, #tpu.memory_space<hbm>> -> memref<5x128xi32, #tpu.memory_space<hbm>>
          tpu.enqueue_dma source(%dma_start3A_576 : memref<5x128xi32, #tpu.memory_space<hbm>>) target(%arg16 : memref<5x128xi32, #tpu.memory_space<vmem>>) target_semaphore(%arg22 : memref<!tpu.dma_semaphore, #tpu.memory_space<semaphore_mem>>)
        } else {
        }
      } else {
      }
      %dma_wait3A_495 = arith.constant 0 : i32
      %dma_wait3A_496 = arith.constant 0 : i32
      %dma_wait3A_497 = tpu.memref_slice %arg10[%dma_wait3A_495, %dma_wait3A_496] : memref<100352x16xf32, #tpu.memory_space<vmem_shared>> -> memref<640x16xf32, #tpu.memory_space<vmem_shared>>
      %dma_wait3A_498 = arith.constant 0 : i32
      %dma_wait3A_499 = arith.constant 0 : i32
      %dma_wait3A_500 = tpu.memref_slice %arg10[%dma_wait3A_498, %dma_wait3A_499] : memref<100352x16xf32, #tpu.memory_space<vmem_shared>> -> memref<640x16xf32, #tpu.memory_space<vmem_shared>>
      tpu.wait_dma2 semaphore(%arg27 : memref<!tpu.dma_semaphore, #tpu.memory_space<semaphore_mem>>) src(%arg19 : memref<640x16xf32, #tpu.memory_space<vmem>>) dst(%dma_wait3A_500 : memref<640x16xf32, #tpu.memory_space<vmem_shared>>)
      %dma_start3A_501 = arith.constant 0 : i32
      %dma_start3A_502 = arith.constant 0 : i32
      %dma_start3A_503 = arith.constant 0 : i32
      %dma_start3A_504 = tpu.memref_slice %arg20[%dma_start3A_502, %dma_start3A_503] : memref<640x16xf32, #tpu.memory_space<vmem>> -> memref<128x16xf32, #tpu.memory_space<vmem>>
      %dma_start3A_505 = arith.constant 0 : i32
      %dma_start3A_506 = tpu.memref_slice %arg18[%dma_start3A_501, %dma_start3A_505] : memref<5x128xi32, #tpu.memory_space<vmem>> -> memref<1x128xi32, #tpu.memory_space<vmem>>
      %dma_start3A_507 = tpu.memref_squeeze %dma_start3A_506 : memref<1x128xi32, #tpu.memory_space<vmem>> -> memref<128xi32, #tpu.memory_space<vmem>>
      %dma_start3A_508 = arith.constant 0 : i32
      %dma_start3A_509 = arith.constant 0 : i32
      %dma_start3A_510 = tpu.memref_slice %arg10[%dma_start3A_508, %dma_start3A_509] : memref<100352x16xf32, #tpu.memory_space<vmem_shared>> -> memref<100352x16xf32, #tpu.memory_space<vmem_shared>>
      tpu.enqueue_indirect_dma source(%dma_start3A_504 : memref<128x16xf32, #tpu.memory_space<vmem>>) target(%dma_start3A_510 : memref<100352x16xf32, #tpu.memory_space<vmem_shared>>) offsets(%dma_start3A_507 : memref<128xi32, #tpu.memory_space<vmem>>) semaphore(%arg28 : memref<!tpu.dma_semaphore, #tpu.memory_space<semaphore_mem>>) {add = true}
      %dma_start3A_511 = arith.constant 1 : i32
      %dma_start3A_512 = arith.constant 128 : i32
      %dma_start3A_513 = arith.constant 0 : i32
      %dma_start3A_514 = tpu.memref_slice %arg20[%dma_start3A_512, %dma_start3A_513] : memref<640x16xf32, #tpu.memory_space<vmem>> -> memref<128x16xf32, #tpu.memory_space<vmem>>
      %dma_start3A_515 = arith.constant 0 : i32
      %dma_start3A_516 = tpu.memref_slice %arg18[%dma_start3A_511, %dma_start3A_515] : memref<5x128xi32, #tpu.memory_space<vmem>> -> memref<1x128xi32, #tpu.memory_space<vmem>>
      %dma_start3A_517 = tpu.memref_squeeze %dma_start3A_516 : memref<1x128xi32, #tpu.memory_space<vmem>> -> memref<128xi32, #tpu.memory_space<vmem>>
      %dma_start3A_518 = arith.constant 0 : i32
      %dma_start3A_519 = arith.constant 0 : i32
      %dma_start3A_520 = tpu.memref_slice %arg10[%dma_start3A_518, %dma_start3A_519] : memref<100352x16xf32, #tpu.memory_space<vmem_shared>> -> memref<100352x16xf32, #tpu.memory_space<vmem_shared>>
      tpu.enqueue_indirect_dma source(%dma_start3A_514 : memref<128x16xf32, #tpu.memory_space<vmem>>) target(%dma_start3A_520 : memref<100352x16xf32, #tpu.memory_space<vmem_shared>>) offsets(%dma_start3A_517 : memref<128xi32, #tpu.memory_space<vmem>>) semaphore(%arg28 : memref<!tpu.dma_semaphore, #tpu.memory_space<semaphore_mem>>) {add = true}
      %dma_start3A_521 = arith.constant 2 : i32
      %dma_start3A_522 = arith.constant 256 : i32
      %dma_start3A_523 = arith.constant 0 : i32
      %dma_start3A_524 = tpu.memref_slice %arg20[%dma_start3A_522, %dma_start3A_523] : memref<640x16xf32, #tpu.memory_space<vmem>> -> memref<128x16xf32, #tpu.memory_space<vmem>>
      %dma_start3A_525 = arith.constant 0 : i32
      %dma_start3A_526 = tpu.memref_slice %arg18[%dma_start3A_521, %dma_start3A_525] : memref<5x128xi32, #tpu.memory_space<vmem>> -> memref<1x128xi32, #tpu.memory_space<vmem>>
      %dma_start3A_527 = tpu.memref_squeeze %dma_start3A_526 : memref<1x128xi32, #tpu.memory_space<vmem>> -> memref<128xi32, #tpu.memory_space<vmem>>
      %dma_start3A_528 = arith.constant 0 : i32
      %dma_start3A_529 = arith.constant 0 : i32
      %dma_start3A_530 = tpu.memref_slice %arg10[%dma_start3A_528, %dma_start3A_529] : memref<100352x16xf32, #tpu.memory_space<vmem_shared>> -> memref<100352x16xf32, #tpu.memory_space<vmem_shared>>
      tpu.enqueue_indirect_dma source(%dma_start3A_524 : memref<128x16xf32, #tpu.memory_space<vmem>>) target(%dma_start3A_530 : memref<100352x16xf32, #tpu.memory_space<vmem_shared>>) offsets(%dma_start3A_527 : memref<128xi32, #tpu.memory_space<vmem>>) semaphore(%arg28 : memref<!tpu.dma_semaphore, #tpu.memory_space<semaphore_mem>>) {add = true}
      %dma_start3A_531 = arith.constant 3 : i32
      %dma_start3A_532 = arith.constant 384 : i32
      %dma_start3A_533 = arith.constant 0 : i32
      %dma_start3A_534 = tpu.memref_slice %arg20[%dma_start3A_532, %dma_start3A_533] : memref<640x16xf32, #tpu.memory_space<vmem>> -> memref<128x16xf32, #tpu.memory_space<vmem>>
      %dma_start3A_535 = arith.constant 0 : i32
      %dma_start3A_536 = tpu.memref_slice %arg18[%dma_start3A_531, %dma_start3A_535] : memref<5x128xi32, #tpu.memory_space<vmem>> -> memref<1x128xi32, #tpu.memory_space<vmem>>
      %dma_start3A_537 = tpu.memref_squeeze %dma_start3A_536 : memref<1x128xi32, #tpu.memory_space<vmem>> -> memref<128xi32, #tpu.memory_space<vmem>>
      %dma_start3A_538 = arith.constant 0 : i32
      %dma_start3A_539 = arith.constant 0 : i32
      %dma_start3A_540 = tpu.memref_slice %arg10[%dma_start3A_538, %dma_start3A_539] : memref<100352x16xf32, #tpu.memory_space<vmem_shared>> -> memref<100352x16xf32, #tpu.memory_space<vmem_shared>>
      tpu.enqueue_indirect_dma source(%dma_start3A_534 : memref<128x16xf32, #tpu.memory_space<vmem>>) target(%dma_start3A_540 : memref<100352x16xf32, #tpu.memory_space<vmem_shared>>) offsets(%dma_start3A_537 : memref<128xi32, #tpu.memory_space<vmem>>) semaphore(%arg28 : memref<!tpu.dma_semaphore, #tpu.memory_space<semaphore_mem>>) {add = true}
      %dma_start3A_541 = arith.constant 4 : i32
      %dma_start3A_542 = arith.constant 512 : i32
      %dma_start3A_543 = arith.constant 0 : i32
      %dma_start3A_544 = tpu.memref_slice %arg20[%dma_start3A_542, %dma_start3A_543] : memref<640x16xf32, #tpu.memory_space<vmem>> -> memref<128x16xf32, #tpu.memory_space<vmem>>
      %dma_start3A_545 = arith.constant 0 : i32
      %dma_start3A_546 = tpu.memref_slice %arg18[%dma_start3A_541, %dma_start3A_545] : memref<5x128xi32, #tpu.memory_space<vmem>> -> memref<1x128xi32, #tpu.memory_space<vmem>>
      %dma_start3A_547 = tpu.memref_squeeze %dma_start3A_546 : memref<1x128xi32, #tpu.memory_space<vmem>> -> memref<128xi32, #tpu.memory_space<vmem>>
      %dma_start3A_548 = arith.constant 0 : i32
      %dma_start3A_549 = arith.constant 0 : i32
      %dma_start3A_550 = tpu.memref_slice %arg10[%dma_start3A_548, %dma_start3A_549] : memref<100352x16xf32, #tpu.memory_space<vmem_shared>> -> memref<100352x16xf32, #tpu.memory_space<vmem_shared>>
      tpu.enqueue_indirect_dma source(%dma_start3A_544 : memref<128x16xf32, #tpu.memory_space<vmem>>) target(%dma_start3A_550 : memref<100352x16xf32, #tpu.memory_space<vmem_shared>>) offsets(%dma_start3A_547 : memref<128xi32, #tpu.memory_space<vmem>>) semaphore(%arg28 : memref<!tpu.dma_semaphore, #tpu.memory_space<semaphore_mem>>) {add = true}
      %lt3A_551 = arith.constant 39 : i32
      %lt3A_552 = arith.cmpi slt, %scan3A_83, %lt3A_551 : i32
      %convert_element_type3A_553 = arith.extui %lt3A_552 : i1 to i32
      %cond3A_554 = arith.constant 0 : i32
      %cond3A_555 = arith.cmpi ne, %convert_element_type3A_553, %cond3A_554 : i32
      scf.if %cond3A_555 {
        %dma_wait3A_556 = arith.constant 0 : i32
        %dma_wait3A_557 = arith.constant 0 : i32
        %dma_wait3A_558 = tpu.memref_slice %arg3[%dma_wait3A_556, %dma_wait3A_557] : memref<25000x128xi32, #tpu.memory_space<hbm>> -> memref<5x128xi32, #tpu.memory_space<hbm>>
        %dma_wait3A_559 = arith.constant 0 : i32
        %dma_wait3A_560 = arith.constant 0 : i32
        %dma_wait3A_561 = tpu.memref_slice %arg3[%dma_wait3A_559, %dma_wait3A_560] : memref<25000x128xi32, #tpu.memory_space<hbm>> -> memref<5x128xi32, #tpu.memory_space<hbm>>
        tpu.wait_dma2 semaphore(%arg21 : memref<!tpu.dma_semaphore, #tpu.memory_space<semaphore_mem>>) src(%dma_wait3A_561 : memref<5x128xi32, #tpu.memory_space<hbm>>) dst(%arg11 : memref<5x128xi32, #tpu.memory_space<vmem>>)
        %dma_wait3A_562 = arith.constant 0 : i32
        %dma_wait3A_563 = arith.constant 0 : i32
        %dma_wait3A_564 = tpu.memref_slice %arg4[%dma_wait3A_562, %dma_wait3A_563] : memref<25000x128xi32, #tpu.memory_space<hbm>> -> memref<5x128xi32, #tpu.memory_space<hbm>>
        %dma_wait3A_565 = arith.constant 0 : i32
        %dma_wait3A_566 = arith.constant 0 : i32
        %dma_wait3A_567 = tpu.memref_slice %arg4[%dma_wait3A_565, %dma_wait3A_566] : memref<25000x128xi32, #tpu.memory_space<hbm>> -> memref<5x128xi32, #tpu.memory_space<hbm>>
        tpu.wait_dma2 semaphore(%arg21 : memref<!tpu.dma_semaphore, #tpu.memory_space<semaphore_mem>>) src(%dma_wait3A_567 : memref<5x128xi32, #tpu.memory_space<hbm>>) dst(%arg15 : memref<5x128xi32, #tpu.memory_space<vmem>>)
        %dma_start3A_568 = arith.constant 0 : i32
        %dma_start3A_569 = arith.constant 0 : i32
        %dma_start3A_570 = arith.constant 0 : i32
        %dma_start3A_571 = tpu.memref_slice %arg19[%dma_start3A_569, %dma_start3A_570] : memref<640x16xf32, #tpu.memory_space<vmem>> -> memref<128x16xf32, #tpu.memory_space<vmem>>
        %dma_start3A_572 = arith.constant 0 : i32
        %dma_start3A_573 = tpu.memref_slice %arg11[%dma_start3A_568, %dma_start3A_572] : memref<5x128xi32, #tpu.memory_space<vmem>> -> memref<1x128xi32, #tpu.memory_space<vmem>>
        %dma_start3A_574 = tpu.memref_squeeze %dma_start3A_573 : memref<1x128xi32, #tpu.memory_space<vmem>> -> memref<128xi32, #tpu.memory_space<vmem>>
        %dma_start3A_575 = arith.constant 0 : i32
        %dma_start3A_576 = arith.constant 0 : i32
        %dma_start3A_577 = tpu.memref_slice %arg2[%dma_start3A_575, %dma_start3A_576] : memref<100000x16xf32, #tpu.memory_space<hbm>> -> memref<100000x16xf32, #tpu.memory_space<hbm>>
        tpu.enqueue_indirect_dma source(%dma_start3A_577 : memref<100000x16xf32, #tpu.memory_space<hbm>>) target(%dma_start3A_571 : memref<128x16xf32, #tpu.memory_space<vmem>>) offsets(%dma_start3A_574 : memref<128xi32, #tpu.memory_space<vmem>>) semaphore(%arg25 : memref<!tpu.dma_semaphore, #tpu.memory_space<semaphore_mem>>)
        %dma_start3A_578 = arith.constant 1 : i32
        %dma_start3A_579 = arith.constant 128 : i32
        %dma_start3A_580 = arith.constant 0 : i32
        %dma_start3A_581 = tpu.memref_slice %arg19[%dma_start3A_579, %dma_start3A_580] : memref<640x16xf32, #tpu.memory_space<vmem>> -> memref<128x16xf32, #tpu.memory_space<vmem>>
        %dma_start3A_582 = arith.constant 0 : i32
        %dma_start3A_583 = tpu.memref_slice %arg11[%dma_start3A_578, %dma_start3A_582] : memref<5x128xi32, #tpu.memory_space<vmem>> -> memref<1x128xi32, #tpu.memory_space<vmem>>
        %dma_start3A_584 = tpu.memref_squeeze %dma_start3A_583 : memref<1x128xi32, #tpu.memory_space<vmem>> -> memref<128xi32, #tpu.memory_space<vmem>>
        %dma_start3A_585 = arith.constant 0 : i32
        %dma_start3A_586 = arith.constant 0 : i32
        %dma_start3A_587 = tpu.memref_slice %arg2[%dma_start3A_585, %dma_start3A_586] : memref<100000x16xf32, #tpu.memory_space<hbm>> -> memref<100000x16xf32, #tpu.memory_space<hbm>>
        tpu.enqueue_indirect_dma source(%dma_start3A_587 : memref<100000x16xf32, #tpu.memory_space<hbm>>) target(%dma_start3A_581 : memref<128x16xf32, #tpu.memory_space<vmem>>) offsets(%dma_start3A_584 : memref<128xi32, #tpu.memory_space<vmem>>) semaphore(%arg25 : memref<!tpu.dma_semaphore, #tpu.memory_space<semaphore_mem>>)
        %dma_start3A_588 = arith.constant 2 : i32
        %dma_start3A_589 = arith.constant 256 : i32
        %dma_start3A_590 = arith.constant 0 : i32
        %dma_start3A_591 = tpu.memref_slice %arg19[%dma_start3A_589, %dma_start3A_590] : memref<640x16xf32, #tpu.memory_space<vmem>> -> memref<128x16xf32, #tpu.memory_space<vmem>>
        %dma_start3A_592 = arith.constant 0 : i32
        %dma_start3A_593 = tpu.memref_slice %arg11[%dma_start3A_588, %dma_start3A_592] : memref<5x128xi32, #tpu.memory_space<vmem>> -> memref<1x128xi32, #tpu.memory_space<vmem>>
        %dma_start3A_594 = tpu.memref_squeeze %dma_start3A_593 : memref<1x128xi32, #tpu.memory_space<vmem>> -> memref<128xi32, #tpu.memory_space<vmem>>
        %dma_start3A_595 = arith.constant 0 : i32
        %dma_start3A_596 = arith.constant 0 : i32
        %dma_start3A_597 = tpu.memref_slice %arg2[%dma_start3A_595, %dma_start3A_596] : memref<100000x16xf32, #tpu.memory_space<hbm>> -> memref<100000x16xf32, #tpu.memory_space<hbm>>
        tpu.enqueue_indirect_dma source(%dma_start3A_597 : memref<100000x16xf32, #tpu.memory_space<hbm>>) target(%dma_start3A_591 : memref<128x16xf32, #tpu.memory_space<vmem>>) offsets(%dma_start3A_594 : memref<128xi32, #tpu.memory_space<vmem>>) semaphore(%arg25 : memref<!tpu.dma_semaphore, #tpu.memory_space<semaphore_mem>>)
        %dma_start3A_598 = arith.constant 3 : i32
        %dma_start3A_599 = arith.constant 384 : i32
        %dma_start3A_600 = arith.constant 0 : i32
        %dma_start3A_601 = tpu.memref_slice %arg19[%dma_start3A_599, %dma_start3A_600] : memref<640x16xf32, #tpu.memory_space<vmem>> -> memref<128x16xf32, #tpu.memory_space<vmem>>
        %dma_start3A_602 = arith.constant 0 : i32
        %dma_start3A_603 = tpu.memref_slice %arg11[%dma_start3A_598, %dma_start3A_602] : memref<5x128xi32, #tpu.memory_space<vmem>> -> memref<1x128xi32, #tpu.memory_space<vmem>>
        %dma_start3A_604 = tpu.memref_squeeze %dma_start3A_603 : memref<1x128xi32, #tpu.memory_space<vmem>> -> memref<128xi32, #tpu.memory_space<vmem>>
        %dma_start3A_605 = arith.constant 0 : i32
        %dma_start3A_606 = arith.constant 0 : i32
        %dma_start3A_607 = tpu.memref_slice %arg2[%dma_start3A_605, %dma_start3A_606] : memref<100000x16xf32, #tpu.memory_space<hbm>> -> memref<100000x16xf32, #tpu.memory_space<hbm>>
        tpu.enqueue_indirect_dma source(%dma_start3A_607 : memref<100000x16xf32, #tpu.memory_space<hbm>>) target(%dma_start3A_601 : memref<128x16xf32, #tpu.memory_space<vmem>>) offsets(%dma_start3A_604 : memref<128xi32, #tpu.memory_space<vmem>>) semaphore(%arg25 : memref<!tpu.dma_semaphore, #tpu.memory_space<semaphore_mem>>)
        %dma_start3A_608 = arith.constant 4 : i32
        %dma_start3A_609 = arith.constant 512 : i32
        %dma_start3A_610 = arith.constant 0 : i32
        %dma_start3A_611 = tpu.memref_slice %arg19[%dma_start3A_609, %dma_start3A_610] : memref<640x16xf32, #tpu.memory_space<vmem>> -> memref<128x16xf32, #tpu.memory_space<vmem>>
        %dma_start3A_612 = arith.constant 0 : i32
        %dma_start3A_613 = tpu.memref_slice %arg11[%dma_start3A_608, %dma_start3A_612] : memref<5x128xi32, #tpu.memory_space<vmem>> -> memref<1x128xi32, #tpu.memory_space<vmem>>
        %dma_start3A_614 = tpu.memref_squeeze %dma_start3A_613 : memref<1x128xi32, #tpu.memory_space<vmem>> -> memref<128xi32, #tpu.memory_space<vmem>>
        %dma_start3A_615 = arith.constant 0 : i32
        %dma_start3A_616 = arith.constant 0 : i32
        %dma_start3A_617 = tpu.memref_slice %arg2[%dma_start3A_615, %dma_start3A_616] : memref<100000x16xf32, #tpu.memory_space<hbm>> -> memref<100000x16xf32, #tpu.memory_space<hbm>>
        tpu.enqueue_indirect_dma source(%dma_start3A_617 : memref<100000x16xf32, #tpu.memory_space<hbm>>) target(%dma_start3A_611 : memref<128x16xf32, #tpu.memory_space<vmem>>) offsets(%dma_start3A_614 : memref<128xi32, #tpu.memory_space<vmem>>) semaphore(%arg25 : memref<!tpu.dma_semaphore, #tpu.memory_space<semaphore_mem>>)
      } else {
      }
    }
    %scan3A_72 = arith.constant 40 : i32
    %dma_wait3A = arith.constant 0 : i32
    %dma_wait3A_73 = arith.constant 0 : i32
    %dma_wait3A_74 = tpu.memref_slice %arg10[%dma_wait3A, %dma_wait3A_73] : memref<100352x16xf32, #tpu.memory_space<vmem_shared>> -> memref<640x16xf32, #tpu.memory_space<vmem_shared>>
    %dma_wait3A_75 = arith.constant 0 : i32
    %dma_wait3A_76 = arith.constant 0 : i32
    %dma_wait3A_77 = tpu.memref_slice %arg10[%dma_wait3A_75, %dma_wait3A_76] : memref<100352x16xf32, #tpu.memory_space<vmem_shared>> -> memref<640x16xf32, #tpu.memory_space<vmem_shared>>
    tpu.wait_dma2 semaphore(%arg28 : memref<!tpu.dma_semaphore, #tpu.memory_space<semaphore_mem>>) src(%arg20 : memref<640x16xf32, #tpu.memory_space<vmem>>) dst(%dma_wait3A_77 : memref<640x16xf32, #tpu.memory_space<vmem_shared>>)
    %barrier3A_78 = arith.constant 0 : index
    tpu.barrier barrier_id(%barrier3A_78)
    %mul3A_79 = arith.constant 6272 : i32
    %mul3A_80 = arith.muli %arg1, %mul3A_79 : i32
    %mul3A_81 = arith.constant 6272 : i32
    %mul3A_82 = arith.muli %arg1, %mul3A_81 : i32
    "tpu.region"() ({
      %run_scoped3A = tpu.sem_alloc : memref<!tpu.dma_semaphore, #tpu.memory_space<semaphore_mem>>
      %dma_start3A_83 = arith.constant 0 : i32
      %dma_start3A_84 = tpu.memref_slice %arg9[%arg0, %mul3A_82, %dma_start3A_83] : memref<2x100352x16xf32, #tpu.memory_space<hbm>> -> memref<1x6272x16xf32, #tpu.memory_space<hbm>>
      %dma_start3A_85 = tpu.memref_squeeze %dma_start3A_84 : memref<1x6272x16xf32, #tpu.memory_space<hbm>> -> memref<6272x16xf32, #tpu.memory_space<hbm>>
      %dma_start3A_86 = arith.constant 0 : i32
      %dma_start3A_87 = tpu.memref_slice %arg10[%mul3A_80, %dma_start3A_86] : memref<100352x16xf32, #tpu.memory_space<vmem_shared>> -> memref<6272x16xf32, #tpu.memory_space<vmem_shared>>
      tpu.enqueue_dma source(%dma_start3A_87 : memref<6272x16xf32, #tpu.memory_space<vmem_shared>>) target(%dma_start3A_85 : memref<6272x16xf32, #tpu.memory_space<hbm>>) target_semaphore(%run_scoped3A : memref<!tpu.dma_semaphore, #tpu.memory_space<semaphore_mem>>)
      %dma_wait3A_88 = arith.constant 0 : i32
      %dma_wait3A_89 = tpu.memref_slice %arg9[%arg0, %mul3A_82, %dma_wait3A_88] : memref<2x100352x16xf32, #tpu.memory_space<hbm>> -> memref<1x6272x16xf32, #tpu.memory_space<hbm>>
      %dma_wait3A_90 = tpu.memref_squeeze %dma_wait3A_89 : memref<1x6272x16xf32, #tpu.memory_space<hbm>> -> memref<6272x16xf32, #tpu.memory_space<hbm>>
      %dma_wait3A_91 = arith.constant 0 : i32
      %dma_wait3A_92 = tpu.memref_slice %arg10[%mul3A_80, %dma_wait3A_91] : memref<100352x16xf32, #tpu.memory_space<vmem_shared>> -> memref<6272x16xf32, #tpu.memory_space<vmem_shared>>
      tpu.wait_dma2 semaphore(%run_scoped3A : memref<!tpu.dma_semaphore, #tpu.memory_space<semaphore_mem>>) src(%dma_wait3A_92 : memref<6272x16xf32, #tpu.memory_space<vmem_shared>>) dst(%dma_wait3A_90 : memref<6272x16xf32, #tpu.memory_space<hbm>>)
      tpu.yield
    }) : () -> ()
    return
  }
}

#map = affine_map<(d0, d1) -> (0, 0)>
#map1 = affine_map<(d0, d1) -> (0)>
#map2 = affine_map<(d0, d1) -> (0, 0, 0)>
module attributes {stable_mosaic.version = 14 : i64} {
  func.func @body(%arg0: i32, %arg1: i32, %arg2: memref<100000x16xf32, #tpu.memory_space<hbm>>, %arg3: memref<25000x128xi32, #tpu.memory_space<hbm>>, %arg4: memref<25000x128xi32, #tpu.memory_space<hbm>>, %arg5: memref<600x128xi32, #tpu.memory_space<hbm>>, %arg6: memref<600x128xi32, #tpu.memory_space<hbm>>, %arg7: memref<100352x16xf32, #tpu.memory_space<hbm>>, %arg8: memref<100352xf32, #tpu.memory_space<hbm>>, %arg9: memref<2x100352x16xf32, #tpu.memory_space<hbm>>, %arg10: memref<2x100352xf32, #tpu.memory_space<hbm>>, %arg11: memref<100352x16xf32, #tpu.memory_space<vmem_shared>>, %arg12: memref<4x128xi32, #tpu.memory_space<vmem>>, %arg13: memref<4x128xi32, #tpu.memory_space<vmem>>, %arg14: memref<4x128xi32, #tpu.memory_space<vmem>>, %arg15: memref<4x128xi32, #tpu.memory_space<vmem>>, %arg16: memref<4x128xi32, #tpu.memory_space<vmem>>, %arg17: memref<4x128xi32, #tpu.memory_space<vmem>>, %arg18: memref<4x128xi32, #tpu.memory_space<vmem>>, %arg19: memref<4x128xi32, #tpu.memory_space<vmem>>, %arg20: memref<512x16xf32, #tpu.memory_space<vmem>>, %arg21: memref<512x16xf32, #tpu.memory_space<vmem>>, %arg22: memref<!tpu.dma_semaphore, #tpu.memory_space<semaphore_mem>>, %arg23: memref<!tpu.dma_semaphore, #tpu.memory_space<semaphore_mem>>, %arg24: memref<!tpu.dma_semaphore, #tpu.memory_space<semaphore_mem>>, %arg25: memref<!tpu.dma_semaphore, #tpu.memory_space<semaphore_mem>>, %arg26: memref<!tpu.dma_semaphore, #tpu.memory_space<semaphore_mem>>, %arg27: memref<!tpu.dma_semaphore, #tpu.memory_space<semaphore_mem>>, %arg28: memref<!tpu.dma_semaphore, #tpu.memory_space<semaphore_mem>>, %arg29: memref<!tpu.dma_semaphore, #tpu.memory_space<semaphore_mem>>, %arg30: memref<100352xf32, #tpu.memory_space<vmem_shared>>, %arg31: memref<512xf32, #tpu.memory_space<vmem>>, %arg32: memref<!tpu.dma_semaphore, #tpu.memory_space<semaphore_mem>>, %arg33: memref<!tpu.dma_semaphore, #tpu.memory_space<semaphore_mem>>) attributes {dimension_semantics = [#tpu.dimension_semantics<core_parallel>, #tpu.dimension_semantics<subcore_parallel>], iteration_bounds = array<i64: 2, 16>, scalar_prefetch = 0 : i64, scratch_operands = 23 : i64, tpu.core_type = #tpu.core_type<sc_vector_subcore>, window_params = [{transform_indices = #map}, {transform_indices = #map}, {transform_indices = #map}, {transform_indices = #map}, {transform_indices = #map}, {transform_indices = #map}, {transform_indices = #map1}, {transform_indices = #map2}, {transform_indices = #map}]} {
    %mul3A = arith.constant 2 : i32
    %mul3A_0 = arith.muli %arg1, %mul3A : i32
    %add3A = arith.addi %mul3A_0, %arg0 : i32
    %mul3A_1 = arith.constant 6272 : i32
    %mul3A_2 = arith.muli %arg1, %mul3A_1 : i32
    %mul3A_3 = arith.constant 6272 : i32
    %mul3A_4 = arith.muli %arg1, %mul3A_3 : i32
    "tpu.region"() ({
      %run_scoped3A = tpu.sem_alloc : memref<!tpu.dma_semaphore, #tpu.memory_space<semaphore_mem>>
      %dma_start3A_275 = arith.constant 0 : i32
      %dma_start3A_276 = tpu.memref_slice %arg11[%mul3A_4, %dma_start3A_275] : memref<100352x16xf32, #tpu.memory_space<vmem_shared>> -> memref<6272x16xf32, #tpu.memory_space<vmem_shared>>
      %dma_start3A_277 = arith.constant 0 : i32
      %dma_start3A_278 = tpu.memref_slice %arg7[%mul3A_2, %dma_start3A_277] : memref<100352x16xf32, #tpu.memory_space<hbm>> -> memref<6272x16xf32, #tpu.memory_space<hbm>>
      tpu.enqueue_dma source(%dma_start3A_278 : memref<6272x16xf32, #tpu.memory_space<hbm>>) target(%dma_start3A_276 : memref<6272x16xf32, #tpu.memory_space<vmem_shared>>) target_semaphore(%run_scoped3A : memref<!tpu.dma_semaphore, #tpu.memory_space<semaphore_mem>>)
      %dma_wait3A_279 = arith.constant 0 : i32
      %dma_wait3A_280 = tpu.memref_slice %arg11[%mul3A_4, %dma_wait3A_279] : memref<100352x16xf32, #tpu.memory_space<vmem_shared>> -> memref<6272x16xf32, #tpu.memory_space<vmem_shared>>
      %dma_wait3A_281 = arith.constant 0 : i32
      %dma_wait3A_282 = tpu.memref_slice %arg7[%mul3A_2, %dma_wait3A_281] : memref<100352x16xf32, #tpu.memory_space<hbm>> -> memref<6272x16xf32, #tpu.memory_space<hbm>>
      tpu.wait_dma2 semaphore(%run_scoped3A : memref<!tpu.dma_semaphore, #tpu.memory_space<semaphore_mem>>) src(%dma_wait3A_282 : memref<6272x16xf32, #tpu.memory_space<hbm>>) dst(%dma_wait3A_280 : memref<6272x16xf32, #tpu.memory_space<vmem_shared>>)
      tpu.yield
    }) : () -> ()
    %mul3A_5 = arith.constant 6272 : i32
    %mul3A_6 = arith.muli %arg1, %mul3A_5 : i32
    %mul3A_7 = arith.constant 6272 : i32
    %mul3A_8 = arith.muli %arg1, %mul3A_7 : i32
    "tpu.region"() ({
      %run_scoped3A = tpu.sem_alloc : memref<!tpu.dma_semaphore, #tpu.memory_space<semaphore_mem>>
      %dma_start3A_275 = tpu.memref_slice %arg30[%mul3A_8] : memref<100352xf32, #tpu.memory_space<vmem_shared>> -> memref<6272xf32, #tpu.memory_space<vmem_shared>>
      %dma_start3A_276 = tpu.memref_slice %arg8[%mul3A_6] : memref<100352xf32, #tpu.memory_space<hbm>> -> memref<6272xf32, #tpu.memory_space<hbm>>
      tpu.enqueue_dma source(%dma_start3A_276 : memref<6272xf32, #tpu.memory_space<hbm>>) target(%dma_start3A_275 : memref<6272xf32, #tpu.memory_space<vmem_shared>>) target_semaphore(%run_scoped3A : memref<!tpu.dma_semaphore, #tpu.memory_space<semaphore_mem>>)
      %dma_wait3A_277 = tpu.memref_slice %arg30[%mul3A_8] : memref<100352xf32, #tpu.memory_space<vmem_shared>> -> memref<6272xf32, #tpu.memory_space<vmem_shared>>
      %dma_wait3A_278 = tpu.memref_slice %arg8[%mul3A_6] : memref<100352xf32, #tpu.memory_space<hbm>> -> memref<6272xf32, #tpu.memory_space<hbm>>
      tpu.wait_dma2 semaphore(%run_scoped3A : memref<!tpu.dma_semaphore, #tpu.memory_space<semaphore_mem>>) src(%dma_wait3A_278 : memref<6272xf32, #tpu.memory_space<hbm>>) dst(%dma_wait3A_277 : memref<6272xf32, #tpu.memory_space<vmem_shared>>)
      tpu.yield
    }) : () -> ()
    %broadcast_in_dim3A = arith.constant 1.000000e+00 : f32
    %broadcast_in_dim3A_9 = vector.broadcast %broadcast_in_dim3A : f32 to vector<16xf32>
    %swap3A = arith.constant 0 : index
    %swap3A_10 = tpu.vector_load %arg31[%swap3A] {strides = array<i32>} : memref<512xf32, #tpu.memory_space<vmem>>, vector<16xf32>,
    %swap3A_11 = vector.shape_cast %swap3A_10 : vector<16xf32> to vector<16xf32>
    %swap3A_12 = vector.shape_cast %broadcast_in_dim3A_9 : vector<16xf32> to vector<16xf32>
    tpu.vector_store %arg31[%swap3A], %swap3A_12 {strides = array<i32>} : memref<512xf32, #tpu.memory_space<vmem>>, vector<16xf32>,
    %broadcast_in_dim3A_13 = arith.constant 1.000000e+00 : f32
    %broadcast_in_dim3A_14 = vector.broadcast %broadcast_in_dim3A_13 : f32 to vector<16xf32>
    %swap3A_15 = arith.constant 16 : index
    %swap3A_16 = tpu.vector_load %arg31[%swap3A_15] {strides = array<i32>} : memref<512xf32, #tpu.memory_space<vmem>>, vector<16xf32>,
    %swap3A_17 = vector.shape_cast %swap3A_16 : vector<16xf32> to vector<16xf32>
    %swap3A_18 = vector.shape_cast %broadcast_in_dim3A_14 : vector<16xf32> to vector<16xf32>
    tpu.vector_store %arg31[%swap3A_15], %swap3A_18 {strides = array<i32>} : memref<512xf32, #tpu.memory_space<vmem>>, vector<16xf32>,
    %broadcast_in_dim3A_19 = arith.constant 1.000000e+00 : f32
    %broadcast_in_dim3A_20 = vector.broadcast %broadcast_in_dim3A_19 : f32 to vector<16xf32>
    %swap3A_21 = arith.constant 32 : index
    %swap3A_22 = tpu.vector_load %arg31[%swap3A_21] {strides = array<i32>} : memref<512xf32, #tpu.memory_space<vmem>>, vector<16xf32>,
    %swap3A_23 = vector.shape_cast %swap3A_22 : vector<16xf32> to vector<16xf32>
    %swap3A_24 = vector.shape_cast %broadcast_in_dim3A_20 : vector<16xf32> to vector<16xf32>
    tpu.vector_store %arg31[%swap3A_21], %swap3A_24 {strides = array<i32>} : memref<512xf32, #tpu.memory_space<vmem>>, vector<16xf32>,
    %broadcast_in_dim3A_25 = arith.constant 1.000000e+00 : f32
    %broadcast_in_dim3A_26 = vector.broadcast %broadcast_in_dim3A_25 : f32 to vector<16xf32>
    %swap3A_27 = arith.constant 48 : index
    %swap3A_28 = tpu.vector_load %arg31[%swap3A_27] {strides = array<i32>} : memref<512xf32, #tpu.memory_space<vmem>>, vector<16xf32>,
    %swap3A_29 = vector.shape_cast %swap3A_28 : vector<16xf32> to vector<16xf32>
    %swap3A_30 = vector.shape_cast %broadcast_in_dim3A_26 : vector<16xf32> to vector<16xf32>
    tpu.vector_store %arg31[%swap3A_27], %swap3A_30 {strides = array<i32>} : memref<512xf32, #tpu.memory_space<vmem>>, vector<16xf32>,
    %broadcast_in_dim3A_31 = arith.constant 1.000000e+00 : f32
    %broadcast_in_dim3A_32 = vector.broadcast %broadcast_in_dim3A_31 : f32 to vector<16xf32>
    %swap3A_33 = arith.constant 64 : index
    %swap3A_34 = tpu.vector_load %arg31[%swap3A_33] {strides = array<i32>} : memref<512xf32, #tpu.memory_space<vmem>>, vector<16xf32>,
    %swap3A_35 = vector.shape_cast %swap3A_34 : vector<16xf32> to vector<16xf32>
    %swap3A_36 = vector.shape_cast %broadcast_in_dim3A_32 : vector<16xf32> to vector<16xf32>
    tpu.vector_store %arg31[%swap3A_33], %swap3A_36 {strides = array<i32>} : memref<512xf32, #tpu.memory_space<vmem>>, vector<16xf32>,
    %broadcast_in_dim3A_37 = arith.constant 1.000000e+00 : f32
    %broadcast_in_dim3A_38 = vector.broadcast %broadcast_in_dim3A_37 : f32 to vector<16xf32>
    %swap3A_39 = arith.constant 80 : index
    %swap3A_40 = tpu.vector_load %arg31[%swap3A_39] {strides = array<i32>} : memref<512xf32, #tpu.memory_space<vmem>>, vector<16xf32>,
    %swap3A_41 = vector.shape_cast %swap3A_40 : vector<16xf32> to vector<16xf32>
    %swap3A_42 = vector.shape_cast %broadcast_in_dim3A_38 : vector<16xf32> to vector<16xf32>
    tpu.vector_store %arg31[%swap3A_39], %swap3A_42 {strides = array<i32>} : memref<512xf32, #tpu.memory_space<vmem>>, vector<16xf32>,
    %broadcast_in_dim3A_43 = arith.constant 1.000000e+00 : f32
    %broadcast_in_dim3A_44 = vector.broadcast %broadcast_in_dim3A_43 : f32 to vector<16xf32>
    %swap3A_45 = arith.constant 96 : index
    %swap3A_46 = tpu.vector_load %arg31[%swap3A_45] {strides = array<i32>} : memref<512xf32, #tpu.memory_space<vmem>>, vector<16xf32>,
    %swap3A_47 = vector.shape_cast %swap3A_46 : vector<16xf32> to vector<16xf32>
    %swap3A_48 = vector.shape_cast %broadcast_in_dim3A_44 : vector<16xf32> to vector<16xf32>
    tpu.vector_store %arg31[%swap3A_45], %swap3A_48 {strides = array<i32>} : memref<512xf32, #tpu.memory_space<vmem>>, vector<16xf32>,
    %broadcast_in_dim3A_49 = arith.constant 1.000000e+00 : f32
    %broadcast_in_dim3A_50 = vector.broadcast %broadcast_in_dim3A_49 : f32 to vector<16xf32>
    %swap3A_51 = arith.constant 112 : index
    %swap3A_52 = tpu.vector_load %arg31[%swap3A_51] {strides = array<i32>} : memref<512xf32, #tpu.memory_space<vmem>>, vector<16xf32>,
    %swap3A_53 = vector.shape_cast %swap3A_52 : vector<16xf32> to vector<16xf32>
    %swap3A_54 = vector.shape_cast %broadcast_in_dim3A_50 : vector<16xf32> to vector<16xf32>
    tpu.vector_store %arg31[%swap3A_51], %swap3A_54 {strides = array<i32>} : memref<512xf32, #tpu.memory_space<vmem>>, vector<16xf32>,
    %broadcast_in_dim3A_55 = arith.constant 1.000000e+00 : f32
    %broadcast_in_dim3A_56 = vector.broadcast %broadcast_in_dim3A_55 : f32 to vector<16xf32>
    %swap3A_57 = arith.constant 128 : index
    %swap3A_58 = tpu.vector_load %arg31[%swap3A_57] {strides = array<i32>} : memref<512xf32, #tpu.memory_space<vmem>>, vector<16xf32>,
    %swap3A_59 = vector.shape_cast %swap3A_58 : vector<16xf32> to vector<16xf32>
    %swap3A_60 = vector.shape_cast %broadcast_in_dim3A_56 : vector<16xf32> to vector<16xf32>
    tpu.vector_store %arg31[%swap3A_57], %swap3A_60 {strides = array<i32>} : memref<512xf32, #tpu.memory_space<vmem>>, vector<16xf32>,
    %broadcast_in_dim3A_61 = arith.constant 1.000000e+00 : f32
    %broadcast_in_dim3A_62 = vector.broadcast %broadcast_in_dim3A_61 : f32 to vector<16xf32>
    %swap3A_63 = arith.constant 144 : index
    %swap3A_64 = tpu.vector_load %arg31[%swap3A_63] {strides = array<i32>} : memref<512xf32, #tpu.memory_space<vmem>>, vector<16xf32>,
    %swap3A_65 = vector.shape_cast %swap3A_64 : vector<16xf32> to vector<16xf32>
    %swap3A_66 = vector.shape_cast %broadcast_in_dim3A_62 : vector<16xf32> to vector<16xf32>
    tpu.vector_store %arg31[%swap3A_63], %swap3A_66 {strides = array<i32>} : memref<512xf32, #tpu.memory_space<vmem>>, vector<16xf32>,
    %broadcast_in_dim3A_67 = arith.constant 1.000000e+00 : f32
    %broadcast_in_dim3A_68 = vector.broadcast %broadcast_in_dim3A_67 : f32 to vector<16xf32>
    %swap3A_69 = arith.constant 160 : index
    %swap3A_70 = tpu.vector_load %arg31[%swap3A_69] {strides = array<i32>} : memref<512xf32, #tpu.memory_space<vmem>>, vector<16xf32>,
    %swap3A_71 = vector.shape_cast %swap3A_70 : vector<16xf32> to vector<16xf32>
    %swap3A_72 = vector.shape_cast %broadcast_in_dim3A_68 : vector<16xf32> to vector<16xf32>
    tpu.vector_store %arg31[%swap3A_69], %swap3A_72 {strides = array<i32>} : memref<512xf32, #tpu.memory_space<vmem>>, vector<16xf32>,
    %broadcast_in_dim3A_73 = arith.constant 1.000000e+00 : f32
    %broadcast_in_dim3A_74 = vector.broadcast %broadcast_in_dim3A_73 : f32 to vector<16xf32>
    %swap3A_75 = arith.constant 176 : index
    %swap3A_76 = tpu.vector_load %arg31[%swap3A_75] {strides = array<i32>} : memref<512xf32, #tpu.memory_space<vmem>>, vector<16xf32>,
    %swap3A_77 = vector.shape_cast %swap3A_76 : vector<16xf32> to vector<16xf32>
    %swap3A_78 = vector.shape_cast %broadcast_in_dim3A_74 : vector<16xf32> to vector<16xf32>
    tpu.vector_store %arg31[%swap3A_75], %swap3A_78 {strides = array<i32>} : memref<512xf32, #tpu.memory_space<vmem>>, vector<16xf32>,
    %broadcast_in_dim3A_79 = arith.constant 1.000000e+00 : f32
    %broadcast_in_dim3A_80 = vector.broadcast %broadcast_in_dim3A_79 : f32 to vector<16xf32>
    %swap3A_81 = arith.constant 192 : index
    %swap3A_82 = tpu.vector_load %arg31[%swap3A_81] {strides = array<i32>} : memref<512xf32, #tpu.memory_space<vmem>>, vector<16xf32>,
    %swap3A_83 = vector.shape_cast %swap3A_82 : vector<16xf32> to vector<16xf32>
    %swap3A_84 = vector.shape_cast %broadcast_in_dim3A_80 : vector<16xf32> to vector<16xf32>
    tpu.vector_store %arg31[%swap3A_81], %swap3A_84 {strides = array<i32>} : memref<512xf32, #tpu.memory_space<vmem>>, vector<16xf32>,
    %broadcast_in_dim3A_85 = arith.constant 1.000000e+00 : f32
    %broadcast_in_dim3A_86 = vector.broadcast %broadcast_in_dim3A_85 : f32 to vector<16xf32>
    %swap3A_87 = arith.constant 208 : index
    %swap3A_88 = tpu.vector_load %arg31[%swap3A_87] {strides = array<i32>} : memref<512xf32, #tpu.memory_space<vmem>>, vector<16xf32>,
    %swap3A_89 = vector.shape_cast %swap3A_88 : vector<16xf32> to vector<16xf32>
    %swap3A_90 = vector.shape_cast %broadcast_in_dim3A_86 : vector<16xf32> to vector<16xf32>
    tpu.vector_store %arg31[%swap3A_87], %swap3A_90 {strides = array<i32>} : memref<512xf32, #tpu.memory_space<vmem>>, vector<16xf32>,
    %broadcast_in_dim3A_91 = arith.constant 1.000000e+00 : f32
    %broadcast_in_dim3A_92 = vector.broadcast %broadcast_in_dim3A_91 : f32 to vector<16xf32>
    %swap3A_93 = arith.constant 224 : index
    %swap3A_94 = tpu.vector_load %arg31[%swap3A_93] {strides = array<i32>} : memref<512xf32, #tpu.memory_space<vmem>>, vector<16xf32>,
    %swap3A_95 = vector.shape_cast %swap3A_94 : vector<16xf32> to vector<16xf32>
    %swap3A_96 = vector.shape_cast %broadcast_in_dim3A_92 : vector<16xf32> to vector<16xf32>
    tpu.vector_store %arg31[%swap3A_93], %swap3A_96 {strides = array<i32>} : memref<512xf32, #tpu.memory_space<vmem>>, vector<16xf32>,
    %broadcast_in_dim3A_97 = arith.constant 1.000000e+00 : f32
    %broadcast_in_dim3A_98 = vector.broadcast %broadcast_in_dim3A_97 : f32 to vector<16xf32>
    %swap3A_99 = arith.constant 240 : index
    %swap3A_100 = tpu.vector_load %arg31[%swap3A_99] {strides = array<i32>} : memref<512xf32, #tpu.memory_space<vmem>>, vector<16xf32>,
    %swap3A_101 = vector.shape_cast %swap3A_100 : vector<16xf32> to vector<16xf32>
    %swap3A_102 = vector.shape_cast %broadcast_in_dim3A_98 : vector<16xf32> to vector<16xf32>
    tpu.vector_store %arg31[%swap3A_99], %swap3A_102 {strides = array<i32>} : memref<512xf32, #tpu.memory_space<vmem>>, vector<16xf32>,
    %broadcast_in_dim3A_103 = arith.constant 1.000000e+00 : f32
    %broadcast_in_dim3A_104 = vector.broadcast %broadcast_in_dim3A_103 : f32 to vector<16xf32>
    %swap3A_105 = arith.constant 256 : index
    %swap3A_106 = tpu.vector_load %arg31[%swap3A_105] {strides = array<i32>} : memref<512xf32, #tpu.memory_space<vmem>>, vector<16xf32>,
    %swap3A_107 = vector.shape_cast %swap3A_106 : vector<16xf32> to vector<16xf32>
    %swap3A_108 = vector.shape_cast %broadcast_in_dim3A_104 : vector<16xf32> to vector<16xf32>
    tpu.vector_store %arg31[%swap3A_105], %swap3A_108 {strides = array<i32>} : memref<512xf32, #tpu.memory_space<vmem>>, vector<16xf32>,
    %broadcast_in_dim3A_109 = arith.constant 1.000000e+00 : f32
    %broadcast_in_dim3A_110 = vector.broadcast %broadcast_in_dim3A_109 : f32 to vector<16xf32>
    %swap3A_111 = arith.constant 272 : index
    %swap3A_112 = tpu.vector_load %arg31[%swap3A_111] {strides = array<i32>} : memref<512xf32, #tpu.memory_space<vmem>>, vector<16xf32>,
    %swap3A_113 = vector.shape_cast %swap3A_112 : vector<16xf32> to vector<16xf32>
    %swap3A_114 = vector.shape_cast %broadcast_in_dim3A_110 : vector<16xf32> to vector<16xf32>
    tpu.vector_store %arg31[%swap3A_111], %swap3A_114 {strides = array<i32>} : memref<512xf32, #tpu.memory_space<vmem>>, vector<16xf32>,
    %broadcast_in_dim3A_115 = arith.constant 1.000000e+00 : f32
    %broadcast_in_dim3A_116 = vector.broadcast %broadcast_in_dim3A_115 : f32 to vector<16xf32>
    %swap3A_117 = arith.constant 288 : index
    %swap3A_118 = tpu.vector_load %arg31[%swap3A_117] {strides = array<i32>} : memref<512xf32, #tpu.memory_space<vmem>>, vector<16xf32>,
    %swap3A_119 = vector.shape_cast %swap3A_118 : vector<16xf32> to vector<16xf32>
    %swap3A_120 = vector.shape_cast %broadcast_in_dim3A_116 : vector<16xf32> to vector<16xf32>
    tpu.vector_store %arg31[%swap3A_117], %swap3A_120 {strides = array<i32>} : memref<512xf32, #tpu.memory_space<vmem>>, vector<16xf32>,
    %broadcast_in_dim3A_121 = arith.constant 1.000000e+00 : f32
    %broadcast_in_dim3A_122 = vector.broadcast %broadcast_in_dim3A_121 : f32 to vector<16xf32>
    %swap3A_123 = arith.constant 304 : index
    %swap3A_124 = tpu.vector_load %arg31[%swap3A_123] {strides = array<i32>} : memref<512xf32, #tpu.memory_space<vmem>>, vector<16xf32>,
    %swap3A_125 = vector.shape_cast %swap3A_124 : vector<16xf32> to vector<16xf32>
    %swap3A_126 = vector.shape_cast %broadcast_in_dim3A_122 : vector<16xf32> to vector<16xf32>
    tpu.vector_store %arg31[%swap3A_123], %swap3A_126 {strides = array<i32>} : memref<512xf32, #tpu.memory_space<vmem>>, vector<16xf32>,
    %broadcast_in_dim3A_127 = arith.constant 1.000000e+00 : f32
    %broadcast_in_dim3A_128 = vector.broadcast %broadcast_in_dim3A_127 : f32 to vector<16xf32>
    %swap3A_129 = arith.constant 320 : index
    %swap3A_130 = tpu.vector_load %arg31[%swap3A_129] {strides = array<i32>} : memref<512xf32, #tpu.memory_space<vmem>>, vector<16xf32>,
    %swap3A_131 = vector.shape_cast %swap3A_130 : vector<16xf32> to vector<16xf32>
    %swap3A_132 = vector.shape_cast %broadcast_in_dim3A_128 : vector<16xf32> to vector<16xf32>
    tpu.vector_store %arg31[%swap3A_129], %swap3A_132 {strides = array<i32>} : memref<512xf32, #tpu.memory_space<vmem>>, vector<16xf32>,
    %broadcast_in_dim3A_133 = arith.constant 1.000000e+00 : f32
    %broadcast_in_dim3A_134 = vector.broadcast %broadcast_in_dim3A_133 : f32 to vector<16xf32>
    %swap3A_135 = arith.constant 336 : index
    %swap3A_136 = tpu.vector_load %arg31[%swap3A_135] {strides = array<i32>} : memref<512xf32, #tpu.memory_space<vmem>>, vector<16xf32>,
    %swap3A_137 = vector.shape_cast %swap3A_136 : vector<16xf32> to vector<16xf32>
    %swap3A_138 = vector.shape_cast %broadcast_in_dim3A_134 : vector<16xf32> to vector<16xf32>
    tpu.vector_store %arg31[%swap3A_135], %swap3A_138 {strides = array<i32>} : memref<512xf32, #tpu.memory_space<vmem>>, vector<16xf32>,
    %broadcast_in_dim3A_139 = arith.constant 1.000000e+00 : f32
    %broadcast_in_dim3A_140 = vector.broadcast %broadcast_in_dim3A_139 : f32 to vector<16xf32>
    %swap3A_141 = arith.constant 352 : index
    %swap3A_142 = tpu.vector_load %arg31[%swap3A_141] {strides = array<i32>} : memref<512xf32, #tpu.memory_space<vmem>>, vector<16xf32>,
    %swap3A_143 = vector.shape_cast %swap3A_142 : vector<16xf32> to vector<16xf32>
    %swap3A_144 = vector.shape_cast %broadcast_in_dim3A_140 : vector<16xf32> to vector<16xf32>
    tpu.vector_store %arg31[%swap3A_141], %swap3A_144 {strides = array<i32>} : memref<512xf32, #tpu.memory_space<vmem>>, vector<16xf32>,
    %broadcast_in_dim3A_145 = arith.constant 1.000000e+00 : f32
    %broadcast_in_dim3A_146 = vector.broadcast %broadcast_in_dim3A_145 : f32 to vector<16xf32>
    %swap3A_147 = arith.constant 368 : index
    %swap3A_148 = tpu.vector_load %arg31[%swap3A_147] {strides = array<i32>} : memref<512xf32, #tpu.memory_space<vmem>>, vector<16xf32>,
    %swap3A_149 = vector.shape_cast %swap3A_148 : vector<16xf32> to vector<16xf32>
    %swap3A_150 = vector.shape_cast %broadcast_in_dim3A_146 : vector<16xf32> to vector<16xf32>
    tpu.vector_store %arg31[%swap3A_147], %swap3A_150 {strides = array<i32>} : memref<512xf32, #tpu.memory_space<vmem>>, vector<16xf32>,
    %broadcast_in_dim3A_151 = arith.constant 1.000000e+00 : f32
    %broadcast_in_dim3A_152 = vector.broadcast %broadcast_in_dim3A_151 : f32 to vector<16xf32>
    %swap3A_153 = arith.constant 384 : index
    %swap3A_154 = tpu.vector_load %arg31[%swap3A_153] {strides = array<i32>} : memref<512xf32, #tpu.memory_space<vmem>>, vector<16xf32>,
    %swap3A_155 = vector.shape_cast %swap3A_154 : vector<16xf32> to vector<16xf32>
    %swap3A_156 = vector.shape_cast %broadcast_in_dim3A_152 : vector<16xf32> to vector<16xf32>
    tpu.vector_store %arg31[%swap3A_153], %swap3A_156 {strides = array<i32>} : memref<512xf32, #tpu.memory_space<vmem>>, vector<16xf32>,
    %broadcast_in_dim3A_157 = arith.constant 1.000000e+00 : f32
    %broadcast_in_dim3A_158 = vector.broadcast %broadcast_in_dim3A_157 : f32 to vector<16xf32>
    %swap3A_159 = arith.constant 400 : index
    %swap3A_160 = tpu.vector_load %arg31[%swap3A_159] {strides = array<i32>} : memref<512xf32, #tpu.memory_space<vmem>>, vector<16xf32>,
    %swap3A_161 = vector.shape_cast %swap3A_160 : vector<16xf32> to vector<16xf32>
    %swap3A_162 = vector.shape_cast %broadcast_in_dim3A_158 : vector<16xf32> to vector<16xf32>
    tpu.vector_store %arg31[%swap3A_159], %swap3A_162 {strides = array<i32>} : memref<512xf32, #tpu.memory_space<vmem>>, vector<16xf32>,
    %broadcast_in_dim3A_163 = arith.constant 1.000000e+00 : f32
    %broadcast_in_dim3A_164 = vector.broadcast %broadcast_in_dim3A_163 : f32 to vector<16xf32>
    %swap3A_165 = arith.constant 416 : index
    %swap3A_166 = tpu.vector_load %arg31[%swap3A_165] {strides = array<i32>} : memref<512xf32, #tpu.memory_space<vmem>>, vector<16xf32>,
    %swap3A_167 = vector.shape_cast %swap3A_166 : vector<16xf32> to vector<16xf32>
    %swap3A_168 = vector.shape_cast %broadcast_in_dim3A_164 : vector<16xf32> to vector<16xf32>
    tpu.vector_store %arg31[%swap3A_165], %swap3A_168 {strides = array<i32>} : memref<512xf32, #tpu.memory_space<vmem>>, vector<16xf32>,
    %broadcast_in_dim3A_169 = arith.constant 1.000000e+00 : f32
    %broadcast_in_dim3A_170 = vector.broadcast %broadcast_in_dim3A_169 : f32 to vector<16xf32>
    %swap3A_171 = arith.constant 432 : index
    %swap3A_172 = tpu.vector_load %arg31[%swap3A_171] {strides = array<i32>} : memref<512xf32, #tpu.memory_space<vmem>>, vector<16xf32>,
    %swap3A_173 = vector.shape_cast %swap3A_172 : vector<16xf32> to vector<16xf32>
    %swap3A_174 = vector.shape_cast %broadcast_in_dim3A_170 : vector<16xf32> to vector<16xf32>
    tpu.vector_store %arg31[%swap3A_171], %swap3A_174 {strides = array<i32>} : memref<512xf32, #tpu.memory_space<vmem>>, vector<16xf32>,
    %broadcast_in_dim3A_175 = arith.constant 1.000000e+00 : f32
    %broadcast_in_dim3A_176 = vector.broadcast %broadcast_in_dim3A_175 : f32 to vector<16xf32>
    %swap3A_177 = arith.constant 448 : index
    %swap3A_178 = tpu.vector_load %arg31[%swap3A_177] {strides = array<i32>} : memref<512xf32, #tpu.memory_space<vmem>>, vector<16xf32>,
    %swap3A_179 = vector.shape_cast %swap3A_178 : vector<16xf32> to vector<16xf32>
    %swap3A_180 = vector.shape_cast %broadcast_in_dim3A_176 : vector<16xf32> to vector<16xf32>
    tpu.vector_store %arg31[%swap3A_177], %swap3A_180 {strides = array<i32>} : memref<512xf32, #tpu.memory_space<vmem>>, vector<16xf32>,
    %broadcast_in_dim3A_181 = arith.constant 1.000000e+00 : f32
    %broadcast_in_dim3A_182 = vector.broadcast %broadcast_in_dim3A_181 : f32 to vector<16xf32>
    %swap3A_183 = arith.constant 464 : index
    %swap3A_184 = tpu.vector_load %arg31[%swap3A_183] {strides = array<i32>} : memref<512xf32, #tpu.memory_space<vmem>>, vector<16xf32>,
    %swap3A_185 = vector.shape_cast %swap3A_184 : vector<16xf32> to vector<16xf32>
    %swap3A_186 = vector.shape_cast %broadcast_in_dim3A_182 : vector<16xf32> to vector<16xf32>
    tpu.vector_store %arg31[%swap3A_183], %swap3A_186 {strides = array<i32>} : memref<512xf32, #tpu.memory_space<vmem>>, vector<16xf32>,
    %broadcast_in_dim3A_187 = arith.constant 1.000000e+00 : f32
    %broadcast_in_dim3A_188 = vector.broadcast %broadcast_in_dim3A_187 : f32 to vector<16xf32>
    %swap3A_189 = arith.constant 480 : index
    %swap3A_190 = tpu.vector_load %arg31[%swap3A_189] {strides = array<i32>} : memref<512xf32, #tpu.memory_space<vmem>>, vector<16xf32>,
    %swap3A_191 = vector.shape_cast %swap3A_190 : vector<16xf32> to vector<16xf32>
    %swap3A_192 = vector.shape_cast %broadcast_in_dim3A_188 : vector<16xf32> to vector<16xf32>
    tpu.vector_store %arg31[%swap3A_189], %swap3A_192 {strides = array<i32>} : memref<512xf32, #tpu.memory_space<vmem>>, vector<16xf32>,
    %broadcast_in_dim3A_193 = arith.constant 1.000000e+00 : f32
    %broadcast_in_dim3A_194 = vector.broadcast %broadcast_in_dim3A_193 : f32 to vector<16xf32>
    %swap3A_195 = arith.constant 496 : index
    %swap3A_196 = tpu.vector_load %arg31[%swap3A_195] {strides = array<i32>} : memref<512xf32, #tpu.memory_space<vmem>>, vector<16xf32>,
    %swap3A_197 = vector.shape_cast %swap3A_196 : vector<16xf32> to vector<16xf32>
    %swap3A_198 = vector.shape_cast %broadcast_in_dim3A_194 : vector<16xf32> to vector<16xf32>
    tpu.vector_store %arg31[%swap3A_195], %swap3A_198 {strides = array<i32>} : memref<512xf32, #tpu.memory_space<vmem>>, vector<16xf32>,
    %barrier3A = arith.constant 0 : index
    tpu.barrier barrier_id(%barrier3A)
    %mul3A_199 = arith.constant 800 : i32
    %mul3A_200 = arith.muli %add3A, %mul3A_199 : i32
    "tpu.region"() ({
      %run_scoped3A = tpu.sem_alloc : memref<!tpu.dma_semaphore, #tpu.memory_space<semaphore_mem>>
      %dma_start3A_275 = arith.constant 0 : i32
      %dma_start3A_276 = tpu.memref_slice %arg3[%mul3A_200, %dma_start3A_275] : memref<25000x128xi32, #tpu.memory_space<hbm>> -> memref<4x128xi32, #tpu.memory_space<hbm>>
      %dma_start3A_277 = arith.constant 0 : i32
      %dma_start3A_278 = tpu.memref_slice %arg3[%mul3A_200, %dma_start3A_277] : memref<25000x128xi32, #tpu.memory_space<hbm>> -> memref<4x128xi32, #tpu.memory_space<hbm>>
      tpu.enqueue_dma source(%dma_start3A_278 : memref<4x128xi32, #tpu.memory_space<hbm>>) target(%arg12 : memref<4x128xi32, #tpu.memory_space<vmem>>) target_semaphore(%run_scoped3A : memref<!tpu.dma_semaphore, #tpu.memory_space<semaphore_mem>>)
      %dma_wait3A_279 = arith.constant 0 : i32
      %dma_wait3A_280 = tpu.memref_slice %arg3[%mul3A_200, %dma_wait3A_279] : memref<25000x128xi32, #tpu.memory_space<hbm>> -> memref<4x128xi32, #tpu.memory_space<hbm>>
      %dma_wait3A_281 = arith.constant 0 : i32
      %dma_wait3A_282 = tpu.memref_slice %arg3[%mul3A_200, %dma_wait3A_281] : memref<25000x128xi32, #tpu.memory_space<hbm>> -> memref<4x128xi32, #tpu.memory_space<hbm>>
      tpu.wait_dma2 semaphore(%run_scoped3A : memref<!tpu.dma_semaphore, #tpu.memory_space<semaphore_mem>>) src(%dma_wait3A_282 : memref<4x128xi32, #tpu.memory_space<hbm>>) dst(%arg12 : memref<4x128xi32, #tpu.memory_space<vmem>>)
      tpu.yield
    }) : () -> ()
    "tpu.region"() ({
      %run_scoped3A = tpu.sem_alloc : memref<!tpu.dma_semaphore, #tpu.memory_space<semaphore_mem>>
      %dma_start3A_275 = arith.constant 0 : i32
      %dma_start3A_276 = tpu.memref_slice %arg4[%mul3A_200, %dma_start3A_275] : memref<25000x128xi32, #tpu.memory_space<hbm>> -> memref<4x128xi32, #tpu.memory_space<hbm>>
      %dma_start3A_277 = arith.constant 0 : i32
      %dma_start3A_278 = tpu.memref_slice %arg4[%mul3A_200, %dma_start3A_277] : memref<25000x128xi32, #tpu.memory_space<hbm>> -> memref<4x128xi32, #tpu.memory_space<hbm>>
      tpu.enqueue_dma source(%dma_start3A_278 : memref<4x128xi32, #tpu.memory_space<hbm>>) target(%arg16 : memref<4x128xi32, #tpu.memory_space<vmem>>) target_semaphore(%run_scoped3A : memref<!tpu.dma_semaphore, #tpu.memory_space<semaphore_mem>>)
      %dma_wait3A_279 = arith.constant 0 : i32
      %dma_wait3A_280 = tpu.memref_slice %arg4[%mul3A_200, %dma_wait3A_279] : memref<25000x128xi32, #tpu.memory_space<hbm>> -> memref<4x128xi32, #tpu.memory_space<hbm>>
      %dma_wait3A_281 = arith.constant 0 : i32
      %dma_wait3A_282 = tpu.memref_slice %arg4[%mul3A_200, %dma_wait3A_281] : memref<25000x128xi32, #tpu.memory_space<hbm>> -> memref<4x128xi32, #tpu.memory_space<hbm>>
      tpu.wait_dma2 semaphore(%run_scoped3A : memref<!tpu.dma_semaphore, #tpu.memory_space<semaphore_mem>>) src(%dma_wait3A_282 : memref<4x128xi32, #tpu.memory_space<hbm>>) dst(%arg16 : memref<4x128xi32, #tpu.memory_space<vmem>>)
      tpu.yield
    }) : () -> ()
    %dma_start3A = arith.constant 0 : i32
    %dma_start3A_201 = arith.constant 0 : i32
    %dma_start3A_202 = arith.constant 0 : i32
    %dma_start3A_203 = tpu.memref_slice %arg20[%dma_start3A_201, %dma_start3A_202] : memref<512x16xf32, #tpu.memory_space<vmem>> -> memref<128x16xf32, #tpu.memory_space<vmem>>
    %dma_start3A_204 = arith.constant 0 : i32
    %dma_start3A_205 = tpu.memref_slice %arg12[%dma_start3A, %dma_start3A_204] : memref<4x128xi32, #tpu.memory_space<vmem>> -> memref<1x128xi32, #tpu.memory_space<vmem>>
    %dma_start3A_206 = tpu.memref_squeeze %dma_start3A_205 : memref<1x128xi32, #tpu.memory_space<vmem>> -> memref<128xi32, #tpu.memory_space<vmem>>
    %dma_start3A_207 = arith.constant 0 : i32
    %dma_start3A_208 = arith.constant 0 : i32
    %dma_start3A_209 = tpu.memref_slice %arg2[%dma_start3A_207, %dma_start3A_208] : memref<100000x16xf32, #tpu.memory_space<hbm>> -> memref<100000x16xf32, #tpu.memory_space<hbm>>
    tpu.enqueue_indirect_dma source(%dma_start3A_209 : memref<100000x16xf32, #tpu.memory_space<hbm>>) target(%dma_start3A_203 : memref<128x16xf32, #tpu.memory_space<vmem>>) offsets(%dma_start3A_206 : memref<128xi32, #tpu.memory_space<vmem>>) semaphore(%arg26 : memref<!tpu.dma_semaphore, #tpu.memory_space<semaphore_mem>>)
    %dma_start3A_210 = arith.constant 1 : i32
    %dma_start3A_211 = arith.constant 128 : i32
    %dma_start3A_212 = arith.constant 0 : i32
    %dma_start3A_213 = tpu.memref_slice %arg20[%dma_start3A_211, %dma_start3A_212] : memref<512x16xf32, #tpu.memory_space<vmem>> -> memref<128x16xf32, #tpu.memory_space<vmem>>
    %dma_start3A_214 = arith.constant 0 : i32
    %dma_start3A_215 = tpu.memref_slice %arg12[%dma_start3A_210, %dma_start3A_214] : memref<4x128xi32, #tpu.memory_space<vmem>> -> memref<1x128xi32, #tpu.memory_space<vmem>>
    %dma_start3A_216 = tpu.memref_squeeze %dma_start3A_215 : memref<1x128xi32, #tpu.memory_space<vmem>> -> memref<128xi32, #tpu.memory_space<vmem>>
    %dma_start3A_217 = arith.constant 0 : i32
    %dma_start3A_218 = arith.constant 0 : i32
    %dma_start3A_219 = tpu.memref_slice %arg2[%dma_start3A_217, %dma_start3A_218] : memref<100000x16xf32, #tpu.memory_space<hbm>> -> memref<100000x16xf32, #tpu.memory_space<hbm>>
    tpu.enqueue_indirect_dma source(%dma_start3A_219 : memref<100000x16xf32, #tpu.memory_space<hbm>>) target(%dma_start3A_213 : memref<128x16xf32, #tpu.memory_space<vmem>>) offsets(%dma_start3A_216 : memref<128xi32, #tpu.memory_space<vmem>>) semaphore(%arg26 : memref<!tpu.dma_semaphore, #tpu.memory_space<semaphore_mem>>)
    %dma_start3A_220 = arith.constant 2 : i32
    %dma_start3A_221 = arith.constant 256 : i32
    %dma_start3A_222 = arith.constant 0 : i32
    %dma_start3A_223 = tpu.memref_slice %arg20[%dma_start3A_221, %dma_start3A_222] : memref<512x16xf32, #tpu.memory_space<vmem>> -> memref<128x16xf32, #tpu.memory_space<vmem>>
    %dma_start3A_224 = arith.constant 0 : i32
    %dma_start3A_225 = tpu.memref_slice %arg12[%dma_start3A_220, %dma_start3A_224] : memref<4x128xi32, #tpu.memory_space<vmem>> -> memref<1x128xi32, #tpu.memory_space<vmem>>
    %dma_start3A_226 = tpu.memref_squeeze %dma_start3A_225 : memref<1x128xi32, #tpu.memory_space<vmem>> -> memref<128xi32, #tpu.memory_space<vmem>>
    %dma_start3A_227 = arith.constant 0 : i32
    %dma_start3A_228 = arith.constant 0 : i32
    %dma_start3A_229 = tpu.memref_slice %arg2[%dma_start3A_227, %dma_start3A_228] : memref<100000x16xf32, #tpu.memory_space<hbm>> -> memref<100000x16xf32, #tpu.memory_space<hbm>>
    tpu.enqueue_indirect_dma source(%dma_start3A_229 : memref<100000x16xf32, #tpu.memory_space<hbm>>) target(%dma_start3A_223 : memref<128x16xf32, #tpu.memory_space<vmem>>) offsets(%dma_start3A_226 : memref<128xi32, #tpu.memory_space<vmem>>) semaphore(%arg26 : memref<!tpu.dma_semaphore, #tpu.memory_space<semaphore_mem>>)
    %dma_start3A_230 = arith.constant 3 : i32
    %dma_start3A_231 = arith.constant 384 : i32
    %dma_start3A_232 = arith.constant 0 : i32
    %dma_start3A_233 = tpu.memref_slice %arg20[%dma_start3A_231, %dma_start3A_232] : memref<512x16xf32, #tpu.memory_space<vmem>> -> memref<128x16xf32, #tpu.memory_space<vmem>>
    %dma_start3A_234 = arith.constant 0 : i32
    %dma_start3A_235 = tpu.memref_slice %arg12[%dma_start3A_230, %dma_start3A_234] : memref<4x128xi32, #tpu.memory_space<vmem>> -> memref<1x128xi32, #tpu.memory_space<vmem>>
    %dma_start3A_236 = tpu.memref_squeeze %dma_start3A_235 : memref<1x128xi32, #tpu.memory_space<vmem>> -> memref<128xi32, #tpu.memory_space<vmem>>
    %dma_start3A_237 = arith.constant 0 : i32
    %dma_start3A_238 = arith.constant 0 : i32
    %dma_start3A_239 = tpu.memref_slice %arg2[%dma_start3A_237, %dma_start3A_238] : memref<100000x16xf32, #tpu.memory_space<hbm>> -> memref<100000x16xf32, #tpu.memory_space<hbm>>
    tpu.enqueue_indirect_dma source(%dma_start3A_239 : memref<100000x16xf32, #tpu.memory_space<hbm>>) target(%dma_start3A_233 : memref<128x16xf32, #tpu.memory_space<vmem>>) offsets(%dma_start3A_236 : memref<128xi32, #tpu.memory_space<vmem>>) semaphore(%arg26 : memref<!tpu.dma_semaphore, #tpu.memory_space<semaphore_mem>>)
    %add3A_240 = arith.constant 4 : i32
    %add3A_241 = arith.addi %mul3A_200, %add3A_240 : i32
    %dma_start3A_242 = arith.constant 0 : i32
    %dma_start3A_243 = tpu.memref_slice %arg3[%add3A_241, %dma_start3A_242] : memref<25000x128xi32, #tpu.memory_space<hbm>> -> memref<4x128xi32, #tpu.memory_space<hbm>>
    %dma_start3A_244 = arith.constant 0 : i32
    %dma_start3A_245 = tpu.memref_slice %arg3[%add3A_241, %dma_start3A_244] : memref<25000x128xi32, #tpu.memory_space<hbm>> -> memref<4x128xi32, #tpu.memory_space<hbm>>
    tpu.enqueue_dma source(%dma_start3A_245 : memref<4x128xi32, #tpu.memory_space<hbm>>) target(%arg13 : memref<4x128xi32, #tpu.memory_space<vmem>>) target_semaphore(%arg23 : memref<!tpu.dma_semaphore, #tpu.memory_space<semaphore_mem>>)
    %add3A_246 = arith.constant 4 : i32
    %add3A_247 = arith.addi %mul3A_200, %add3A_246 : i32
    %dma_start3A_248 = arith.constant 0 : i32
    %dma_start3A_249 = tpu.memref_slice %arg4[%add3A_247, %dma_start3A_248] : memref<25000x128xi32, #tpu.memory_space<hbm>> -> memref<4x128xi32, #tpu.memory_space<hbm>>
    %dma_start3A_250 = arith.constant 0 : i32
    %dma_start3A_251 = tpu.memref_slice %arg4[%add3A_247, %dma_start3A_250] : memref<25000x128xi32, #tpu.memory_space<hbm>> -> memref<4x128xi32, #tpu.memory_space<hbm>>
    tpu.enqueue_dma source(%dma_start3A_251 : memref<4x128xi32, #tpu.memory_space<hbm>>) target(%arg17 : memref<4x128xi32, #tpu.memory_space<vmem>>) target_semaphore(%arg23 : memref<!tpu.dma_semaphore, #tpu.memory_space<semaphore_mem>>)
    %scan3A = arith.constant 0 : i32
    %scan3A_252 = arith.constant 0 : i32
    %scan3A_253 = arith.constant 50 : i32
    %scan3A_254 = arith.addi %scan3A_252, %scan3A_253 : i32
    %scan3A_255 = arith.constant 1 : i32
    scf.for %scan3A_275 = %scan3A_252 to %scan3A_254 step %scan3A_255  : i32 {
      %mul3A_276 = arith.constant 4 : i32
      %mul3A_277 = arith.muli %mul3A_276, %scan3A_275 : i32
      %mul3A_278 = arith.constant 4 : i32
      %mul3A_279 = arith.muli %mul3A_277, %mul3A_278 : i32
      %add3A_280 = arith.addi %mul3A_200, %mul3A_279 : i32
      %dma_wait3A_281 = arith.constant 0 : i32
      %dma_wait3A_282 = arith.constant 0 : i32
      %dma_wait3A_283 = tpu.memref_slice %arg2[%dma_wait3A_281, %dma_wait3A_282] : memref<100000x16xf32, #tpu.memory_space<hbm>> -> memref<512x16xf32, #tpu.memory_space<hbm>>
      %dma_wait3A_284 = arith.constant 0 : i32
      %dma_wait3A_285 = arith.constant 0 : i32
      %dma_wait3A_286 = tpu.memref_slice %arg2[%dma_wait3A_284, %dma_wait3A_285] : memref<100000x16xf32, #tpu.memory_space<hbm>> -> memref<512x16xf32, #tpu.memory_space<hbm>>
      tpu.wait_dma2 semaphore(%arg26 : memref<!tpu.dma_semaphore, #tpu.memory_space<semaphore_mem>>) src(%dma_wait3A_286 : memref<512x16xf32, #tpu.memory_space<hbm>>) dst(%arg20 : memref<512x16xf32, #tpu.memory_space<vmem>>)
      %add3A_287 = arith.constant 8 : i32
      %add3A_288 = arith.addi %add3A_280, %add3A_287 : i32
      %lt3A = arith.constant 25000 : i32
      %lt3A_289 = arith.cmpi slt, %add3A_288, %lt3A : i32
      %convert_element_type3A = arith.extui %lt3A_289 : i1 to i32
      %cond3A = arith.constant 0 : i32
      %cond3A_290 = arith.cmpi ne, %convert_element_type3A, %cond3A : i32
      scf.if %cond3A_290 {
        %dma_start3A_818 = arith.constant 0 : i32
        %dma_start3A_819 = tpu.memref_slice %arg3[%add3A_288, %dma_start3A_818] : memref<25000x128xi32, #tpu.memory_space<hbm>> -> memref<4x128xi32, #tpu.memory_space<hbm>>
        %dma_start3A_820 = arith.constant 0 : i32
        %dma_start3A_821 = tpu.memref_slice %arg3[%add3A_288, %dma_start3A_820] : memref<25000x128xi32, #tpu.memory_space<hbm>> -> memref<4x128xi32, #tpu.memory_space<hbm>>
        tpu.enqueue_dma source(%dma_start3A_821 : memref<4x128xi32, #tpu.memory_space<hbm>>) target(%arg14 : memref<4x128xi32, #tpu.memory_space<vmem>>) target_semaphore(%arg24 : memref<!tpu.dma_semaphore, #tpu.memory_space<semaphore_mem>>)
        %dma_start3A_822 = arith.constant 0 : i32
        %dma_start3A_823 = tpu.memref_slice %arg4[%add3A_288, %dma_start3A_822] : memref<25000x128xi32, #tpu.memory_space<hbm>> -> memref<4x128xi32, #tpu.memory_space<hbm>>
        %dma_start3A_824 = arith.constant 0 : i32
        %dma_start3A_825 = tpu.memref_slice %arg4[%add3A_288, %dma_start3A_824] : memref<25000x128xi32, #tpu.memory_space<hbm>> -> memref<4x128xi32, #tpu.memory_space<hbm>>
        tpu.enqueue_dma source(%dma_start3A_825 : memref<4x128xi32, #tpu.memory_space<hbm>>) target(%arg18 : memref<4x128xi32, #tpu.memory_space<vmem>>) target_semaphore(%arg24 : memref<!tpu.dma_semaphore, #tpu.memory_space<semaphore_mem>>)
      } else {
      }
      %ge3A = arith.constant 25000 : i32
      %ge3A_291 = arith.cmpi sge, %add3A_288, %ge3A : i32
      %convert_element_type3A_292 = arith.extui %ge3A_291 : i1 to i32
      %cond3A_293 = arith.constant 0 : i32
      %cond3A_294 = arith.cmpi ne, %convert_element_type3A_292, %cond3A_293 : i32
      scf.if %cond3A_294 {
        %sub3A = arith.constant 25000 : i32
        %sub3A_818 = arith.subi %add3A_288, %sub3A : i32
        %dma_start3A_819 = arith.constant 0 : i32
        %dma_start3A_820 = tpu.memref_slice %arg5[%sub3A_818, %dma_start3A_819] : memref<600x128xi32, #tpu.memory_space<hbm>> -> memref<4x128xi32, #tpu.memory_space<hbm>>
        %dma_start3A_821 = arith.constant 0 : i32
        %dma_start3A_822 = tpu.memref_slice %arg5[%sub3A_818, %dma_start3A_821] : memref<600x128xi32, #tpu.memory_space<hbm>> -> memref<4x128xi32, #tpu.memory_space<hbm>>
        tpu.enqueue_dma source(%dma_start3A_822 : memref<4x128xi32, #tpu.memory_space<hbm>>) target(%arg14 : memref<4x128xi32, #tpu.memory_space<vmem>>) target_semaphore(%arg24 : memref<!tpu.dma_semaphore, #tpu.memory_space<semaphore_mem>>)
        %dma_start3A_823 = arith.constant 0 : i32
        %dma_start3A_824 = tpu.memref_slice %arg6[%sub3A_818, %dma_start3A_823] : memref<600x128xi32, #tpu.memory_space<hbm>> -> memref<4x128xi32, #tpu.memory_space<hbm>>
        %dma_start3A_825 = arith.constant 0 : i32
        %dma_start3A_826 = tpu.memref_slice %arg6[%sub3A_818, %dma_start3A_825] : memref<600x128xi32, #tpu.memory_space<hbm>> -> memref<4x128xi32, #tpu.memory_space<hbm>>
        tpu.enqueue_dma source(%dma_start3A_826 : memref<4x128xi32, #tpu.memory_space<hbm>>) target(%arg18 : memref<4x128xi32, #tpu.memory_space<vmem>>) target_semaphore(%arg24 : memref<!tpu.dma_semaphore, #tpu.memory_space<semaphore_mem>>)
      } else {
      }
      %gt3A = arith.constant 0 : i32
      %gt3A_295 = arith.cmpi sgt, %scan3A_275, %gt3A : i32
      %convert_element_type3A_296 = arith.extui %gt3A_295 : i1 to i32
      %cond3A_297 = arith.constant 0 : i32
      %cond3A_298 = arith.cmpi ne, %convert_element_type3A_296, %cond3A_297 : i32
      scf.if %cond3A_298 {
        %dma_wait3A_818 = arith.constant 0 : i32
        %dma_wait3A_819 = arith.constant 0 : i32
        %dma_wait3A_820 = tpu.memref_slice %arg11[%dma_wait3A_818, %dma_wait3A_819] : memref<100352x16xf32, #tpu.memory_space<vmem_shared>> -> memref<512x16xf32, #tpu.memory_space<vmem_shared>>
        %dma_wait3A_821 = arith.constant 0 : i32
        %dma_wait3A_822 = arith.constant 0 : i32
        %dma_wait3A_823 = tpu.memref_slice %arg11[%dma_wait3A_821, %dma_wait3A_822] : memref<100352x16xf32, #tpu.memory_space<vmem_shared>> -> memref<512x16xf32, #tpu.memory_space<vmem_shared>>
        tpu.wait_dma2 semaphore(%arg29 : memref<!tpu.dma_semaphore, #tpu.memory_space<semaphore_mem>>) src(%arg21 : memref<512x16xf32, #tpu.memory_space<vmem>>) dst(%dma_wait3A_823 : memref<512x16xf32, #tpu.memory_space<vmem_shared>>)
        %dma_wait3A_824 = arith.constant 0 : i32
        %dma_wait3A_825 = tpu.memref_slice %arg30[%dma_wait3A_824] : memref<100352xf32, #tpu.memory_space<vmem_shared>> -> memref<512xf32, #tpu.memory_space<vmem_shared>>
        %dma_wait3A_826 = arith.constant 0 : i32
        %dma_wait3A_827 = tpu.memref_slice %arg30[%dma_wait3A_826] : memref<100352xf32, #tpu.memory_space<vmem_shared>> -> memref<512xf32, #tpu.memory_space<vmem_shared>>
        tpu.wait_dma2 semaphore(%arg33 : memref<!tpu.dma_semaphore, #tpu.memory_space<semaphore_mem>>) src(%arg31 : memref<512xf32, #tpu.memory_space<vmem>>) dst(%dma_wait3A_827 : memref<512xf32, #tpu.memory_space<vmem_shared>>)
      } else {
      }
      %dma_start3A_299 = arith.constant 0 : i32
      %dma_start3A_300 = arith.constant 0 : i32
      %dma_start3A_301 = arith.constant 0 : i32
      %dma_start3A_302 = tpu.memref_slice %arg20[%dma_start3A_300, %dma_start3A_301] : memref<512x16xf32, #tpu.memory_space<vmem>> -> memref<128x16xf32, #tpu.memory_space<vmem>>
      %dma_start3A_303 = arith.constant 0 : i32
      %dma_start3A_304 = tpu.memref_slice %arg16[%dma_start3A_299, %dma_start3A_303] : memref<4x128xi32, #tpu.memory_space<vmem>> -> memref<1x128xi32, #tpu.memory_space<vmem>>
      %dma_start3A_305 = tpu.memref_squeeze %dma_start3A_304 : memref<1x128xi32, #tpu.memory_space<vmem>> -> memref<128xi32, #tpu.memory_space<vmem>>
      %dma_start3A_306 = arith.constant 0 : i32
      %dma_start3A_307 = arith.constant 0 : i32
      %dma_start3A_308 = tpu.memref_slice %arg11[%dma_start3A_306, %dma_start3A_307] : memref<100352x16xf32, #tpu.memory_space<vmem_shared>> -> memref<100352x16xf32, #tpu.memory_space<vmem_shared>>
      tpu.enqueue_indirect_dma source(%dma_start3A_302 : memref<128x16xf32, #tpu.memory_space<vmem>>) target(%dma_start3A_308 : memref<100352x16xf32, #tpu.memory_space<vmem_shared>>) offsets(%dma_start3A_305 : memref<128xi32, #tpu.memory_space<vmem>>) semaphore(%arg28 : memref<!tpu.dma_semaphore, #tpu.memory_space<semaphore_mem>>) {add = true}
      %dma_start3A_309 = arith.constant 1 : i32
      %dma_start3A_310 = arith.constant 128 : i32
      %dma_start3A_311 = arith.constant 0 : i32
      %dma_start3A_312 = tpu.memref_slice %arg20[%dma_start3A_310, %dma_start3A_311] : memref<512x16xf32, #tpu.memory_space<vmem>> -> memref<128x16xf32, #tpu.memory_space<vmem>>
      %dma_start3A_313 = arith.constant 0 : i32
      %dma_start3A_314 = tpu.memref_slice %arg16[%dma_start3A_309, %dma_start3A_313] : memref<4x128xi32, #tpu.memory_space<vmem>> -> memref<1x128xi32, #tpu.memory_space<vmem>>
      %dma_start3A_315 = tpu.memref_squeeze %dma_start3A_314 : memref<1x128xi32, #tpu.memory_space<vmem>> -> memref<128xi32, #tpu.memory_space<vmem>>
      %dma_start3A_316 = arith.constant 0 : i32
      %dma_start3A_317 = arith.constant 0 : i32
      %dma_start3A_318 = tpu.memref_slice %arg11[%dma_start3A_316, %dma_start3A_317] : memref<100352x16xf32, #tpu.memory_space<vmem_shared>> -> memref<100352x16xf32, #tpu.memory_space<vmem_shared>>
      tpu.enqueue_indirect_dma source(%dma_start3A_312 : memref<128x16xf32, #tpu.memory_space<vmem>>) target(%dma_start3A_318 : memref<100352x16xf32, #tpu.memory_space<vmem_shared>>) offsets(%dma_start3A_315 : memref<128xi32, #tpu.memory_space<vmem>>) semaphore(%arg28 : memref<!tpu.dma_semaphore, #tpu.memory_space<semaphore_mem>>) {add = true}
      %dma_start3A_319 = arith.constant 2 : i32
      %dma_start3A_320 = arith.constant 256 : i32
      %dma_start3A_321 = arith.constant 0 : i32
      %dma_start3A_322 = tpu.memref_slice %arg20[%dma_start3A_320, %dma_start3A_321] : memref<512x16xf32, #tpu.memory_space<vmem>> -> memref<128x16xf32, #tpu.memory_space<vmem>>
      %dma_start3A_323 = arith.constant 0 : i32
      %dma_start3A_324 = tpu.memref_slice %arg16[%dma_start3A_319, %dma_start3A_323] : memref<4x128xi32, #tpu.memory_space<vmem>> -> memref<1x128xi32, #tpu.memory_space<vmem>>
      %dma_start3A_325 = tpu.memref_squeeze %dma_start3A_324 : memref<1x128xi32, #tpu.memory_space<vmem>> -> memref<128xi32, #tpu.memory_space<vmem>>
      %dma_start3A_326 = arith.constant 0 : i32
      %dma_start3A_327 = arith.constant 0 : i32
      %dma_start3A_328 = tpu.memref_slice %arg11[%dma_start3A_326, %dma_start3A_327] : memref<100352x16xf32, #tpu.memory_space<vmem_shared>> -> memref<100352x16xf32, #tpu.memory_space<vmem_shared>>
      tpu.enqueue_indirect_dma source(%dma_start3A_322 : memref<128x16xf32, #tpu.memory_space<vmem>>) target(%dma_start3A_328 : memref<100352x16xf32, #tpu.memory_space<vmem_shared>>) offsets(%dma_start3A_325 : memref<128xi32, #tpu.memory_space<vmem>>) semaphore(%arg28 : memref<!tpu.dma_semaphore, #tpu.memory_space<semaphore_mem>>) {add = true}
      %dma_start3A_329 = arith.constant 3 : i32
      %dma_start3A_330 = arith.constant 384 : i32
      %dma_start3A_331 = arith.constant 0 : i32
      %dma_start3A_332 = tpu.memref_slice %arg20[%dma_start3A_330, %dma_start3A_331] : memref<512x16xf32, #tpu.memory_space<vmem>> -> memref<128x16xf32, #tpu.memory_space<vmem>>
      %dma_start3A_333 = arith.constant 0 : i32
      %dma_start3A_334 = tpu.memref_slice %arg16[%dma_start3A_329, %dma_start3A_333] : memref<4x128xi32, #tpu.memory_space<vmem>> -> memref<1x128xi32, #tpu.memory_space<vmem>>
      %dma_start3A_335 = tpu.memref_squeeze %dma_start3A_334 : memref<1x128xi32, #tpu.memory_space<vmem>> -> memref<128xi32, #tpu.memory_space<vmem>>
      %dma_start3A_336 = arith.constant 0 : i32
      %dma_start3A_337 = arith.constant 0 : i32
      %dma_start3A_338 = tpu.memref_slice %arg11[%dma_start3A_336, %dma_start3A_337] : memref<100352x16xf32, #tpu.memory_space<vmem_shared>> -> memref<100352x16xf32, #tpu.memory_space<vmem_shared>>
      tpu.enqueue_indirect_dma source(%dma_start3A_332 : memref<128x16xf32, #tpu.memory_space<vmem>>) target(%dma_start3A_338 : memref<100352x16xf32, #tpu.memory_space<vmem_shared>>) offsets(%dma_start3A_335 : memref<128xi32, #tpu.memory_space<vmem>>) semaphore(%arg28 : memref<!tpu.dma_semaphore, #tpu.memory_space<semaphore_mem>>) {add = true}
      %dma_start3A_339 = arith.constant 0 : i32
      %dma_start3A_340 = arith.constant 0 : i32
      %dma_start3A_341 = tpu.memref_slice %arg31[%dma_start3A_340] : memref<512xf32, #tpu.memory_space<vmem>> -> memref<128xf32, #tpu.memory_space<vmem>>
      %dma_start3A_342 = arith.constant 0 : i32
      %dma_start3A_343 = tpu.memref_slice %arg16[%dma_start3A_339, %dma_start3A_342] : memref<4x128xi32, #tpu.memory_space<vmem>> -> memref<1x128xi32, #tpu.memory_space<vmem>>
      %dma_start3A_344 = tpu.memref_squeeze %dma_start3A_343 : memref<1x128xi32, #tpu.memory_space<vmem>> -> memref<128xi32, #tpu.memory_space<vmem>>
      %dma_start3A_345 = arith.constant 0 : i32
      %dma_start3A_346 = tpu.memref_slice %arg30[%dma_start3A_345] : memref<100352xf32, #tpu.memory_space<vmem_shared>> -> memref<100352xf32, #tpu.memory_space<vmem_shared>>
      tpu.enqueue_indirect_dma source(%dma_start3A_341 : memref<128xf32, #tpu.memory_space<vmem>>) target(%dma_start3A_346 : memref<100352xf32, #tpu.memory_space<vmem_shared>>) offsets(%dma_start3A_344 : memref<128xi32, #tpu.memory_space<vmem>>) semaphore(%arg32 : memref<!tpu.dma_semaphore, #tpu.memory_space<semaphore_mem>>) {add = true}
      %dma_start3A_347 = arith.constant 1 : i32
      %dma_start3A_348 = arith.constant 128 : i32
      %dma_start3A_349 = tpu.memref_slice %arg31[%dma_start3A_348] : memref<512xf32, #tpu.memory_space<vmem>> -> memref<128xf32, #tpu.memory_space<vmem>>
      %dma_start3A_350 = arith.constant 0 : i32
      %dma_start3A_351 = tpu.memref_slice %arg16[%dma_start3A_347, %dma_start3A_350] : memref<4x128xi32, #tpu.memory_space<vmem>> -> memref<1x128xi32, #tpu.memory_space<vmem>>
      %dma_start3A_352 = tpu.memref_squeeze %dma_start3A_351 : memref<1x128xi32, #tpu.memory_space<vmem>> -> memref<128xi32, #tpu.memory_space<vmem>>
      %dma_start3A_353 = arith.constant 0 : i32
      %dma_start3A_354 = tpu.memref_slice %arg30[%dma_start3A_353] : memref<100352xf32, #tpu.memory_space<vmem_shared>> -> memref<100352xf32, #tpu.memory_space<vmem_shared>>
      tpu.enqueue_indirect_dma source(%dma_start3A_349 : memref<128xf32, #tpu.memory_space<vmem>>) target(%dma_start3A_354 : memref<100352xf32, #tpu.memory_space<vmem_shared>>) offsets(%dma_start3A_352 : memref<128xi32, #tpu.memory_space<vmem>>) semaphore(%arg32 : memref<!tpu.dma_semaphore, #tpu.memory_space<semaphore_mem>>) {add = true}
      %dma_start3A_355 = arith.constant 2 : i32
      %dma_start3A_356 = arith.constant 256 : i32
      %dma_start3A_357 = tpu.memref_slice %arg31[%dma_start3A_356] : memref<512xf32, #tpu.memory_space<vmem>> -> memref<128xf32, #tpu.memory_space<vmem>>
      %dma_start3A_358 = arith.constant 0 : i32
      %dma_start3A_359 = tpu.memref_slice %arg16[%dma_start3A_355, %dma_start3A_358] : memref<4x128xi32, #tpu.memory_space<vmem>> -> memref<1x128xi32, #tpu.memory_space<vmem>>
      %dma_start3A_360 = tpu.memref_squeeze %dma_start3A_359 : memref<1x128xi32, #tpu.memory_space<vmem>> -> memref<128xi32, #tpu.memory_space<vmem>>
      %dma_start3A_361 = arith.constant 0 : i32
      %dma_start3A_362 = tpu.memref_slice %arg30[%dma_start3A_361] : memref<100352xf32, #tpu.memory_space<vmem_shared>> -> memref<100352xf32, #tpu.memory_space<vmem_shared>>
      tpu.enqueue_indirect_dma source(%dma_start3A_357 : memref<128xf32, #tpu.memory_space<vmem>>) target(%dma_start3A_362 : memref<100352xf32, #tpu.memory_space<vmem_shared>>) offsets(%dma_start3A_360 : memref<128xi32, #tpu.memory_space<vmem>>) semaphore(%arg32 : memref<!tpu.dma_semaphore, #tpu.memory_space<semaphore_mem>>) {add = true}
      %dma_start3A_363 = arith.constant 3 : i32
      %dma_start3A_364 = arith.constant 384 : i32
      %dma_start3A_365 = tpu.memref_slice %arg31[%dma_start3A_364] : memref<512xf32, #tpu.memory_space<vmem>> -> memref<128xf32, #tpu.memory_space<vmem>>
      %dma_start3A_366 = arith.constant 0 : i32
      %dma_start3A_367 = tpu.memref_slice %arg16[%dma_start3A_363, %dma_start3A_366] : memref<4x128xi32, #tpu.memory_space<vmem>> -> memref<1x128xi32, #tpu.memory_space<vmem>>
      %dma_start3A_368 = tpu.memref_squeeze %dma_start3A_367 : memref<1x128xi32, #tpu.memory_space<vmem>> -> memref<128xi32, #tpu.memory_space<vmem>>
      %dma_start3A_369 = arith.constant 0 : i32
      %dma_start3A_370 = tpu.memref_slice %arg30[%dma_start3A_369] : memref<100352xf32, #tpu.memory_space<vmem_shared>> -> memref<100352xf32, #tpu.memory_space<vmem_shared>>
      tpu.enqueue_indirect_dma source(%dma_start3A_365 : memref<128xf32, #tpu.memory_space<vmem>>) target(%dma_start3A_370 : memref<100352xf32, #tpu.memory_space<vmem_shared>>) offsets(%dma_start3A_368 : memref<128xi32, #tpu.memory_space<vmem>>) semaphore(%arg32 : memref<!tpu.dma_semaphore, #tpu.memory_space<semaphore_mem>>) {add = true}
      %dma_wait3A_371 = arith.constant 0 : i32
      %dma_wait3A_372 = arith.constant 0 : i32
      %dma_wait3A_373 = tpu.memref_slice %arg3[%dma_wait3A_371, %dma_wait3A_372] : memref<25000x128xi32, #tpu.memory_space<hbm>> -> memref<4x128xi32, #tpu.memory_space<hbm>>
      %dma_wait3A_374 = arith.constant 0 : i32
      %dma_wait3A_375 = arith.constant 0 : i32
      %dma_wait3A_376 = tpu.memref_slice %arg3[%dma_wait3A_374, %dma_wait3A_375] : memref<25000x128xi32, #tpu.memory_space<hbm>> -> memref<4x128xi32, #tpu.memory_space<hbm>>
      tpu.wait_dma2 semaphore(%arg23 : memref<!tpu.dma_semaphore, #tpu.memory_space<semaphore_mem>>) src(%dma_wait3A_376 : memref<4x128xi32, #tpu.memory_space<hbm>>) dst(%arg13 : memref<4x128xi32, #tpu.memory_space<vmem>>)
      %dma_wait3A_377 = arith.constant 0 : i32
      %dma_wait3A_378 = arith.constant 0 : i32
      %dma_wait3A_379 = tpu.memref_slice %arg4[%dma_wait3A_377, %dma_wait3A_378] : memref<25000x128xi32, #tpu.memory_space<hbm>> -> memref<4x128xi32, #tpu.memory_space<hbm>>
      %dma_wait3A_380 = arith.constant 0 : i32
      %dma_wait3A_381 = arith.constant 0 : i32
      %dma_wait3A_382 = tpu.memref_slice %arg4[%dma_wait3A_380, %dma_wait3A_381] : memref<25000x128xi32, #tpu.memory_space<hbm>> -> memref<4x128xi32, #tpu.memory_space<hbm>>
      tpu.wait_dma2 semaphore(%arg23 : memref<!tpu.dma_semaphore, #tpu.memory_space<semaphore_mem>>) src(%dma_wait3A_382 : memref<4x128xi32, #tpu.memory_space<hbm>>) dst(%arg17 : memref<4x128xi32, #tpu.memory_space<vmem>>)
      %dma_start3A_383 = arith.constant 0 : i32
      %dma_start3A_384 = arith.constant 0 : i32
      %dma_start3A_385 = arith.constant 0 : i32
      %dma_start3A_386 = tpu.memref_slice %arg21[%dma_start3A_384, %dma_start3A_385] : memref<512x16xf32, #tpu.memory_space<vmem>> -> memref<128x16xf32, #tpu.memory_space<vmem>>
      %dma_start3A_387 = arith.constant 0 : i32
      %dma_start3A_388 = tpu.memref_slice %arg13[%dma_start3A_383, %dma_start3A_387] : memref<4x128xi32, #tpu.memory_space<vmem>> -> memref<1x128xi32, #tpu.memory_space<vmem>>
      %dma_start3A_389 = tpu.memref_squeeze %dma_start3A_388 : memref<1x128xi32, #tpu.memory_space<vmem>> -> memref<128xi32, #tpu.memory_space<vmem>>
      %dma_start3A_390 = arith.constant 0 : i32
      %dma_start3A_391 = arith.constant 0 : i32
      %dma_start3A_392 = tpu.memref_slice %arg2[%dma_start3A_390, %dma_start3A_391] : memref<100000x16xf32, #tpu.memory_space<hbm>> -> memref<100000x16xf32, #tpu.memory_space<hbm>>
      tpu.enqueue_indirect_dma source(%dma_start3A_392 : memref<100000x16xf32, #tpu.memory_space<hbm>>) target(%dma_start3A_386 : memref<128x16xf32, #tpu.memory_space<vmem>>) offsets(%dma_start3A_389 : memref<128xi32, #tpu.memory_space<vmem>>) semaphore(%arg27 : memref<!tpu.dma_semaphore, #tpu.memory_space<semaphore_mem>>)
      %dma_start3A_393 = arith.constant 1 : i32
      %dma_start3A_394 = arith.constant 128 : i32
      %dma_start3A_395 = arith.constant 0 : i32
      %dma_start3A_396 = tpu.memref_slice %arg21[%dma_start3A_394, %dma_start3A_395] : memref<512x16xf32, #tpu.memory_space<vmem>> -> memref<128x16xf32, #tpu.memory_space<vmem>>
      %dma_start3A_397 = arith.constant 0 : i32
      %dma_start3A_398 = tpu.memref_slice %arg13[%dma_start3A_393, %dma_start3A_397] : memref<4x128xi32, #tpu.memory_space<vmem>> -> memref<1x128xi32, #tpu.memory_space<vmem>>
      %dma_start3A_399 = tpu.memref_squeeze %dma_start3A_398 : memref<1x128xi32, #tpu.memory_space<vmem>> -> memref<128xi32, #tpu.memory_space<vmem>>
      %dma_start3A_400 = arith.constant 0 : i32
      %dma_start3A_401 = arith.constant 0 : i32
      %dma_start3A_402 = tpu.memref_slice %arg2[%dma_start3A_400, %dma_start3A_401] : memref<100000x16xf32, #tpu.memory_space<hbm>> -> memref<100000x16xf32, #tpu.memory_space<hbm>>
      tpu.enqueue_indirect_dma source(%dma_start3A_402 : memref<100000x16xf32, #tpu.memory_space<hbm>>) target(%dma_start3A_396 : memref<128x16xf32, #tpu.memory_space<vmem>>) offsets(%dma_start3A_399 : memref<128xi32, #tpu.memory_space<vmem>>) semaphore(%arg27 : memref<!tpu.dma_semaphore, #tpu.memory_space<semaphore_mem>>)
      %dma_start3A_403 = arith.constant 2 : i32
      %dma_start3A_404 = arith.constant 256 : i32
      %dma_start3A_405 = arith.constant 0 : i32
      %dma_start3A_406 = tpu.memref_slice %arg21[%dma_start3A_404, %dma_start3A_405] : memref<512x16xf32, #tpu.memory_space<vmem>> -> memref<128x16xf32, #tpu.memory_space<vmem>>
      %dma_start3A_407 = arith.constant 0 : i32
      %dma_start3A_408 = tpu.memref_slice %arg13[%dma_start3A_403, %dma_start3A_407] : memref<4x128xi32, #tpu.memory_space<vmem>> -> memref<1x128xi32, #tpu.memory_space<vmem>>
      %dma_start3A_409 = tpu.memref_squeeze %dma_start3A_408 : memref<1x128xi32, #tpu.memory_space<vmem>> -> memref<128xi32, #tpu.memory_space<vmem>>
      %dma_start3A_410 = arith.constant 0 : i32
      %dma_start3A_411 = arith.constant 0 : i32
      %dma_start3A_412 = tpu.memref_slice %arg2[%dma_start3A_410, %dma_start3A_411] : memref<100000x16xf32, #tpu.memory_space<hbm>> -> memref<100000x16xf32, #tpu.memory_space<hbm>>
      tpu.enqueue_indirect_dma source(%dma_start3A_412 : memref<100000x16xf32, #tpu.memory_space<hbm>>) target(%dma_start3A_406 : memref<128x16xf32, #tpu.memory_space<vmem>>) offsets(%dma_start3A_409 : memref<128xi32, #tpu.memory_space<vmem>>) semaphore(%arg27 : memref<!tpu.dma_semaphore, #tpu.memory_space<semaphore_mem>>)
      %dma_start3A_413 = arith.constant 3 : i32
      %dma_start3A_414 = arith.constant 384 : i32
      %dma_start3A_415 = arith.constant 0 : i32
      %dma_start3A_416 = tpu.memref_slice %arg21[%dma_start3A_414, %dma_start3A_415] : memref<512x16xf32, #tpu.memory_space<vmem>> -> memref<128x16xf32, #tpu.memory_space<vmem>>
      %dma_start3A_417 = arith.constant 0 : i32
      %dma_start3A_418 = tpu.memref_slice %arg13[%dma_start3A_413, %dma_start3A_417] : memref<4x128xi32, #tpu.memory_space<vmem>> -> memref<1x128xi32, #tpu.memory_space<vmem>>
      %dma_start3A_419 = tpu.memref_squeeze %dma_start3A_418 : memref<1x128xi32, #tpu.memory_space<vmem>> -> memref<128xi32, #tpu.memory_space<vmem>>
      %dma_start3A_420 = arith.constant 0 : i32
      %dma_start3A_421 = arith.constant 0 : i32
      %dma_start3A_422 = tpu.memref_slice %arg2[%dma_start3A_420, %dma_start3A_421] : memref<100000x16xf32, #tpu.memory_space<hbm>> -> memref<100000x16xf32, #tpu.memory_space<hbm>>
      tpu.enqueue_indirect_dma source(%dma_start3A_422 : memref<100000x16xf32, #tpu.memory_space<hbm>>) target(%dma_start3A_416 : memref<128x16xf32, #tpu.memory_space<vmem>>) offsets(%dma_start3A_419 : memref<128xi32, #tpu.memory_space<vmem>>) semaphore(%arg27 : memref<!tpu.dma_semaphore, #tpu.memory_space<semaphore_mem>>)
      %dma_wait3A_423 = arith.constant 0 : i32
      %dma_wait3A_424 = arith.constant 0 : i32
      %dma_wait3A_425 = tpu.memref_slice %arg2[%dma_wait3A_423, %dma_wait3A_424] : memref<100000x16xf32, #tpu.memory_space<hbm>> -> memref<512x16xf32, #tpu.memory_space<hbm>>
      %dma_wait3A_426 = arith.constant 0 : i32
      %dma_wait3A_427 = arith.constant 0 : i32
      %dma_wait3A_428 = tpu.memref_slice %arg2[%dma_wait3A_426, %dma_wait3A_427] : memref<100000x16xf32, #tpu.memory_space<hbm>> -> memref<512x16xf32, #tpu.memory_space<hbm>>
      tpu.wait_dma2 semaphore(%arg27 : memref<!tpu.dma_semaphore, #tpu.memory_space<semaphore_mem>>) src(%dma_wait3A_428 : memref<512x16xf32, #tpu.memory_space<hbm>>) dst(%arg21 : memref<512x16xf32, #tpu.memory_space<vmem>>)
      %add3A_429 = arith.constant 12 : i32
      %add3A_430 = arith.addi %add3A_280, %add3A_429 : i32
      %lt3A_431 = arith.constant 25000 : i32
      %lt3A_432 = arith.cmpi slt, %add3A_430, %lt3A_431 : i32
      %convert_element_type3A_433 = arith.extui %lt3A_432 : i1 to i32
      %cond3A_434 = arith.constant 0 : i32
      %cond3A_435 = arith.cmpi ne, %convert_element_type3A_433, %cond3A_434 : i32
      scf.if %cond3A_435 {
        %dma_start3A_818 = arith.constant 0 : i32
        %dma_start3A_819 = tpu.memref_slice %arg3[%add3A_430, %dma_start3A_818] : memref<25000x128xi32, #tpu.memory_space<hbm>> -> memref<4x128xi32, #tpu.memory_space<hbm>>
        %dma_start3A_820 = arith.constant 0 : i32
        %dma_start3A_821 = tpu.memref_slice %arg3[%add3A_430, %dma_start3A_820] : memref<25000x128xi32, #tpu.memory_space<hbm>> -> memref<4x128xi32, #tpu.memory_space<hbm>>
        tpu.enqueue_dma source(%dma_start3A_821 : memref<4x128xi32, #tpu.memory_space<hbm>>) target(%arg15 : memref<4x128xi32, #tpu.memory_space<vmem>>) target_semaphore(%arg25 : memref<!tpu.dma_semaphore, #tpu.memory_space<semaphore_mem>>)
        %dma_start3A_822 = arith.constant 0 : i32
        %dma_start3A_823 = tpu.memref_slice %arg4[%add3A_430, %dma_start3A_822] : memref<25000x128xi32, #tpu.memory_space<hbm>> -> memref<4x128xi32, #tpu.memory_space<hbm>>
        %dma_start3A_824 = arith.constant 0 : i32
        %dma_start3A_825 = tpu.memref_slice %arg4[%add3A_430, %dma_start3A_824] : memref<25000x128xi32, #tpu.memory_space<hbm>> -> memref<4x128xi32, #tpu.memory_space<hbm>>
        tpu.enqueue_dma source(%dma_start3A_825 : memref<4x128xi32, #tpu.memory_space<hbm>>) target(%arg19 : memref<4x128xi32, #tpu.memory_space<vmem>>) target_semaphore(%arg25 : memref<!tpu.dma_semaphore, #tpu.memory_space<semaphore_mem>>)
      } else {
      }
      %ge3A_436 = arith.constant 25000 : i32
      %ge3A_437 = arith.cmpi sge, %add3A_430, %ge3A_436 : i32
      %convert_element_type3A_438 = arith.extui %ge3A_437 : i1 to i32
      %cond3A_439 = arith.constant 0 : i32
      %cond3A_440 = arith.cmpi ne, %convert_element_type3A_438, %cond3A_439 : i32
      scf.if %cond3A_440 {
        %sub3A = arith.constant 25000 : i32
        %sub3A_818 = arith.subi %add3A_430, %sub3A : i32
        %dma_start3A_819 = arith.constant 0 : i32
        %dma_start3A_820 = tpu.memref_slice %arg5[%sub3A_818, %dma_start3A_819] : memref<600x128xi32, #tpu.memory_space<hbm>> -> memref<4x128xi32, #tpu.memory_space<hbm>>
        %dma_start3A_821 = arith.constant 0 : i32
        %dma_start3A_822 = tpu.memref_slice %arg5[%sub3A_818, %dma_start3A_821] : memref<600x128xi32, #tpu.memory_space<hbm>> -> memref<4x128xi32, #tpu.memory_space<hbm>>
        tpu.enqueue_dma source(%dma_start3A_822 : memref<4x128xi32, #tpu.memory_space<hbm>>) target(%arg15 : memref<4x128xi32, #tpu.memory_space<vmem>>) target_semaphore(%arg25 : memref<!tpu.dma_semaphore, #tpu.memory_space<semaphore_mem>>)
        %dma_start3A_823 = arith.constant 0 : i32
        %dma_start3A_824 = tpu.memref_slice %arg6[%sub3A_818, %dma_start3A_823] : memref<600x128xi32, #tpu.memory_space<hbm>> -> memref<4x128xi32, #tpu.memory_space<hbm>>
        %dma_start3A_825 = arith.constant 0 : i32
        %dma_start3A_826 = tpu.memref_slice %arg6[%sub3A_818, %dma_start3A_825] : memref<600x128xi32, #tpu.memory_space<hbm>> -> memref<4x128xi32, #tpu.memory_space<hbm>>
        tpu.enqueue_dma source(%dma_start3A_826 : memref<4x128xi32, #tpu.memory_space<hbm>>) target(%arg19 : memref<4x128xi32, #tpu.memory_space<vmem>>) target_semaphore(%arg25 : memref<!tpu.dma_semaphore, #tpu.memory_space<semaphore_mem>>)
      } else {
      }
      %dma_wait3A_441 = arith.constant 0 : i32
      %dma_wait3A_442 = arith.constant 0 : i32
      %dma_wait3A_443 = tpu.memref_slice %arg11[%dma_wait3A_441, %dma_wait3A_442] : memref<100352x16xf32, #tpu.memory_space<vmem_shared>> -> memref<512x16xf32, #tpu.memory_space<vmem_shared>>
      %dma_wait3A_444 = arith.constant 0 : i32
      %dma_wait3A_445 = arith.constant 0 : i32
      %dma_wait3A_446 = tpu.memref_slice %arg11[%dma_wait3A_444, %dma_wait3A_445] : memref<100352x16xf32, #tpu.memory_space<vmem_shared>> -> memref<512x16xf32, #tpu.memory_space<vmem_shared>>
      tpu.wait_dma2 semaphore(%arg28 : memref<!tpu.dma_semaphore, #tpu.memory_space<semaphore_mem>>) src(%arg20 : memref<512x16xf32, #tpu.memory_space<vmem>>) dst(%dma_wait3A_446 : memref<512x16xf32, #tpu.memory_space<vmem_shared>>)
      %dma_wait3A_447 = arith.constant 0 : i32
      %dma_wait3A_448 = tpu.memref_slice %arg30[%dma_wait3A_447] : memref<100352xf32, #tpu.memory_space<vmem_shared>> -> memref<512xf32, #tpu.memory_space<vmem_shared>>
      %dma_wait3A_449 = arith.constant 0 : i32
      %dma_wait3A_450 = tpu.memref_slice %arg30[%dma_wait3A_449] : memref<100352xf32, #tpu.memory_space<vmem_shared>> -> memref<512xf32, #tpu.memory_space<vmem_shared>>
      tpu.wait_dma2 semaphore(%arg32 : memref<!tpu.dma_semaphore, #tpu.memory_space<semaphore_mem>>) src(%arg31 : memref<512xf32, #tpu.memory_space<vmem>>) dst(%dma_wait3A_450 : memref<512xf32, #tpu.memory_space<vmem_shared>>)
      %dma_start3A_451 = arith.constant 0 : i32
      %dma_start3A_452 = arith.constant 0 : i32
      %dma_start3A_453 = arith.constant 0 : i32
      %dma_start3A_454 = tpu.memref_slice %arg21[%dma_start3A_452, %dma_start3A_453] : memref<512x16xf32, #tpu.memory_space<vmem>> -> memref<128x16xf32, #tpu.memory_space<vmem>>
      %dma_start3A_455 = arith.constant 0 : i32
      %dma_start3A_456 = tpu.memref_slice %arg17[%dma_start3A_451, %dma_start3A_455] : memref<4x128xi32, #tpu.memory_space<vmem>> -> memref<1x128xi32, #tpu.memory_space<vmem>>
      %dma_start3A_457 = tpu.memref_squeeze %dma_start3A_456 : memref<1x128xi32, #tpu.memory_space<vmem>> -> memref<128xi32, #tpu.memory_space<vmem>>
      %dma_start3A_458 = arith.constant 0 : i32
      %dma_start3A_459 = arith.constant 0 : i32
      %dma_start3A_460 = tpu.memref_slice %arg11[%dma_start3A_458, %dma_start3A_459] : memref<100352x16xf32, #tpu.memory_space<vmem_shared>> -> memref<100352x16xf32, #tpu.memory_space<vmem_shared>>
      tpu.enqueue_indirect_dma source(%dma_start3A_454 : memref<128x16xf32, #tpu.memory_space<vmem>>) target(%dma_start3A_460 : memref<100352x16xf32, #tpu.memory_space<vmem_shared>>) offsets(%dma_start3A_457 : memref<128xi32, #tpu.memory_space<vmem>>) semaphore(%arg29 : memref<!tpu.dma_semaphore, #tpu.memory_space<semaphore_mem>>) {add = true}
      %dma_start3A_461 = arith.constant 1 : i32
      %dma_start3A_462 = arith.constant 128 : i32
      %dma_start3A_463 = arith.constant 0 : i32
      %dma_start3A_464 = tpu.memref_slice %arg21[%dma_start3A_462, %dma_start3A_463] : memref<512x16xf32, #tpu.memory_space<vmem>> -> memref<128x16xf32, #tpu.memory_space<vmem>>
      %dma_start3A_465 = arith.constant 0 : i32
      %dma_start3A_466 = tpu.memref_slice %arg17[%dma_start3A_461, %dma_start3A_465] : memref<4x128xi32, #tpu.memory_space<vmem>> -> memref<1x128xi32, #tpu.memory_space<vmem>>
      %dma_start3A_467 = tpu.memref_squeeze %dma_start3A_466 : memref<1x128xi32, #tpu.memory_space<vmem>> -> memref<128xi32, #tpu.memory_space<vmem>>
      %dma_start3A_468 = arith.constant 0 : i32
      %dma_start3A_469 = arith.constant 0 : i32
      %dma_start3A_470 = tpu.memref_slice %arg11[%dma_start3A_468, %dma_start3A_469] : memref<100352x16xf32, #tpu.memory_space<vmem_shared>> -> memref<100352x16xf32, #tpu.memory_space<vmem_shared>>
      tpu.enqueue_indirect_dma source(%dma_start3A_464 : memref<128x16xf32, #tpu.memory_space<vmem>>) target(%dma_start3A_470 : memref<100352x16xf32, #tpu.memory_space<vmem_shared>>) offsets(%dma_start3A_467 : memref<128xi32, #tpu.memory_space<vmem>>) semaphore(%arg29 : memref<!tpu.dma_semaphore, #tpu.memory_space<semaphore_mem>>) {add = true}
      %dma_start3A_471 = arith.constant 2 : i32
      %dma_start3A_472 = arith.constant 256 : i32
      %dma_start3A_473 = arith.constant 0 : i32
      %dma_start3A_474 = tpu.memref_slice %arg21[%dma_start3A_472, %dma_start3A_473] : memref<512x16xf32, #tpu.memory_space<vmem>> -> memref<128x16xf32, #tpu.memory_space<vmem>>
      %dma_start3A_475 = arith.constant 0 : i32
      %dma_start3A_476 = tpu.memref_slice %arg17[%dma_start3A_471, %dma_start3A_475] : memref<4x128xi32, #tpu.memory_space<vmem>> -> memref<1x128xi32, #tpu.memory_space<vmem>>
      %dma_start3A_477 = tpu.memref_squeeze %dma_start3A_476 : memref<1x128xi32, #tpu.memory_space<vmem>> -> memref<128xi32, #tpu.memory_space<vmem>>
      %dma_start3A_478 = arith.constant 0 : i32
      %dma_start3A_479 = arith.constant 0 : i32
      %dma_start3A_480 = tpu.memref_slice %arg11[%dma_start3A_478, %dma_start3A_479] : memref<100352x16xf32, #tpu.memory_space<vmem_shared>> -> memref<100352x16xf32, #tpu.memory_space<vmem_shared>>
      tpu.enqueue_indirect_dma source(%dma_start3A_474 : memref<128x16xf32, #tpu.memory_space<vmem>>) target(%dma_start3A_480 : memref<100352x16xf32, #tpu.memory_space<vmem_shared>>) offsets(%dma_start3A_477 : memref<128xi32, #tpu.memory_space<vmem>>) semaphore(%arg29 : memref<!tpu.dma_semaphore, #tpu.memory_space<semaphore_mem>>) {add = true}
      %dma_start3A_481 = arith.constant 3 : i32
      %dma_start3A_482 = arith.constant 384 : i32
      %dma_start3A_483 = arith.constant 0 : i32
      %dma_start3A_484 = tpu.memref_slice %arg21[%dma_start3A_482, %dma_start3A_483] : memref<512x16xf32, #tpu.memory_space<vmem>> -> memref<128x16xf32, #tpu.memory_space<vmem>>
      %dma_start3A_485 = arith.constant 0 : i32
      %dma_start3A_486 = tpu.memref_slice %arg17[%dma_start3A_481, %dma_start3A_485] : memref<4x128xi32, #tpu.memory_space<vmem>> -> memref<1x128xi32, #tpu.memory_space<vmem>>
      %dma_start3A_487 = tpu.memref_squeeze %dma_start3A_486 : memref<1x128xi32, #tpu.memory_space<vmem>> -> memref<128xi32, #tpu.memory_space<vmem>>
      %dma_start3A_488 = arith.constant 0 : i32
      %dma_start3A_489 = arith.constant 0 : i32
      %dma_start3A_490 = tpu.memref_slice %arg11[%dma_start3A_488, %dma_start3A_489] : memref<100352x16xf32, #tpu.memory_space<vmem_shared>> -> memref<100352x16xf32, #tpu.memory_space<vmem_shared>>
      tpu.enqueue_indirect_dma source(%dma_start3A_484 : memref<128x16xf32, #tpu.memory_space<vmem>>) target(%dma_start3A_490 : memref<100352x16xf32, #tpu.memory_space<vmem_shared>>) offsets(%dma_start3A_487 : memref<128xi32, #tpu.memory_space<vmem>>) semaphore(%arg29 : memref<!tpu.dma_semaphore, #tpu.memory_space<semaphore_mem>>) {add = true}
      %dma_start3A_491 = arith.constant 0 : i32
      %dma_start3A_492 = arith.constant 0 : i32
      %dma_start3A_493 = tpu.memref_slice %arg31[%dma_start3A_492] : memref<512xf32, #tpu.memory_space<vmem>> -> memref<128xf32, #tpu.memory_space<vmem>>
      %dma_start3A_494 = arith.constant 0 : i32
      %dma_start3A_495 = tpu.memref_slice %arg17[%dma_start3A_491, %dma_start3A_494] : memref<4x128xi32, #tpu.memory_space<vmem>> -> memref<1x128xi32, #tpu.memory_space<vmem>>
      %dma_start3A_496 = tpu.memref_squeeze %dma_start3A_495 : memref<1x128xi32, #tpu.memory_space<vmem>> -> memref<128xi32, #tpu.memory_space<vmem>>
      %dma_start3A_497 = arith.constant 0 : i32
      %dma_start3A_498 = tpu.memref_slice %arg30[%dma_start3A_497] : memref<100352xf32, #tpu.memory_space<vmem_shared>> -> memref<100352xf32, #tpu.memory_space<vmem_shared>>
      tpu.enqueue_indirect_dma source(%dma_start3A_493 : memref<128xf32, #tpu.memory_space<vmem>>) target(%dma_start3A_498 : memref<100352xf32, #tpu.memory_space<vmem_shared>>) offsets(%dma_start3A_496 : memref<128xi32, #tpu.memory_space<vmem>>) semaphore(%arg33 : memref<!tpu.dma_semaphore, #tpu.memory_space<semaphore_mem>>) {add = true}
      %dma_start3A_499 = arith.constant 1 : i32
      %dma_start3A_500 = arith.constant 128 : i32
      %dma_start3A_501 = tpu.memref_slice %arg31[%dma_start3A_500] : memref<512xf32, #tpu.memory_space<vmem>> -> memref<128xf32, #tpu.memory_space<vmem>>
      %dma_start3A_502 = arith.constant 0 : i32
      %dma_start3A_503 = tpu.memref_slice %arg17[%dma_start3A_499, %dma_start3A_502] : memref<4x128xi32, #tpu.memory_space<vmem>> -> memref<1x128xi32, #tpu.memory_space<vmem>>
      %dma_start3A_504 = tpu.memref_squeeze %dma_start3A_503 : memref<1x128xi32, #tpu.memory_space<vmem>> -> memref<128xi32, #tpu.memory_space<vmem>>
      %dma_start3A_505 = arith.constant 0 : i32
      %dma_start3A_506 = tpu.memref_slice %arg30[%dma_start3A_505] : memref<100352xf32, #tpu.memory_space<vmem_shared>> -> memref<100352xf32, #tpu.memory_space<vmem_shared>>
      tpu.enqueue_indirect_dma source(%dma_start3A_501 : memref<128xf32, #tpu.memory_space<vmem>>) target(%dma_start3A_506 : memref<100352xf32, #tpu.memory_space<vmem_shared>>) offsets(%dma_start3A_504 : memref<128xi32, #tpu.memory_space<vmem>>) semaphore(%arg33 : memref<!tpu.dma_semaphore, #tpu.memory_space<semaphore_mem>>) {add = true}
      %dma_start3A_507 = arith.constant 2 : i32
      %dma_start3A_508 = arith.constant 256 : i32
      %dma_start3A_509 = tpu.memref_slice %arg31[%dma_start3A_508] : memref<512xf32, #tpu.memory_space<vmem>> -> memref<128xf32, #tpu.memory_space<vmem>>
      %dma_start3A_510 = arith.constant 0 : i32
      %dma_start3A_511 = tpu.memref_slice %arg17[%dma_start3A_507, %dma_start3A_510] : memref<4x128xi32, #tpu.memory_space<vmem>> -> memref<1x128xi32, #tpu.memory_space<vmem>>
      %dma_start3A_512 = tpu.memref_squeeze %dma_start3A_511 : memref<1x128xi32, #tpu.memory_space<vmem>> -> memref<128xi32, #tpu.memory_space<vmem>>
      %dma_start3A_513 = arith.constant 0 : i32
      %dma_start3A_514 = tpu.memref_slice %arg30[%dma_start3A_513] : memref<100352xf32, #tpu.memory_space<vmem_shared>> -> memref<100352xf32, #tpu.memory_space<vmem_shared>>
      tpu.enqueue_indirect_dma source(%dma_start3A_509 : memref<128xf32, #tpu.memory_space<vmem>>) target(%dma_start3A_514 : memref<100352xf32, #tpu.memory_space<vmem_shared>>) offsets(%dma_start3A_512 : memref<128xi32, #tpu.memory_space<vmem>>) semaphore(%arg33 : memref<!tpu.dma_semaphore, #tpu.memory_space<semaphore_mem>>) {add = true}
      %dma_start3A_515 = arith.constant 3 : i32
      %dma_start3A_516 = arith.constant 384 : i32
      %dma_start3A_517 = tpu.memref_slice %arg31[%dma_start3A_516] : memref<512xf32, #tpu.memory_space<vmem>> -> memref<128xf32, #tpu.memory_space<vmem>>
      %dma_start3A_518 = arith.constant 0 : i32
      %dma_start3A_519 = tpu.memref_slice %arg17[%dma_start3A_515, %dma_start3A_518] : memref<4x128xi32, #tpu.memory_space<vmem>> -> memref<1x128xi32, #tpu.memory_space<vmem>>
      %dma_start3A_520 = tpu.memref_squeeze %dma_start3A_519 : memref<1x128xi32, #tpu.memory_space<vmem>> -> memref<128xi32, #tpu.memory_space<vmem>>
      %dma_start3A_521 = arith.constant 0 : i32
      %dma_start3A_522 = tpu.memref_slice %arg30[%dma_start3A_521] : memref<100352xf32, #tpu.memory_space<vmem_shared>> -> memref<100352xf32, #tpu.memory_space<vmem_shared>>
      tpu.enqueue_indirect_dma source(%dma_start3A_517 : memref<128xf32, #tpu.memory_space<vmem>>) target(%dma_start3A_522 : memref<100352xf32, #tpu.memory_space<vmem_shared>>) offsets(%dma_start3A_520 : memref<128xi32, #tpu.memory_space<vmem>>) semaphore(%arg33 : memref<!tpu.dma_semaphore, #tpu.memory_space<semaphore_mem>>) {add = true}
      %dma_wait3A_523 = arith.constant 0 : i32
      %dma_wait3A_524 = arith.constant 0 : i32
      %dma_wait3A_525 = tpu.memref_slice %arg3[%dma_wait3A_523, %dma_wait3A_524] : memref<25000x128xi32, #tpu.memory_space<hbm>> -> memref<4x128xi32, #tpu.memory_space<hbm>>
      %dma_wait3A_526 = arith.constant 0 : i32
      %dma_wait3A_527 = arith.constant 0 : i32
      %dma_wait3A_528 = tpu.memref_slice %arg3[%dma_wait3A_526, %dma_wait3A_527] : memref<25000x128xi32, #tpu.memory_space<hbm>> -> memref<4x128xi32, #tpu.memory_space<hbm>>
      tpu.wait_dma2 semaphore(%arg24 : memref<!tpu.dma_semaphore, #tpu.memory_space<semaphore_mem>>) src(%dma_wait3A_528 : memref<4x128xi32, #tpu.memory_space<hbm>>) dst(%arg14 : memref<4x128xi32, #tpu.memory_space<vmem>>)
      %dma_wait3A_529 = arith.constant 0 : i32
      %dma_wait3A_530 = arith.constant 0 : i32
      %dma_wait3A_531 = tpu.memref_slice %arg4[%dma_wait3A_529, %dma_wait3A_530] : memref<25000x128xi32, #tpu.memory_space<hbm>> -> memref<4x128xi32, #tpu.memory_space<hbm>>
      %dma_wait3A_532 = arith.constant 0 : i32
      %dma_wait3A_533 = arith.constant 0 : i32
      %dma_wait3A_534 = tpu.memref_slice %arg4[%dma_wait3A_532, %dma_wait3A_533] : memref<25000x128xi32, #tpu.memory_space<hbm>> -> memref<4x128xi32, #tpu.memory_space<hbm>>
      tpu.wait_dma2 semaphore(%arg24 : memref<!tpu.dma_semaphore, #tpu.memory_space<semaphore_mem>>) src(%dma_wait3A_534 : memref<4x128xi32, #tpu.memory_space<hbm>>) dst(%arg18 : memref<4x128xi32, #tpu.memory_space<vmem>>)
      %dma_start3A_535 = arith.constant 0 : i32
      %dma_start3A_536 = arith.constant 0 : i32
      %dma_start3A_537 = arith.constant 0 : i32
      %dma_start3A_538 = tpu.memref_slice %arg20[%dma_start3A_536, %dma_start3A_537] : memref<512x16xf32, #tpu.memory_space<vmem>> -> memref<128x16xf32, #tpu.memory_space<vmem>>
      %dma_start3A_539 = arith.constant 0 : i32
      %dma_start3A_540 = tpu.memref_slice %arg14[%dma_start3A_535, %dma_start3A_539] : memref<4x128xi32, #tpu.memory_space<vmem>> -> memref<1x128xi32, #tpu.memory_space<vmem>>
      %dma_start3A_541 = tpu.memref_squeeze %dma_start3A_540 : memref<1x128xi32, #tpu.memory_space<vmem>> -> memref<128xi32, #tpu.memory_space<vmem>>
      %dma_start3A_542 = arith.constant 0 : i32
      %dma_start3A_543 = arith.constant 0 : i32
      %dma_start3A_544 = tpu.memref_slice %arg2[%dma_start3A_542, %dma_start3A_543] : memref<100000x16xf32, #tpu.memory_space<hbm>> -> memref<100000x16xf32, #tpu.memory_space<hbm>>
      tpu.enqueue_indirect_dma source(%dma_start3A_544 : memref<100000x16xf32, #tpu.memory_space<hbm>>) target(%dma_start3A_538 : memref<128x16xf32, #tpu.memory_space<vmem>>) offsets(%dma_start3A_541 : memref<128xi32, #tpu.memory_space<vmem>>) semaphore(%arg26 : memref<!tpu.dma_semaphore, #tpu.memory_space<semaphore_mem>>)
      %dma_start3A_545 = arith.constant 1 : i32
      %dma_start3A_546 = arith.constant 128 : i32
      %dma_start3A_547 = arith.constant 0 : i32
      %dma_start3A_548 = tpu.memref_slice %arg20[%dma_start3A_546, %dma_start3A_547] : memref<512x16xf32, #tpu.memory_space<vmem>> -> memref<128x16xf32, #tpu.memory_space<vmem>>
      %dma_start3A_549 = arith.constant 0 : i32
      %dma_start3A_550 = tpu.memref_slice %arg14[%dma_start3A_545, %dma_start3A_549] : memref<4x128xi32, #tpu.memory_space<vmem>> -> memref<1x128xi32, #tpu.memory_space<vmem>>
      %dma_start3A_551 = tpu.memref_squeeze %dma_start3A_550 : memref<1x128xi32, #tpu.memory_space<vmem>> -> memref<128xi32, #tpu.memory_space<vmem>>
      %dma_start3A_552 = arith.constant 0 : i32
      %dma_start3A_553 = arith.constant 0 : i32
      %dma_start3A_554 = tpu.memref_slice %arg2[%dma_start3A_552, %dma_start3A_553] : memref<100000x16xf32, #tpu.memory_space<hbm>> -> memref<100000x16xf32, #tpu.memory_space<hbm>>
      tpu.enqueue_indirect_dma source(%dma_start3A_554 : memref<100000x16xf32, #tpu.memory_space<hbm>>) target(%dma_start3A_548 : memref<128x16xf32, #tpu.memory_space<vmem>>) offsets(%dma_start3A_551 : memref<128xi32, #tpu.memory_space<vmem>>) semaphore(%arg26 : memref<!tpu.dma_semaphore, #tpu.memory_space<semaphore_mem>>)
      %dma_start3A_555 = arith.constant 2 : i32
      %dma_start3A_556 = arith.constant 256 : i32
      %dma_start3A_557 = arith.constant 0 : i32
      %dma_start3A_558 = tpu.memref_slice %arg20[%dma_start3A_556, %dma_start3A_557] : memref<512x16xf32, #tpu.memory_space<vmem>> -> memref<128x16xf32, #tpu.memory_space<vmem>>
      %dma_start3A_559 = arith.constant 0 : i32
      %dma_start3A_560 = tpu.memref_slice %arg14[%dma_start3A_555, %dma_start3A_559] : memref<4x128xi32, #tpu.memory_space<vmem>> -> memref<1x128xi32, #tpu.memory_space<vmem>>
      %dma_start3A_561 = tpu.memref_squeeze %dma_start3A_560 : memref<1x128xi32, #tpu.memory_space<vmem>> -> memref<128xi32, #tpu.memory_space<vmem>>
      %dma_start3A_562 = arith.constant 0 : i32
      %dma_start3A_563 = arith.constant 0 : i32
      %dma_start3A_564 = tpu.memref_slice %arg2[%dma_start3A_562, %dma_start3A_563] : memref<100000x16xf32, #tpu.memory_space<hbm>> -> memref<100000x16xf32, #tpu.memory_space<hbm>>
      tpu.enqueue_indirect_dma source(%dma_start3A_564 : memref<100000x16xf32, #tpu.memory_space<hbm>>) target(%dma_start3A_558 : memref<128x16xf32, #tpu.memory_space<vmem>>) offsets(%dma_start3A_561 : memref<128xi32, #tpu.memory_space<vmem>>) semaphore(%arg26 : memref<!tpu.dma_semaphore, #tpu.memory_space<semaphore_mem>>)
      %dma_start3A_565 = arith.constant 3 : i32
      %dma_start3A_566 = arith.constant 384 : i32
      %dma_start3A_567 = arith.constant 0 : i32
      %dma_start3A_568 = tpu.memref_slice %arg20[%dma_start3A_566, %dma_start3A_567] : memref<512x16xf32, #tpu.memory_space<vmem>> -> memref<128x16xf32, #tpu.memory_space<vmem>>
      %dma_start3A_569 = arith.constant 0 : i32
      %dma_start3A_570 = tpu.memref_slice %arg14[%dma_start3A_565, %dma_start3A_569] : memref<4x128xi32, #tpu.memory_space<vmem>> -> memref<1x128xi32, #tpu.memory_space<vmem>>
      %dma_start3A_571 = tpu.memref_squeeze %dma_start3A_570 : memref<1x128xi32, #tpu.memory_space<vmem>> -> memref<128xi32, #tpu.memory_space<vmem>>
      %dma_start3A_572 = arith.constant 0 : i32
      %dma_start3A_573 = arith.constant 0 : i32
      %dma_start3A_574 = tpu.memref_slice %arg2[%dma_start3A_572, %dma_start3A_573] : memref<100000x16xf32, #tpu.memory_space<hbm>> -> memref<100000x16xf32, #tpu.memory_space<hbm>>
      tpu.enqueue_indirect_dma source(%dma_start3A_574 : memref<100000x16xf32, #tpu.memory_space<hbm>>) target(%dma_start3A_568 : memref<128x16xf32, #tpu.memory_space<vmem>>) offsets(%dma_start3A_571 : memref<128xi32, #tpu.memory_space<vmem>>) semaphore(%arg26 : memref<!tpu.dma_semaphore, #tpu.memory_space<semaphore_mem>>)
      %dma_wait3A_575 = arith.constant 0 : i32
      %dma_wait3A_576 = arith.constant 0 : i32
      %dma_wait3A_577 = tpu.memref_slice %arg2[%dma_wait3A_575, %dma_wait3A_576] : memref<100000x16xf32, #tpu.memory_space<hbm>> -> memref<512x16xf32, #tpu.memory_space<hbm>>
      %dma_wait3A_578 = arith.constant 0 : i32
      %dma_wait3A_579 = arith.constant 0 : i32
      %dma_wait3A_580 = tpu.memref_slice %arg2[%dma_wait3A_578, %dma_wait3A_579] : memref<100000x16xf32, #tpu.memory_space<hbm>> -> memref<512x16xf32, #tpu.memory_space<hbm>>
      tpu.wait_dma2 semaphore(%arg26 : memref<!tpu.dma_semaphore, #tpu.memory_space<semaphore_mem>>) src(%dma_wait3A_580 : memref<512x16xf32, #tpu.memory_space<hbm>>) dst(%arg20 : memref<512x16xf32, #tpu.memory_space<vmem>>)
      %lt3A_581 = arith.constant 49 : i32
      %lt3A_582 = arith.cmpi slt, %scan3A_275, %lt3A_581 : i32
      %convert_element_type3A_583 = arith.extui %lt3A_582 : i1 to i32
      %cond3A_584 = arith.constant 0 : i32
      %cond3A_585 = arith.cmpi ne, %convert_element_type3A_583, %cond3A_584 : i32
      scf.if %cond3A_585 {
        %add3A_818 = arith.constant 16 : i32
        %add3A_819 = arith.addi %add3A_280, %add3A_818 : i32
        %lt3A_820 = arith.constant 25000 : i32
        %lt3A_821 = arith.cmpi slt, %add3A_819, %lt3A_820 : i32
        %convert_element_type3A_822 = arith.extui %lt3A_821 : i1 to i32
        %cond3A_823 = arith.constant 0 : i32
        %cond3A_824 = arith.cmpi ne, %convert_element_type3A_822, %cond3A_823 : i32
        scf.if %cond3A_824 {
          %dma_start3A_830 = arith.constant 0 : i32
          %dma_start3A_831 = tpu.memref_slice %arg3[%add3A_819, %dma_start3A_830] : memref<25000x128xi32, #tpu.memory_space<hbm>> -> memref<4x128xi32, #tpu.memory_space<hbm>>
          %dma_start3A_832 = arith.constant 0 : i32
          %dma_start3A_833 = tpu.memref_slice %arg3[%add3A_819, %dma_start3A_832] : memref<25000x128xi32, #tpu.memory_space<hbm>> -> memref<4x128xi32, #tpu.memory_space<hbm>>
          tpu.enqueue_dma source(%dma_start3A_833 : memref<4x128xi32, #tpu.memory_space<hbm>>) target(%arg12 : memref<4x128xi32, #tpu.memory_space<vmem>>) target_semaphore(%arg22 : memref<!tpu.dma_semaphore, #tpu.memory_space<semaphore_mem>>)
          %dma_start3A_834 = arith.constant 0 : i32
          %dma_start3A_835 = tpu.memref_slice %arg4[%add3A_819, %dma_start3A_834] : memref<25000x128xi32, #tpu.memory_space<hbm>> -> memref<4x128xi32, #tpu.memory_space<hbm>>
          %dma_start3A_836 = arith.constant 0 : i32
          %dma_start3A_837 = tpu.memref_slice %arg4[%add3A_819, %dma_start3A_836] : memref<25000x128xi32, #tpu.memory_space<hbm>> -> memref<4x128xi32, #tpu.memory_space<hbm>>
          tpu.enqueue_dma source(%dma_start3A_837 : memref<4x128xi32, #tpu.memory_space<hbm>>) target(%arg16 : memref<4x128xi32, #tpu.memory_space<vmem>>) target_semaphore(%arg22 : memref<!tpu.dma_semaphore, #tpu.memory_space<semaphore_mem>>)
        } else {
        }
        %ge3A_825 = arith.constant 25000 : i32
        %ge3A_826 = arith.cmpi sge, %add3A_819, %ge3A_825 : i32
        %convert_element_type3A_827 = arith.extui %ge3A_826 : i1 to i32
        %cond3A_828 = arith.constant 0 : i32
        %cond3A_829 = arith.cmpi ne, %convert_element_type3A_827, %cond3A_828 : i32
        scf.if %cond3A_829 {
          %sub3A = arith.constant 25000 : i32
          %sub3A_830 = arith.subi %add3A_819, %sub3A : i32
          %dma_start3A_831 = arith.constant 0 : i32
          %dma_start3A_832 = tpu.memref_slice %arg5[%sub3A_830, %dma_start3A_831] : memref<600x128xi32, #tpu.memory_space<hbm>> -> memref<4x128xi32, #tpu.memory_space<hbm>>
          %dma_start3A_833 = arith.constant 0 : i32
          %dma_start3A_834 = tpu.memref_slice %arg5[%sub3A_830, %dma_start3A_833] : memref<600x128xi32, #tpu.memory_space<hbm>> -> memref<4x128xi32, #tpu.memory_space<hbm>>
          tpu.enqueue_dma source(%dma_start3A_834 : memref<4x128xi32, #tpu.memory_space<hbm>>) target(%arg12 : memref<4x128xi32, #tpu.memory_space<vmem>>) target_semaphore(%arg22 : memref<!tpu.dma_semaphore, #tpu.memory_space<semaphore_mem>>)
          %dma_start3A_835 = arith.constant 0 : i32
          %dma_start3A_836 = tpu.memref_slice %arg6[%sub3A_830, %dma_start3A_835] : memref<600x128xi32, #tpu.memory_space<hbm>> -> memref<4x128xi32, #tpu.memory_space<hbm>>
          %dma_start3A_837 = arith.constant 0 : i32
          %dma_start3A_838 = tpu.memref_slice %arg6[%sub3A_830, %dma_start3A_837] : memref<600x128xi32, #tpu.memory_space<hbm>> -> memref<4x128xi32, #tpu.memory_space<hbm>>
          tpu.enqueue_dma source(%dma_start3A_838 : memref<4x128xi32, #tpu.memory_space<hbm>>) target(%arg16 : memref<4x128xi32, #tpu.memory_space<vmem>>) target_semaphore(%arg22 : memref<!tpu.dma_semaphore, #tpu.memory_space<semaphore_mem>>)
        } else {
        }
      } else {
      }
      %dma_wait3A_586 = arith.constant 0 : i32
      %dma_wait3A_587 = arith.constant 0 : i32
      %dma_wait3A_588 = tpu.memref_slice %arg11[%dma_wait3A_586, %dma_wait3A_587] : memref<100352x16xf32, #tpu.memory_space<vmem_shared>> -> memref<512x16xf32, #tpu.memory_space<vmem_shared>>
      %dma_wait3A_589 = arith.constant 0 : i32
      %dma_wait3A_590 = arith.constant 0 : i32
      %dma_wait3A_591 = tpu.memref_slice %arg11[%dma_wait3A_589, %dma_wait3A_590] : memref<100352x16xf32, #tpu.memory_space<vmem_shared>> -> memref<512x16xf32, #tpu.memory_space<vmem_shared>>
      tpu.wait_dma2 semaphore(%arg29 : memref<!tpu.dma_semaphore, #tpu.memory_space<semaphore_mem>>) src(%arg21 : memref<512x16xf32, #tpu.memory_space<vmem>>) dst(%dma_wait3A_591 : memref<512x16xf32, #tpu.memory_space<vmem_shared>>)
      %dma_wait3A_592 = arith.constant 0 : i32
      %dma_wait3A_593 = tpu.memref_slice %arg30[%dma_wait3A_592] : memref<100352xf32, #tpu.memory_space<vmem_shared>> -> memref<512xf32, #tpu.memory_space<vmem_shared>>
      %dma_wait3A_594 = arith.constant 0 : i32
      %dma_wait3A_595 = tpu.memref_slice %arg30[%dma_wait3A_594] : memref<100352xf32, #tpu.memory_space<vmem_shared>> -> memref<512xf32, #tpu.memory_space<vmem_shared>>
      tpu.wait_dma2 semaphore(%arg33 : memref<!tpu.dma_semaphore, #tpu.memory_space<semaphore_mem>>) src(%arg31 : memref<512xf32, #tpu.memory_space<vmem>>) dst(%dma_wait3A_595 : memref<512xf32, #tpu.memory_space<vmem_shared>>)
      %dma_start3A_596 = arith.constant 0 : i32
      %dma_start3A_597 = arith.constant 0 : i32
      %dma_start3A_598 = arith.constant 0 : i32
      %dma_start3A_599 = tpu.memref_slice %arg20[%dma_start3A_597, %dma_start3A_598] : memref<512x16xf32, #tpu.memory_space<vmem>> -> memref<128x16xf32, #tpu.memory_space<vmem>>
      %dma_start3A_600 = arith.constant 0 : i32
      %dma_start3A_601 = tpu.memref_slice %arg18[%dma_start3A_596, %dma_start3A_600] : memref<4x128xi32, #tpu.memory_space<vmem>> -> memref<1x128xi32, #tpu.memory_space<vmem>>
      %dma_start3A_602 = tpu.memref_squeeze %dma_start3A_601 : memref<1x128xi32, #tpu.memory_space<vmem>> -> memref<128xi32, #tpu.memory_space<vmem>>
      %dma_start3A_603 = arith.constant 0 : i32
      %dma_start3A_604 = arith.constant 0 : i32
      %dma_start3A_605 = tpu.memref_slice %arg11[%dma_start3A_603, %dma_start3A_604] : memref<100352x16xf32, #tpu.memory_space<vmem_shared>> -> memref<100352x16xf32, #tpu.memory_space<vmem_shared>>
      tpu.enqueue_indirect_dma source(%dma_start3A_599 : memref<128x16xf32, #tpu.memory_space<vmem>>) target(%dma_start3A_605 : memref<100352x16xf32, #tpu.memory_space<vmem_shared>>) offsets(%dma_start3A_602 : memref<128xi32, #tpu.memory_space<vmem>>) semaphore(%arg28 : memref<!tpu.dma_semaphore, #tpu.memory_space<semaphore_mem>>) {add = true}
      %dma_start3A_606 = arith.constant 1 : i32
      %dma_start3A_607 = arith.constant 128 : i32
      %dma_start3A_608 = arith.constant 0 : i32
      %dma_start3A_609 = tpu.memref_slice %arg20[%dma_start3A_607, %dma_start3A_608] : memref<512x16xf32, #tpu.memory_space<vmem>> -> memref<128x16xf32, #tpu.memory_space<vmem>>
      %dma_start3A_610 = arith.constant 0 : i32
      %dma_start3A_611 = tpu.memref_slice %arg18[%dma_start3A_606, %dma_start3A_610] : memref<4x128xi32, #tpu.memory_space<vmem>> -> memref<1x128xi32, #tpu.memory_space<vmem>>
      %dma_start3A_612 = tpu.memref_squeeze %dma_start3A_611 : memref<1x128xi32, #tpu.memory_space<vmem>> -> memref<128xi32, #tpu.memory_space<vmem>>
      %dma_start3A_613 = arith.constant 0 : i32
      %dma_start3A_614 = arith.constant 0 : i32
      %dma_start3A_615 = tpu.memref_slice %arg11[%dma_start3A_613, %dma_start3A_614] : memref<100352x16xf32, #tpu.memory_space<vmem_shared>> -> memref<100352x16xf32, #tpu.memory_space<vmem_shared>>
      tpu.enqueue_indirect_dma source(%dma_start3A_609 : memref<128x16xf32, #tpu.memory_space<vmem>>) target(%dma_start3A_615 : memref<100352x16xf32, #tpu.memory_space<vmem_shared>>) offsets(%dma_start3A_612 : memref<128xi32, #tpu.memory_space<vmem>>) semaphore(%arg28 : memref<!tpu.dma_semaphore, #tpu.memory_space<semaphore_mem>>) {add = true}
      %dma_start3A_616 = arith.constant 2 : i32
      %dma_start3A_617 = arith.constant 256 : i32
      %dma_start3A_618 = arith.constant 0 : i32
      %dma_start3A_619 = tpu.memref_slice %arg20[%dma_start3A_617, %dma_start3A_618] : memref<512x16xf32, #tpu.memory_space<vmem>> -> memref<128x16xf32, #tpu.memory_space<vmem>>
      %dma_start3A_620 = arith.constant 0 : i32
      %dma_start3A_621 = tpu.memref_slice %arg18[%dma_start3A_616, %dma_start3A_620] : memref<4x128xi32, #tpu.memory_space<vmem>> -> memref<1x128xi32, #tpu.memory_space<vmem>>
      %dma_start3A_622 = tpu.memref_squeeze %dma_start3A_621 : memref<1x128xi32, #tpu.memory_space<vmem>> -> memref<128xi32, #tpu.memory_space<vmem>>
      %dma_start3A_623 = arith.constant 0 : i32
      %dma_start3A_624 = arith.constant 0 : i32
      %dma_start3A_625 = tpu.memref_slice %arg11[%dma_start3A_623, %dma_start3A_624] : memref<100352x16xf32, #tpu.memory_space<vmem_shared>> -> memref<100352x16xf32, #tpu.memory_space<vmem_shared>>
      tpu.enqueue_indirect_dma source(%dma_start3A_619 : memref<128x16xf32, #tpu.memory_space<vmem>>) target(%dma_start3A_625 : memref<100352x16xf32, #tpu.memory_space<vmem_shared>>) offsets(%dma_start3A_622 : memref<128xi32, #tpu.memory_space<vmem>>) semaphore(%arg28 : memref<!tpu.dma_semaphore, #tpu.memory_space<semaphore_mem>>) {add = true}
      %dma_start3A_626 = arith.constant 3 : i32
      %dma_start3A_627 = arith.constant 384 : i32
      %dma_start3A_628 = arith.constant 0 : i32
      %dma_start3A_629 = tpu.memref_slice %arg20[%dma_start3A_627, %dma_start3A_628] : memref<512x16xf32, #tpu.memory_space<vmem>> -> memref<128x16xf32, #tpu.memory_space<vmem>>
      %dma_start3A_630 = arith.constant 0 : i32
      %dma_start3A_631 = tpu.memref_slice %arg18[%dma_start3A_626, %dma_start3A_630] : memref<4x128xi32, #tpu.memory_space<vmem>> -> memref<1x128xi32, #tpu.memory_space<vmem>>
      %dma_start3A_632 = tpu.memref_squeeze %dma_start3A_631 : memref<1x128xi32, #tpu.memory_space<vmem>> -> memref<128xi32, #tpu.memory_space<vmem>>
      %dma_start3A_633 = arith.constant 0 : i32
      %dma_start3A_634 = arith.constant 0 : i32
      %dma_start3A_635 = tpu.memref_slice %arg11[%dma_start3A_633, %dma_start3A_634] : memref<100352x16xf32, #tpu.memory_space<vmem_shared>> -> memref<100352x16xf32, #tpu.memory_space<vmem_shared>>
      tpu.enqueue_indirect_dma source(%dma_start3A_629 : memref<128x16xf32, #tpu.memory_space<vmem>>) target(%dma_start3A_635 : memref<100352x16xf32, #tpu.memory_space<vmem_shared>>) offsets(%dma_start3A_632 : memref<128xi32, #tpu.memory_space<vmem>>) semaphore(%arg28 : memref<!tpu.dma_semaphore, #tpu.memory_space<semaphore_mem>>) {add = true}
      %dma_start3A_636 = arith.constant 0 : i32
      %dma_start3A_637 = arith.constant 0 : i32
      %dma_start3A_638 = tpu.memref_slice %arg31[%dma_start3A_637] : memref<512xf32, #tpu.memory_space<vmem>> -> memref<128xf32, #tpu.memory_space<vmem>>
      %dma_start3A_639 = arith.constant 0 : i32
      %dma_start3A_640 = tpu.memref_slice %arg18[%dma_start3A_636, %dma_start3A_639] : memref<4x128xi32, #tpu.memory_space<vmem>> -> memref<1x128xi32, #tpu.memory_space<vmem>>
      %dma_start3A_641 = tpu.memref_squeeze %dma_start3A_640 : memref<1x128xi32, #tpu.memory_space<vmem>> -> memref<128xi32, #tpu.memory_space<vmem>>
      %dma_start3A_642 = arith.constant 0 : i32
      %dma_start3A_643 = tpu.memref_slice %arg30[%dma_start3A_642] : memref<100352xf32, #tpu.memory_space<vmem_shared>> -> memref<100352xf32, #tpu.memory_space<vmem_shared>>
      tpu.enqueue_indirect_dma source(%dma_start3A_638 : memref<128xf32, #tpu.memory_space<vmem>>) target(%dma_start3A_643 : memref<100352xf32, #tpu.memory_space<vmem_shared>>) offsets(%dma_start3A_641 : memref<128xi32, #tpu.memory_space<vmem>>) semaphore(%arg32 : memref<!tpu.dma_semaphore, #tpu.memory_space<semaphore_mem>>) {add = true}
      %dma_start3A_644 = arith.constant 1 : i32
      %dma_start3A_645 = arith.constant 128 : i32
      %dma_start3A_646 = tpu.memref_slice %arg31[%dma_start3A_645] : memref<512xf32, #tpu.memory_space<vmem>> -> memref<128xf32, #tpu.memory_space<vmem>>
      %dma_start3A_647 = arith.constant 0 : i32
      %dma_start3A_648 = tpu.memref_slice %arg18[%dma_start3A_644, %dma_start3A_647] : memref<4x128xi32, #tpu.memory_space<vmem>> -> memref<1x128xi32, #tpu.memory_space<vmem>>
      %dma_start3A_649 = tpu.memref_squeeze %dma_start3A_648 : memref<1x128xi32, #tpu.memory_space<vmem>> -> memref<128xi32, #tpu.memory_space<vmem>>
      %dma_start3A_650 = arith.constant 0 : i32
      %dma_start3A_651 = tpu.memref_slice %arg30[%dma_start3A_650] : memref<100352xf32, #tpu.memory_space<vmem_shared>> -> memref<100352xf32, #tpu.memory_space<vmem_shared>>
      tpu.enqueue_indirect_dma source(%dma_start3A_646 : memref<128xf32, #tpu.memory_space<vmem>>) target(%dma_start3A_651 : memref<100352xf32, #tpu.memory_space<vmem_shared>>) offsets(%dma_start3A_649 : memref<128xi32, #tpu.memory_space<vmem>>) semaphore(%arg32 : memref<!tpu.dma_semaphore, #tpu.memory_space<semaphore_mem>>) {add = true}
      %dma_start3A_652 = arith.constant 2 : i32
      %dma_start3A_653 = arith.constant 256 : i32
      %dma_start3A_654 = tpu.memref_slice %arg31[%dma_start3A_653] : memref<512xf32, #tpu.memory_space<vmem>> -> memref<128xf32, #tpu.memory_space<vmem>>
      %dma_start3A_655 = arith.constant 0 : i32
      %dma_start3A_656 = tpu.memref_slice %arg18[%dma_start3A_652, %dma_start3A_655] : memref<4x128xi32, #tpu.memory_space<vmem>> -> memref<1x128xi32, #tpu.memory_space<vmem>>
      %dma_start3A_657 = tpu.memref_squeeze %dma_start3A_656 : memref<1x128xi32, #tpu.memory_space<vmem>> -> memref<128xi32, #tpu.memory_space<vmem>>
      %dma_start3A_658 = arith.constant 0 : i32
      %dma_start3A_659 = tpu.memref_slice %arg30[%dma_start3A_658] : memref<100352xf32, #tpu.memory_space<vmem_shared>> -> memref<100352xf32, #tpu.memory_space<vmem_shared>>
      tpu.enqueue_indirect_dma source(%dma_start3A_654 : memref<128xf32, #tpu.memory_space<vmem>>) target(%dma_start3A_659 : memref<100352xf32, #tpu.memory_space<vmem_shared>>) offsets(%dma_start3A_657 : memref<128xi32, #tpu.memory_space<vmem>>) semaphore(%arg32 : memref<!tpu.dma_semaphore, #tpu.memory_space<semaphore_mem>>) {add = true}
      %dma_start3A_660 = arith.constant 3 : i32
      %dma_start3A_661 = arith.constant 384 : i32
      %dma_start3A_662 = tpu.memref_slice %arg31[%dma_start3A_661] : memref<512xf32, #tpu.memory_space<vmem>> -> memref<128xf32, #tpu.memory_space<vmem>>
      %dma_start3A_663 = arith.constant 0 : i32
      %dma_start3A_664 = tpu.memref_slice %arg18[%dma_start3A_660, %dma_start3A_663] : memref<4x128xi32, #tpu.memory_space<vmem>> -> memref<1x128xi32, #tpu.memory_space<vmem>>
      %dma_start3A_665 = tpu.memref_squeeze %dma_start3A_664 : memref<1x128xi32, #tpu.memory_space<vmem>> -> memref<128xi32, #tpu.memory_space<vmem>>
      %dma_start3A_666 = arith.constant 0 : i32
      %dma_start3A_667 = tpu.memref_slice %arg30[%dma_start3A_666] : memref<100352xf32, #tpu.memory_space<vmem_shared>> -> memref<100352xf32, #tpu.memory_space<vmem_shared>>
      tpu.enqueue_indirect_dma source(%dma_start3A_662 : memref<128xf32, #tpu.memory_space<vmem>>) target(%dma_start3A_667 : memref<100352xf32, #tpu.memory_space<vmem_shared>>) offsets(%dma_start3A_665 : memref<128xi32, #tpu.memory_space<vmem>>) semaphore(%arg32 : memref<!tpu.dma_semaphore, #tpu.memory_space<semaphore_mem>>) {add = true}
      %dma_wait3A_668 = arith.constant 0 : i32
      %dma_wait3A_669 = arith.constant 0 : i32
      %dma_wait3A_670 = tpu.memref_slice %arg3[%dma_wait3A_668, %dma_wait3A_669] : memref<25000x128xi32, #tpu.memory_space<hbm>> -> memref<4x128xi32, #tpu.memory_space<hbm>>
      %dma_wait3A_671 = arith.constant 0 : i32
      %dma_wait3A_672 = arith.constant 0 : i32
      %dma_wait3A_673 = tpu.memref_slice %arg3[%dma_wait3A_671, %dma_wait3A_672] : memref<25000x128xi32, #tpu.memory_space<hbm>> -> memref<4x128xi32, #tpu.memory_space<hbm>>
      tpu.wait_dma2 semaphore(%arg25 : memref<!tpu.dma_semaphore, #tpu.memory_space<semaphore_mem>>) src(%dma_wait3A_673 : memref<4x128xi32, #tpu.memory_space<hbm>>) dst(%arg15 : memref<4x128xi32, #tpu.memory_space<vmem>>)
      %dma_wait3A_674 = arith.constant 0 : i32
      %dma_wait3A_675 = arith.constant 0 : i32
      %dma_wait3A_676 = tpu.memref_slice %arg4[%dma_wait3A_674, %dma_wait3A_675] : memref<25000x128xi32, #tpu.memory_space<hbm>> -> memref<4x128xi32, #tpu.memory_space<hbm>>
      %dma_wait3A_677 = arith.constant 0 : i32
      %dma_wait3A_678 = arith.constant 0 : i32
      %dma_wait3A_679 = tpu.memref_slice %arg4[%dma_wait3A_677, %dma_wait3A_678] : memref<25000x128xi32, #tpu.memory_space<hbm>> -> memref<4x128xi32, #tpu.memory_space<hbm>>
      tpu.wait_dma2 semaphore(%arg25 : memref<!tpu.dma_semaphore, #tpu.memory_space<semaphore_mem>>) src(%dma_wait3A_679 : memref<4x128xi32, #tpu.memory_space<hbm>>) dst(%arg19 : memref<4x128xi32, #tpu.memory_space<vmem>>)
      %dma_start3A_680 = arith.constant 0 : i32
      %dma_start3A_681 = arith.constant 0 : i32
      %dma_start3A_682 = arith.constant 0 : i32
      %dma_start3A_683 = tpu.memref_slice %arg21[%dma_start3A_681, %dma_start3A_682] : memref<512x16xf32, #tpu.memory_space<vmem>> -> memref<128x16xf32, #tpu.memory_space<vmem>>
      %dma_start3A_684 = arith.constant 0 : i32
      %dma_start3A_685 = tpu.memref_slice %arg15[%dma_start3A_680, %dma_start3A_684] : memref<4x128xi32, #tpu.memory_space<vmem>> -> memref<1x128xi32, #tpu.memory_space<vmem>>
      %dma_start3A_686 = tpu.memref_squeeze %dma_start3A_685 : memref<1x128xi32, #tpu.memory_space<vmem>> -> memref<128xi32, #tpu.memory_space<vmem>>
      %dma_start3A_687 = arith.constant 0 : i32
      %dma_start3A_688 = arith.constant 0 : i32
      %dma_start3A_689 = tpu.memref_slice %arg2[%dma_start3A_687, %dma_start3A_688] : memref<100000x16xf32, #tpu.memory_space<hbm>> -> memref<100000x16xf32, #tpu.memory_space<hbm>>
      tpu.enqueue_indirect_dma source(%dma_start3A_689 : memref<100000x16xf32, #tpu.memory_space<hbm>>) target(%dma_start3A_683 : memref<128x16xf32, #tpu.memory_space<vmem>>) offsets(%dma_start3A_686 : memref<128xi32, #tpu.memory_space<vmem>>) semaphore(%arg27 : memref<!tpu.dma_semaphore, #tpu.memory_space<semaphore_mem>>)
      %dma_start3A_690 = arith.constant 1 : i32
      %dma_start3A_691 = arith.constant 128 : i32
      %dma_start3A_692 = arith.constant 0 : i32
      %dma_start3A_693 = tpu.memref_slice %arg21[%dma_start3A_691, %dma_start3A_692] : memref<512x16xf32, #tpu.memory_space<vmem>> -> memref<128x16xf32, #tpu.memory_space<vmem>>
      %dma_start3A_694 = arith.constant 0 : i32
      %dma_start3A_695 = tpu.memref_slice %arg15[%dma_start3A_690, %dma_start3A_694] : memref<4x128xi32, #tpu.memory_space<vmem>> -> memref<1x128xi32, #tpu.memory_space<vmem>>
      %dma_start3A_696 = tpu.memref_squeeze %dma_start3A_695 : memref<1x128xi32, #tpu.memory_space<vmem>> -> memref<128xi32, #tpu.memory_space<vmem>>
      %dma_start3A_697 = arith.constant 0 : i32
      %dma_start3A_698 = arith.constant 0 : i32
      %dma_start3A_699 = tpu.memref_slice %arg2[%dma_start3A_697, %dma_start3A_698] : memref<100000x16xf32, #tpu.memory_space<hbm>> -> memref<100000x16xf32, #tpu.memory_space<hbm>>
      tpu.enqueue_indirect_dma source(%dma_start3A_699 : memref<100000x16xf32, #tpu.memory_space<hbm>>) target(%dma_start3A_693 : memref<128x16xf32, #tpu.memory_space<vmem>>) offsets(%dma_start3A_696 : memref<128xi32, #tpu.memory_space<vmem>>) semaphore(%arg27 : memref<!tpu.dma_semaphore, #tpu.memory_space<semaphore_mem>>)
      %dma_start3A_700 = arith.constant 2 : i32
      %dma_start3A_701 = arith.constant 256 : i32
      %dma_start3A_702 = arith.constant 0 : i32
      %dma_start3A_703 = tpu.memref_slice %arg21[%dma_start3A_701, %dma_start3A_702] : memref<512x16xf32, #tpu.memory_space<vmem>> -> memref<128x16xf32, #tpu.memory_space<vmem>>
      %dma_start3A_704 = arith.constant 0 : i32
      %dma_start3A_705 = tpu.memref_slice %arg15[%dma_start3A_700, %dma_start3A_704] : memref<4x128xi32, #tpu.memory_space<vmem>> -> memref<1x128xi32, #tpu.memory_space<vmem>>
      %dma_start3A_706 = tpu.memref_squeeze %dma_start3A_705 : memref<1x128xi32, #tpu.memory_space<vmem>> -> memref<128xi32, #tpu.memory_space<vmem>>
      %dma_start3A_707 = arith.constant 0 : i32
      %dma_start3A_708 = arith.constant 0 : i32
      %dma_start3A_709 = tpu.memref_slice %arg2[%dma_start3A_707, %dma_start3A_708] : memref<100000x16xf32, #tpu.memory_space<hbm>> -> memref<100000x16xf32, #tpu.memory_space<hbm>>
      tpu.enqueue_indirect_dma source(%dma_start3A_709 : memref<100000x16xf32, #tpu.memory_space<hbm>>) target(%dma_start3A_703 : memref<128x16xf32, #tpu.memory_space<vmem>>) offsets(%dma_start3A_706 : memref<128xi32, #tpu.memory_space<vmem>>) semaphore(%arg27 : memref<!tpu.dma_semaphore, #tpu.memory_space<semaphore_mem>>)
      %dma_start3A_710 = arith.constant 3 : i32
      %dma_start3A_711 = arith.constant 384 : i32
      %dma_start3A_712 = arith.constant 0 : i32
      %dma_start3A_713 = tpu.memref_slice %arg21[%dma_start3A_711, %dma_start3A_712] : memref<512x16xf32, #tpu.memory_space<vmem>> -> memref<128x16xf32, #tpu.memory_space<vmem>>
      %dma_start3A_714 = arith.constant 0 : i32
      %dma_start3A_715 = tpu.memref_slice %arg15[%dma_start3A_710, %dma_start3A_714] : memref<4x128xi32, #tpu.memory_space<vmem>> -> memref<1x128xi32, #tpu.memory_space<vmem>>
      %dma_start3A_716 = tpu.memref_squeeze %dma_start3A_715 : memref<1x128xi32, #tpu.memory_space<vmem>> -> memref<128xi32, #tpu.memory_space<vmem>>
      %dma_start3A_717 = arith.constant 0 : i32
      %dma_start3A_718 = arith.constant 0 : i32
      %dma_start3A_719 = tpu.memref_slice %arg2[%dma_start3A_717, %dma_start3A_718] : memref<100000x16xf32, #tpu.memory_space<hbm>> -> memref<100000x16xf32, #tpu.memory_space<hbm>>
      tpu.enqueue_indirect_dma source(%dma_start3A_719 : memref<100000x16xf32, #tpu.memory_space<hbm>>) target(%dma_start3A_713 : memref<128x16xf32, #tpu.memory_space<vmem>>) offsets(%dma_start3A_716 : memref<128xi32, #tpu.memory_space<vmem>>) semaphore(%arg27 : memref<!tpu.dma_semaphore, #tpu.memory_space<semaphore_mem>>)
      %dma_wait3A_720 = arith.constant 0 : i32
      %dma_wait3A_721 = arith.constant 0 : i32
      %dma_wait3A_722 = tpu.memref_slice %arg2[%dma_wait3A_720, %dma_wait3A_721] : memref<100000x16xf32, #tpu.memory_space<hbm>> -> memref<512x16xf32, #tpu.memory_space<hbm>>
      %dma_wait3A_723 = arith.constant 0 : i32
      %dma_wait3A_724 = arith.constant 0 : i32
      %dma_wait3A_725 = tpu.memref_slice %arg2[%dma_wait3A_723, %dma_wait3A_724] : memref<100000x16xf32, #tpu.memory_space<hbm>> -> memref<512x16xf32, #tpu.memory_space<hbm>>
      tpu.wait_dma2 semaphore(%arg27 : memref<!tpu.dma_semaphore, #tpu.memory_space<semaphore_mem>>) src(%dma_wait3A_725 : memref<512x16xf32, #tpu.memory_space<hbm>>) dst(%arg21 : memref<512x16xf32, #tpu.memory_space<vmem>>)
      %lt3A_726 = arith.constant 49 : i32
      %lt3A_727 = arith.cmpi slt, %scan3A_275, %lt3A_726 : i32
      %convert_element_type3A_728 = arith.extui %lt3A_727 : i1 to i32
      %cond3A_729 = arith.constant 0 : i32
      %cond3A_730 = arith.cmpi ne, %convert_element_type3A_728, %cond3A_729 : i32
      scf.if %cond3A_730 {
        %add3A_818 = arith.constant 20 : i32
        %add3A_819 = arith.addi %add3A_280, %add3A_818 : i32
        %lt3A_820 = arith.constant 25000 : i32
        %lt3A_821 = arith.cmpi slt, %add3A_819, %lt3A_820 : i32
        %convert_element_type3A_822 = arith.extui %lt3A_821 : i1 to i32
        %cond3A_823 = arith.constant 0 : i32
        %cond3A_824 = arith.cmpi ne, %convert_element_type3A_822, %cond3A_823 : i32
        scf.if %cond3A_824 {
          %dma_start3A_830 = arith.constant 0 : i32
          %dma_start3A_831 = tpu.memref_slice %arg3[%add3A_819, %dma_start3A_830] : memref<25000x128xi32, #tpu.memory_space<hbm>> -> memref<4x128xi32, #tpu.memory_space<hbm>>
          %dma_start3A_832 = arith.constant 0 : i32
          %dma_start3A_833 = tpu.memref_slice %arg3[%add3A_819, %dma_start3A_832] : memref<25000x128xi32, #tpu.memory_space<hbm>> -> memref<4x128xi32, #tpu.memory_space<hbm>>
          tpu.enqueue_dma source(%dma_start3A_833 : memref<4x128xi32, #tpu.memory_space<hbm>>) target(%arg13 : memref<4x128xi32, #tpu.memory_space<vmem>>) target_semaphore(%arg23 : memref<!tpu.dma_semaphore, #tpu.memory_space<semaphore_mem>>)
          %dma_start3A_834 = arith.constant 0 : i32
          %dma_start3A_835 = tpu.memref_slice %arg4[%add3A_819, %dma_start3A_834] : memref<25000x128xi32, #tpu.memory_space<hbm>> -> memref<4x128xi32, #tpu.memory_space<hbm>>
          %dma_start3A_836 = arith.constant 0 : i32
          %dma_start3A_837 = tpu.memref_slice %arg4[%add3A_819, %dma_start3A_836] : memref<25000x128xi32, #tpu.memory_space<hbm>> -> memref<4x128xi32, #tpu.memory_space<hbm>>
          tpu.enqueue_dma source(%dma_start3A_837 : memref<4x128xi32, #tpu.memory_space<hbm>>) target(%arg17 : memref<4x128xi32, #tpu.memory_space<vmem>>) target_semaphore(%arg23 : memref<!tpu.dma_semaphore, #tpu.memory_space<semaphore_mem>>)
        } else {
        }
        %ge3A_825 = arith.constant 25000 : i32
        %ge3A_826 = arith.cmpi sge, %add3A_819, %ge3A_825 : i32
        %convert_element_type3A_827 = arith.extui %ge3A_826 : i1 to i32
        %cond3A_828 = arith.constant 0 : i32
        %cond3A_829 = arith.cmpi ne, %convert_element_type3A_827, %cond3A_828 : i32
        scf.if %cond3A_829 {
          %sub3A = arith.constant 25000 : i32
          %sub3A_830 = arith.subi %add3A_819, %sub3A : i32
          %dma_start3A_831 = arith.constant 0 : i32
          %dma_start3A_832 = tpu.memref_slice %arg5[%sub3A_830, %dma_start3A_831] : memref<600x128xi32, #tpu.memory_space<hbm>> -> memref<4x128xi32, #tpu.memory_space<hbm>>
          %dma_start3A_833 = arith.constant 0 : i32
          %dma_start3A_834 = tpu.memref_slice %arg5[%sub3A_830, %dma_start3A_833] : memref<600x128xi32, #tpu.memory_space<hbm>> -> memref<4x128xi32, #tpu.memory_space<hbm>>
          tpu.enqueue_dma source(%dma_start3A_834 : memref<4x128xi32, #tpu.memory_space<hbm>>) target(%arg13 : memref<4x128xi32, #tpu.memory_space<vmem>>) target_semaphore(%arg23 : memref<!tpu.dma_semaphore, #tpu.memory_space<semaphore_mem>>)
          %dma_start3A_835 = arith.constant 0 : i32
          %dma_start3A_836 = tpu.memref_slice %arg6[%sub3A_830, %dma_start3A_835] : memref<600x128xi32, #tpu.memory_space<hbm>> -> memref<4x128xi32, #tpu.memory_space<hbm>>
          %dma_start3A_837 = arith.constant 0 : i32
          %dma_start3A_838 = tpu.memref_slice %arg6[%sub3A_830, %dma_start3A_837] : memref<600x128xi32, #tpu.memory_space<hbm>> -> memref<4x128xi32, #tpu.memory_space<hbm>>
          tpu.enqueue_dma source(%dma_start3A_838 : memref<4x128xi32, #tpu.memory_space<hbm>>) target(%arg17 : memref<4x128xi32, #tpu.memory_space<vmem>>) target_semaphore(%arg23 : memref<!tpu.dma_semaphore, #tpu.memory_space<semaphore_mem>>)
        } else {
        }
      } else {
      }
      %dma_wait3A_731 = arith.constant 0 : i32
      %dma_wait3A_732 = arith.constant 0 : i32
      %dma_wait3A_733 = tpu.memref_slice %arg11[%dma_wait3A_731, %dma_wait3A_732] : memref<100352x16xf32, #tpu.memory_space<vmem_shared>> -> memref<512x16xf32, #tpu.memory_space<vmem_shared>>
      %dma_wait3A_734 = arith.constant 0 : i32
      %dma_wait3A_735 = arith.constant 0 : i32
      %dma_wait3A_736 = tpu.memref_slice %arg11[%dma_wait3A_734, %dma_wait3A_735] : memref<100352x16xf32, #tpu.memory_space<vmem_shared>> -> memref<512x16xf32, #tpu.memory_space<vmem_shared>>
      tpu.wait_dma2 semaphore(%arg28 : memref<!tpu.dma_semaphore, #tpu.memory_space<semaphore_mem>>) src(%arg20 : memref<512x16xf32, #tpu.memory_space<vmem>>) dst(%dma_wait3A_736 : memref<512x16xf32, #tpu.memory_space<vmem_shared>>)
      %dma_wait3A_737 = arith.constant 0 : i32
      %dma_wait3A_738 = tpu.memref_slice %arg30[%dma_wait3A_737] : memref<100352xf32, #tpu.memory_space<vmem_shared>> -> memref<512xf32, #tpu.memory_space<vmem_shared>>
      %dma_wait3A_739 = arith.constant 0 : i32
      %dma_wait3A_740 = tpu.memref_slice %arg30[%dma_wait3A_739] : memref<100352xf32, #tpu.memory_space<vmem_shared>> -> memref<512xf32, #tpu.memory_space<vmem_shared>>
      tpu.wait_dma2 semaphore(%arg32 : memref<!tpu.dma_semaphore, #tpu.memory_space<semaphore_mem>>) src(%arg31 : memref<512xf32, #tpu.memory_space<vmem>>) dst(%dma_wait3A_740 : memref<512xf32, #tpu.memory_space<vmem_shared>>)
      %dma_start3A_741 = arith.constant 0 : i32
      %dma_start3A_742 = arith.constant 0 : i32
      %dma_start3A_743 = arith.constant 0 : i32
      %dma_start3A_744 = tpu.memref_slice %arg21[%dma_start3A_742, %dma_start3A_743] : memref<512x16xf32, #tpu.memory_space<vmem>> -> memref<128x16xf32, #tpu.memory_space<vmem>>
      %dma_start3A_745 = arith.constant 0 : i32
      %dma_start3A_746 = tpu.memref_slice %arg19[%dma_start3A_741, %dma_start3A_745] : memref<4x128xi32, #tpu.memory_space<vmem>> -> memref<1x128xi32, #tpu.memory_space<vmem>>
      %dma_start3A_747 = tpu.memref_squeeze %dma_start3A_746 : memref<1x128xi32, #tpu.memory_space<vmem>> -> memref<128xi32, #tpu.memory_space<vmem>>
      %dma_start3A_748 = arith.constant 0 : i32
      %dma_start3A_749 = arith.constant 0 : i32
      %dma_start3A_750 = tpu.memref_slice %arg11[%dma_start3A_748, %dma_start3A_749] : memref<100352x16xf32, #tpu.memory_space<vmem_shared>> -> memref<100352x16xf32, #tpu.memory_space<vmem_shared>>
      tpu.enqueue_indirect_dma source(%dma_start3A_744 : memref<128x16xf32, #tpu.memory_space<vmem>>) target(%dma_start3A_750 : memref<100352x16xf32, #tpu.memory_space<vmem_shared>>) offsets(%dma_start3A_747 : memref<128xi32, #tpu.memory_space<vmem>>) semaphore(%arg29 : memref<!tpu.dma_semaphore, #tpu.memory_space<semaphore_mem>>) {add = true}
      %dma_start3A_751 = arith.constant 1 : i32
      %dma_start3A_752 = arith.constant 128 : i32
      %dma_start3A_753 = arith.constant 0 : i32
      %dma_start3A_754 = tpu.memref_slice %arg21[%dma_start3A_752, %dma_start3A_753] : memref<512x16xf32, #tpu.memory_space<vmem>> -> memref<128x16xf32, #tpu.memory_space<vmem>>
      %dma_start3A_755 = arith.constant 0 : i32
      %dma_start3A_756 = tpu.memref_slice %arg19[%dma_start3A_751, %dma_start3A_755] : memref<4x128xi32, #tpu.memory_space<vmem>> -> memref<1x128xi32, #tpu.memory_space<vmem>>
      %dma_start3A_757 = tpu.memref_squeeze %dma_start3A_756 : memref<1x128xi32, #tpu.memory_space<vmem>> -> memref<128xi32, #tpu.memory_space<vmem>>
      %dma_start3A_758 = arith.constant 0 : i32
      %dma_start3A_759 = arith.constant 0 : i32
      %dma_start3A_760 = tpu.memref_slice %arg11[%dma_start3A_758, %dma_start3A_759] : memref<100352x16xf32, #tpu.memory_space<vmem_shared>> -> memref<100352x16xf32, #tpu.memory_space<vmem_shared>>
      tpu.enqueue_indirect_dma source(%dma_start3A_754 : memref<128x16xf32, #tpu.memory_space<vmem>>) target(%dma_start3A_760 : memref<100352x16xf32, #tpu.memory_space<vmem_shared>>) offsets(%dma_start3A_757 : memref<128xi32, #tpu.memory_space<vmem>>) semaphore(%arg29 : memref<!tpu.dma_semaphore, #tpu.memory_space<semaphore_mem>>) {add = true}
      %dma_start3A_761 = arith.constant 2 : i32
      %dma_start3A_762 = arith.constant 256 : i32
      %dma_start3A_763 = arith.constant 0 : i32
      %dma_start3A_764 = tpu.memref_slice %arg21[%dma_start3A_762, %dma_start3A_763] : memref<512x16xf32, #tpu.memory_space<vmem>> -> memref<128x16xf32, #tpu.memory_space<vmem>>
      %dma_start3A_765 = arith.constant 0 : i32
      %dma_start3A_766 = tpu.memref_slice %arg19[%dma_start3A_761, %dma_start3A_765] : memref<4x128xi32, #tpu.memory_space<vmem>> -> memref<1x128xi32, #tpu.memory_space<vmem>>
      %dma_start3A_767 = tpu.memref_squeeze %dma_start3A_766 : memref<1x128xi32, #tpu.memory_space<vmem>> -> memref<128xi32, #tpu.memory_space<vmem>>
      %dma_start3A_768 = arith.constant 0 : i32
      %dma_start3A_769 = arith.constant 0 : i32
      %dma_start3A_770 = tpu.memref_slice %arg11[%dma_start3A_768, %dma_start3A_769] : memref<100352x16xf32, #tpu.memory_space<vmem_shared>> -> memref<100352x16xf32, #tpu.memory_space<vmem_shared>>
      tpu.enqueue_indirect_dma source(%dma_start3A_764 : memref<128x16xf32, #tpu.memory_space<vmem>>) target(%dma_start3A_770 : memref<100352x16xf32, #tpu.memory_space<vmem_shared>>) offsets(%dma_start3A_767 : memref<128xi32, #tpu.memory_space<vmem>>) semaphore(%arg29 : memref<!tpu.dma_semaphore, #tpu.memory_space<semaphore_mem>>) {add = true}
      %dma_start3A_771 = arith.constant 3 : i32
      %dma_start3A_772 = arith.constant 384 : i32
      %dma_start3A_773 = arith.constant 0 : i32
      %dma_start3A_774 = tpu.memref_slice %arg21[%dma_start3A_772, %dma_start3A_773] : memref<512x16xf32, #tpu.memory_space<vmem>> -> memref<128x16xf32, #tpu.memory_space<vmem>>
      %dma_start3A_775 = arith.constant 0 : i32
      %dma_start3A_776 = tpu.memref_slice %arg19[%dma_start3A_771, %dma_start3A_775] : memref<4x128xi32, #tpu.memory_space<vmem>> -> memref<1x128xi32, #tpu.memory_space<vmem>>
      %dma_start3A_777 = tpu.memref_squeeze %dma_start3A_776 : memref<1x128xi32, #tpu.memory_space<vmem>> -> memref<128xi32, #tpu.memory_space<vmem>>
      %dma_start3A_778 = arith.constant 0 : i32
      %dma_start3A_779 = arith.constant 0 : i32
      %dma_start3A_780 = tpu.memref_slice %arg11[%dma_start3A_778, %dma_start3A_779] : memref<100352x16xf32, #tpu.memory_space<vmem_shared>> -> memref<100352x16xf32, #tpu.memory_space<vmem_shared>>
      tpu.enqueue_indirect_dma source(%dma_start3A_774 : memref<128x16xf32, #tpu.memory_space<vmem>>) target(%dma_start3A_780 : memref<100352x16xf32, #tpu.memory_space<vmem_shared>>) offsets(%dma_start3A_777 : memref<128xi32, #tpu.memory_space<vmem>>) semaphore(%arg29 : memref<!tpu.dma_semaphore, #tpu.memory_space<semaphore_mem>>) {add = true}
      %dma_start3A_781 = arith.constant 0 : i32
      %dma_start3A_782 = arith.constant 0 : i32
      %dma_start3A_783 = tpu.memref_slice %arg31[%dma_start3A_782] : memref<512xf32, #tpu.memory_space<vmem>> -> memref<128xf32, #tpu.memory_space<vmem>>
      %dma_start3A_784 = arith.constant 0 : i32
      %dma_start3A_785 = tpu.memref_slice %arg19[%dma_start3A_781, %dma_start3A_784] : memref<4x128xi32, #tpu.memory_space<vmem>> -> memref<1x128xi32, #tpu.memory_space<vmem>>
      %dma_start3A_786 = tpu.memref_squeeze %dma_start3A_785 : memref<1x128xi32, #tpu.memory_space<vmem>> -> memref<128xi32, #tpu.memory_space<vmem>>
      %dma_start3A_787 = arith.constant 0 : i32
      %dma_start3A_788 = tpu.memref_slice %arg30[%dma_start3A_787] : memref<100352xf32, #tpu.memory_space<vmem_shared>> -> memref<100352xf32, #tpu.memory_space<vmem_shared>>
      tpu.enqueue_indirect_dma source(%dma_start3A_783 : memref<128xf32, #tpu.memory_space<vmem>>) target(%dma_start3A_788 : memref<100352xf32, #tpu.memory_space<vmem_shared>>) offsets(%dma_start3A_786 : memref<128xi32, #tpu.memory_space<vmem>>) semaphore(%arg33 : memref<!tpu.dma_semaphore, #tpu.memory_space<semaphore_mem>>) {add = true}
      %dma_start3A_789 = arith.constant 1 : i32
      %dma_start3A_790 = arith.constant 128 : i32
      %dma_start3A_791 = tpu.memref_slice %arg31[%dma_start3A_790] : memref<512xf32, #tpu.memory_space<vmem>> -> memref<128xf32, #tpu.memory_space<vmem>>
      %dma_start3A_792 = arith.constant 0 : i32
      %dma_start3A_793 = tpu.memref_slice %arg19[%dma_start3A_789, %dma_start3A_792] : memref<4x128xi32, #tpu.memory_space<vmem>> -> memref<1x128xi32, #tpu.memory_space<vmem>>
      %dma_start3A_794 = tpu.memref_squeeze %dma_start3A_793 : memref<1x128xi32, #tpu.memory_space<vmem>> -> memref<128xi32, #tpu.memory_space<vmem>>
      %dma_start3A_795 = arith.constant 0 : i32
      %dma_start3A_796 = tpu.memref_slice %arg30[%dma_start3A_795] : memref<100352xf32, #tpu.memory_space<vmem_shared>> -> memref<100352xf32, #tpu.memory_space<vmem_shared>>
      tpu.enqueue_indirect_dma source(%dma_start3A_791 : memref<128xf32, #tpu.memory_space<vmem>>) target(%dma_start3A_796 : memref<100352xf32, #tpu.memory_space<vmem_shared>>) offsets(%dma_start3A_794 : memref<128xi32, #tpu.memory_space<vmem>>) semaphore(%arg33 : memref<!tpu.dma_semaphore, #tpu.memory_space<semaphore_mem>>) {add = true}
      %dma_start3A_797 = arith.constant 2 : i32
      %dma_start3A_798 = arith.constant 256 : i32
      %dma_start3A_799 = tpu.memref_slice %arg31[%dma_start3A_798] : memref<512xf32, #tpu.memory_space<vmem>> -> memref<128xf32, #tpu.memory_space<vmem>>
      %dma_start3A_800 = arith.constant 0 : i32
      %dma_start3A_801 = tpu.memref_slice %arg19[%dma_start3A_797, %dma_start3A_800] : memref<4x128xi32, #tpu.memory_space<vmem>> -> memref<1x128xi32, #tpu.memory_space<vmem>>
      %dma_start3A_802 = tpu.memref_squeeze %dma_start3A_801 : memref<1x128xi32, #tpu.memory_space<vmem>> -> memref<128xi32, #tpu.memory_space<vmem>>
      %dma_start3A_803 = arith.constant 0 : i32
      %dma_start3A_804 = tpu.memref_slice %arg30[%dma_start3A_803] : memref<100352xf32, #tpu.memory_space<vmem_shared>> -> memref<100352xf32, #tpu.memory_space<vmem_shared>>
      tpu.enqueue_indirect_dma source(%dma_start3A_799 : memref<128xf32, #tpu.memory_space<vmem>>) target(%dma_start3A_804 : memref<100352xf32, #tpu.memory_space<vmem_shared>>) offsets(%dma_start3A_802 : memref<128xi32, #tpu.memory_space<vmem>>) semaphore(%arg33 : memref<!tpu.dma_semaphore, #tpu.memory_space<semaphore_mem>>) {add = true}
      %dma_start3A_805 = arith.constant 3 : i32
      %dma_start3A_806 = arith.constant 384 : i32
      %dma_start3A_807 = tpu.memref_slice %arg31[%dma_start3A_806] : memref<512xf32, #tpu.memory_space<vmem>> -> memref<128xf32, #tpu.memory_space<vmem>>
      %dma_start3A_808 = arith.constant 0 : i32
      %dma_start3A_809 = tpu.memref_slice %arg19[%dma_start3A_805, %dma_start3A_808] : memref<4x128xi32, #tpu.memory_space<vmem>> -> memref<1x128xi32, #tpu.memory_space<vmem>>
      %dma_start3A_810 = tpu.memref_squeeze %dma_start3A_809 : memref<1x128xi32, #tpu.memory_space<vmem>> -> memref<128xi32, #tpu.memory_space<vmem>>
      %dma_start3A_811 = arith.constant 0 : i32
      %dma_start3A_812 = tpu.memref_slice %arg30[%dma_start3A_811] : memref<100352xf32, #tpu.memory_space<vmem_shared>> -> memref<100352xf32, #tpu.memory_space<vmem_shared>>
      tpu.enqueue_indirect_dma source(%dma_start3A_807 : memref<128xf32, #tpu.memory_space<vmem>>) target(%dma_start3A_812 : memref<100352xf32, #tpu.memory_space<vmem_shared>>) offsets(%dma_start3A_810 : memref<128xi32, #tpu.memory_space<vmem>>) semaphore(%arg33 : memref<!tpu.dma_semaphore, #tpu.memory_space<semaphore_mem>>) {add = true}
      %lt3A_813 = arith.constant 49 : i32
      %lt3A_814 = arith.cmpi slt, %scan3A_275, %lt3A_813 : i32
      %convert_element_type3A_815 = arith.extui %lt3A_814 : i1 to i32
      %cond3A_816 = arith.constant 0 : i32
      %cond3A_817 = arith.cmpi ne, %convert_element_type3A_815, %cond3A_816 : i32
      scf.if %cond3A_817 {
        %dma_wait3A_818 = arith.constant 0 : i32
        %dma_wait3A_819 = arith.constant 0 : i32
        %dma_wait3A_820 = tpu.memref_slice %arg3[%dma_wait3A_818, %dma_wait3A_819] : memref<25000x128xi32, #tpu.memory_space<hbm>> -> memref<4x128xi32, #tpu.memory_space<hbm>>
        %dma_wait3A_821 = arith.constant 0 : i32
        %dma_wait3A_822 = arith.constant 0 : i32
        %dma_wait3A_823 = tpu.memref_slice %arg3[%dma_wait3A_821, %dma_wait3A_822] : memref<25000x128xi32, #tpu.memory_space<hbm>> -> memref<4x128xi32, #tpu.memory_space<hbm>>
        tpu.wait_dma2 semaphore(%arg22 : memref<!tpu.dma_semaphore, #tpu.memory_space<semaphore_mem>>) src(%dma_wait3A_823 : memref<4x128xi32, #tpu.memory_space<hbm>>) dst(%arg12 : memref<4x128xi32, #tpu.memory_space<vmem>>)
        %dma_wait3A_824 = arith.constant 0 : i32
        %dma_wait3A_825 = arith.constant 0 : i32
        %dma_wait3A_826 = tpu.memref_slice %arg4[%dma_wait3A_824, %dma_wait3A_825] : memref<25000x128xi32, #tpu.memory_space<hbm>> -> memref<4x128xi32, #tpu.memory_space<hbm>>
        %dma_wait3A_827 = arith.constant 0 : i32
        %dma_wait3A_828 = arith.constant 0 : i32
        %dma_wait3A_829 = tpu.memref_slice %arg4[%dma_wait3A_827, %dma_wait3A_828] : memref<25000x128xi32, #tpu.memory_space<hbm>> -> memref<4x128xi32, #tpu.memory_space<hbm>>
        tpu.wait_dma2 semaphore(%arg22 : memref<!tpu.dma_semaphore, #tpu.memory_space<semaphore_mem>>) src(%dma_wait3A_829 : memref<4x128xi32, #tpu.memory_space<hbm>>) dst(%arg16 : memref<4x128xi32, #tpu.memory_space<vmem>>)
        %dma_start3A_830 = arith.constant 0 : i32
        %dma_start3A_831 = arith.constant 0 : i32
        %dma_start3A_832 = arith.constant 0 : i32
        %dma_start3A_833 = tpu.memref_slice %arg20[%dma_start3A_831, %dma_start3A_832] : memref<512x16xf32, #tpu.memory_space<vmem>> -> memref<128x16xf32, #tpu.memory_space<vmem>>
        %dma_start3A_834 = arith.constant 0 : i32
        %dma_start3A_835 = tpu.memref_slice %arg12[%dma_start3A_830, %dma_start3A_834] : memref<4x128xi32, #tpu.memory_space<vmem>> -> memref<1x128xi32, #tpu.memory_space<vmem>>
        %dma_start3A_836 = tpu.memref_squeeze %dma_start3A_835 : memref<1x128xi32, #tpu.memory_space<vmem>> -> memref<128xi32, #tpu.memory_space<vmem>>
        %dma_start3A_837 = arith.constant 0 : i32
        %dma_start3A_838 = arith.constant 0 : i32
        %dma_start3A_839 = tpu.memref_slice %arg2[%dma_start3A_837, %dma_start3A_838] : memref<100000x16xf32, #tpu.memory_space<hbm>> -> memref<100000x16xf32, #tpu.memory_space<hbm>>
        tpu.enqueue_indirect_dma source(%dma_start3A_839 : memref<100000x16xf32, #tpu.memory_space<hbm>>) target(%dma_start3A_833 : memref<128x16xf32, #tpu.memory_space<vmem>>) offsets(%dma_start3A_836 : memref<128xi32, #tpu.memory_space<vmem>>) semaphore(%arg26 : memref<!tpu.dma_semaphore, #tpu.memory_space<semaphore_mem>>)
        %dma_start3A_840 = arith.constant 1 : i32
        %dma_start3A_841 = arith.constant 128 : i32
        %dma_start3A_842 = arith.constant 0 : i32
        %dma_start3A_843 = tpu.memref_slice %arg20[%dma_start3A_841, %dma_start3A_842] : memref<512x16xf32, #tpu.memory_space<vmem>> -> memref<128x16xf32, #tpu.memory_space<vmem>>
        %dma_start3A_844 = arith.constant 0 : i32
        %dma_start3A_845 = tpu.memref_slice %arg12[%dma_start3A_840, %dma_start3A_844] : memref<4x128xi32, #tpu.memory_space<vmem>> -> memref<1x128xi32, #tpu.memory_space<vmem>>
        %dma_start3A_846 = tpu.memref_squeeze %dma_start3A_845 : memref<1x128xi32, #tpu.memory_space<vmem>> -> memref<128xi32, #tpu.memory_space<vmem>>
        %dma_start3A_847 = arith.constant 0 : i32
        %dma_start3A_848 = arith.constant 0 : i32
        %dma_start3A_849 = tpu.memref_slice %arg2[%dma_start3A_847, %dma_start3A_848] : memref<100000x16xf32, #tpu.memory_space<hbm>> -> memref<100000x16xf32, #tpu.memory_space<hbm>>
        tpu.enqueue_indirect_dma source(%dma_start3A_849 : memref<100000x16xf32, #tpu.memory_space<hbm>>) target(%dma_start3A_843 : memref<128x16xf32, #tpu.memory_space<vmem>>) offsets(%dma_start3A_846 : memref<128xi32, #tpu.memory_space<vmem>>) semaphore(%arg26 : memref<!tpu.dma_semaphore, #tpu.memory_space<semaphore_mem>>)
        %dma_start3A_850 = arith.constant 2 : i32
        %dma_start3A_851 = arith.constant 256 : i32
        %dma_start3A_852 = arith.constant 0 : i32
        %dma_start3A_853 = tpu.memref_slice %arg20[%dma_start3A_851, %dma_start3A_852] : memref<512x16xf32, #tpu.memory_space<vmem>> -> memref<128x16xf32, #tpu.memory_space<vmem>>
        %dma_start3A_854 = arith.constant 0 : i32
        %dma_start3A_855 = tpu.memref_slice %arg12[%dma_start3A_850, %dma_start3A_854] : memref<4x128xi32, #tpu.memory_space<vmem>> -> memref<1x128xi32, #tpu.memory_space<vmem>>
        %dma_start3A_856 = tpu.memref_squeeze %dma_start3A_855 : memref<1x128xi32, #tpu.memory_space<vmem>> -> memref<128xi32, #tpu.memory_space<vmem>>
        %dma_start3A_857 = arith.constant 0 : i32
        %dma_start3A_858 = arith.constant 0 : i32
        %dma_start3A_859 = tpu.memref_slice %arg2[%dma_start3A_857, %dma_start3A_858] : memref<100000x16xf32, #tpu.memory_space<hbm>> -> memref<100000x16xf32, #tpu.memory_space<hbm>>
        tpu.enqueue_indirect_dma source(%dma_start3A_859 : memref<100000x16xf32, #tpu.memory_space<hbm>>) target(%dma_start3A_853 : memref<128x16xf32, #tpu.memory_space<vmem>>) offsets(%dma_start3A_856 : memref<128xi32, #tpu.memory_space<vmem>>) semaphore(%arg26 : memref<!tpu.dma_semaphore, #tpu.memory_space<semaphore_mem>>)
        %dma_start3A_860 = arith.constant 3 : i32
        %dma_start3A_861 = arith.constant 384 : i32
        %dma_start3A_862 = arith.constant 0 : i32
        %dma_start3A_863 = tpu.memref_slice %arg20[%dma_start3A_861, %dma_start3A_862] : memref<512x16xf32, #tpu.memory_space<vmem>> -> memref<128x16xf32, #tpu.memory_space<vmem>>
        %dma_start3A_864 = arith.constant 0 : i32
        %dma_start3A_865 = tpu.memref_slice %arg12[%dma_start3A_860, %dma_start3A_864] : memref<4x128xi32, #tpu.memory_space<vmem>> -> memref<1x128xi32, #tpu.memory_space<vmem>>
        %dma_start3A_866 = tpu.memref_squeeze %dma_start3A_865 : memref<1x128xi32, #tpu.memory_space<vmem>> -> memref<128xi32, #tpu.memory_space<vmem>>
        %dma_start3A_867 = arith.constant 0 : i32
        %dma_start3A_868 = arith.constant 0 : i32
        %dma_start3A_869 = tpu.memref_slice %arg2[%dma_start3A_867, %dma_start3A_868] : memref<100000x16xf32, #tpu.memory_space<hbm>> -> memref<100000x16xf32, #tpu.memory_space<hbm>>
        tpu.enqueue_indirect_dma source(%dma_start3A_869 : memref<100000x16xf32, #tpu.memory_space<hbm>>) target(%dma_start3A_863 : memref<128x16xf32, #tpu.memory_space<vmem>>) offsets(%dma_start3A_866 : memref<128xi32, #tpu.memory_space<vmem>>) semaphore(%arg26 : memref<!tpu.dma_semaphore, #tpu.memory_space<semaphore_mem>>)
      } else {
      }
    }
    %scan3A_256 = arith.constant 50 : i32
    %dma_wait3A = arith.constant 0 : i32
    %dma_wait3A_257 = arith.constant 0 : i32
    %dma_wait3A_258 = tpu.memref_slice %arg11[%dma_wait3A, %dma_wait3A_257] : memref<100352x16xf32, #tpu.memory_space<vmem_shared>> -> memref<512x16xf32, #tpu.memory_space<vmem_shared>>
    %dma_wait3A_259 = arith.constant 0 : i32
    %dma_wait3A_260 = arith.constant 0 : i32
    %dma_wait3A_261 = tpu.memref_slice %arg11[%dma_wait3A_259, %dma_wait3A_260] : memref<100352x16xf32, #tpu.memory_space<vmem_shared>> -> memref<512x16xf32, #tpu.memory_space<vmem_shared>>
    tpu.wait_dma2 semaphore(%arg29 : memref<!tpu.dma_semaphore, #tpu.memory_space<semaphore_mem>>) src(%arg21 : memref<512x16xf32, #tpu.memory_space<vmem>>) dst(%dma_wait3A_261 : memref<512x16xf32, #tpu.memory_space<vmem_shared>>)
    %dma_wait3A_262 = arith.constant 0 : i32
    %dma_wait3A_263 = tpu.memref_slice %arg30[%dma_wait3A_262] : memref<100352xf32, #tpu.memory_space<vmem_shared>> -> memref<512xf32, #tpu.memory_space<vmem_shared>>
    %dma_wait3A_264 = arith.constant 0 : i32
    %dma_wait3A_265 = tpu.memref_slice %arg30[%dma_wait3A_264] : memref<100352xf32, #tpu.memory_space<vmem_shared>> -> memref<512xf32, #tpu.memory_space<vmem_shared>>
    tpu.wait_dma2 semaphore(%arg33 : memref<!tpu.dma_semaphore, #tpu.memory_space<semaphore_mem>>) src(%arg31 : memref<512xf32, #tpu.memory_space<vmem>>) dst(%dma_wait3A_265 : memref<512xf32, #tpu.memory_space<vmem_shared>>)
    %barrier3A_266 = arith.constant 0 : index
    tpu.barrier barrier_id(%barrier3A_266)
    %mul3A_267 = arith.constant 6272 : i32
    %mul3A_268 = arith.muli %arg1, %mul3A_267 : i32
    %mul3A_269 = arith.constant 6272 : i32
    %mul3A_270 = arith.muli %arg1, %mul3A_269 : i32
    "tpu.region"() ({
      %run_scoped3A = tpu.sem_alloc : memref<!tpu.dma_semaphore, #tpu.memory_space<semaphore_mem>>
      %dma_start3A_275 = arith.constant 0 : i32
      %dma_start3A_276 = tpu.memref_slice %arg9[%arg0, %mul3A_270, %dma_start3A_275] : memref<2x100352x16xf32, #tpu.memory_space<hbm>> -> memref<1x6272x16xf32, #tpu.memory_space<hbm>>
      %dma_start3A_277 = tpu.memref_squeeze %dma_start3A_276 : memref<1x6272x16xf32, #tpu.memory_space<hbm>> -> memref<6272x16xf32, #tpu.memory_space<hbm>>
      %dma_start3A_278 = arith.constant 0 : i32
      %dma_start3A_279 = tpu.memref_slice %arg11[%mul3A_268, %dma_start3A_278] : memref<100352x16xf32, #tpu.memory_space<vmem_shared>> -> memref<6272x16xf32, #tpu.memory_space<vmem_shared>>
      tpu.enqueue_dma source(%dma_start3A_279 : memref<6272x16xf32, #tpu.memory_space<vmem_shared>>) target(%dma_start3A_277 : memref<6272x16xf32, #tpu.memory_space<hbm>>) target_semaphore(%run_scoped3A : memref<!tpu.dma_semaphore, #tpu.memory_space<semaphore_mem>>)
      %dma_wait3A_280 = arith.constant 0 : i32
      %dma_wait3A_281 = tpu.memref_slice %arg9[%arg0, %mul3A_270, %dma_wait3A_280] : memref<2x100352x16xf32, #tpu.memory_space<hbm>> -> memref<1x6272x16xf32, #tpu.memory_space<hbm>>
      %dma_wait3A_282 = tpu.memref_squeeze %dma_wait3A_281 : memref<1x6272x16xf32, #tpu.memory_space<hbm>> -> memref<6272x16xf32, #tpu.memory_space<hbm>>
      %dma_wait3A_283 = arith.constant 0 : i32
      %dma_wait3A_284 = tpu.memref_slice %arg11[%mul3A_268, %dma_wait3A_283] : memref<100352x16xf32, #tpu.memory_space<vmem_shared>> -> memref<6272x16xf32, #tpu.memory_space<vmem_shared>>
      tpu.wait_dma2 semaphore(%run_scoped3A : memref<!tpu.dma_semaphore, #tpu.memory_space<semaphore_mem>>) src(%dma_wait3A_284 : memref<6272x16xf32, #tpu.memory_space<vmem_shared>>) dst(%dma_wait3A_282 : memref<6272x16xf32, #tpu.memory_space<hbm>>)
      tpu.yield
    }) : () -> ()
    %mul3A_271 = arith.constant 6272 : i32
    %mul3A_272 = arith.muli %arg1, %mul3A_271 : i32
    %mul3A_273 = arith.constant 6272 : i32
    %mul3A_274 = arith.muli %arg1, %mul3A_273 : i32
    "tpu.region"() ({
      %run_scoped3A = tpu.sem_alloc : memref<!tpu.dma_semaphore, #tpu.memory_space<semaphore_mem>>
      %dma_start3A_275 = tpu.memref_slice %arg10[%arg0, %mul3A_274] : memref<2x100352xf32, #tpu.memory_space<hbm>> -> memref<1x6272xf32, #tpu.memory_space<hbm>>
      %dma_start3A_276 = tpu.memref_squeeze %dma_start3A_275 : memref<1x6272xf32, #tpu.memory_space<hbm>> -> memref<6272xf32, #tpu.memory_space<hbm>>
      %dma_start3A_277 = tpu.memref_slice %arg30[%mul3A_272] : memref<100352xf32, #tpu.memory_space<vmem_shared>> -> memref<6272xf32, #tpu.memory_space<vmem_shared>>
      tpu.enqueue_dma source(%dma_start3A_277 : memref<6272xf32, #tpu.memory_space<vmem_shared>>) target(%dma_start3A_276 : memref<6272xf32, #tpu.memory_space<hbm>>) target_semaphore(%run_scoped3A : memref<!tpu.dma_semaphore, #tpu.memory_space<semaphore_mem>>)
      %dma_wait3A_278 = tpu.memref_slice %arg10[%arg0, %mul3A_274] : memref<2x100352xf32, #tpu.memory_space<hbm>> -> memref<1x6272xf32, #tpu.memory_space<hbm>>
      %dma_wait3A_279 = tpu.memref_squeeze %dma_wait3A_278 : memref<1x6272xf32, #tpu.memory_space<hbm>> -> memref<6272xf32, #tpu.memory_space<hbm>>
      %dma_wait3A_280 = tpu.memref_slice %arg30[%mul3A_272] : memref<100352xf32, #tpu.memory_space<vmem_shared>> -> memref<6272xf32, #tpu.memory_space<vmem_shared>>
      tpu.wait_dma2 semaphore(%run_scoped3A : memref<!tpu.dma_semaphore, #tpu.memory_space<semaphore_mem>>) src(%dma_wait3A_280 : memref<6272xf32, #tpu.memory_space<vmem_shared>>) dst(%dma_wait3A_279 : memref<6272xf32, #tpu.memory_space<hbm>>)
      tpu.yield
    }) : () -> ()
    return
  }
}

module attributes {stable_mosaic.version = 14 : i64} {
  func.func @_sage_body(%arg0: i32, %arg1: memref<1x1792x128xf32, #tpu.memory_space<vmem>>, %arg2: memref<1x1792x128xf32, #tpu.memory_space<vmem>>, %arg3: memref<1x1792x8xf32, #tpu.memory_space<vmem>>, %arg4: memref<1x1792x8xf32, #tpu.memory_space<vmem>>, %arg5: memref<8x128xf32, #tpu.memory_space<vmem>>, %arg6: memref<1792x128xf32, #tpu.memory_space<vmem>>, %arg7: memref<128x128xf32, #tpu.memory_space<vmem>>, %arg8: memref<1x128xf32, #tpu.memory_space<vmem>>, %arg9: memref<128x128xf32, #tpu.memory_space<vmem>>, %arg10: memref<1792x128xf32, #tpu.memory_space<vmem>>) attributes {dimension_semantics = [#tpu.dimension_semantics<arbitrary>], iteration_bounds = array<i64: 7>, scalar_prefetch = 0 : i64, scratch_operands = 0 : i64, tpu.core_type = #tpu.core_type<tc>, window_params = [{transform_indices = @transform_0, window_bounds = array<i64: 1, 1792, 128>}, {transform_indices = @transform_1, window_bounds = array<i64: 1, 1792, 128>}, {transform_indices = @transform_2, window_bounds = array<i64: 1, 1792, 8>}, {transform_indices = @transform_3, window_bounds = array<i64: 1, 1792, 8>}, {pipeline_mode = #tpu.pipeline_mode<synchronous>, transform_indices = @transform_4, window_bounds = array<i64: 8, 128>}, {transform_indices = @transform_5, window_bounds = array<i64: 1792, 128>}, {pipeline_mode = #tpu.pipeline_mode<synchronous>, transform_indices = @transform_6, window_bounds = array<i64: 128, 128>}, {pipeline_mode = #tpu.pipeline_mode<synchronous>, transform_indices = @transform_7, window_bounds = array<i64: 1, 128>}, {pipeline_mode = #tpu.pipeline_mode<synchronous>, transform_indices = @transform_8, window_bounds = array<i64: 128, 128>}, {transform_indices = @transform_9, window_bounds = array<i64: 1792, 128>}]} {
    %get3A = arith.constant 0 : index
    %get3A_0 = arith.constant 0 : index
    %get3A_1 = arith.constant 0 : index
    %get3A_2 = vector.load %arg3[%get3A, %get3A_0, %get3A_1] : memref<1x1792x8xf32, #tpu.memory_space<vmem>>, vector<1x1792x8xf32>
    %get3A_3 = vector.shape_cast %get3A_2 : vector<1x1792x8xf32> to vector<1792x8xf32>
    %get3A_4 = arith.constant 0 : index
    %get3A_5 = arith.constant 0 : index
    %get3A_6 = arith.constant 0 : index
    %get3A_7 = vector.load %arg4[%get3A_4, %get3A_5, %get3A_6] : memref<1x1792x8xf32, #tpu.memory_space<vmem>>, vector<1x1792x8xf32>
    %get3A_8 = vector.shape_cast %get3A_7 : vector<1x1792x8xf32> to vector<1792x8xf32>
    %add3A = arith.addf %get3A_3, %get3A_8 : vector<1792x8xf32>
    %max3A = arith.constant 1.000000e+00 : f32
    %max3A_9 = vector.broadcast %max3A : f32 to vector<1792x8xf32>
    %max3A_10 = arith.maximumf %add3A, %max3A_9 : vector<1792x8xf32>
    %div3A = arith.constant 1.000000e+00 : f32
    %div3A_11 = vector.broadcast %div3A : f32 to vector<1792x8xf32>
    %div3A_12 = arith.divf %div3A_11, %max3A_10 : vector<1792x8xf32>
    %get3A_13 = arith.constant 0 : index
    %get3A_14 = arith.constant 0 : index
    %get3A_15 = vector.load %arg5[%get3A_13, %get3A_14] : memref<8x128xf32, #tpu.memory_space<vmem>>, vector<8x128xf32>
    %dot_general3A = arith.constant dense<0.000000e+00> : vector<1792x128xf32>
    %dot_general3A_16 = tpu.matmul %div3A_12, %get3A_15, %dot_general3A {dimension_numbers = #tpu.dot_dimension_numbers<[1], [0], [0], [1], [0, 0, 1, 1], [], []>, transpose_lhs_hint = false} : vector<1792x8xf32>, vector<8x128xf32>, vector<1792x128xf32> -> vector<1792x128xf32>
    %get3A_17 = arith.constant 0 : index
    %get3A_18 = arith.constant 0 : index
    %get3A_19 = arith.constant 0 : index
    %get3A_20 = vector.load %arg1[%get3A_17, %get3A_18, %get3A_19] : memref<1x1792x128xf32, #tpu.memory_space<vmem>>, vector<1x1792x128xf32>
    %get3A_21 = vector.shape_cast %get3A_20 : vector<1x1792x128xf32> to vector<1792x128xf32>
    %get3A_22 = arith.constant 0 : index
    %get3A_23 = arith.constant 0 : index
    %get3A_24 = arith.constant 0 : index
    %get3A_25 = vector.load %arg2[%get3A_22, %get3A_23, %get3A_24] : memref<1x1792x128xf32, #tpu.memory_space<vmem>>, vector<1x1792x128xf32>
    %get3A_26 = vector.shape_cast %get3A_25 : vector<1x1792x128xf32> to vector<1792x128xf32>
    %add3A_27 = arith.addf %get3A_21, %get3A_26 : vector<1792x128xf32>
    %mul3A = arith.mulf %add3A_27, %dot_general3A_16 : vector<1792x128xf32>
    %get3A_28 = arith.constant 0 : index
    %get3A_29 = arith.constant 0 : index
    %get3A_30 = vector.load %arg7[%get3A_28, %get3A_29] : memref<128x128xf32, #tpu.memory_space<vmem>>, vector<128x128xf32>
    %dot_general3A_31 = arith.constant dense<0.000000e+00> : vector<1792x128xf32>
    %dot_general3A_32 = tpu.matmul %mul3A, %get3A_30, %dot_general3A_31 {dimension_numbers = #tpu.dot_dimension_numbers<[1], [0], [0], [1], [0, 0, 1, 1], [], []>, transpose_lhs_hint = false} : vector<1792x128xf32>, vector<128x128xf32>, vector<1792x128xf32> -> vector<1792x128xf32>
    %get3A_33 = arith.constant 0 : index
    %get3A_34 = arith.constant 0 : index
    %get3A_35 = vector.load %arg6[%get3A_33, %get3A_34] : memref<1792x128xf32, #tpu.memory_space<vmem>>, vector<1792x128xf32>
    %get3A_36 = arith.constant 0 : index
    %get3A_37 = arith.constant 0 : index
    %get3A_38 = vector.load %arg9[%get3A_36, %get3A_37] : memref<128x128xf32, #tpu.memory_space<vmem>>, vector<128x128xf32>
    %dot_general3A_39 = arith.constant dense<0.000000e+00> : vector<1792x128xf32>
    %dot_general3A_40 = tpu.matmul %get3A_35, %get3A_38, %dot_general3A_39 {dimension_numbers = #tpu.dot_dimension_numbers<[1], [0], [0], [1], [0, 0, 1, 1], [], []>, transpose_lhs_hint = false} : vector<1792x128xf32>, vector<128x128xf32>, vector<1792x128xf32> -> vector<1792x128xf32>
    %add3A_41 = arith.addf %dot_general3A_32, %dot_general3A_40 : vector<1792x128xf32>
    %get3A_42 = arith.constant 0 : index
    %get3A_43 = arith.constant 0 : index
    %get3A_44 = vector.load %arg8[%get3A_42, %get3A_43] : memref<1x128xf32, #tpu.memory_space<vmem>>, vector<1x128xf32>
    %add3A_45 = vector.broadcast %get3A_44 : vector<1x128xf32> to vector<1792x128xf32>
    %add3A_46 = arith.addf %add3A_41, %add3A_45 : vector<1792x128xf32>
    %max3A_47 = arith.constant 0.000000e+00 : f32
    %max3A_48 = vector.broadcast %max3A_47 : f32 to vector<1792x128xf32>
    %max3A_49 = arith.maximumf %add3A_46, %max3A_48 : vector<1792x128xf32>
    %swap3A = arith.constant 0 : index
    %swap3A_50 = arith.constant 0 : index
    %swap3A_51 = vector.load %arg10[%swap3A, %swap3A_50] : memref<1792x128xf32, #tpu.memory_space<vmem>>, vector<1792x128xf32>
    tpu.vector_store %arg10[%swap3A, %swap3A_50], %max3A_49 {strides = array<i32>} : memref<1792x128xf32, #tpu.memory_space<vmem>>, vector<1792x128xf32>,
    return
  }
  func.func @transform_0(%arg0: i32) -> (i32, i32, i32) {
    %c0_i32 = arith.constant 0 : i32
    %c0_i32_0 = arith.constant 0 : i32
    %c0_i32_1 = arith.constant 0 : i32
    return %c0_i32, %arg0, %c0_i32_0 : i32, i32, i32
  }
  func.func @transform_1(%arg0: i32) -> (i32, i32, i32) {
    %c1_i32 = arith.constant 1 : i32
    %c0_i32 = arith.constant 0 : i32
    %c0_i32_0 = arith.constant 0 : i32
    return %c1_i32, %arg0, %c0_i32 : i32, i32, i32
  }
  func.func @transform_2(%arg0: i32) -> (i32, i32, i32) {
    %c0_i32 = arith.constant 0 : i32
    %c0_i32_0 = arith.constant 0 : i32
    %c0_i32_1 = arith.constant 0 : i32
    return %c0_i32, %arg0, %c0_i32_0 : i32, i32, i32
  }
  func.func @transform_3(%arg0: i32) -> (i32, i32, i32) {
    %c1_i32 = arith.constant 1 : i32
    %c0_i32 = arith.constant 0 : i32
    %c0_i32_0 = arith.constant 0 : i32
    return %c1_i32, %arg0, %c0_i32 : i32, i32, i32
  }
  func.func @transform_4(%arg0: i32) -> (i32, i32) {
    %c0_i32 = arith.constant 0 : i32
    %c0_i32_0 = arith.constant 0 : i32
    %c0_i32_1 = arith.constant 0 : i32
    return %c0_i32, %c0_i32_0 : i32, i32
  }
  func.func @transform_5(%arg0: i32) -> (i32, i32) {
    %c0_i32 = arith.constant 0 : i32
    %c0_i32_0 = arith.constant 0 : i32
    return %arg0, %c0_i32 : i32, i32
  }
  func.func @transform_6(%arg0: i32) -> (i32, i32) {
    %c0_i32 = arith.constant 0 : i32
    %c0_i32_0 = arith.constant 0 : i32
    %c0_i32_1 = arith.constant 0 : i32
    return %c0_i32, %c0_i32_0 : i32, i32
  }
  func.func @transform_7(%arg0: i32) -> (i32, i32) {
    %c0_i32 = arith.constant 0 : i32
    %c0_i32_0 = arith.constant 0 : i32
    %c0_i32_1 = arith.constant 0 : i32
    return %c0_i32, %c0_i32_0 : i32, i32
  }
  func.func @transform_8(%arg0: i32) -> (i32, i32) {
    %c0_i32 = arith.constant 0 : i32
    %c0_i32_0 = arith.constant 0 : i32
    %c0_i32_1 = arith.constant 0 : i32
    return %c0_i32, %c0_i32_0 : i32, i32
  }
  func.func @transform_9(%arg0: i32) -> (i32, i32) {
    %c0_i32 = arith.constant 0 : i32
    %c0_i32_0 = arith.constant 0 : i32
    return %arg0, %c0_i32 : i32, i32
  }
}

module attributes {stable_mosaic.version = 14 : i64} {
  func.func @_final_body(%arg0: i32, %arg1: memref<1x1792x128xf32, #tpu.memory_space<vmem>>, %arg2: memref<1x1792x128xf32, #tpu.memory_space<vmem>>, %arg3: memref<1x1792x8xf32, #tpu.memory_space<vmem>>, %arg4: memref<1x1792x8xf32, #tpu.memory_space<vmem>>, %arg5: memref<8x128xf32, #tpu.memory_space<vmem>>, %arg6: memref<1792x128xf32, #tpu.memory_space<vmem>>, %arg7: memref<1792x128xf32, #tpu.memory_space<vmem>>, %arg8: memref<128x128xf32, #tpu.memory_space<vmem>>, %arg9: memref<1x128xf32, #tpu.memory_space<vmem>>, %arg10: memref<128x128xf32, #tpu.memory_space<vmem>>, %arg11: memref<128x256xf32, #tpu.memory_space<vmem>>, %arg12: memref<128x256xf32, #tpu.memory_space<vmem>>, %arg13: memref<128x256xf32, #tpu.memory_space<vmem>>, %arg14: memref<1x256xf32, #tpu.memory_space<vmem>>, %arg15: memref<1792x256xf32, #tpu.memory_space<vmem>>) attributes {dimension_semantics = [#tpu.dimension_semantics<arbitrary>], iteration_bounds = array<i64: 7>, scalar_prefetch = 0 : i64, scratch_operands = 0 : i64, tpu.core_type = #tpu.core_type<tc>, window_params = [{transform_indices = @transform_0, window_bounds = array<i64: 1, 1792, 128>}, {transform_indices = @transform_1, window_bounds = array<i64: 1, 1792, 128>}, {transform_indices = @transform_2, window_bounds = array<i64: 1, 1792, 8>}, {transform_indices = @transform_3, window_bounds = array<i64: 1, 1792, 8>}, {pipeline_mode = #tpu.pipeline_mode<synchronous>, transform_indices = @transform_4, window_bounds = array<i64: 8, 128>}, {transform_indices = @transform_5, window_bounds = array<i64: 1792, 128>}, {transform_indices = @transform_6, window_bounds = array<i64: 1792, 128>}, {pipeline_mode = #tpu.pipeline_mode<synchronous>, transform_indices = @transform_7, window_bounds = array<i64: 128, 128>}, {pipeline_mode = #tpu.pipeline_mode<synchronous>, transform_indices = @transform_8, window_bounds = array<i64: 1, 128>}, {pipeline_mode = #tpu.pipeline_mode<synchronous>, transform_indices = @transform_9, window_bounds = array<i64: 128, 128>}, {pipeline_mode = #tpu.pipeline_mode<synchronous>, transform_indices = @transform_10, window_bounds = array<i64: 128, 256>}, {pipeline_mode = #tpu.pipeline_mode<synchronous>, transform_indices = @transform_11, window_bounds = array<i64: 128, 256>}, {pipeline_mode = #tpu.pipeline_mode<synchronous>, transform_indices = @transform_12, window_bounds = array<i64: 128, 256>}, {pipeline_mode = #tpu.pipeline_mode<synchronous>, transform_indices = @transform_13, window_bounds = array<i64: 1, 256>}, {transform_indices = @transform_14, window_bounds = array<i64: 1792, 256>}]} {
    %get3A = arith.constant 0 : index
    %get3A_0 = arith.constant 0 : index
    %get3A_1 = arith.constant 0 : index
    %get3A_2 = vector.load %arg3[%get3A, %get3A_0, %get3A_1] : memref<1x1792x8xf32, #tpu.memory_space<vmem>>, vector<1x1792x8xf32>
    %get3A_3 = vector.shape_cast %get3A_2 : vector<1x1792x8xf32> to vector<1792x8xf32>
    %get3A_4 = arith.constant 0 : index
    %get3A_5 = arith.constant 0 : index
    %get3A_6 = arith.constant 0 : index
    %get3A_7 = vector.load %arg4[%get3A_4, %get3A_5, %get3A_6] : memref<1x1792x8xf32, #tpu.memory_space<vmem>>, vector<1x1792x8xf32>
    %get3A_8 = vector.shape_cast %get3A_7 : vector<1x1792x8xf32> to vector<1792x8xf32>
    %add3A = arith.addf %get3A_3, %get3A_8 : vector<1792x8xf32>
    %max3A = arith.constant 1.000000e+00 : f32
    %max3A_9 = vector.broadcast %max3A : f32 to vector<1792x8xf32>
    %max3A_10 = arith.maximumf %add3A, %max3A_9 : vector<1792x8xf32>
    %div3A = arith.constant 1.000000e+00 : f32
    %div3A_11 = vector.broadcast %div3A : f32 to vector<1792x8xf32>
    %div3A_12 = arith.divf %div3A_11, %max3A_10 : vector<1792x8xf32>
    %get3A_13 = arith.constant 0 : index
    %get3A_14 = arith.constant 0 : index
    %get3A_15 = vector.load %arg5[%get3A_13, %get3A_14] : memref<8x128xf32, #tpu.memory_space<vmem>>, vector<8x128xf32>
    %dot_general3A = arith.constant dense<0.000000e+00> : vector<1792x128xf32>
    %dot_general3A_16 = tpu.matmul %div3A_12, %get3A_15, %dot_general3A {dimension_numbers = #tpu.dot_dimension_numbers<[1], [0], [0], [1], [0, 0, 1, 1], [], []>, transpose_lhs_hint = false} : vector<1792x8xf32>, vector<8x128xf32>, vector<1792x128xf32> -> vector<1792x128xf32>
    %get3A_17 = arith.constant 0 : index
    %get3A_18 = arith.constant 0 : index
    %get3A_19 = arith.constant 0 : index
    %get3A_20 = vector.load %arg1[%get3A_17, %get3A_18, %get3A_19] : memref<1x1792x128xf32, #tpu.memory_space<vmem>>, vector<1x1792x128xf32>
    %get3A_21 = vector.shape_cast %get3A_20 : vector<1x1792x128xf32> to vector<1792x128xf32>
    %get3A_22 = arith.constant 0 : index
    %get3A_23 = arith.constant 0 : index
    %get3A_24 = arith.constant 0 : index
    %get3A_25 = vector.load %arg2[%get3A_22, %get3A_23, %get3A_24] : memref<1x1792x128xf32, #tpu.memory_space<vmem>>, vector<1x1792x128xf32>
    %get3A_26 = vector.shape_cast %get3A_25 : vector<1x1792x128xf32> to vector<1792x128xf32>
    %add3A_27 = arith.addf %get3A_21, %get3A_26 : vector<1792x128xf32>
    %mul3A = arith.mulf %add3A_27, %dot_general3A_16 : vector<1792x128xf32>
    %get3A_28 = arith.constant 0 : index
    %get3A_29 = arith.constant 0 : index
    %get3A_30 = vector.load %arg8[%get3A_28, %get3A_29] : memref<128x128xf32, #tpu.memory_space<vmem>>, vector<128x128xf32>
    %dot_general3A_31 = arith.constant dense<0.000000e+00> : vector<1792x128xf32>
    %dot_general3A_32 = tpu.matmul %mul3A, %get3A_30, %dot_general3A_31 {dimension_numbers = #tpu.dot_dimension_numbers<[1], [0], [0], [1], [0, 0, 1, 1], [], []>, transpose_lhs_hint = false} : vector<1792x128xf32>, vector<128x128xf32>, vector<1792x128xf32> -> vector<1792x128xf32>
    %get3A_33 = arith.constant 0 : index
    %get3A_34 = arith.constant 0 : index
    %get3A_35 = vector.load %arg6[%get3A_33, %get3A_34] : memref<1792x128xf32, #tpu.memory_space<vmem>>, vector<1792x128xf32>
    %get3A_36 = arith.constant 0 : index
    %get3A_37 = arith.constant 0 : index
    %get3A_38 = vector.load %arg10[%get3A_36, %get3A_37] : memref<128x128xf32, #tpu.memory_space<vmem>>, vector<128x128xf32>
    %dot_general3A_39 = arith.constant dense<0.000000e+00> : vector<1792x128xf32>
    %dot_general3A_40 = tpu.matmul %get3A_35, %get3A_38, %dot_general3A_39 {dimension_numbers = #tpu.dot_dimension_numbers<[1], [0], [0], [1], [0, 0, 1, 1], [], []>, transpose_lhs_hint = false} : vector<1792x128xf32>, vector<128x128xf32>, vector<1792x128xf32> -> vector<1792x128xf32>
    %add3A_41 = arith.addf %dot_general3A_32, %dot_general3A_40 : vector<1792x128xf32>
    %get3A_42 = arith.constant 0 : index
    %get3A_43 = arith.constant 0 : index
    %get3A_44 = vector.load %arg9[%get3A_42, %get3A_43] : memref<1x128xf32, #tpu.memory_space<vmem>>, vector<1x128xf32>
    %add3A_45 = vector.broadcast %get3A_44 : vector<1x128xf32> to vector<1792x128xf32>
    %add3A_46 = arith.addf %add3A_41, %add3A_45 : vector<1792x128xf32>
    %max3A_47 = arith.constant 0.000000e+00 : f32
    %max3A_48 = vector.broadcast %max3A_47 : f32 to vector<1792x128xf32>
    %max3A_49 = arith.maximumf %add3A_46, %max3A_48 : vector<1792x128xf32>
    %get3A_50 = arith.constant 0 : index
    %get3A_51 = arith.constant 0 : index
    %get3A_52 = vector.load %arg7[%get3A_50, %get3A_51] : memref<1792x128xf32, #tpu.memory_space<vmem>>, vector<1792x128xf32>
    %get3A_53 = arith.constant 0 : index
    %get3A_54 = arith.constant 0 : index
    %get3A_55 = vector.load %arg11[%get3A_53, %get3A_54] : memref<128x256xf32, #tpu.memory_space<vmem>>, vector<128x256xf32>
    %dot_general3A_56 = arith.constant dense<0.000000e+00> : vector<1792x256xf32>
    %dot_general3A_57 = tpu.matmul %get3A_52, %get3A_55, %dot_general3A_56 {dimension_numbers = #tpu.dot_dimension_numbers<[1], [0], [0], [1], [0, 0, 1, 1], [], []>, transpose_lhs_hint = false} : vector<1792x128xf32>, vector<128x256xf32>, vector<1792x256xf32> -> vector<1792x256xf32>
    %get3A_58 = arith.constant 0 : index
    %get3A_59 = arith.constant 0 : index
    %get3A_60 = vector.load %arg6[%get3A_58, %get3A_59] : memref<1792x128xf32, #tpu.memory_space<vmem>>, vector<1792x128xf32>
    %get3A_61 = arith.constant 0 : index
    %get3A_62 = arith.constant 0 : index
    %get3A_63 = vector.load %arg12[%get3A_61, %get3A_62] : memref<128x256xf32, #tpu.memory_space<vmem>>, vector<128x256xf32>
    %dot_general3A_64 = arith.constant dense<0.000000e+00> : vector<1792x256xf32>
    %dot_general3A_65 = tpu.matmul %get3A_60, %get3A_63, %dot_general3A_64 {dimension_numbers = #tpu.dot_dimension_numbers<[1], [0], [0], [1], [0, 0, 1, 1], [], []>, transpose_lhs_hint = false} : vector<1792x128xf32>, vector<128x256xf32>, vector<1792x256xf32> -> vector<1792x256xf32>
    %add3A_66 = arith.addf %dot_general3A_57, %dot_general3A_65 : vector<1792x256xf32>
    %get3A_67 = arith.constant 0 : index
    %get3A_68 = arith.constant 0 : index
    %get3A_69 = vector.load %arg13[%get3A_67, %get3A_68] : memref<128x256xf32, #tpu.memory_space<vmem>>, vector<128x256xf32>
    %dot_general3A_70 = arith.constant dense<0.000000e+00> : vector<1792x256xf32>
    %dot_general3A_71 = tpu.matmul %max3A_49, %get3A_69, %dot_general3A_70 {dimension_numbers = #tpu.dot_dimension_numbers<[1], [0], [0], [1], [0, 0, 1, 1], [], []>, transpose_lhs_hint = false} : vector<1792x128xf32>, vector<128x256xf32>, vector<1792x256xf32> -> vector<1792x256xf32>
    %add3A_72 = arith.addf %add3A_66, %dot_general3A_71 : vector<1792x256xf32>
    %get3A_73 = arith.constant 0 : index
    %get3A_74 = arith.constant 0 : index
    %get3A_75 = vector.load %arg14[%get3A_73, %get3A_74] : memref<1x256xf32, #tpu.memory_space<vmem>>, vector<1x256xf32>
    %add3A_76 = vector.broadcast %get3A_75 : vector<1x256xf32> to vector<1792x256xf32>
    %add3A_77 = arith.addf %add3A_72, %add3A_76 : vector<1792x256xf32>
    %swap3A = arith.constant 0 : index
    %swap3A_78 = arith.constant 0 : index
    %swap3A_79 = vector.load %arg15[%swap3A, %swap3A_78] : memref<1792x256xf32, #tpu.memory_space<vmem>>, vector<1792x256xf32>
    tpu.vector_store %arg15[%swap3A, %swap3A_78], %add3A_77 {strides = array<i32>} : memref<1792x256xf32, #tpu.memory_space<vmem>>, vector<1792x256xf32>,
    return
  }
  func.func @transform_0(%arg0: i32) -> (i32, i32, i32) {
    %c0_i32 = arith.constant 0 : i32
    %c0_i32_0 = arith.constant 0 : i32
    %c0_i32_1 = arith.constant 0 : i32
    return %c0_i32, %arg0, %c0_i32_0 : i32, i32, i32
  }
  func.func @transform_1(%arg0: i32) -> (i32, i32, i32) {
    %c1_i32 = arith.constant 1 : i32
    %c0_i32 = arith.constant 0 : i32
    %c0_i32_0 = arith.constant 0 : i32
    return %c1_i32, %arg0, %c0_i32 : i32, i32, i32
  }
  func.func @transform_2(%arg0: i32) -> (i32, i32, i32) {
    %c0_i32 = arith.constant 0 : i32
    %c0_i32_0 = arith.constant 0 : i32
    %c0_i32_1 = arith.constant 0 : i32
    return %c0_i32, %arg0, %c0_i32_0 : i32, i32, i32
  }
  func.func @transform_3(%arg0: i32) -> (i32, i32, i32) {
    %c1_i32 = arith.constant 1 : i32
    %c0_i32 = arith.constant 0 : i32
    %c0_i32_0 = arith.constant 0 : i32
    return %c1_i32, %arg0, %c0_i32 : i32, i32, i32
  }
  func.func @transform_4(%arg0: i32) -> (i32, i32) {
    %c0_i32 = arith.constant 0 : i32
    %c0_i32_0 = arith.constant 0 : i32
    %c0_i32_1 = arith.constant 0 : i32
    return %c0_i32, %c0_i32_0 : i32, i32
  }
  func.func @transform_5(%arg0: i32) -> (i32, i32) {
    %c0_i32 = arith.constant 0 : i32
    %c0_i32_0 = arith.constant 0 : i32
    return %arg0, %c0_i32 : i32, i32
  }
  func.func @transform_6(%arg0: i32) -> (i32, i32) {
    %c0_i32 = arith.constant 0 : i32
    %c0_i32_0 = arith.constant 0 : i32
    return %arg0, %c0_i32 : i32, i32
  }
  func.func @transform_7(%arg0: i32) -> (i32, i32) {
    %c0_i32 = arith.constant 0 : i32
    %c0_i32_0 = arith.constant 0 : i32
    %c0_i32_1 = arith.constant 0 : i32
    return %c0_i32, %c0_i32_0 : i32, i32
  }
  func.func @transform_8(%arg0: i32) -> (i32, i32) {
    %c0_i32 = arith.constant 0 : i32
    %c0_i32_0 = arith.constant 0 : i32
    %c0_i32_1 = arith.constant 0 : i32
    return %c0_i32, %c0_i32_0 : i32, i32
  }
  func.func @transform_9(%arg0: i32) -> (i32, i32) {
    %c0_i32 = arith.constant 0 : i32
    %c0_i32_0 = arith.constant 0 : i32
    %c0_i32_1 = arith.constant 0 : i32
    return %c0_i32, %c0_i32_0 : i32, i32
  }
  func.func @transform_10(%arg0: i32) -> (i32, i32) {
    %c0_i32 = arith.constant 0 : i32
    %c0_i32_0 = arith.constant 0 : i32
    %c0_i32_1 = arith.constant 0 : i32
    return %c0_i32, %c0_i32_0 : i32, i32
  }
  func.func @transform_11(%arg0: i32) -> (i32, i32) {
    %c0_i32 = arith.constant 0 : i32
    %c0_i32_0 = arith.constant 0 : i32
    %c0_i32_1 = arith.constant 0 : i32
    return %c0_i32, %c0_i32_0 : i32, i32
  }
  func.func @transform_12(%arg0: i32) -> (i32, i32) {
    %c0_i32 = arith.constant 0 : i32
    %c0_i32_0 = arith.constant 0 : i32
    %c0_i32_1 = arith.constant 0 : i32
    return %c0_i32, %c0_i32_0 : i32, i32
  }
  func.func @transform_13(%arg0: i32) -> (i32, i32) {
    %c0_i32 = arith.constant 0 : i32
    %c0_i32_0 = arith.constant 0 : i32
    %c0_i32_1 = arith.constant 0 : i32
    return %c0_i32, %c0_i32_0 : i32, i32
  }
  func.func @transform_14(%arg0: i32) -> (i32, i32) {
    %c0_i32 = arith.constant 0 : i32
    %c0_i32_0 = arith.constant 0 : i32
    return %arg0, %c0_i32 : i32, i32
  }
}

</mosaic_0001>

<sc_bundles>
// kernel: kernel.6.cloned.1.call-start
scs
__scs_entry_jumppad:
0x0: {  	(pc) =	sbr.rel $0x88, $3  }
0x1: {  	(tag) =	ssettag $0x0;
	lr =	simm.s32 $0x1  }
0x2: {  	[smem:$0x3F97] =	sst lr;
	_ =	strace $0xD0000000  }
0x3: {  	_ = 	snop  }
0x4: {  	_ = 	snop  }
0x5: {  	_ = 	snop  }
0x6: {  	_ = 	snop  }
0x7: {  	_ = 	snop  }
__scs_overlays_trampoline_lowered:
0x8: {  	[smem:$0x3FA6] =	sst s0  }
0x9: {  	[smem:$0x3FA7] =	sst s1  }
0xa: {  	[smem:$0x3FA8] =	sst s2  }
0xb: {  	[smem:$0x3FA9] =	sst s3  }
0xc: {  	[smem:$0x3FAA] =	sst s4  }
0xd: {  	[smem:$0x3FAB] =	sst s5  }
0xe: {  	[smem:$0x3FAC] =	sst s6  }
0xf: {  	[smem:$0x3FAD] =	sst s7  }
0x10: {  	[smem:$0x3FAE] =	sst s8  }
0x11: {  	[smem:$0x3FAF] =	sst s9;
	s0 =	simm.s32 @!p0 $0x0  }
0x12: {  	s1 =	sld [smem:$0x3F95];
	s0 =	simm.s32 @p0 $0x1  }
0x13: {  	[smem:$0x3FB0] =	sst s0;
	s0 =	simm.s32 @!p1 $0x0  }
0x14: {  	s2 =	sld [smem:$0x3F94];
	s0 =	simm.s32 @p1 $0x1  }
0x15: {  	[smem:$0x3FB1] =	sst s0;
	s0 =	simm.s32 @!p2 $0x0  }
0x16: {  	s3 =	sld [smem:$0x3FDB];
	s0 =	simm.s32 @p2 $0x1  }
0x17: {  	s4 =	simm.s32 $0x1BF5;
	[smem:$0x3FB3] =	sst s0  }
0x18: {  	s0 =	sld [smem:$0x3F96];
	_ =	swait.ge [sflag:s4], $0x0  }
0x19: {  	s7 =	sld [smem:$0x3F97]  }
0x1a: {  	s8 =	sadd.s32 $0xFFFFE003, lr  }
0x1b: {  	s9 =	sadd.s32 $0xFFFFFEF7, lr;
	s5 =	simm.s32 $0xFFFFFFFF;
	p2 =	slt.u32 s8, $0xFFFFF086  }
0x1c: {  	p1 =	slt.u32 s9, $0xF7A;
	s5 =	simm.s32 @!p2 $0x0  }
0x1d: {  	s5 =	simm.s32 @p1 $0x1;
	p0 =	seq.s32 s7, s2  }
0x1e: {  	s7 =	smul.u32 @!p0 $0xF7A, s2;
	p2 =	seq.s32 @!p0 s5, $0x0  }
0x1f: {  	s9 =	smul.u32 $0xF7A, s1;
	s8 =	simm.s32 @!p0 $0x1BF5;
	p2 =	por !p2, p0  }
0x20: {  	[sflag:s8] =	ssyncset.s32 @!p0 $0xFFFFF086;
	s6 =	sadd.s32 @!p0 s3, s7;
	s7 =	simm.s32 @!p0 $0x108  }
0x21: {  	s3 =	sadd.s32 s3, s9;
	s6 =	sadd.s32 @!p0 $0x88, s6;
	s7 =	simm.s32 @p2 $0x1082  }
0x22: {  	[simem:s7], [sflag:s8] =	dma.local @!p0 [hbm:s6], $0xF7A  }
0x23: {  	s9 =	sor.u32 $0xD0000000, s2;
	s6 =	simm.s32 $0x108;
	_ =	swait.ge @!p0 [sflag:s8], $0x0  }
0x24: {  	s3 =	sadd.s32 $0x88, s3;
	s6 =	simm.s32 @!p1 $0x1082;
	[sflag:s4] =	ssyncset.s32 $0xFFFFF086  }
0x25: {  	[simem:s6], [sflag:s4] =	dma.local [hbm:s3], $0xF7A  }
0x26: {  	[smem:$0x3F97] =	sst s1;
	(tag) =	ssettag s2;
	_ =	strace s9  }
0x27: {  	s1 =	sld [smem:$0x3FA7]  }
0x28: {  	s2 =	sld [smem:$0x3FA8]  }
0x29: {  	s4 =	sld [smem:$0x3FAA]  }
0x2a: {  	p0 =	seq.s32 s5, $0x0;
	s5 =	sld [smem:$0x3FAB]  }
0x2b: {  	s6 =	sld [smem:$0x3FAC]  }
0x2c: {  	s7 =	sld [smem:$0x3FAD]  }
0x2d: {  	s3 =	simm.s32 $0x108;
	s8 =	sld [smem:$0x3FAE]  }
0x2e: {  	s3 =	simm.s32 @!p0 $0x1082;
	s9 =	sld [smem:$0x3FAF]  }
0x2f: {  	lr =	sadd.s32 s0, s3;
	s0 =	sld [smem:$0x3FA6]  }
0x30: {  	s3 =	sld [smem:$0x3FA9]  }
0x31: {  	[smem:$0x3FB2] =	sst s10  }
0x32: {  	s10 =	sld [smem:$0x3FB0];
	_ =	sdelay $0x3  }
0x33: {  	p0 =	seq.s32 s10, $0x1;
	s10 =	sld [smem:$0x3FB2];
	_ =	sdelay $0x3  }
0x34: {  	[smem:$0x3FB2] =	sst s10  }
0x35: {  	s10 =	sld [smem:$0x3FB1];
	_ =	sdelay $0x3  }
0x36: {  	p1 =	seq.s32 s10, $0x1;
	s10 =	sld [smem:$0x3FB2];
	_ =	sdelay $0x3  }
0x37: {  	[smem:$0x3FB2] =	sst s10  }
0x38: {  	s10 =	sld [smem:$0x3FB3]  }
0x39: {  	_ = 	snop;
	(pc) =	sbr.ind lr, $3  }
0x3a: {  	_ = 	snop  }
0x3b: {  	_ = 	snop  }
0x3c: {  	p2 =	seq.s32 s10, $0x1;
	s10 =	sld [smem:$0x3FB2]  }
0x3d: {  	_ =	shalt  }
0x3e: {  	_ =	shalt  }
0x3f: {  	_ =	shalt  }
0x40: {  	_ =	shalt  }
0x41: {  	_ =	shalt  }
0x42: {  	_ =	shalt  }
0x43: {  	_ =	shalt  }
0x44: {  	_ =	shalt  }
0x45: {  	_ =	shalt  }
0x46: {  	_ =	shalt  }
0x47: {  	_ =	shalt  }
0x48: {  	_ =	shalt  }
0x49: {  	_ =	shalt  }
0x4a: {  	_ =	shalt  }
0x4b: {  	_ =	shalt  }
0x4c: {  	_ =	shalt  }
0x4d: {  	_ =	shalt  }
0x4e: {  	_ =	shalt  }
0x4f: {  	_ =	shalt  }
0x50: {  	_ =	shalt  }
0x51: {  	_ =	shalt  }
0x52: {  	_ =	shalt  }
0x53: {  	_ =	shalt  }
0x54: {  	_ =	shalt  }
0x55: {  	_ =	shalt  }
0x56: {  	_ =	shalt  }
0x57: {  	_ =	shalt  }
0x58: {  	_ =	shalt  }
0x59: {  	_ =	shalt  }
0x5a: {  	_ =	shalt  }
0x5b: {  	_ =	shalt  }
0x5c: {  	_ =	shalt  }
0x5d: {  	_ =	shalt  }
0x5e: {  	_ =	shalt  }
0x5f: {  	_ =	shalt  }
0x60: {  	_ =	shalt  }
0x61: {  	_ =	shalt  }
0x62: {  	_ =	shalt  }
0x63: {  	_ =	shalt  }
0x64: {  	_ =	shalt  }
0x65: {  	_ =	shalt  }
0x66: {  	_ =	shalt  }
0x67: {  	_ =	shalt  }
0x68: {  	_ =	shalt  }
0x69: {  	_ =	shalt  }
0x6a: {  	_ =	shalt  }
0x6b: {  	_ =	shalt  }
0x6c: {  	_ =	shalt  }
0x6d: {  	_ =	shalt  }
0x6e: {  	_ =	shalt  }
0x6f: {  	_ =	shalt  }
0x70: {  	_ =	shalt  }
0x71: {  	_ =	shalt  }
0x72: {  	_ =	shalt  }
0x73: {  	_ =	shalt  }
0x74: {  	_ =	shalt  }
0x75: {  	_ =	shalt  }
0x76: {  	_ =	shalt  }
0x77: {  	_ =	shalt  }
0x78: {  	_ =	shalt  }
0x79: {  	_ =	shalt  }
0x7a: {  	_ =	shalt  }
0x7b: {  	_ =	shalt  }
0x7c: {  	_ =	shalt  }
0x7d: {  	_ =	shalt  }
0x7e: {  	_ =	shalt  }
0x7f: {  	_ =	shalt  }
0x80: {  	_ =	shalt  }
0x81: {  	_ =	shalt  }
0x82: {  	_ =	shalt  }
0x83: {  	_ =	shalt  }
0x84: {  	_ =	shalt  }
0x85: {  	_ =	shalt  }
0x86: {  	_ =	shalt  }
0x87: {  	_ =	shalt  }
.Lfunc_end0:
.L_simem_size_0:
called_computation_lowered:
.L_overlay_start_0:
0x88: {  	s2 =	sld [smem:$0x3FD9]  }
0x89: {  	s3 =	sld [smem:$0x3FFE];
	_ =	sdelay $0x1  }
0x8a: {  	s1 =	srdreg.scid  }
0x8b: {  	s0 =	sand.u32 $0x1, s1  }
0x8c: {  	s17 =	sshll.u32 s0, $0xA;
	s2 =	sadd.s32 s3, s2  }
0x8d: {  	s2 =	sadd.s32 s2, s17  }
0x8e: {  	[smem:$0x3FBE] =	sst s2  }
0x8f: {  	_ = 	snop  }
0x90: {  	s2 =	sld [smem:$0x3FD0];
	(tm) =	ssettm $0x1  }
0x91: {  	s18 =	sld [smem:$0x3FFB];
	_ =	sdelay $0x3  }
0x92: {  	_ =	strace s18  }
0x93: {  	s3 =	sld [smem:$0x3FFC];
	_ =	sdelay $0x3  }
0x94: {  	_ =	strace s3  }
0x95: {  	s3 =	sld [smem:$0x3FFD];
	_ =	sdelay $0x3  }
0x96: {  	_ =	strace s3  }
0x97: {  	_ =	strace $0x8FFFFFFF  }
0x98: {  	s19 =	sld [smem:$0x3FDB];
	_ =	sdelay $0x1  }
0x99: {  	s4 =	simm.s32 $_scs_section_size  }
0x9a: {  	s5 =	simm.s32 $_size__tile_overlayer_lowered;
	s6 =	simm.s32 $_tile_overlayer_lowered  }
0x9b: {  	s22 =	simm.s32 $0x1BFF;
	s21 =	sshll.u32 s6, $0x1;
	s3 =	sadd.s32 s4, s19  }
0x9c: {  	s7 =	simm.s32 $0x0;
	s20 =	sshll.u32 s5, $0x1;
	s5 =	sadd.s32 s21, s3  }
0x9d: {  	[timem:s7], [sflag:s22] =	dma.local [hbm:s5], s20  }
0x9e: {  	_ =	swait.ge [sflag:s22], s20  }
0x9f: {  	s4 =	ssub.s32 $0x0, s20;
	[sflag:s22] =	ssyncset.done $0x0  }
0xa0: {  	[sflag:s22] =	ssyncadd.s32 s4;
	_ =	sdelay $0x1  }
0xa1: {  	s23 =	simm.s32 $0x1B8B  }
0xa2: {  	_ =	swait.ge [sflag:s23], $0x1  }
0xa3: {  	[sflag:s23] =	ssyncset.done $0x0  }
0xa4: {  	s25 =	simm.s32 $0x1B8E;
	s24 =	sld [smem:$0x3FFE];
	[sflag:s23] =	ssyncadd.s32 $0xFFFFFFFF  }
0xa5: {  	s26 =	simm.s32 $execute0_lowered;
	[smem:$0x3FD2] =	sst s25  }
0xa6: {  	s5 =	sshll.u32 s26, $0x1;
	_ =	strace $0x80000046;
	[dreg:$0x1] =	wrdreg $0xFFFFFFFF  }
0xa7: {  	s28 =	simm.s32 $_size_execute0_lowered;
	s3 =	sadd.s32 s3, s5;
	[dreg:$0x0] =	wrdreg $0x0  }
0xa8: {  	s5 =	sshll.u32 s28, $0x1;
	[dreg:$0x2] =	wrdreg s3  }
0xa9: {  	[dreg:$0x3] =	wrdreg s5  }
0xaa: {  	[dreg:$0x4] =	wrdreg $0xC0  }
0xab: {  	_ =	task [dreg:s7], $0x5FFFF  }
0xac: {  	[dreg:$0x1] =	wrdreg $0xFFFFFFFF  }
0xad: {  	[dreg:$0x0] =	wrdreg $0x60  }
0xae: {  	[dreg:$0x2] =	wrdreg s24  }
0xaf: {  	[dreg:$0x3] =	wrdreg s2  }
0xb0: {  	[dreg:$0x4] =	wrdreg $0x0  }
0xb1: {  	[dreg:$0x5] =	wrdreg $0x1D8000  }
0xb2: {  	[dreg:$0x6] =	wrdreg $0x9  }
0xb3: {  	_ =	task.clear_ibuf [dreg:s7], $0x7FFFF;
	_ =	strace $0x90000046  }
0xb4: {  	s29 =	simm.s32 $0x9;
	_ =	strace $0x80000048  }
0xb5: {  	_ =	swait.ge [sflag:s29], $0x1  }
0xb6: {  	[sflag:s29] =	ssyncadd.s32 $0xFFFFFFFF  }
0xb7: {  	_ =	strace $0x90000048  }
0xb8: {  	_ =	sfence  }
0xb9: {  	s30 =	sld [smem:$0x0];
	_ =	sdelay $0x2  }
0xba: {  	s31 =	sshll.u32 s1, $0xD;
	s1 =	sshrl.u32 s1, $0x2  }
0xbb: {  	s3 =	sand.u32 $0x4000, s31;
	s1 =	sadd.s32 s1, s30  }
0xbc: {  	s0 =	sor.u32 s3, s0;
	s1 =	sshll.u32 s1, $0x11  }
0xbd: {  	s0 =	sor.u32 s1, s0  }
0xbe: {  	s0 =	sadd.s32 $0x8F2B, s0  }
0xbf: {  	[sflag:s0] =	ssyncadd.remote.s32 $0x1  }
0xc0: {  	_ =	sfence.sel $0xFFFF  }
0xc1: {  	[dreg:$0x0] =	wrdreg $0xFFFFFFFF;
	(pc) =	sbr.abs _section_cstart, $3  }
0xc2: {  	[dreg:$0x1] =	wrdreg $0xFFFFFFFF  }
0xc3: {  	_ =	task.clear_ibuf [dreg:s7], $0x2FFFF;
	_ =	strace $0x9FFFFFFF  }
0xc4: {  	(tm) =	ssettm $0x7FFFFFFF  }
0xc5: {  	_ =	shalt  }
tec
execute0_lowered:
.L_overlay_start_1:
0x0: {  	(tag) =	ssettag $0x1  }
0x1: {  	s0 =	rddreg [dreg:$0x0]  }
0x2: {  	s2 =	rddreg [dreg:$0x1]  }
0x3: {  	s1 =	rddreg [dreg:$0x2]  }
0x4: {  	s3 =	rddreg [dreg:$0x3]  }
0x5: {  	s4 =	simm.s32 $0x0;
	s17 =	stileid.u32;
	s6 =	srdreg.scid  }
0x6: {  	s28 =	simm.s32 $0x80;
	s30 =	simm.s32 $0x9;
	s21 =	smul.u32 $0x18800, s17  }
0x7: {  	[smem:$0x7FF] =	sst s4;
	s5 =	sadd.s32 $0x1F0200, s0;
	s8 =	smul.u32 $0x1880, s17  }
0x8: {  	s9 =	sand.u32 $0x1, s6;
	s10 =	sadd.s32 $0x7C00, s0;
	s7 =	smul.u32 $0x32000, s17  }
0x9: {  	s22 =	sadd.s32 $0x5600, s0;
	s23 =	sadd.s32 $0x3000, s0;
	s11 =	smul.u32 $0x188000, s9  }
0xa: {  	s16 =	sshll.u32 s17, $0x1;
	s29 =	sshll.u32 s17, $0x6;
	s13 =	smul.u32 $0x18800, s9  }
0xb: {  	_ =	strace $0x80000047;
	[dreg:$0x13] =	wrdreg s22;
	s19 =	smul.u32 $0x19000, s9  }
0xc: {  	[dreg:$0x14] =	wrdreg s23;
	s15 =	ssub.s32 $0x2, s9;
	s22 =	smul.u32 $0x3200, s9  }
0xd: {  	s25 =	sor.u32 s9, s16;
	s16 =	sor.u32 $0x1C0B, s29;
	s23 =	smul.u32 $0x640, s17  }
0xe: {  	s9 =	smul.u32 $0x320, s9;
	s12 =	sshrl.u32 s21, $0x3;
	s14 =	sshrl.u32 s8, $0x3  }
0xf: {  	s24 =	sshrl.u32 s15, $0x1;
	s4 =	sadd.s32 s21, s1;
	s31 =	smul.u32 $0x3200, s25  }
0x10: {  	s6 =	sadd.s32 s8, s3;
	[dreg:$0x7] =	wrdreg s16;
	s12 =	sadd.s32 s12, s0  }
0x11: {  	s11 =	sadd.s32 s21, s11;
	s14 =	sadd.s32 s14, s0;
	[dreg:$0x5] =	wrdreg s4  }
0x12: {  	s13 =	sadd.s32 s8, s13;
	[dreg:$0x8] =	wrdreg s6;
	s21 =	smul.u32 $0x6400, s17  }
0x13: {  	s4 =	sadd.s32 s19, s7;
	s17 =	simm.s32 $0x1C800;
	s11 =	sshrl.u32 s11, $0x3  }
0x14: {  	s13 =	sshrl.u32 s13, $0x3;
	s26 =	sadd.s32 $0x224200, s12;
	s18 =	sor.u32 $0x40, s31  }
0x15: {  	s12 =	sadd.s32 s2, s31;
	s14 =	sadd.s32 $0x221000, s14;
	[dreg:$0x6] =	wrdreg s26  }
0x16: {  	s25 =	sadd.s32 $0xFFCF3000, s4;
	s4 =	simm.s32 $0x1B000;
	[dreg:$0xa] =	wrdreg s12  }
0x17: {  	s11 =	sadd.s32 s11, s0;
	s0 =	sadd.s32 s13, s0;
	[dreg:$0xd] =	wrdreg s14  }
0x18: {  	s13 =	ssub.s32 s15, s24;
	s15 =	sadd.s32 s10, s31;
	[dreg:$0x11] =	wrdreg s25  }
0x19: {  	s20 =	sadd.s32 s10, s18;
	s8 =	sadd.s32 s2, s18;
	[dreg:$0x9] =	wrdreg s15  }
0x1a: {  	s10 =	sadd.s32 s21, s10;
	s2 =	sadd.s32 s21, s2;
	[dreg:$0xb] =	wrdreg s20  }
0x1b: {  	s31 =	sadd.s32 s9, s23;
	s23 =	simm.s32 $0x1A800;
	[dreg:$0xc] =	wrdreg s8  }
0x1c: {  	s12 =	simm.s32 $0x1B800;
	s11 =	sadd.s32 $0x25B400, s11;
	[dreg:$0x12] =	wrdreg s31  }
0x1d: {  	s14 =	simm.s32 $0x1C000;
	s0 =	sadd.s32 $0x255200, s0;
	[dreg:$0xe] =	wrdreg s11  }
.Ltmp0:
0x1e: {  	s24 =	smax.u32 s13, $0x1;
	[dreg:$0xf] =	wrdreg s0;
	(pc) =	sbr.rel .LBB2_1-.Ltmp0, $4  }
0x1f: {  	s26 =	sadd.s32 s22, s10;
	s29 =	sadd.s32 s22, s2;
	[dreg:$0x10] =	wrdreg s24  }
0x20: {  	s20 =	simm.s32 $0x1A000;
	s8 =	simm.s32 $0x1B000;
	[dreg:$0x15] =	wrdreg s26  }
0x21: {  	s13 =	simm.s32 $0x1F080;
	[dreg:$0x16] =	wrdreg s29;
	s11 =	simm.s32 $0xB  }
0x22: {  	v0 =	vimm.f32 $1.000000000e+00;
	s0 =	simm.s32 $0x0;
	s24 =	simm.s32 $0x1A800;
	s26 =	simm.s32 $0x1F200  }
.LBB2_4:
0x23: {  	s0 =	simm.s32 $0x8  }
0x24: {  	_ =	swait.ge [sflag:s0], $0x2000  }
0x25: {  	[sflag:s0] =	ssyncset.done $0x0  }
0x26: {  	s21 =	simm.s32 $0xA;
	[sflag:s0] =	ssyncadd.s32 $0xFFFFE000  }
0x27: {  	_ =	swait.ge [sflag:s21], $0x200  }
0x28: {  	[sflag:s21] =	ssyncset.done $0x0  }
0x29: {  	[sflag:s21] =	ssyncadd.s32 $0xFFFFFE00  }
0x2a: {  	[bflag:$0x0] =	sbarrier.arrive $0xFFFF  }
0x2b: {  	s16 =	rddreg [dreg:$0x7]  }
0x2c: {  	s2 =	rddreg [dreg:$0xe]  }
0x2d: {  	s11 =	simm.s32 $0xB;
	s22 =	rddreg [dreg:$0x18]  }
0x2e: {  	[hbm:s2], [sflag:s16] =	dma.local [spmem:s22], $0x3100  }
0x2f: {  	_ =	swait.ge [sflag:s11], $0x3100  }
0x30: {  	[sflag:s11] =	ssyncset.done $0x0;
	s23 =	rddreg [dreg:$0xf]  }
0x31: {  	s25 =	rddreg [dreg:$0x19];
	[sflag:s11] =	ssyncadd.s32 $0xFFFFCF00  }
0x32: {  	[hbm:s23], [sflag:s16] =	dma.local [spmem:s25], $0x310  }
0x33: {  	_ =	swait.ge [sflag:s11], $0x310  }
0x34: {  	s29 =	rddreg [dreg:$0x17]  }
0x35: {  	s31 =	rddreg [dreg:$0x10];
	s0 =	sadd.s32 $0x1, s29  }
0x36: {  	p0 =	sne.s32 s0, s31  }
.Ltmp1:
0x37: {  	_ = 	snop;
	(pc) =	sbr.rel @!p0 .LBB2_5-.Ltmp1, $3  }
0x38: {  	_ =	sdelay $0x1  }
0x39: {  	s20 =	simm.s32 $0x1A000;
	[sflag:s11] =	ssyncset.done $0x0  }
0x3a: {  	s4 =	simm.s32 $0x1B000;
	s23 =	simm.s32 $0x1A800;
	[sflag:s11] =	ssyncadd.s32 $0xFFFFFCF0  }
.LBB2_1:
0x3b: {  	[dreg:$0x17] =	wrdreg s0  }
0x3c: {  	s2 =	rddreg [dreg:$0x5]  }
0x3d: {  	s22 =	rddreg [dreg:$0x6];
	s21 =	sshrl.u32 s2, $0x3  }
0x3e: {  	[dreg:$0x18] =	wrdreg s21  }
0x3f: {  	[spmem:s21], [sflag:s16] =	dma.local [hbm:s22], $0x3100  }
0x40: {  	_ =	swait.ge [sflag:s11], $0x3100  }
0x41: {  	s25 =	rddreg [dreg:$0x8]  }
0x42: {  	[sflag:s11] =	ssyncset.done $0x0;
	s31 =	rddreg [dreg:$0xd];
	s29 =	sshrl.u32 s25, $0x3  }
0x43: {  	[sflag:s11] =	ssyncadd.s32 $0xFFFFCF00;
	[dreg:$0x19] =	wrdreg s29  }
0x44: {  	[spmem:s29], [sflag:s16] =	dma.local [hbm:s31], $0x310  }
0x45: {  	_ =	swait.ge [sflag:s11], $0x310  }
0x46: {  	[sflag:s11] =	ssyncset.done $0x0  }
0x47: {  	[sflag:s11] =	ssyncadd.s32 $0xFFFFFCF0  }
0x48: {  	[tilespmem:$0x1F080] =	vst v0  }
0x49: {  	[tilespmem:$0x1F090] =	vst v0  }
0x4a: {  	[tilespmem:$0x1F0A0] =	vst v0  }
0x4b: {  	[tilespmem:$0x1F0B0] =	vst v0  }
0x4c: {  	[tilespmem:$0x1F0C0] =	vst v0  }
0x4d: {  	[tilespmem:$0x1F0D0] =	vst v0  }
0x4e: {  	[tilespmem:$0x1F0E0] =	vst v0  }
0x4f: {  	[tilespmem:$0x1F0F0] =	vst v0  }
0x50: {  	[tilespmem:$0x1F100] =	vst v0  }
0x51: {  	[tilespmem:$0x1F110] =	vst v0  }
0x52: {  	[tilespmem:$0x1F120] =	vst v0  }
0x53: {  	[tilespmem:$0x1F130] =	vst v0  }
0x54: {  	[tilespmem:$0x1F140] =	vst v0  }
0x55: {  	[tilespmem:$0x1F150] =	vst v0  }
0x56: {  	[tilespmem:$0x1F160] =	vst v0  }
0x57: {  	[tilespmem:$0x1F170] =	vst v0  }
0x58: {  	[tilespmem:$0x1F180] =	vst v0  }
0x59: {  	[tilespmem:$0x1F190] =	vst v0  }
0x5a: {  	[tilespmem:$0x1F1A0] =	vst v0  }
0x5b: {  	[tilespmem:$0x1F1B0] =	vst v0  }
0x5c: {  	[tilespmem:$0x1F1C0] =	vst v0  }
0x5d: {  	[tilespmem:$0x1F1D0] =	vst v0  }
0x5e: {  	[tilespmem:$0x1F1E0] =	vst v0  }
0x5f: {  	[tilespmem:$0x1F1F0] =	vst v0  }
0x60: {  	[tilespmem:$0x1F200] =	vst v0  }
0x61: {  	[tilespmem:$0x1F210] =	vst v0  }
0x62: {  	[tilespmem:$0x1F220] =	vst v0  }
0x63: {  	[tilespmem:$0x1F230] =	vst v0  }
0x64: {  	[tilespmem:$0x1F240] =	vst v0  }
0x65: {  	[tilespmem:$0x1F250] =	vst v0  }
0x66: {  	[tilespmem:$0x1F260] =	vst v0  }
0x67: {  	[tilespmem:$0x1F270] =	vst v0  }
0x68: {  	[bflag:$0x0] =	sbarrier.arrive $0xFFFF  }
0x69: {  	s6 =	simm.s32 $0x0;
	s15 =	simm.s32 $0x18800;
	s9 =	rddreg [dreg:$0x9]  }
0x6a: {  	[tilespmem:s15], [sflag:$0xB] =	stream.linear.gather [hbm4b:s9+s6], $0x200, $0x38;
	[tilespmem:$0x1F280] =	vst v63  }
0x6b: {  	_ =	swait.ge [sflag:s11], $0x200  }
0x6c: {  	[sflag:s11] =	ssyncset.done $0x0  }
0x6d: {  	s10 =	simm.s32 $0x19000;
	s7 =	rddreg [dreg:$0xa];
	[sflag:s11] =	ssyncadd.s32 $0xFFFFFE00  }
0x6e: {  	[tilespmem:s10], [sflag:$0xB] =	stream.linear.gather [hbm4b:s7+s6], $0x200, $0x38;
	[tilespmem:$0x1F280] =	vst v63  }
0x6f: {  	_ =	swait.ge [sflag:s11], $0x200  }
0x70: {  	[sflag:s11] =	ssyncset.done $0x0  }
0x71: {  	s19 =	simm.s32 $0x19800;
	[sflag:s11] =	ssyncadd.s32 $0xFFFFFE00  }
0x72: {  	[tilespmem:s19], [sflag:$0x5] =	stream.indirect.gather [hbm4b:s5+s28], $0x10, s15, s28, $0xb8;
	[tilespmem:$0x1F280] =	vst v63  }
0x73: {  	s16 =	simm.s32 $0x18880  }
0x74: {  	[tilespmem:s20], [sflag:$0x5] =	stream.indirect.gather [hbm4b:s5+s28], $0x10, s16, s28, $0xb8;
	[tilespmem:$0x1F280] =	vst v63  }
0x75: {  	s18 =	simm.s32 $0x18900;
	s22 =	rddreg [dreg:$0xb]  }
0x76: {  	[tilespmem:s23], [sflag:$0x5] =	stream.indirect.gather [hbm4b:s5+s28], $0x10, s18, s28, $0xb8;
	[tilespmem:$0x1F280] =	vst v63  }
0x77: {  	s21 =	simm.s32 $0x18980;
	s29 =	rddreg [dreg:$0xc]  }
0x78: {  	[tilespmem:s4], [sflag:$0x5] =	stream.indirect.gather [hbm4b:s5+s28], $0x10, s21, s28, $0xb8;
	[tilespmem:$0x1F280] =	vst v63  }
0x79: {  	s25 =	simm.s32 $0x18A00;
	s11 =	rddreg [dreg:$0x12]  }
0x7a: {  	[tilespmem:s25], [sflag:$0x2] =	stream.linear.gather [hbm4b:s22+s6], $0x200, $0x38;
	[tilespmem:$0x1F280] =	vst v63  }
0x7b: {  	s31 =	simm.s32 $0x19200;
	s15 =	rddreg [dreg:$0x11];
	s16 =	simm.s32 $0x0  }
0x7c: {  	[tilespmem:s31], [sflag:$0x2] =	stream.linear.gather [hbm4b:s29+s6], $0x200, $0x38;
	[tilespmem:$0x1F280] =	vst v63  }
.LBB2_2:
0x7d: {  	s10 =	simm.s32 $0x5;
	s29 =	sadd.s32 $0x8, s11  }
0x7e: {  	_ =	swait.ge [sflag:s10], $0x2000;
	p0 =	sgt.u32 s29, $0x61A7  }
0x7f: {  	[sflag:s10] =	ssyncset.done $0x0;
	s29 =	sshrl.u32 @p0 s15, $0x3  }
0x80: {  	s7 =	rddreg [dreg:$0x13];
	s2 =	simm.s32 @p0 $0x0;
	s9 =	simm.s32 @p0 $0x18C00  }
0x81: {  	s22 =	rddreg [dreg:$0x15];
	[sflag:s10] =	ssyncadd.s32 $0xFFFFE000;
	s31 =	sadd.s32 @p0 s7, s29  }
0x82: {  	[tilespmem:s9], [sflag:$0x3] =	stream.linear.gather @p0 [hbm4b:s31+s2], $0x200, $0x38;
	[tilespmem:$0x1F280] =	vst v63  }
0x83: {  	s0 =	rddreg [dreg:$0x16];
	s2 =	sadd.s32 @!p0 s16, s22  }
0x84: {  	s9 =	simm.s32 @!p0 $0x0;
	s31 =	simm.s32 @!p0 $0x18C00;
	s2 =	sadd.s32 @!p0 $0x80, s2  }
0x85: {  	[tilespmem:s31], [sflag:$0x3] =	stream.linear.gather @!p0 [hbm4b:s2+s9], $0x200, $0x38;
	[tilespmem:$0x1F280] =	vst v63  }
0x86: {  	s21 =	rddreg [dreg:$0x14];
	s2 =	sadd.s32 @!p0 s16, s0  }
0x87: {  	s18 =	simm.s32 $0x0;
	s9 =	sadd.s32 @p0 s21, s29;
	s2 =	sadd.s32 @!p0 $0x80, s2  }
0x88: {  	s6 =	simm.s32 $0x19400;
	s2 =	smov.u32 @p0 s9;
	p0 =	seq.s32 s16, $0x0  }
0x89: {  	[tilespmem:s6], [sflag:$0x3] =	stream.linear.gather [hbm4b:s2+s18], $0x200, $0x38;
	[tilespmem:$0x1F280] =	vst v63  }
0x8a: {  	s2 =	simm.s32 @!p0 $0x8  }
0x8b: {  	_ =	swait.ge @!p0 [sflag:s2], $0x2000  }
0x8c: {  	[sflag:s2] =	ssyncset.done @!p0 $0x0  }
0x8d: {  	[sflag:s2] =	ssyncadd.s32 @!p0 $0xFFFFE000;
	s2 =	simm.s32 @!p0 $0xA  }
0x8e: {  	_ =	swait.ge @!p0 [sflag:s2], $0x200  }
0x8f: {  	[sflag:s2] =	ssyncset.done @!p0 $0x0  }
0x90: {  	s9 =	simm.s32 $0x19000;
	[sflag:s2] =	ssyncadd.s32 @!p0 $0xFFFFFE00  }
0x91: {  	[spmem:s1] =	stream.indirect.scatter.add.f32 [tilespmem:s19], [sflag:$0x7], $0x10, s9, s28, $0xb8;
	[tilespmem:$0x1F280] =	vst v63  }
0x92: {  	s31 =	simm.s32 $0x19080  }
0x93: {  	[spmem:s1] =	stream.indirect.scatter.add.f32 [tilespmem:s20], [sflag:$0x7], $0x10, s31, s28, $0xb8;
	[tilespmem:$0x1F280] =	vst v63  }
0x94: {  	s25 =	simm.s32 $0x19100  }
0x95: {  	[spmem:s1] =	stream.indirect.scatter.add.f32 [tilespmem:s23], [sflag:$0x7], $0x10, s25, s28, $0xb8;
	[tilespmem:$0x1F280] =	vst v63  }
0x96: {  	s6 =	simm.s32 $0x19180  }
0x97: {  	[spmem:s1] =	stream.indirect.scatter.add.f32 [tilespmem:s4], [sflag:$0x7], $0x10, s6, s28, $0xb8;
	[tilespmem:$0x1F280] =	vst v63  }
0x98: {  	_ = 	snop  }
0x99: {  	[spmem:s3] =	stream.indirect.scatter.add.f32 [tilespmem:s13], [sflag:$0x9], $0x1, s9, s28, $0xb8;
	[tilespmem:$0x1F280] =	vst v63  }
0x9a: {  	s19 =	simm.s32 $0x1F100  }
0x9b: {  	[spmem:s3] =	stream.indirect.scatter.add.f32 [tilespmem:s19], [sflag:$0x9], $0x1, s31, s28, $0xb8;
	[tilespmem:$0x1F280] =	vst v63  }
0x9c: {  	s4 =	simm.s32 $0x1F180  }
0x9d: {  	[spmem:s3] =	stream.indirect.scatter.add.f32 [tilespmem:s4], [sflag:$0x9], $0x1, s25, s28, $0xb8;
	[tilespmem:$0x1F280] =	vst v63  }
0x9e: {  	s25 =	simm.s32 $0x2  }
0x9f: {  	[spmem:s3] =	stream.indirect.scatter.add.f32 [tilespmem:s26], [sflag:$0x9], $0x1, s6, s28, $0xb8;
	[tilespmem:$0x1F280] =	vst v63  }
0xa0: {  	_ =	swait.ge [sflag:s25], $0x200  }
0xa1: {  	[sflag:s25] =	ssyncset.done $0x0  }
0xa2: {  	[sflag:s25] =	ssyncadd.s32 $0xFFFFFE00  }
0xa3: {  	_ =	swait.ge [sflag:s25], $0x200  }
0xa4: {  	[sflag:s25] =	ssyncset.done $0x0  }
0xa5: {  	s29 =	simm.s32 $0x18A00;
	[sflag:s25] =	ssyncadd.s32 $0xFFFFFE00  }
0xa6: {  	[tilespmem:s12], [sflag:$0x6] =	stream.indirect.gather [hbm4b:s5+s28], $0x10, s29, s28, $0xb8;
	[tilespmem:$0x1F280] =	vst v63  }
0xa7: {  	s31 =	simm.s32 $0x18A80  }
0xa8: {  	[tilespmem:s14], [sflag:$0x6] =	stream.indirect.gather [hbm4b:s5+s28], $0x10, s31, s28, $0xb8;
	[tilespmem:$0x1F280] =	vst v63  }
0xa9: {  	s9 =	simm.s32 $0x18B80;
	s19 =	sadd.s32 $0xC, s11;
	s6 =	simm.s32 $0x18B00  }
0xaa: {  	[tilespmem:s17], [sflag:$0x6] =	stream.indirect.gather [hbm4b:s5+s28], $0x10, s6, s28, $0xb8;
	[tilespmem:$0x1F280] =	vst v63  }
0xab: {  	p0 =	sgt.u32 s19, $0x61A7;
	s25 =	simm.s32 $0x6;
	s6 =	simm.s32 $0x1D000  }
0xac: {  	[tilespmem:s6], [sflag:$0x6] =	stream.indirect.gather [hbm4b:s5+s28], $0x10, s9, s28, $0xb8;
	[tilespmem:$0x1F280] =	vst v63  }
0xad: {  	s2 =	sadd.s32 @p0 $0x200, s15;
	_ =	swait.ge [sflag:s25], $0x2000  }
0xae: {  	s2 =	sshrl.u32 @p0 s2, $0x3;
	s29 =	simm.s32 @p0 $0x0;
	[sflag:s25] =	ssyncset.done $0x0  }
0xaf: {  	s31 =	simm.s32 @p0 $0x18E00;
	s9 =	sadd.s32 @p0 s7, s2;
	[sflag:s25] =	ssyncadd.s32 $0xFFFFE000  }
0xb0: {  	[tilespmem:s31], [sflag:$0x4] =	stream.linear.gather @p0 [hbm4b:s9+s29], $0x200, $0x38;
	[tilespmem:$0x1F280] =	vst v63  }
0xb1: {  	s9 =	sadd.s32 @!p0 s16, s22  }
0xb2: {  	s29 =	simm.s32 @!p0 $0x0;
	s31 =	simm.s32 @!p0 $0x18E00;
	s9 =	sadd.s32 @!p0 $0xC0, s9  }
0xb3: {  	[tilespmem:s31], [sflag:$0x4] =	stream.linear.gather @!p0 [hbm4b:s9+s29], $0x200, $0x38;
	[tilespmem:$0x1F280] =	vst v63  }
0xb4: {  	s9 =	sadd.s32 @!p0 s16, s0  }
0xb5: {  	s2 =	sadd.s32 @p0 s21, s2;
	s9 =	sadd.s32 @!p0 $0xC0, s9  }
0xb6: {  	s19 =	simm.s32 $0x7;
	s29 =	simm.s32 $0x19600;
	s9 =	smov.u32 @p0 s2  }
0xb7: {  	[tilespmem:s29], [sflag:$0x4] =	stream.linear.gather [hbm4b:s9+s18], $0x200, $0x38;
	[tilespmem:$0x1F280] =	vst v63  }
0xb8: {  	_ =	swait.ge [sflag:s19], $0x2000  }
0xb9: {  	[sflag:s19] =	ssyncset.done $0x0  }
0xba: {  	[sflag:s19] =	ssyncadd.s32 $0xFFFFE000  }
0xbb: {  	_ =	swait.ge [sflag:s30], $0x200  }
0xbc: {  	[sflag:s30] =	ssyncset.done $0x0  }
0xbd: {  	s31 =	simm.s32 $0x19200;
	[sflag:s30] =	ssyncadd.s32 $0xFFFFFE00  }
0xbe: {  	[spmem:s1] =	stream.indirect.scatter.add.f32 [tilespmem:s12], [sflag:$0x8], $0x10, s31, s28, $0xb8;
	[tilespmem:$0x1F280] =	vst v63  }
0xbf: {  	s9 =	simm.s32 $0x19280  }
0xc0: {  	[spmem:s1] =	stream.indirect.scatter.add.f32 [tilespmem:s14], [sflag:$0x8], $0x10, s9, s28, $0xb8;
	[tilespmem:$0x1F280] =	vst v63  }
0xc1: {  	s18 =	simm.s32 $0x19300  }
0xc2: {  	[spmem:s1] =	stream.indirect.scatter.add.f32 [tilespmem:s17], [sflag:$0x8], $0x10, s18, s28, $0xb8;
	[tilespmem:$0x1F280] =	vst v63  }
0xc3: {  	s29 =	simm.s32 $0x19380  }
0xc4: {  	[spmem:s1] =	stream.indirect.scatter.add.f32 [tilespmem:s6], [sflag:$0x8], $0x10, s29, s28, $0xb8;
	[tilespmem:$0x1F280] =	vst v63  }
0xc5: {  	_ = 	snop  }
0xc6: {  	[spmem:s3] =	stream.indirect.scatter.add.f32 [tilespmem:s13], [sflag:$0xA], $0x1, s31, s28, $0xb8;
	[tilespmem:$0x1F280] =	vst v63  }
0xc7: {  	s31 =	simm.s32 $0x1F100  }
0xc8: {  	[spmem:s3] =	stream.indirect.scatter.add.f32 [tilespmem:s31], [sflag:$0xA], $0x1, s9, s28, $0xb8;
	[tilespmem:$0x1F280] =	vst v63  }
0xc9: {  	_ = 	snop  }
0xca: {  	[spmem:s3] =	stream.indirect.scatter.add.f32 [tilespmem:s4], [sflag:$0xA], $0x1, s18, s28, $0xb8;
	[tilespmem:$0x1F280] =	vst v63  }
0xcb: {  	s9 =	simm.s32 $0x3  }
0xcc: {  	[spmem:s3] =	stream.indirect.scatter.add.f32 [tilespmem:s26], [sflag:$0xA], $0x1, s29, s28, $0xb8;
	[tilespmem:$0x1F280] =	vst v63  }
0xcd: {  	_ =	swait.ge [sflag:s9], $0x200  }
0xce: {  	[sflag:s9] =	ssyncset.done $0x0  }
0xcf: {  	[sflag:s9] =	ssyncadd.s32 $0xFFFFFE00  }
0xd0: {  	_ =	swait.ge [sflag:s9], $0x200  }
0xd1: {  	[sflag:s9] =	ssyncset.done $0x0  }
0xd2: {  	s20 =	simm.s32 $0x19800;
	s18 =	simm.s32 $0x18C00;
	[sflag:s9] =	ssyncadd.s32 $0xFFFFFE00  }
0xd3: {  	[tilespmem:s20], [sflag:$0x5] =	stream.indirect.gather [hbm4b:s5+s28], $0x10, s18, s28, $0xb8;
	[tilespmem:$0x1F280] =	vst v63  }
0xd4: {  	s23 =	simm.s32 $0x1A000;
	p0 =	seq.s32 s16, $0x3100;
	s29 =	simm.s32 $0x18C80  }
0xd5: {  	[tilespmem:s23], [sflag:$0x5] =	stream.indirect.gather [hbm4b:s5+s28], $0x10, s29, s28, $0xb8;
	[tilespmem:$0x1F280] =	vst v63  }
0xd6: {  	p2 =	sgt.u32 @!p0 s11, $0x6197;
	s31 =	simm.s32 $0x18D00  }
0xd7: {  	[tilespmem:s24], [sflag:$0x5] =	stream.indirect.gather [hbm4b:s5+s28], $0x10, s31, s28, $0xb8;
	[tilespmem:$0x1F280] =	vst v63  }
0xd8: {  	p1 =	por !p2, p0;
	s9 =	simm.s32 $0x18D80  }
0xd9: {  	[tilespmem:s8], [sflag:$0x5] =	stream.indirect.gather [hbm4b:s5+s28], $0x10, s9, s28, $0xb8;
	[tilespmem:$0x1F280] =	vst v63  }
0xda: {  	p2 =	por p2, p0;
	s2 =	sadd.s32 @!p1 $0x400, s15;
	_ =	swait.ge [sflag:s10], $0x2000  }
0xdb: {  	s2 =	sshrl.u32 @!p1 s2, $0x3;
	s29 =	simm.s32 @!p1 $0x0;
	[sflag:s10] =	ssyncset.done $0x0  }
0xdc: {  	s31 =	simm.s32 @!p1 $0x18800;
	s9 =	sadd.s32 @!p1 s7, s2;
	[sflag:s10] =	ssyncadd.s32 $0xFFFFE000  }
0xdd: {  	[tilespmem:s31], [sflag:$0x1] =	stream.linear.gather @!p1 [hbm4b:s9+s29], $0x200, $0x38;
	[tilespmem:$0x1F280] =	vst v63  }
0xde: {  	s9 =	sadd.s32 @!p2 s16, s22  }
0xdf: {  	s29 =	simm.s32 @!p2 $0x0;
	s31 =	simm.s32 @!p2 $0x18800;
	s9 =	sadd.s32 @!p2 $0x100, s9  }
0xe0: {  	[tilespmem:s31], [sflag:$0x1] =	stream.linear.gather @!p2 [hbm4b:s9+s29], $0x200, $0x38;
	[tilespmem:$0x1F280] =	vst v63  }
0xe1: {  	s9 =	sadd.s32 @!p2 s16, s0  }
0xe2: {  	s18 =	simm.s32 $0x8;
	s2 =	sadd.s32 @!p1 s21, s2;
	s9 =	sadd.s32 @!p2 $0x100, s9  }
0xe3: {  	s29 =	simm.s32 @!p0 $0x19000;
	s2 =	smov.u32 @p1 s9;
	s9 =	simm.s32 @!p0 $0x0  }
0xe4: {  	[tilespmem:s29], [sflag:$0x1] =	stream.linear.gather @!p0 [hbm4b:s2+s9], $0x200, $0x38;
	[tilespmem:$0x1F280] =	vst v63  }
0xe5: {  	_ =	swait.ge [sflag:s18], $0x2000  }
0xe6: {  	[sflag:s18] =	ssyncset.done $0x0  }
0xe7: {  	s29 =	simm.s32 $0xA;
	[sflag:s18] =	ssyncadd.s32 $0xFFFFE000  }
0xe8: {  	_ =	swait.ge [sflag:s29], $0x200  }
0xe9: {  	[sflag:s29] =	ssyncset.done $0x0  }
0xea: {  	s31 =	simm.s32 $0x19400;
	[sflag:s29] =	ssyncadd.s32 $0xFFFFFE00  }
0xeb: {  	[spmem:s1] =	stream.indirect.scatter.add.f32 [tilespmem:s20], [sflag:$0x7], $0x10, s31, s28, $0xb8;
	[tilespmem:$0x1F280] =	vst v63  }
0xec: {  	s2 =	simm.s32 $0x19480  }
0xed: {  	[spmem:s1] =	stream.indirect.scatter.add.f32 [tilespmem:s23], [sflag:$0x7], $0x10, s2, s28, $0xb8;
	[tilespmem:$0x1F280] =	vst v63  }
0xee: {  	s10 =	simm.s32 $0x19500  }
0xef: {  	[spmem:s1] =	stream.indirect.scatter.add.f32 [tilespmem:s24], [sflag:$0x7], $0x10, s10, s28, $0xb8;
	[tilespmem:$0x1F280] =	vst v63  }
0xf0: {  	s18 =	simm.s32 $0x19580  }
0xf1: {  	[spmem:s1] =	stream.indirect.scatter.add.f32 [tilespmem:s8], [sflag:$0x7], $0x10, s18, s28, $0xb8;
	[tilespmem:$0x1F280] =	vst v63  }
0xf2: {  	_ = 	snop  }
0xf3: {  	[spmem:s3] =	stream.indirect.scatter.add.f32 [tilespmem:s13], [sflag:$0x9], $0x1, s31, s28, $0xb8;
	[tilespmem:$0x1F280] =	vst v63  }
0xf4: {  	s31 =	simm.s32 $0x1F100  }
0xf5: {  	[spmem:s3] =	stream.indirect.scatter.add.f32 [tilespmem:s31], [sflag:$0x9], $0x1, s2, s28, $0xb8;
	[tilespmem:$0x1F280] =	vst v63  }
0xf6: {  	_ = 	snop  }
0xf7: {  	[spmem:s3] =	stream.indirect.scatter.add.f32 [tilespmem:s4], [sflag:$0x9], $0x1, s10, s28, $0xb8;
	[tilespmem:$0x1F280] =	vst v63  }
0xf8: {  	_ = 	snop  }
0xf9: {  	[spmem:s3] =	stream.indirect.scatter.add.f32 [tilespmem:s26], [sflag:$0x9], $0x1, s18, s28, $0xb8;
	[tilespmem:$0x1F280] =	vst v63  }
0xfa: {  	s18 =	simm.s32 $0x4  }
0xfb: {  	_ =	swait.ge [sflag:s18], $0x200  }
0xfc: {  	[sflag:s18] =	ssyncset.done $0x0  }
0xfd: {  	[sflag:s18] =	ssyncadd.s32 $0xFFFFFE00  }
0xfe: {  	_ =	swait.ge [sflag:s18], $0x200  }
0xff: {  	[sflag:s18] =	ssyncset.done $0x0  }
0x100: {  	s29 =	simm.s32 $0x18E00;
	[sflag:s18] =	ssyncadd.s32 $0xFFFFFE00  }
0x101: {  	[tilespmem:s12], [sflag:$0x6] =	stream.indirect.gather [hbm4b:s5+s28], $0x10, s29, s28, $0xb8;
	[tilespmem:$0x1F280] =	vst v63  }
0x102: {  	p2 =	sgt.u32 @!p0 s11, $0x6193;
	s31 =	simm.s32 $0x18E80  }
0x103: {  	[tilespmem:s14], [sflag:$0x6] =	stream.indirect.gather [hbm4b:s5+s28], $0x10, s31, s28, $0xb8;
	[tilespmem:$0x1F280] =	vst v63  }
0x104: {  	p1 =	por !p2, p0;
	s10 =	simm.s32 $0x18F00  }
0x105: {  	[tilespmem:s17], [sflag:$0x6] =	stream.indirect.gather [hbm4b:s5+s28], $0x10, s10, s28, $0xb8;
	[tilespmem:$0x1F280] =	vst v63  }
0x106: {  	s2 =	sadd.s32 @!p1 $0x600, s15;
	s18 =	simm.s32 $0x18F80  }
0x107: {  	[tilespmem:s6], [sflag:$0x6] =	stream.indirect.gather [hbm4b:s5+s28], $0x10, s18, s28, $0xb8;
	[tilespmem:$0x1F280] =	vst v63  }
0x108: {  	s2 =	sshrl.u32 @!p1 s2, $0x3;
	_ =	swait.ge [sflag:s25], $0x2000  }
0x109: {  	p2 =	por p2, p0;
	s29 =	sadd.s32 @!p1 s7, s2;
	[sflag:s25] =	ssyncset.done $0x0  }
0x10a: {  	s31 =	simm.s32 @!p1 $0x0;
	s18 =	simm.s32 @!p1 $0x18A00;
	[sflag:s25] =	ssyncadd.s32 $0xFFFFE000  }
0x10b: {  	[tilespmem:s18], [sflag:$0x2] =	stream.linear.gather @!p1 [hbm4b:s29+s31], $0x200, $0x38;
	[tilespmem:$0x1F280] =	vst v63  }
0x10c: {  	s18 =	sadd.s32 @!p2 s16, s22  }
0x10d: {  	s29 =	simm.s32 @!p2 $0x0;
	s31 =	simm.s32 @!p2 $0x18A00;
	s18 =	sadd.s32 @!p2 $0x140, s18  }
0x10e: {  	[tilespmem:s31], [sflag:$0x2] =	stream.linear.gather @!p2 [hbm4b:s18+s29], $0x200, $0x38;
	[tilespmem:$0x1F280] =	vst v63  }
0x10f: {  	s18 =	sadd.s32 @!p2 s16, s0  }
0x110: {  	s2 =	sadd.s32 @!p1 s21, s2;
	s18 =	sadd.s32 @!p2 $0x140, s18  }
0x111: {  	s2 =	smov.u32 @p1 s18;
	s18 =	simm.s32 @!p0 $0x19200  }
0x112: {  	[tilespmem:s18], [sflag:$0x2] =	stream.linear.gather @!p0 [hbm4b:s2+s9], $0x200, $0x38;
	[tilespmem:$0x1F280] =	vst v63  }
0x113: {  	_ =	swait.ge [sflag:s19], $0x2000  }
0x114: {  	[sflag:s19] =	ssyncset.done $0x0  }
0x115: {  	[sflag:s19] =	ssyncadd.s32 $0xFFFFE000  }
0x116: {  	_ =	swait.ge [sflag:s30], $0x200  }
0x117: {  	[sflag:s30] =	ssyncset.done $0x0  }
0x118: {  	s21 =	simm.s32 $0x19600;
	[sflag:s30] =	ssyncadd.s32 $0xFFFFFE00  }
0x119: {  	[spmem:s1] =	stream.indirect.scatter.add.f32 [tilespmem:s12], [sflag:$0x8], $0x10, s21, s28, $0xb8;
	[tilespmem:$0x1F280] =	vst v63  }
0x11a: {  	s22 =	simm.s32 $0x19680  }
0x11b: {  	[spmem:s1] =	stream.indirect.scatter.add.f32 [tilespmem:s14], [sflag:$0x8], $0x10, s22, s28, $0xb8;
	[tilespmem:$0x1F280] =	vst v63  }
0x11c: {  	s25 =	simm.s32 $0x19700  }
0x11d: {  	[spmem:s1] =	stream.indirect.scatter.add.f32 [tilespmem:s17], [sflag:$0x8], $0x10, s25, s28, $0xb8;
	[tilespmem:$0x1F280] =	vst v63  }
0x11e: {  	s29 =	simm.s32 $0x19780  }
0x11f: {  	[spmem:s1] =	stream.indirect.scatter.add.f32 [tilespmem:s6], [sflag:$0x8], $0x10, s29, s28, $0xb8;
	[tilespmem:$0x1F280] =	vst v63  }
0x120: {  	_ = 	snop  }
0x121: {  	[spmem:s3] =	stream.indirect.scatter.add.f32 [tilespmem:s13], [sflag:$0xA], $0x1, s21, s28, $0xb8;
	[tilespmem:$0x1F280] =	vst v63  }
0x122: {  	s31 =	simm.s32 $0x1F100  }
0x123: {  	[spmem:s3] =	stream.indirect.scatter.add.f32 [tilespmem:s31], [sflag:$0xA], $0x1, s22, s28, $0xb8;
	[tilespmem:$0x1F280] =	vst v63  }
.Ltmp2:
0x124: {  	_ = 	snop;
	(pc) =	sbr.rel @p0 .LBB2_4-.Ltmp2, $4  }
0x125: {  	_ = 	snop  }
0x126: {  	[spmem:s3] =	stream.indirect.scatter.add.f32 [tilespmem:s4], [sflag:$0xA], $0x1, s25, s28, $0xb8;
	[tilespmem:$0x1F280] =	vst v63  }
0x127: {  	_ = 	snop  }
0x128: {  	[spmem:s3] =	stream.indirect.scatter.add.f32 [tilespmem:s26], [sflag:$0xA], $0x1, s29, s28, $0xb8;
	[tilespmem:$0x1F280] =	vst v63  }
0x129: {  	s0 =	simm.s32 $0x1  }
0x12a: {  	_ =	swait.ge [sflag:s0], $0x200  }
0x12b: {  	[sflag:s0] =	ssyncset.done $0x0  }
0x12c: {  	[sflag:s0] =	ssyncadd.s32 $0xFFFFFE00  }
0x12d: {  	_ =	swait.ge [sflag:s0], $0x200  }
0x12e: {  	[sflag:s0] =	ssyncset.done $0x0  }
0x12f: {  	s2 =	simm.s32 $0x18800;
	[sflag:s0] =	ssyncadd.s32 $0xFFFFFE00  }
0x130: {  	[tilespmem:s20], [sflag:$0x5] =	stream.indirect.gather [hbm4b:s5+s28], $0x10, s2, s28, $0xb8;
	[tilespmem:$0x1F280] =	vst v63  }
0x131: {  	s25 =	simm.s32 $0x18880;
	s29 =	simm.s32 $0x18900  }
0x132: {  	[tilespmem:s23], [sflag:$0x5] =	stream.indirect.gather [hbm4b:s5+s28], $0x10, s25, s28, $0xb8;
	[tilespmem:$0x1F280] =	vst v63  }
.Ltmp3:
0x133: {  	s31 =	simm.s32 $0x18980;
	s16 =	sadd.s32 $0x100, s16;
	(pc) =	sbr.rel .LBB2_2-.Ltmp3, $4  }
0x134: {  	s15 =	sadd.s32 $0x800, s15;
	s11 =	sadd.s32 $0x10, s11;
	s19 =	simm.s32 $0x19800  }
0x135: {  	[tilespmem:s24], [sflag:$0x5] =	stream.indirect.gather [hbm4b:s5+s28], $0x10, s29, s28, $0xb8;
	[tilespmem:$0x1F280] =	vst v63  }
0x136: {  	s4 =	simm.s32 $0x1B000;
	s20 =	simm.s32 $0x1A000;
	s23 =	simm.s32 $0x1A800  }
0x137: {  	[tilespmem:s8], [sflag:$0x5] =	stream.indirect.gather [hbm4b:s5+s28], $0x10, s31, s28, $0xb8;
	[tilespmem:$0x1F280] =	vst v63  }
.LBB2_5:
0x138: {  	_ =	sfence.sel $0x180000  }
0x139: {  	[bflag:$0x0] =	sbarrier.arrive $0xFFFF  }
0x13a: {  	_ =	strace $0x90000047  }
0x13b: {  	s0 =	stileid.u32;
	[bflag:$0x2] =	sbarrier.arrive $0xFFFF  }
0x13c: {  	p0 =	sne.s32 s0, $0x0;
	s0 =	rddreg [dreg:$0x4]  }
0x13d: {  	s0 =	sadd.s32 @!p0 $0x100000, s0  }
0x13e: {  	[sflag:s0] =	ssyncadd.tile.s32 @!p0 $0x1;
	_ =	shalt  }
.Lfunc_end2:
_tile_overlayer_lowered:
.L_overlay_start_2:
0x13f: {  	(tag) =	ssettag $0x2  }
0x140: {  	s0 =	rddreg [dreg:$0x0];
	s2 =	stileid.u32  }
0x141: {  	s1 =	rddreg [dreg:$0x1];
	p0 =	sne.s32 s2, $0x0  }
0x142: {  	s3 =	rddreg [dreg:$0x2];
	[bflag:$0x3] =	sbarrier.arrive $0xFFFF;
	s2 =	simm.s32 @!p0 $0x1C0B  }
0x143: {  	[timem:s3], [sflag:s2] =	dma.local @!p0 [hbm:s0], s1  }
0x144: {  	s0 =	simm.s32 @!p0 $0xB  }
0x145: {  	_ =	swait.ge @!p0 [sflag:s0], s1  }
0x146: {  	s1 =	ssub.s32 @!p0 $0x0, s1;
	[sflag:s0] =	ssyncset.done @!p0 $0x0  }
0x147: {  	[sflag:s0] =	ssyncadd.s32 @!p0 s1  }
0x148: {  	[bflag:$0x3] =	sbarrier.arrive $0xFFFF  }
0x149: {  	_ =	shalt  }

// kernel: kernel.9.cloned.1.call-start
scs
__scs_entry_jumppad:
0x0: {  	(pc) =	sbr.rel $0x88, $3  }
0x1: {  	(tag) =	ssettag $0x0;
	lr =	simm.s32 $0x1  }
0x2: {  	[smem:$0x3F97] =	sst lr;
	_ =	strace $0xD0000000  }
0x3: {  	_ = 	snop  }
0x4: {  	_ = 	snop  }
0x5: {  	_ = 	snop  }
0x6: {  	_ = 	snop  }
0x7: {  	_ = 	snop  }
__scs_overlays_trampoline_lowered:
0x8: {  	[smem:$0x3FA6] =	sst s0  }
0x9: {  	[smem:$0x3FA7] =	sst s1  }
0xa: {  	[smem:$0x3FA8] =	sst s2  }
0xb: {  	[smem:$0x3FA9] =	sst s3  }
0xc: {  	[smem:$0x3FAA] =	sst s4  }
0xd: {  	[smem:$0x3FAB] =	sst s5  }
0xe: {  	[smem:$0x3FAC] =	sst s6  }
0xf: {  	[smem:$0x3FAD] =	sst s7  }
0x10: {  	[smem:$0x3FAE] =	sst s8  }
0x11: {  	[smem:$0x3FAF] =	sst s9;
	s0 =	simm.s32 @!p0 $0x0  }
0x12: {  	s1 =	sld [smem:$0x3F95];
	s0 =	simm.s32 @p0 $0x1  }
0x13: {  	[smem:$0x3FB0] =	sst s0;
	s0 =	simm.s32 @!p1 $0x0  }
0x14: {  	s2 =	sld [smem:$0x3F94];
	s0 =	simm.s32 @p1 $0x1  }
0x15: {  	[smem:$0x3FB1] =	sst s0;
	s0 =	simm.s32 @!p2 $0x0  }
0x16: {  	s3 =	sld [smem:$0x3FDB];
	s0 =	simm.s32 @p2 $0x1  }
0x17: {  	s4 =	simm.s32 $0x1BF5;
	[smem:$0x3FB3] =	sst s0  }
0x18: {  	s0 =	sld [smem:$0x3F96];
	_ =	swait.ge [sflag:s4], $0x0  }
0x19: {  	s7 =	sld [smem:$0x3F97]  }
0x1a: {  	s8 =	sadd.s32 $0xFFFFE003, lr  }
0x1b: {  	s9 =	sadd.s32 $0xFFFFFEF7, lr;
	s5 =	simm.s32 $0xFFFFFFFF;
	p2 =	slt.u32 s8, $0xFFFFF086  }
0x1c: {  	p1 =	slt.u32 s9, $0xF7A;
	s5 =	simm.s32 @!p2 $0x0  }
0x1d: {  	s5 =	simm.s32 @p1 $0x1;
	p0 =	seq.s32 s7, s2  }
0x1e: {  	s7 =	smul.u32 @!p0 $0xF7A, s2;
	p2 =	seq.s32 @!p0 s5, $0x0  }
0x1f: {  	s9 =	smul.u32 $0xF7A, s1;
	s8 =	simm.s32 @!p0 $0x1BF5;
	p2 =	por !p2, p0  }
0x20: {  	[sflag:s8] =	ssyncset.s32 @!p0 $0xFFFFF086;
	s6 =	sadd.s32 @!p0 s3, s7;
	s7 =	simm.s32 @!p0 $0x108  }
0x21: {  	s3 =	sadd.s32 s3, s9;
	s6 =	sadd.s32 @!p0 $0x88, s6;
	s7 =	simm.s32 @p2 $0x1082  }
0x22: {  	[simem:s7], [sflag:s8] =	dma.local @!p0 [hbm:s6], $0xF7A  }
0x23: {  	s9 =	sor.u32 $0xD0000000, s2;
	s6 =	simm.s32 $0x108;
	_ =	swait.ge @!p0 [sflag:s8], $0x0  }
0x24: {  	s3 =	sadd.s32 $0x88, s3;
	s6 =	simm.s32 @!p1 $0x1082;
	[sflag:s4] =	ssyncset.s32 $0xFFFFF086  }
0x25: {  	[simem:s6], [sflag:s4] =	dma.local [hbm:s3], $0xF7A  }
0x26: {  	[smem:$0x3F97] =	sst s1;
	(tag) =	ssettag s2;
	_ =	strace s9  }
0x27: {  	s1 =	sld [smem:$0x3FA7]  }
0x28: {  	s2 =	sld [smem:$0x3FA8]  }
0x29: {  	s4 =	sld [smem:$0x3FAA]  }
0x2a: {  	p0 =	seq.s32 s5, $0x0;
	s5 =	sld [smem:$0x3FAB]  }
0x2b: {  	s6 =	sld [smem:$0x3FAC]  }
0x2c: {  	s7 =	sld [smem:$0x3FAD]  }
0x2d: {  	s3 =	simm.s32 $0x108;
	s8 =	sld [smem:$0x3FAE]  }
0x2e: {  	s3 =	simm.s32 @!p0 $0x1082;
	s9 =	sld [smem:$0x3FAF]  }
0x2f: {  	lr =	sadd.s32 s0, s3;
	s0 =	sld [smem:$0x3FA6]  }
0x30: {  	s3 =	sld [smem:$0x3FA9]  }
0x31: {  	[smem:$0x3FB2] =	sst s10  }
0x32: {  	s10 =	sld [smem:$0x3FB0];
	_ =	sdelay $0x3  }
0x33: {  	p0 =	seq.s32 s10, $0x1;
	s10 =	sld [smem:$0x3FB2];
	_ =	sdelay $0x3  }
0x34: {  	[smem:$0x3FB2] =	sst s10  }
0x35: {  	s10 =	sld [smem:$0x3FB1];
	_ =	sdelay $0x3  }
0x36: {  	p1 =	seq.s32 s10, $0x1;
	s10 =	sld [smem:$0x3FB2];
	_ =	sdelay $0x3  }
0x37: {  	[smem:$0x3FB2] =	sst s10  }
0x38: {  	s10 =	sld [smem:$0x3FB3]  }
0x39: {  	_ = 	snop;
	(pc) =	sbr.ind lr, $3  }
0x3a: {  	_ = 	snop  }
0x3b: {  	_ = 	snop  }
0x3c: {  	p2 =	seq.s32 s10, $0x1;
	s10 =	sld [smem:$0x3FB2]  }
0x3d: {  	_ =	shalt  }
0x3e: {  	_ =	shalt  }
0x3f: {  	_ =	shalt  }
0x40: {  	_ =	shalt  }
0x41: {  	_ =	shalt  }
0x42: {  	_ =	shalt  }
0x43: {  	_ =	shalt  }
0x44: {  	_ =	shalt  }
0x45: {  	_ =	shalt  }
0x46: {  	_ =	shalt  }
0x47: {  	_ =	shalt  }
0x48: {  	_ =	shalt  }
0x49: {  	_ =	shalt  }
0x4a: {  	_ =	shalt  }
0x4b: {  	_ =	shalt  }
0x4c: {  	_ =	shalt  }
0x4d: {  	_ =	shalt  }
0x4e: {  	_ =	shalt  }
0x4f: {  	_ =	shalt  }
0x50: {  	_ =	shalt  }
0x51: {  	_ =	shalt  }
0x52: {  	_ =	shalt  }
0x53: {  	_ =	shalt  }
0x54: {  	_ =	shalt  }
0x55: {  	_ =	shalt  }
0x56: {  	_ =	shalt  }
0x57: {  	_ =	shalt  }
0x58: {  	_ =	shalt  }
0x59: {  	_ =	shalt  }
0x5a: {  	_ =	shalt  }
0x5b: {  	_ =	shalt  }
0x5c: {  	_ =	shalt  }
0x5d: {  	_ =	shalt  }
0x5e: {  	_ =	shalt  }
0x5f: {  	_ =	shalt  }
0x60: {  	_ =	shalt  }
0x61: {  	_ =	shalt  }
0x62: {  	_ =	shalt  }
0x63: {  	_ =	shalt  }
0x64: {  	_ =	shalt  }
0x65: {  	_ =	shalt  }
0x66: {  	_ =	shalt  }
0x67: {  	_ =	shalt  }
0x68: {  	_ =	shalt  }
0x69: {  	_ =	shalt  }
0x6a: {  	_ =	shalt  }
0x6b: {  	_ =	shalt  }
0x6c: {  	_ =	shalt  }
0x6d: {  	_ =	shalt  }
0x6e: {  	_ =	shalt  }
0x6f: {  	_ =	shalt  }
0x70: {  	_ =	shalt  }
0x71: {  	_ =	shalt  }
0x72: {  	_ =	shalt  }
0x73: {  	_ =	shalt  }
0x74: {  	_ =	shalt  }
0x75: {  	_ =	shalt  }
0x76: {  	_ =	shalt  }
0x77: {  	_ =	shalt  }
0x78: {  	_ =	shalt  }
0x79: {  	_ =	shalt  }
0x7a: {  	_ =	shalt  }
0x7b: {  	_ =	shalt  }
0x7c: {  	_ =	shalt  }
0x7d: {  	_ =	shalt  }
0x7e: {  	_ =	shalt  }
0x7f: {  	_ =	shalt  }
0x80: {  	_ =	shalt  }
0x81: {  	_ =	shalt  }
0x82: {  	_ =	shalt  }
0x83: {  	_ =	shalt  }
0x84: {  	_ =	shalt  }
0x85: {  	_ =	shalt  }
0x86: {  	_ =	shalt  }
0x87: {  	_ =	shalt  }
.Lfunc_end0:
.L_simem_size_0:
called_computation.1_lowered:
.L_overlay_start_0:
0x88: {  	s2 =	sld [smem:$0x3FD9]  }
0x89: {  	s3 =	sld [smem:$0x3FFE];
	_ =	sdelay $0x1  }
0x8a: {  	s1 =	srdreg.scid  }
0x8b: {  	s0 =	sand.u32 $0x1, s1  }
0x8c: {  	s17 =	sshll.u32 s0, $0xA;
	s2 =	sadd.s32 s3, s2  }
0x8d: {  	s2 =	sadd.s32 s2, s17  }
0x8e: {  	[smem:$0x3FBE] =	sst s2  }
0x8f: {  	_ = 	snop  }
0x90: {  	s2 =	sld [smem:$0x3FD0];
	(tm) =	ssettm $0x1  }
0x91: {  	s18 =	sld [smem:$0x3FFB];
	_ =	sdelay $0x3  }
0x92: {  	_ =	strace s18  }
0x93: {  	s3 =	sld [smem:$0x3FFC];
	_ =	sdelay $0x3  }
0x94: {  	_ =	strace s3  }
0x95: {  	s3 =	sld [smem:$0x3FFD];
	_ =	sdelay $0x3  }
0x96: {  	_ =	strace s3  }
0x97: {  	_ =	strace $0x8FFFFFFF  }
0x98: {  	s19 =	sld [smem:$0x3FDB];
	_ =	sdelay $0x1  }
0x99: {  	s4 =	simm.s32 $_scs_section_size  }
0x9a: {  	s5 =	simm.s32 $_size__tile_overlayer_lowered;
	s6 =	simm.s32 $_tile_overlayer_lowered  }
0x9b: {  	s22 =	simm.s32 $0x1BFF;
	s21 =	sshll.u32 s6, $0x1;
	s3 =	sadd.s32 s4, s19  }
0x9c: {  	s7 =	simm.s32 $0x0;
	s20 =	sshll.u32 s5, $0x1;
	s5 =	sadd.s32 s21, s3  }
0x9d: {  	[timem:s7], [sflag:s22] =	dma.local [hbm:s5], s20  }
0x9e: {  	_ =	swait.ge [sflag:s22], s20  }
0x9f: {  	s4 =	ssub.s32 $0x0, s20;
	[sflag:s22] =	ssyncset.done $0x0  }
0xa0: {  	[sflag:s22] =	ssyncadd.s32 s4;
	_ =	sdelay $0x1  }
0xa1: {  	s23 =	simm.s32 $0x1B8B  }
0xa2: {  	_ =	swait.ge [sflag:s23], $0x1  }
0xa3: {  	[sflag:s23] =	ssyncset.done $0x0  }
0xa4: {  	s25 =	simm.s32 $0x1B8E;
	s24 =	sld [smem:$0x3FFE];
	[sflag:s23] =	ssyncadd.s32 $0xFFFFFFFF  }
0xa5: {  	s26 =	simm.s32 $execute0_lowered;
	[smem:$0x3FD2] =	sst s25  }
0xa6: {  	s5 =	sshll.u32 s26, $0x1;
	_ =	strace $0x80000049;
	[dreg:$0x1] =	wrdreg $0xFFFFFFFF  }
0xa7: {  	s28 =	simm.s32 $_size_execute0_lowered;
	s3 =	sadd.s32 s3, s5;
	[dreg:$0x0] =	wrdreg $0x0  }
0xa8: {  	s5 =	sshll.u32 s28, $0x1;
	[dreg:$0x2] =	wrdreg s3  }
0xa9: {  	[dreg:$0x3] =	wrdreg s5  }
0xaa: {  	[dreg:$0x4] =	wrdreg $0xC0  }
0xab: {  	_ =	task [dreg:s7], $0x5FFFF  }
0xac: {  	[dreg:$0x1] =	wrdreg $0xFFFFFFFF  }
0xad: {  	[dreg:$0x0] =	wrdreg $0x60  }
0xae: {  	[dreg:$0x2] =	wrdreg s24  }
0xaf: {  	[dreg:$0x3] =	wrdreg s2  }
0xb0: {  	[dreg:$0x4] =	wrdreg $0x0  }
0xb1: {  	[dreg:$0x5] =	wrdreg $0x9  }
0xb2: {  	_ =	task.clear_ibuf [dreg:s7], $0x6FFFF;
	_ =	strace $0x90000049  }
0xb3: {  	s29 =	simm.s32 $0x9;
	_ =	strace $0x8000004B  }
0xb4: {  	_ =	swait.ge [sflag:s29], $0x1  }
0xb5: {  	[sflag:s29] =	ssyncadd.s32 $0xFFFFFFFF  }
0xb6: {  	_ =	strace $0x9000004B  }
0xb7: {  	_ =	sfence  }
0xb8: {  	s30 =	sld [smem:$0x0];
	_ =	sdelay $0x2  }
0xb9: {  	s31 =	sshll.u32 s1, $0xD;
	s1 =	sshrl.u32 s1, $0x2  }
0xba: {  	s3 =	sand.u32 $0x4000, s31;
	s1 =	sadd.s32 s1, s30  }
0xbb: {  	s0 =	sor.u32 s3, s0;
	s1 =	sshll.u32 s1, $0x11  }
0xbc: {  	s0 =	sor.u32 s1, s0  }
0xbd: {  	s0 =	sadd.s32 $0x8F2B, s0  }
0xbe: {  	[sflag:s0] =	ssyncadd.remote.s32 $0x1  }
0xbf: {  	_ =	sfence.sel $0xFFFF  }
0xc0: {  	[dreg:$0x0] =	wrdreg $0xFFFFFFFF;
	(pc) =	sbr.abs _section_cstart, $3  }
0xc1: {  	[dreg:$0x1] =	wrdreg $0xFFFFFFFF  }
0xc2: {  	_ =	task.clear_ibuf [dreg:s7], $0x2FFFF;
	_ =	strace $0x9FFFFFFF  }
0xc3: {  	(tm) =	ssettm $0x7FFFFFFF  }
tec
execute0_lowered:
.L_overlay_start_1:
0x0: {  	(tag) =	ssettag $0x1  }
0x1: {  	s0 =	rddreg [dreg:$0x0]  }
0x2: {  	s1 =	rddreg [dreg:$0x1]  }
0x3: {  	s2 =	rddreg [dreg:$0x2];
	s3 =	stileid.u32  }
0x4: {  	s19 =	simm.s32 $0x0;
	s4 =	srdreg.scid;
	s7 =	smul.u32 $0x18800, s3  }
0x5: {  	s29 =	simm.s32 $0x19480;
	s30 =	simm.s32 $0x7;
	s16 =	smul.u32 $0x32000, s3  }
0x6: {  	[smem:$0x7FF] =	sst s19;
	s8 =	sand.u32 $0x1, s4;
	s22 =	smul.u32 $0x6400, s3  }
0x7: {  	s4 =	sadd.s32 $0xCB800, s0;
	s9 =	sadd.s32 $0x7C00, s0;
	s26 =	smul.u32 $0x640, s3  }
0x8: {  	s15 =	sadd.s32 $0x5600, s0;
	s5 =	sadd.s32 $0x3000, s0;
	s10 =	smul.u32 $0x188000, s8  }
0x9: {  	s14 =	sshll.u32 s3, $0x1;
	_ =	strace $0x8000004A;
	s20 =	smul.u32 $0x19000, s8  }
0xa: {  	s12 =	ssub.s32 $0x2, s8;
	s23 =	smul.u32 $0x3200, s8;
	s11 =	sshrl.u32 s7, $0x3  }
0xb: {  	s13 =	sshrl.u32 s12, $0x1;
	s11 =	sadd.s32 s11, s0;
	s10 =	sadd.s32 s7, s10  }
0xc: {  	s6 =	ssub.s32 s12, s13;
	s13 =	sor.u32 s8, s14;
	s7 =	sadd.s32 s7, s2  }
0xd: {  	s14 =	sshll.u32 s3, $0x6;
	s25 =	sadd.s32 s20, s16;
	s8 =	smul.u32 $0x320, s8  }
0xe: {  	s10 =	sshrl.u32 s10, $0x3;
	s12 =	smul.u32 $0x3200, s13;
	s11 =	sadd.s32 $0x224200, s11  }
0xf: {  	s24 =	sor.u32 $0x1C09, s14;
	s28 =	sadd.s32 $0xFFCF3100, s25;
	[dreg:$0x4] =	wrdreg s11  }
0x10: {  	s3 =	sshrl.u32 s7, $0x3;
	s25 =	simm.s32 $0x1A400;
	[dreg:$0xc] =	wrdreg s28  }
0x11: {  	s14 =	simm.s32 $0x6;
	s0 =	sadd.s32 s10, s0;
	[dreg:$0x5] =	wrdreg s24  }
0x12: {  	s10 =	smax.u32 s6, $0x1;
	s31 =	sadd.s32 s8, s26;
	[dreg:$0xe] =	wrdreg s3  }
0x13: {  	s26 =	simm.s32 $0x1AC00;
	s8 =	simm.s32 $0x1BC00;
	[dreg:$0xb] =	wrdreg s10  }
0x14: {  	s11 =	simm.s32 $0x0;
	s17 =	sadd.s32 s9, s12;
	[dreg:$0xd] =	wrdreg s31  }
0x15: {  	s18 =	sor.u32 $0x50, s12;
	s12 =	sadd.s32 s1, s12;
	[dreg:$0x6] =	wrdreg s17  }
0x16: {  	s6 =	simm.s32 $0x1A400;
	s0 =	sadd.s32 $0xFC600, s0;
	[dreg:$0x7] =	wrdreg s12  }
.Ltmp0:
0x17: {  	s21 =	sadd.s32 s9, s18;
	[dreg:$0xa] =	wrdreg s0;
	(pc) =	sbr.rel .LBB2_1-.Ltmp0, $4  }
0x18: {  	s13 =	sadd.s32 s1, s18;
	s9 =	sadd.s32 s22, s9;
	[dreg:$0x8] =	wrdreg s21  }
0x19: {  	s1 =	sadd.s32 s22, s1;
	s12 =	simm.s32 $0x1BC00;
	[dreg:$0x9] =	wrdreg s13  }
0x1a: {  	s16 =	sadd.s32 s23, s9;
	s17 =	sadd.s32 s23, s1;
	s9 =	simm.s32 $0x9  }
0x1b: {  	s23 =	simm.s32 $0x80;
	s13 =	simm.s32 $0x19C00;
	s1 =	simm.s32 $0x1B400  }
.LBB2_4:
0x1c: {  	_ =	swait.ge [sflag:s30], $0x2800  }
0x1d: {  	[sflag:s30] =	ssyncset.done $0x0  }
0x1e: {  	s0 =	simm.s32 $0x19980;
	[sflag:s30] =	ssyncadd.s32 $0xFFFFD800  }
0x1f: {  	[spmem:s2] =	stream.indirect.scatter.add.f32 [tilespmem:s20], [sflag:$0x8], $0x10, s0, s23, $0xb8;
	[tilespmem:$0x1EC00] =	vst v63  }
0x20: {  	s20 =	simm.s32 $0x19A00  }
0x21: {  	[spmem:s2] =	stream.indirect.scatter.add.f32 [tilespmem:s21], [sflag:$0x8], $0x10, s20, s23, $0xb8;
	[tilespmem:$0x1EC00] =	vst v63  }
0x22: {  	s21 =	simm.s32 $0x19A80  }
0x23: {  	[spmem:s2] =	stream.indirect.scatter.add.f32 [tilespmem:s22], [sflag:$0x8], $0x10, s21, s23, $0xb8;
	[tilespmem:$0x1EC00] =	vst v63  }
0x24: {  	s22 =	simm.s32 $0x19B00  }
0x25: {  	[spmem:s2] =	stream.indirect.scatter.add.f32 [tilespmem:s24], [sflag:$0x8], $0x10, s22, s23, $0xb8;
	[tilespmem:$0x1EC00] =	vst v63  }
0x26: {  	s25 =	simm.s32 $0x19B80;
	s26 =	simm.s32 $0x8  }
0x27: {  	[spmem:s2] =	stream.indirect.scatter.add.f32 [tilespmem:s28], [sflag:$0x8], $0x10, s25, s23, $0xb8;
	[tilespmem:$0x1EC00] =	vst v63  }
0x28: {  	_ =	swait.ge [sflag:s26], $0x2800  }
0x29: {  	[sflag:s26] =	ssyncset.done $0x0  }
0x2a: {  	[sflag:s26] =	ssyncadd.s32 $0xFFFFD800  }
0x2b: {  	[bflag:$0x0] =	sbarrier.arrive $0xFFFF  }
0x2c: {  	s24 =	rddreg [dreg:$0x5]  }
0x2d: {  	s28 =	rddreg [dreg:$0xa]  }
0x2e: {  	s9 =	simm.s32 $0x9;
	s3 =	rddreg [dreg:$0xe]  }
0x2f: {  	[hbm:s28], [sflag:s24] =	dma.local [spmem:s3], $0x3100  }
0x30: {  	_ =	swait.ge [sflag:s9], $0x3100  }
0x31: {  	s11 =	rddreg [dreg:$0xf]  }
0x32: {  	s31 =	rddreg [dreg:$0xb];
	s11 =	sadd.s32 $0x1, s11  }
0x33: {  	p0 =	sne.s32 s11, s31  }
.Ltmp1:
0x34: {  	_ = 	snop;
	(pc) =	sbr.rel @!p0 .LBB2_5-.Ltmp1, $4  }
0x35: {  	s19 =	simm.s32 $0x0  }
0x36: {  	s13 =	simm.s32 $0x19C00;
	s1 =	simm.s32 $0x1B400;
	s8 =	simm.s32 $0x1BC00  }
0x37: {  	s29 =	simm.s32 $0x19480;
	s5 =	smov.u32 s7;
	[sflag:s9] =	ssyncset.done $0x0  }
0x38: {  	s25 =	simm.s32 $0x1A400;
	s26 =	simm.s32 $0x1AC00;
	[sflag:s9] =	ssyncadd.s32 $0xFFFFCF00  }
.LBB2_1:
0x39: {  	[dreg:$0xf] =	wrdreg s11  }
0x3a: {  	s0 =	rddreg [dreg:$0x4]  }
0x3b: {  	[spmem:s3], [sflag:s24] =	dma.local [hbm:s0], $0x3100  }
0x3c: {  	_ =	swait.ge [sflag:s9], $0x3100  }
0x3d: {  	[sflag:s9] =	ssyncset.done $0x0  }
0x3e: {  	[sflag:s9] =	ssyncadd.s32 $0xFFFFCF00  }
0x3f: {  	[bflag:$0x0] =	sbarrier.arrive $0xFFFF  }
0x40: {  	s24 =	simm.s32 $0x18800;
	s22 =	rddreg [dreg:$0x6]  }
0x41: {  	[tilespmem:s24], [sflag:$0x9] =	stream.linear.gather [hbm4b:s22+s19], $0x280, $0x38;
	[tilespmem:$0x1EC00] =	vst v63  }
0x42: {  	_ =	swait.ge [sflag:s9], $0x280  }
0x43: {  	[sflag:s9] =	ssyncset.done $0x0  }
0x44: {  	s10 =	simm.s32 $0x19200;
	s7 =	rddreg [dreg:$0x7];
	[sflag:s9] =	ssyncadd.s32 $0xFFFFFD80  }
0x45: {  	[tilespmem:s10], [sflag:$0x9] =	stream.linear.gather [hbm4b:s7+s19], $0x280, $0x38;
	[tilespmem:$0x1EC00] =	vst v63  }
0x46: {  	_ =	swait.ge [sflag:s9], $0x280  }
0x47: {  	[sflag:s9] =	ssyncset.done $0x0  }
0x48: {  	[sflag:s9] =	ssyncadd.s32 $0xFFFFFD80  }
0x49: {  	[tilespmem:s13], [sflag:$0x5] =	stream.indirect.gather [hbm4b:s4+s23], $0x10, s24, s23, $0xb8;
	[tilespmem:$0x1EC00] =	vst v63  }
0x4a: {  	s18 =	simm.s32 $0x18880  }
0x4b: {  	[tilespmem:s25], [sflag:$0x5] =	stream.indirect.gather [hbm4b:s4+s23], $0x10, s18, s23, $0xb8;
	[tilespmem:$0x1EC00] =	vst v63  }
0x4c: {  	s20 =	simm.s32 $0x18900  }
0x4d: {  	[tilespmem:s26], [sflag:$0x5] =	stream.indirect.gather [hbm4b:s4+s23], $0x10, s20, s23, $0xb8;
	[tilespmem:$0x1EC00] =	vst v63  }
0x4e: {  	s21 =	simm.s32 $0x18980  }
0x4f: {  	[tilespmem:s1], [sflag:$0x5] =	stream.indirect.gather [hbm4b:s4+s23], $0x10, s21, s23, $0xb8;
	[tilespmem:$0x1EC00] =	vst v63  }
0x50: {  	s31 =	simm.s32 $0x1E400;
	s22 =	simm.s32 $0x18A00;
	s24 =	rddreg [dreg:$0x8]  }
0x51: {  	[tilespmem:s8], [sflag:$0x5] =	stream.indirect.gather [hbm4b:s4+s23], $0x10, s22, s23, $0xb8;
	[tilespmem:$0x1EC00] =	vst v63  }
0x52: {  	s28 =	simm.s32 $0x1C400;
	s25 =	simm.s32 $0x18A80;
	s26 =	rddreg [dreg:$0x9]  }
0x53: {  	[tilespmem:s25], [sflag:$0x2] =	stream.linear.gather [hbm4b:s24+s19], $0x280, $0x38;
	[tilespmem:$0x1EC00] =	vst v63  }
0x54: {  	s9 =	simm.s32 $0x0;
	s21 =	simm.s32 $0x1CC00;
	s25 =	rddreg [dreg:$0xc]  }
0x55: {  	[tilespmem:s29], [sflag:$0x2] =	stream.linear.gather [hbm4b:s26+s19], $0x280, $0x38;
	[tilespmem:$0x1EC00] =	vst v63  }
0x56: {  	s22 =	simm.s32 $0x1D400;
	s24 =	simm.s32 $0x1DC00;
	s19 =	rddreg [dreg:$0xd]  }
.LBB2_2:
0x57: {  	s10 =	simm.s32 $0x5  }
0x58: {  	p0 =	sgt.u32 s19, $0x619D;
	_ =	swait.ge [sflag:s10], $0x2800  }
0x59: {  	s11 =	sshrl.u32 @p0 s25, $0x3;
	s3 =	simm.s32 @p0 $0x0;
	[sflag:s10] =	ssyncset.done $0x0  }
0x5a: {  	s0 =	simm.s32 @p0 $0x18D00;
	s13 =	sadd.s32 @p0 s15, s11;
	[sflag:s10] =	ssyncadd.s32 $0xFFFFD800  }
0x5b: {  	[tilespmem:s0], [sflag:$0x3] =	stream.linear.gather @p0 [hbm4b:s13+s3], $0x280, $0x38;
	[tilespmem:$0x1EC00] =	vst v63  }
0x5c: {  	s0 =	sadd.s32 @!p0 s9, s16  }
0x5d: {  	s3 =	simm.s32 @!p0 $0x0;
	s13 =	simm.s32 @!p0 $0x18D00;
	s0 =	sadd.s32 @!p0 $0xA0, s0  }
0x5e: {  	[tilespmem:s13], [sflag:$0x3] =	stream.linear.gather @!p0 [hbm4b:s0+s3], $0x280, $0x38;
	[tilespmem:$0x1EC00] =	vst v63  }
0x5f: {  	s0 =	sadd.s32 @!p0 s9, s17  }
0x60: {  	s20 =	simm.s32 $0x19700;
	s3 =	sadd.s32 @p0 s5, s11;
	s0 =	sadd.s32 @!p0 $0xA0, s0  }
0x61: {  	s29 =	simm.s32 $0x0;
	s0 =	smov.u32 @p0 s3;
	p0 =	seq.s32 s9, $0x0  }
0x62: {  	[tilespmem:s20], [sflag:$0x3] =	stream.linear.gather [hbm4b:s0+s29], $0x280, $0x38;
	[tilespmem:$0x1EC00] =	vst v63  }
0x63: {  	s0 =	simm.s32 @!p0 $0x8  }
0x64: {  	_ =	swait.ge @!p0 [sflag:s0], $0x2800  }
0x65: {  	[sflag:s0] =	ssyncset.done @!p0 $0x0  }
0x66: {  	s26 =	simm.s32 $0x19200;
	s8 =	simm.s32 $0x19C00;
	[sflag:s0] =	ssyncadd.s32 @!p0 $0xFFFFD800  }
0x67: {  	[spmem:s2] =	stream.indirect.scatter.add.f32 [tilespmem:s8], [sflag:$0x7], $0x10, s26, s23, $0xb8;
	[tilespmem:$0x1EC00] =	vst v63  }
0x68: {  	s1 =	simm.s32 $0x19280;
	s7 =	smov.u32 s5;
	s5 =	simm.s32 $0x1A400  }
0x69: {  	[spmem:s2] =	stream.indirect.scatter.add.f32 [tilespmem:s5], [sflag:$0x7], $0x10, s1, s23, $0xb8;
	[tilespmem:$0x1EC00] =	vst v63  }
0x6a: {  	s3 =	simm.s32 $0x19300;
	s26 =	simm.s32 $0x1AC00  }
0x6b: {  	[spmem:s2] =	stream.indirect.scatter.add.f32 [tilespmem:s26], [sflag:$0x7], $0x10, s3, s23, $0xb8;
	[tilespmem:$0x1EC00] =	vst v63  }
0x6c: {  	s18 =	simm.s32 $0x1B400;
	s11 =	simm.s32 $0x19380  }
0x6d: {  	[spmem:s2] =	stream.indirect.scatter.add.f32 [tilespmem:s18], [sflag:$0x7], $0x10, s11, s23, $0xb8;
	[tilespmem:$0x1EC00] =	vst v63  }
0x6e: {  	s13 =	simm.s32 $0x19400;
	s1 =	simm.s32 $0x2  }
0x6f: {  	[spmem:s2] =	stream.indirect.scatter.add.f32 [tilespmem:s12], [sflag:$0x7], $0x10, s13, s23, $0xb8;
	[tilespmem:$0x1EC00] =	vst v63  }
0x70: {  	_ =	swait.ge [sflag:s1], $0x280  }
0x71: {  	[sflag:s1] =	ssyncset.done $0x0  }
0x72: {  	[sflag:s1] =	ssyncadd.s32 $0xFFFFFD80  }
0x73: {  	_ =	swait.ge [sflag:s1], $0x280  }
0x74: {  	[sflag:s1] =	ssyncset.done $0x0  }
0x75: {  	s3 =	simm.s32 $0x18A80;
	[sflag:s1] =	ssyncadd.s32 $0xFFFFFD80  }
0x76: {  	[tilespmem:s28], [sflag:$0x6] =	stream.indirect.gather [hbm4b:s4+s23], $0x10, s3, s23, $0xb8;
	[tilespmem:$0x1EC00] =	vst v63  }
0x77: {  	s11 =	simm.s32 $0x18B00  }
0x78: {  	[tilespmem:s21], [sflag:$0x6] =	stream.indirect.gather [hbm4b:s4+s23], $0x10, s11, s23, $0xb8;
	[tilespmem:$0x1EC00] =	vst v63  }
0x79: {  	s13 =	simm.s32 $0x18B80  }
0x7a: {  	[tilespmem:s22], [sflag:$0x6] =	stream.indirect.gather [hbm4b:s4+s23], $0x10, s13, s23, $0xb8;
	[tilespmem:$0x1EC00] =	vst v63  }
0x7b: {  	s1 =	simm.s32 $0x18C00  }
0x7c: {  	[tilespmem:s24], [sflag:$0x6] =	stream.indirect.gather [hbm4b:s4+s23], $0x10, s1, s23, $0xb8;
	[tilespmem:$0x1EC00] =	vst v63  }
0x7d: {  	p0 =	sgt.u32 s19, $0x6198;
	s3 =	simm.s32 $0x18C80  }
0x7e: {  	[tilespmem:s31], [sflag:$0x6] =	stream.indirect.gather [hbm4b:s4+s23], $0x10, s3, s23, $0xb8;
	[tilespmem:$0x1EC00] =	vst v63  }
0x7f: {  	s0 =	sadd.s32 @p0 $0x280, s25;
	_ =	swait.ge [sflag:s14], $0x2800  }
0x80: {  	s0 =	sshrl.u32 @p0 s0, $0x3;
	s11 =	simm.s32 @p0 $0x0;
	[sflag:s14] =	ssyncset.done $0x0  }
0x81: {  	s13 =	simm.s32 @p0 $0x18F80;
	s3 =	sadd.s32 @p0 s15, s0;
	[sflag:s14] =	ssyncadd.s32 $0xFFFFD800  }
0x82: {  	[tilespmem:s13], [sflag:$0x4] =	stream.linear.gather @p0 [hbm4b:s3+s11], $0x280, $0x38;
	[tilespmem:$0x1EC00] =	vst v63  }
0x83: {  	s3 =	sadd.s32 @!p0 s9, s16  }
0x84: {  	s11 =	simm.s32 @!p0 $0x0;
	s13 =	simm.s32 @!p0 $0x18F80;
	s3 =	sadd.s32 @!p0 $0xF0, s3  }
0x85: {  	[tilespmem:s13], [sflag:$0x4] =	stream.linear.gather @!p0 [hbm4b:s3+s11], $0x280, $0x38;
	[tilespmem:$0x1EC00] =	vst v63  }
0x86: {  	s3 =	sadd.s32 @!p0 s9, s17  }
0x87: {  	s0 =	sadd.s32 @p0 s7, s0;
	s3 =	sadd.s32 @!p0 $0xF0, s3  }
0x88: {  	s11 =	simm.s32 $0x19980;
	s3 =	smov.u32 @p0 s0  }
0x89: {  	[tilespmem:s11], [sflag:$0x4] =	stream.linear.gather [hbm4b:s3+s29], $0x280, $0x38;
	[tilespmem:$0x1EC00] =	vst v63  }
0x8a: {  	_ =	swait.ge [sflag:s30], $0x2800  }
0x8b: {  	[sflag:s30] =	ssyncset.done $0x0  }
0x8c: {  	s13 =	simm.s32 $0x19480;
	[sflag:s30] =	ssyncadd.s32 $0xFFFFD800  }
0x8d: {  	[spmem:s2] =	stream.indirect.scatter.add.f32 [tilespmem:s28], [sflag:$0x8], $0x10, s13, s23, $0xb8;
	[tilespmem:$0x1EC00] =	vst v63  }
0x8e: {  	s3 =	simm.s32 $0x19500  }
0x8f: {  	[spmem:s2] =	stream.indirect.scatter.add.f32 [tilespmem:s21], [sflag:$0x8], $0x10, s3, s23, $0xb8;
	[tilespmem:$0x1EC00] =	vst v63  }
0x90: {  	s11 =	simm.s32 $0x19580  }
0x91: {  	[spmem:s2] =	stream.indirect.scatter.add.f32 [tilespmem:s22], [sflag:$0x8], $0x10, s11, s23, $0xb8;
	[tilespmem:$0x1EC00] =	vst v63  }
0x92: {  	s13 =	simm.s32 $0x19600  }
0x93: {  	[spmem:s2] =	stream.indirect.scatter.add.f32 [tilespmem:s24], [sflag:$0x8], $0x10, s13, s23, $0xb8;
	[tilespmem:$0x1EC00] =	vst v63  }
0x94: {  	s3 =	simm.s32 $0x19680;
	s11 =	simm.s32 $0x3  }
0x95: {  	[spmem:s2] =	stream.indirect.scatter.add.f32 [tilespmem:s31], [sflag:$0x8], $0x10, s3, s23, $0xb8;
	[tilespmem:$0x1EC00] =	vst v63  }
0x96: {  	_ =	swait.ge [sflag:s11], $0x280  }
0x97: {  	[sflag:s11] =	ssyncset.done $0x0  }
0x98: {  	[sflag:s11] =	ssyncadd.s32 $0xFFFFFD80  }
0x99: {  	_ =	swait.ge [sflag:s11], $0x280  }
0x9a: {  	[sflag:s11] =	ssyncset.done $0x0  }
0x9b: {  	s13 =	simm.s32 $0x18D00;
	[sflag:s11] =	ssyncadd.s32 $0xFFFFFD80  }
0x9c: {  	[tilespmem:s8], [sflag:$0x5] =	stream.indirect.gather [hbm4b:s4+s23], $0x10, s13, s23, $0xb8;
	[tilespmem:$0x1EC00] =	vst v63  }
0x9d: {  	s3 =	simm.s32 $0x18D80  }
0x9e: {  	[tilespmem:s5], [sflag:$0x5] =	stream.indirect.gather [hbm4b:s4+s23], $0x10, s3, s23, $0xb8;
	[tilespmem:$0x1EC00] =	vst v63  }
0x9f: {  	p0 =	seq.s32 s9, $0x30C0;
	s11 =	simm.s32 $0x18E00  }
0xa0: {  	[tilespmem:s26], [sflag:$0x5] =	stream.indirect.gather [hbm4b:s4+s23], $0x10, s11, s23, $0xb8;
	[tilespmem:$0x1EC00] =	vst v63  }
0xa1: {  	p2 =	sgt.u32 @!p0 s19, $0x6193;
	s13 =	simm.s32 $0x18E80  }
0xa2: {  	[tilespmem:s18], [sflag:$0x5] =	stream.indirect.gather [hbm4b:s4+s23], $0x10, s13, s23, $0xb8;
	[tilespmem:$0x1EC00] =	vst v63  }
0xa3: {  	p1 =	por !p2, p0;
	s3 =	simm.s32 $0x18F00  }
0xa4: {  	[tilespmem:s12], [sflag:$0x5] =	stream.indirect.gather [hbm4b:s4+s23], $0x10, s3, s23, $0xb8;
	[tilespmem:$0x1EC00] =	vst v63  }
0xa5: {  	p2 =	por p2, p0;
	s0 =	sadd.s32 @!p1 $0x500, s25;
	_ =	swait.ge [sflag:s10], $0x2800  }
0xa6: {  	s0 =	sshrl.u32 @!p1 s0, $0x3;
	s11 =	simm.s32 @!p1 $0x0;
	[sflag:s10] =	ssyncset.done $0x0  }
0xa7: {  	s13 =	simm.s32 @!p1 $0x18800;
	s3 =	sadd.s32 @!p1 s15, s0;
	[sflag:s10] =	ssyncadd.s32 $0xFFFFD800  }
0xa8: {  	[tilespmem:s13], [sflag:$0x1] =	stream.linear.gather @!p1 [hbm4b:s3+s11], $0x280, $0x38;
	[tilespmem:$0x1EC00] =	vst v63  }
0xa9: {  	s3 =	sadd.s32 @!p2 s9, s16  }
0xaa: {  	s11 =	simm.s32 @!p2 $0x0;
	s13 =	simm.s32 @!p2 $0x18800;
	s3 =	sadd.s32 @!p2 $0x140, s3  }
0xab: {  	[tilespmem:s13], [sflag:$0x1] =	stream.linear.gather @!p2 [hbm4b:s3+s11], $0x280, $0x38;
	[tilespmem:$0x1EC00] =	vst v63  }
0xac: {  	s3 =	sadd.s32 @!p2 s9, s17  }
0xad: {  	s0 =	sadd.s32 @!p1 s7, s0;
	s3 =	sadd.s32 @!p2 $0x140, s3  }
0xae: {  	s11 =	simm.s32 @!p0 $0x19200;
	s0 =	smov.u32 @p1 s3;
	s3 =	simm.s32 @!p0 $0x0  }
0xaf: {  	[tilespmem:s11], [sflag:$0x1] =	stream.linear.gather @!p0 [hbm4b:s0+s3], $0x280, $0x38;
	[tilespmem:$0x1EC00] =	vst v63  }
0xb0: {  	s11 =	simm.s32 $0x8  }
0xb1: {  	_ =	swait.ge [sflag:s11], $0x2800  }
0xb2: {  	[sflag:s11] =	ssyncset.done $0x0  }
0xb3: {  	[sflag:s11] =	ssyncadd.s32 $0xFFFFD800  }
0xb4: {  	[spmem:s2] =	stream.indirect.scatter.add.f32 [tilespmem:s8], [sflag:$0x7], $0x10, s20, s23, $0xb8;
	[tilespmem:$0x1EC00] =	vst v63  }
0xb5: {  	s13 =	simm.s32 $0x19780  }
0xb6: {  	[spmem:s2] =	stream.indirect.scatter.add.f32 [tilespmem:s5], [sflag:$0x7], $0x10, s13, s23, $0xb8;
	[tilespmem:$0x1EC00] =	vst v63  }
0xb7: {  	s20 =	simm.s32 $0x19800  }
0xb8: {  	[spmem:s2] =	stream.indirect.scatter.add.f32 [tilespmem:s26], [sflag:$0x7], $0x10, s20, s23, $0xb8;
	[tilespmem:$0x1EC00] =	vst v63  }
0xb9: {  	s3 =	simm.s32 $0x19880  }
0xba: {  	[spmem:s2] =	stream.indirect.scatter.add.f32 [tilespmem:s18], [sflag:$0x7], $0x10, s3, s23, $0xb8;
	[tilespmem:$0x1EC00] =	vst v63  }
0xbb: {  	s11 =	simm.s32 $0x4;
	s5 =	simm.s32 $0x19900  }
0xbc: {  	[spmem:s2] =	stream.indirect.scatter.add.f32 [tilespmem:s12], [sflag:$0x7], $0x10, s5, s23, $0xb8;
	[tilespmem:$0x1EC00] =	vst v63  }
0xbd: {  	_ =	swait.ge [sflag:s11], $0x280  }
0xbe: {  	[sflag:s11] =	ssyncset.done $0x0  }
0xbf: {  	[sflag:s11] =	ssyncadd.s32 $0xFFFFFD80  }
0xc0: {  	_ =	swait.ge [sflag:s11], $0x280  }
0xc1: {  	[sflag:s11] =	ssyncset.done $0x0  }
0xc2: {  	s13 =	simm.s32 $0x18F80;
	[sflag:s11] =	ssyncadd.s32 $0xFFFFFD80  }
0xc3: {  	[tilespmem:s28], [sflag:$0x6] =	stream.indirect.gather [hbm4b:s4+s23], $0x10, s13, s23, $0xb8;
	[tilespmem:$0x1EC00] =	vst v63  }
0xc4: {  	s20 =	simm.s32 $0x19000  }
0xc5: {  	[tilespmem:s21], [sflag:$0x6] =	stream.indirect.gather [hbm4b:s4+s23], $0x10, s20, s23, $0xb8;
	[tilespmem:$0x1EC00] =	vst v63  }
0xc6: {  	s1 =	simm.s32 $0x0;
	s21 =	simm.s32 $0x19080  }
0xc7: {  	[tilespmem:s22], [sflag:$0x6] =	stream.indirect.gather [hbm4b:s4+s23], $0x10, s21, s23, $0xb8;
	[tilespmem:$0x1EC00] =	vst v63  }
0xc8: {  	s29 =	simm.s32 $0x1AC00;
	s10 =	simm.s32 $0x19C00;
	s22 =	simm.s32 $0x19100  }
0xc9: {  	[tilespmem:s24], [sflag:$0x6] =	stream.indirect.gather [hbm4b:s4+s23], $0x10, s22, s23, $0xb8;
	[tilespmem:$0x1EC00] =	vst v63  }
.Ltmp2:
0xca: {  	s8 =	simm.s32 $0x1B400;
	s26 =	simm.s32 $0x19180;
	(pc) =	sbr.rel @p0 .LBB2_4-.Ltmp2, $4  }
0xcb: {  	[tilespmem:s31], [sflag:$0x6] =	stream.indirect.gather [hbm4b:s4+s23], $0x10, s26, s23, $0xb8;
	[tilespmem:$0x1EC00] =	vst v63  }
0xcc: {  	s18 =	simm.s32 $0x1BC00;
	s28 =	simm.s32 $0x1E400;
	_ =	swait.ge [sflag:s14], $0x2800  }
0xcd: {  	s20 =	simm.s32 $0x1C400;
	s21 =	simm.s32 $0x1CC00;
	[sflag:s14] =	ssyncset.done $0x0  }
0xce: {  	s22 =	simm.s32 $0x1D400;
	s24 =	simm.s32 $0x1DC00;
	[sflag:s14] =	ssyncadd.s32 $0xFFFFD800  }
0xcf: {  	p0 =	sgt.u32 s19, $0x618E  }
0xd0: {  	s0 =	sadd.s32 @p0 $0x780, s25  }
0xd1: {  	s0 =	sshrl.u32 @p0 s0, $0x3  }
0xd2: {  	s11 =	simm.s32 @p0 $0x0;
	s13 =	simm.s32 @p0 $0x18A80;
	s3 =	sadd.s32 @p0 s15, s0  }
0xd3: {  	[tilespmem:s13], [sflag:$0x2] =	stream.linear.gather @p0 [hbm4b:s3+s11], $0x280, $0x38;
	[tilespmem:$0x1EC00] =	vst v63  }
0xd4: {  	s3 =	sadd.s32 @!p0 s9, s16  }
0xd5: {  	s11 =	simm.s32 @!p0 $0x0;
	s13 =	simm.s32 @!p0 $0x18A80;
	s3 =	sadd.s32 @!p0 $0x190, s3  }
0xd6: {  	[tilespmem:s13], [sflag:$0x2] =	stream.linear.gather @!p0 [hbm4b:s3+s11], $0x280, $0x38;
	[tilespmem:$0x1EC00] =	vst v63  }
0xd7: {  	s3 =	sadd.s32 @!p0 s9, s17  }
0xd8: {  	s0 =	sadd.s32 @p0 s7, s0;
	s3 =	sadd.s32 @!p0 $0x190, s3  }
0xd9: {  	s26 =	simm.s32 $0x19480;
	s3 =	smov.u32 @p0 s0  }
0xda: {  	[tilespmem:s26], [sflag:$0x2] =	stream.linear.gather [hbm4b:s3+s1], $0x280, $0x38;
	[tilespmem:$0x1EC00] =	vst v63  }
0xdb: {  	_ =	swait.ge [sflag:s30], $0x2800  }
0xdc: {  	[sflag:s30] =	ssyncset.done $0x0  }
0xdd: {  	s1 =	simm.s32 $0x19980;
	[sflag:s30] =	ssyncadd.s32 $0xFFFFD800  }
0xde: {  	[spmem:s2] =	stream.indirect.scatter.add.f32 [tilespmem:s20], [sflag:$0x8], $0x10, s1, s23, $0xb8;
	[tilespmem:$0x1EC00] =	vst v63  }
0xdf: {  	s3 =	simm.s32 $0x19A00  }
0xe0: {  	[spmem:s2] =	stream.indirect.scatter.add.f32 [tilespmem:s21], [sflag:$0x8], $0x10, s3, s23, $0xb8;
	[tilespmem:$0x1EC00] =	vst v63  }
0xe1: {  	s5 =	simm.s32 $0x19A80  }
0xe2: {  	[spmem:s2] =	stream.indirect.scatter.add.f32 [tilespmem:s22], [sflag:$0x8], $0x10, s5, s23, $0xb8;
	[tilespmem:$0x1EC00] =	vst v63  }
0xe3: {  	s11 =	simm.s32 $0x19B00  }
0xe4: {  	[spmem:s2] =	stream.indirect.scatter.add.f32 [tilespmem:s24], [sflag:$0x8], $0x10, s11, s23, $0xb8;
	[tilespmem:$0x1EC00] =	vst v63  }
0xe5: {  	s13 =	simm.s32 $0x19B80;
	s20 =	simm.s32 $0x1  }
0xe6: {  	[spmem:s2] =	stream.indirect.scatter.add.f32 [tilespmem:s28], [sflag:$0x8], $0x10, s13, s23, $0xb8;
	[tilespmem:$0x1EC00] =	vst v63  }
0xe7: {  	_ =	swait.ge [sflag:s20], $0x280  }
0xe8: {  	[sflag:s20] =	ssyncset.done $0x0  }
0xe9: {  	[sflag:s20] =	ssyncadd.s32 $0xFFFFFD80  }
0xea: {  	_ =	swait.ge [sflag:s20], $0x280  }
0xeb: {  	[sflag:s20] =	ssyncset.done $0x0  }
0xec: {  	s21 =	simm.s32 $0x18800;
	[sflag:s20] =	ssyncadd.s32 $0xFFFFFD80  }
0xed: {  	[tilespmem:s10], [sflag:$0x5] =	stream.indirect.gather [hbm4b:s4+s23], $0x10, s21, s23, $0xb8;
	[tilespmem:$0x1EC00] =	vst v63  }
0xee: {  	s19 =	sadd.s32 $0x14, s19;
	s22 =	simm.s32 $0x18880  }
0xef: {  	[tilespmem:s6], [sflag:$0x5] =	stream.indirect.gather [hbm4b:s4+s23], $0x10, s22, s23, $0xb8;
	[tilespmem:$0x1EC00] =	vst v63  }
0xf0: {  	s31 =	simm.s32 $0x1E400;
	s25 =	sadd.s32 $0xA00, s25;
	s24 =	simm.s32 $0x18900  }
0xf1: {  	[tilespmem:s29], [sflag:$0x5] =	stream.indirect.gather [hbm4b:s4+s23], $0x10, s24, s23, $0xb8;
	[tilespmem:$0x1EC00] =	vst v63  }
.Ltmp3:
0xf2: {  	s9 =	sadd.s32 $0x140, s9;
	s26 =	simm.s32 $0x18980;
	(pc) =	sbr.rel .LBB2_2-.Ltmp3, $4  }
0xf3: {  	s5 =	smov.u32 s7;
	s28 =	simm.s32 $0x1C400;
	s21 =	simm.s32 $0x1CC00  }
0xf4: {  	[tilespmem:s8], [sflag:$0x5] =	stream.indirect.gather [hbm4b:s4+s23], $0x10, s26, s23, $0xb8;
	[tilespmem:$0x1EC00] =	vst v63  }
0xf5: {  	s22 =	simm.s32 $0x1D400;
	s29 =	simm.s32 $0x18A00;
	s24 =	simm.s32 $0x1DC00  }
0xf6: {  	[tilespmem:s18], [sflag:$0x5] =	stream.indirect.gather [hbm4b:s4+s23], $0x10, s29, s23, $0xb8;
	[tilespmem:$0x1EC00] =	vst v63  }
.LBB2_5:
0xf7: {  	_ =	sfence.sel $0x180000  }
0xf8: {  	[bflag:$0x0] =	sbarrier.arrive $0xFFFF  }
0xf9: {  	_ =	strace $0x9000004A  }
0xfa: {  	s0 =	stileid.u32;
	[bflag:$0x2] =	sbarrier.arrive $0xFFFF  }
0xfb: {  	p0 =	sne.s32 s0, $0x0;
	s0 =	rddreg [dreg:$0x3]  }
0xfc: {  	s0 =	sadd.s32 @!p0 $0x100000, s0  }
0xfd: {  	[sflag:s0] =	ssyncadd.tile.s32 @!p0 $0x1;
	_ =	shalt  }
.Lfunc_end2:
_tile_overlayer_lowered:
.L_overlay_start_2:
0xfe: {  	(tag) =	ssettag $0x2  }
0xff: {  	s0 =	rddreg [dreg:$0x0];
	s2 =	stileid.u32  }
0x100: {  	s1 =	rddreg [dreg:$0x1];
	p0 =	sne.s32 s2, $0x0  }
0x101: {  	s3 =	rddreg [dreg:$0x2];
	[bflag:$0x3] =	sbarrier.arrive $0xFFFF;
	s2 =	simm.s32 @!p0 $0x1C09  }
0x102: {  	[timem:s3], [sflag:s2] =	dma.local @!p0 [hbm:s0], s1  }
0x103: {  	s0 =	simm.s32 @!p0 $0x9  }
0x104: {  	_ =	swait.ge @!p0 [sflag:s0], s1  }
0x105: {  	s1 =	ssub.s32 @!p0 $0x0, s1;
	[sflag:s0] =	ssyncset.done @!p0 $0x0  }
0x106: {  	[sflag:s0] =	ssyncadd.s32 @!p0 s1  }
0x107: {  	[bflag:$0x3] =	sbarrier.arrive $0xFFFF  }
0x108: {  	_ =	shalt  }

</sc_bundles>
